<compile_context>
chip_gen: v7x
topology: tpu7x:2x2x1
jax: 0.10.2.dev20260603
libtpu: 0.0.44.dev20260713+nightly
codegen_flags: <defaults>
</compile_context>

<pallas_src>
import dataclasses

import jax
import jax.numpy as jnp
from jax import lax
from jax.experimental import pallas as pl
from jax.experimental.pallas import tpu as pltpu
from jax.experimental.pallas import tpu_sc as plsc

PH_VOCAB, PH_DIM = 1000, 128
LANG_VOCAB, LANG_DIM = 1000, 16
SPK_VOCAB, SPK_DIM = 100000, 64
B, T = 1024, 200
SFX_DIM = LANG_DIM + SPK_DIM
OUT_DIM = PH_DIM + SFX_DIM
NC, NS = 2, 16
NW = NC * NS
BPW = B // NW
T0 = 128
T1 = T - T0
T_BLK, B_BLK = 8, 512


def _sc_body(ph_tab, lang_tab, spk_tab, ph_ids, lang_ids, spk_ids,
             ph_g, sfx_hbm,
             idx0, idx1, rows0, rows1, sfx_rows, lid_v, sid_v,
             sem_i0, sem_i1, sem_g0, sem_g1, sem_o0, sem_o1, sem_r):
    c = lax.axis_index("c")
    s = lax.axis_index("s")
    wid = s * NC + c
    base = wid * BPW

    idxs = (idx0, idx1)
    rowss = (rows0, rows1)
    sems_i = (sem_i0, sem_i1)
    sems_g = (sem_g0, sem_g1)
    sems_o = (sem_o0, sem_o1)

    pltpu.async_copy(ph_ids.at[base], idx0, sem_i0)

    pltpu.sync_copy(lang_ids.at[pl.ds(base, BPW)], lid_v)
    pltpu.sync_copy(spk_ids.at[pl.ds(base, BPW)], sid_v)

    lanes = lax.broadcasted_iota(jnp.int32, (16,), 0)
    imin = jnp.int32(-2147483648)
    for ci in range(BPW // 16):
        lch = lid_v[pl.ds(ci * 16, 16)]
        sch = sid_v[pl.ds(ci * 16, 16)]
        for j in range(16):
            m = lanes == j
            lid = jnp.max(jnp.where(m, lch, imin))
            sid = jnp.max(jnp.where(m, sch, imin))
            i = ci * 16 + j
            pltpu.async_copy(lang_tab.at[lid],
                             sfx_rows.at[i, pl.ds(0, LANG_DIM)], sem_r)
            pltpu.async_copy(spk_tab.at[sid],
                             sfx_rows.at[i, pl.ds(LANG_DIM, SPK_DIM)], sem_r)
    for i in range(BPW):
        pltpu.make_async_copy(
            lang_tab.at[0], sfx_rows.at[i, pl.ds(0, LANG_DIM)], sem_r).wait()
        pltpu.make_async_copy(
            spk_tab.at[0], sfx_rows.at[i, pl.ds(LANG_DIM, SPK_DIM)],
            sem_r).wait()
    pltpu.async_copy(sfx_rows, sfx_hbm.at[pl.ds(base, BPW)], sem_r)

    def half(i, p):
        b = base + i

        @pl.when(i >= 2)
        def _():
            pltpu.make_async_copy(rowss[p], ph_g.at[b - 2], sems_o[p]).wait()

        pltpu.make_async_copy(ph_ids.at[b], idxs[p], sems_i[p]).wait()
        pltpu.async_copy(ph_tab.at[idxs[p].at[pl.ds(0, T0)]],
                         rowss[p].at[pl.ds(0, T0)], sems_g[p])
        pltpu.async_copy(ph_tab.at[idxs[p].at[pl.ds(T0, T1)]],
                         rowss[p].at[pl.ds(T0, T1)], sems_g[p])

        @pl.when(i + 1 < BPW)
        def _():
            pltpu.async_copy(ph_ids.at[b + 1], idxs[1 - p], sems_i[1 - p])

        pltpu.make_async_copy(ph_tab.at[idxs[p].at[pl.ds(0, T0)]],
                              rowss[p].at[pl.ds(0, T0)], sems_g[p]).wait()
        pltpu.make_async_copy(ph_tab.at[idxs[p].at[pl.ds(T0, T1)]],
                              rowss[p].at[pl.ds(T0, T1)], sems_g[p]).wait()
        pltpu.async_copy(rowss[p], ph_g.at[b], sems_o[p])

    @pl.loop(0, BPW, step=2)
    def _(i):
        half(i, 0)
        half(i + 1, 1)

    for p in (0, 1):
        pltpu.make_async_copy(
            rowss[p], ph_g.at[base + BPW - 2 + p], sems_o[p]).wait()
    pltpu.make_async_copy(sfx_rows, sfx_hbm.at[pl.ds(base, BPW)], sem_r).wait()


def _tc_body(ph_ref, sfx_ref, out_ref):
    sfx_t = jnp.swapaxes(sfx_ref[...], 0, 1)
    for t in range(T_BLK):
        ph_t = ph_ref[:, t, :]
        out_ref[t, 0:PH_DIM, :] = jnp.swapaxes(ph_t, 0, 1)
        out_ref[t, PH_DIM:OUT_DIM, :] = sfx_t[0:SFX_DIM, :]


def kernel(phoneme_table, language_table, speaker_table, phoneme_ids,
           language_ids, speaker_ids):
    mesh = plsc.VectorSubcoreMesh(core_axis_name="c", subcore_axis_name="s")
    cp = pltpu.CompilerParams()
    if "needs_layout_passes" in pltpu.CompilerParams.__dataclass_fields__:
        cp = dataclasses.replace(cp, needs_layout_passes=False)
    sc = pl.kernel(
        _sc_body,
        out_type=(jax.ShapeDtypeStruct((B, T, PH_DIM), jnp.float32),
                  jax.ShapeDtypeStruct((B, 128), jnp.float32)),
        mesh=mesh,
        compiler_params=cp,
        scratch_types=[
            pltpu.VMEM((T,), jnp.int32),
            pltpu.VMEM((T,), jnp.int32),
            pltpu.VMEM((T, PH_DIM), jnp.float32),
            pltpu.VMEM((T, PH_DIM), jnp.float32),
            pltpu.VMEM((BPW, 128), jnp.float32),
            pltpu.VMEM((BPW,), jnp.int32),
            pltpu.VMEM((BPW,), jnp.int32),
            pltpu.SemaphoreType.DMA,
            pltpu.SemaphoreType.DMA,
            pltpu.SemaphoreType.DMA,
            pltpu.SemaphoreType.DMA,
            pltpu.SemaphoreType.DMA,
            pltpu.SemaphoreType.DMA,
            pltpu.SemaphoreType.DMA,
        ],
    )
    ph_g, sfx = sc(phoneme_table, language_table, speaker_table,
                   phoneme_ids.astype(jnp.int32),
                   language_ids.astype(jnp.int32),
                   speaker_ids.astype(jnp.int32))

    p = pl.pallas_call(
        _tc_body,
        grid=(T // T_BLK, B // B_BLK),
        in_specs=[
            pl.BlockSpec((B_BLK, T_BLK, PH_DIM), lambda i, j: (j, i, 0)),
            pl.BlockSpec((B_BLK, 128), lambda i, j: (j, 0)),
        ],
        out_specs=pl.BlockSpec((T_BLK, OUT_DIM, B_BLK), lambda i, j: (i, 0, j)),
        out_shape=jax.ShapeDtypeStruct((T, OUT_DIM, B), jnp.float32),
    )(ph_g, sfx)
    return jnp.transpose(p, (2, 0, 1))

# --- scband reference (transcript-rebuilt; emitter-appended) ---
"""Pipeline reference for scband-embeddings-64364379898157 (READ-ONLY COPY).

The authoritative reference and input builder live on the scoring server;
editing this copy changes nothing except your own understanding.
"""

import jax, jax.numpy as jnp
import numpy as np

PH_VOCAB, PH_DIM = 1000, 128
LANG_VOCAB, LANG_DIM = 1000, 16
SPK_VOCAB, SPK_DIM = 100000, 64
B, T = 1024, 200

def setup_inputs(seed: int = 0) -> dict:
    key = jax.random.key(seed)
    k1, k2, k3, k4, k5, k6 = jax.random.split(key, 6)
    phoneme_ids = jax.random.randint(k1, (B, T), 0, PH_VOCAB, dtype=jnp.int64 if jax.config.jax_enable_x64 else jnp.int32)
    language_ids = jax.random.randint(k2, (B,), 0, LANG_VOCAB, dtype=jnp.int64 if jax.config.jax_enable_x64 else jnp.int32)
    speaker_ids = jax.random.randint(k3, (B,), 0, SPK_VOCAB, dtype=jnp.int64 if jax.config.jax_enable_x64 else jnp.int32)
    phoneme_table = jax.random.normal(k4, (PH_VOCAB, PH_DIM), dtype=jnp.float32)
    language_table = jax.random.normal(k5, (LANG_VOCAB, LANG_DIM), dtype=jnp.float32)
    speaker_table = jax.random.normal(k6, (SPK_VOCAB, SPK_DIM), dtype=jnp.float32)
    return {
        "phoneme_table": phoneme_table,
        "language_table": language_table,
        "speaker_table": speaker_table,
        "phoneme_ids": phoneme_ids,
        "language_ids": language_ids,
        "speaker_ids": speaker_ids,
    }

def reference(phoneme_table, language_table, speaker_table, phoneme_ids, language_ids, speaker_ids):
    ph_emb = jnp.take(phoneme_table, phoneme_ids, axis=0)            # (B, T, PH_DIM)
    # language_ids has dim 1 -> expand to (B, T)
    lang_ids_2d = jnp.broadcast_to(language_ids[:, None], phoneme_ids.shape)
    lang_emb = jnp.take(language_table, lang_ids_2d, axis=0)         # (B, T, LANG_DIM)
    spk_emb = jnp.take(speaker_table, speaker_ids, axis=0)           # (B, SPK_DIM)
    spk_emb = jnp.broadcast_to(spk_emb[:, None, :], (phoneme_ids.shape[0], phoneme_ids.shape[1], spk_emb.shape[-1]))
    embeddings = jnp.concatenate([ph_emb, lang_emb, spk_emb], axis=-1)
    return embeddings

if __name__ == "__main__":
    import jax
    _d = setup_inputs()
    print(jax.jit(kernel)(*tuple(_d.values())))

</pallas_src>

<mosaic_0001>
#map = affine_map<(d0, d1) -> (0, 0)>
#map1 = affine_map<(d0, d1) -> (0)>
#map2 = affine_map<(d0, d1) -> (0, 0, 0)>
module attributes {stable_mosaic.version = 14 : i64} {
  func.func @_sc_body(%arg0: i32, %arg1: i32, %arg2: memref<1000x128xf32, #tpu.memory_space<hbm>>, %arg3: memref<1000x16xf32, #tpu.memory_space<hbm>>, %arg4: memref<100000x64xf32, #tpu.memory_space<hbm>>, %arg5: memref<1024x200xi32, #tpu.memory_space<hbm>>, %arg6: memref<1024xi32, #tpu.memory_space<hbm>>, %arg7: memref<1024xi32, #tpu.memory_space<hbm>>, %arg8: memref<1024x200x128xf32, #tpu.memory_space<hbm>>, %arg9: memref<1024x128xf32, #tpu.memory_space<hbm>>, %arg10: memref<200xi32, #tpu.memory_space<vmem>>, %arg11: memref<200xi32, #tpu.memory_space<vmem>>, %arg12: memref<200x128xf32, #tpu.memory_space<vmem>>, %arg13: memref<200x128xf32, #tpu.memory_space<vmem>>, %arg14: memref<32x128xf32, #tpu.memory_space<vmem>>, %arg15: memref<32xi32, #tpu.memory_space<vmem>>, %arg16: memref<32xi32, #tpu.memory_space<vmem>>, %arg17: memref<!tpu.dma_semaphore, #tpu.memory_space<semaphore_mem>>, %arg18: memref<!tpu.dma_semaphore, #tpu.memory_space<semaphore_mem>>, %arg19: memref<!tpu.dma_semaphore, #tpu.memory_space<semaphore_mem>>, %arg20: memref<!tpu.dma_semaphore, #tpu.memory_space<semaphore_mem>>, %arg21: memref<!tpu.dma_semaphore, #tpu.memory_space<semaphore_mem>>, %arg22: memref<!tpu.dma_semaphore, #tpu.memory_space<semaphore_mem>>, %arg23: memref<!tpu.dma_semaphore, #tpu.memory_space<semaphore_mem>>) attributes {dimension_semantics = [#tpu.dimension_semantics<core_parallel>, #tpu.dimension_semantics<subcore_parallel>], iteration_bounds = array<i64: 2, 16>, scalar_prefetch = 0 : i64, scratch_operands = 14 : i64, tpu.core_type = #tpu.core_type<sc_vector_subcore>, window_params = [{transform_indices = #map}, {transform_indices = #map}, {transform_indices = #map}, {transform_indices = #map}, {transform_indices = #map1}, {transform_indices = #map1}, {transform_indices = #map2}, {transform_indices = #map}]} {
    %mul3A = arith.constant 2 : i32
    %mul3A_0 = arith.muli %arg1, %mul3A : i32
    %add3A = arith.addi %mul3A_0, %arg0 : i32
    %mul3A_1 = arith.constant 32 : i32
    %mul3A_2 = arith.muli %add3A, %mul3A_1 : i32
    %dma_start3A = arith.constant 0 : i32
    %dma_start3A_3 = tpu.memref_slice %arg5[%mul3A_2, %dma_start3A] : memref<1024x200xi32, #tpu.memory_space<hbm>> -> memref<1x200xi32, #tpu.memory_space<hbm>>
    %dma_start3A_4 = tpu.memref_squeeze %dma_start3A_3 : memref<1x200xi32, #tpu.memory_space<hbm>> -> memref<200xi32, #tpu.memory_space<hbm>>
    %dma_start3A_5 = arith.constant 0 : i32
    %dma_start3A_6 = tpu.memref_slice %arg5[%mul3A_2, %dma_start3A_5] : memref<1024x200xi32, #tpu.memory_space<hbm>> -> memref<1x200xi32, #tpu.memory_space<hbm>>
    %dma_start3A_7 = tpu.memref_squeeze %dma_start3A_6 : memref<1x200xi32, #tpu.memory_space<hbm>> -> memref<200xi32, #tpu.memory_space<hbm>>
    tpu.enqueue_dma source(%dma_start3A_7 : memref<200xi32, #tpu.memory_space<hbm>>) target(%arg10 : memref<200xi32, #tpu.memory_space<vmem>>) target_semaphore(%arg17 : memref<!tpu.dma_semaphore, #tpu.memory_space<semaphore_mem>>)
    "tpu.region"() ({
      %run_scoped3A = tpu.sem_alloc : memref<!tpu.dma_semaphore, #tpu.memory_space<semaphore_mem>>
      %dma_start3A_2576 = tpu.memref_slice %arg6[%mul3A_2] : memref<1024xi32, #tpu.memory_space<hbm>> -> memref<32xi32, #tpu.memory_space<hbm>>
      %dma_start3A_2577 = tpu.memref_slice %arg6[%mul3A_2] : memref<1024xi32, #tpu.memory_space<hbm>> -> memref<32xi32, #tpu.memory_space<hbm>>
      tpu.enqueue_dma source(%dma_start3A_2577 : memref<32xi32, #tpu.memory_space<hbm>>) target(%arg15 : memref<32xi32, #tpu.memory_space<vmem>>) target_semaphore(%run_scoped3A : memref<!tpu.dma_semaphore, #tpu.memory_space<semaphore_mem>>)
      %dma_wait3A_2578 = tpu.memref_slice %arg6[%mul3A_2] : memref<1024xi32, #tpu.memory_space<hbm>> -> memref<32xi32, #tpu.memory_space<hbm>>
      %dma_wait3A_2579 = tpu.memref_slice %arg6[%mul3A_2] : memref<1024xi32, #tpu.memory_space<hbm>> -> memref<32xi32, #tpu.memory_space<hbm>>
      tpu.wait_dma2 semaphore(%run_scoped3A : memref<!tpu.dma_semaphore, #tpu.memory_space<semaphore_mem>>) src(%dma_wait3A_2579 : memref<32xi32, #tpu.memory_space<hbm>>) dst(%arg15 : memref<32xi32, #tpu.memory_space<vmem>>)
      tpu.yield
    }) : () -> ()
    "tpu.region"() ({
      %run_scoped3A = tpu.sem_alloc : memref<!tpu.dma_semaphore, #tpu.memory_space<semaphore_mem>>
      %dma_start3A_2576 = tpu.memref_slice %arg7[%mul3A_2] : memref<1024xi32, #tpu.memory_space<hbm>> -> memref<32xi32, #tpu.memory_space<hbm>>
      %dma_start3A_2577 = tpu.memref_slice %arg7[%mul3A_2] : memref<1024xi32, #tpu.memory_space<hbm>> -> memref<32xi32, #tpu.memory_space<hbm>>
      tpu.enqueue_dma source(%dma_start3A_2577 : memref<32xi32, #tpu.memory_space<hbm>>) target(%arg16 : memref<32xi32, #tpu.memory_space<vmem>>) target_semaphore(%run_scoped3A : memref<!tpu.dma_semaphore, #tpu.memory_space<semaphore_mem>>)
      %dma_wait3A_2578 = tpu.memref_slice %arg7[%mul3A_2] : memref<1024xi32, #tpu.memory_space<hbm>> -> memref<32xi32, #tpu.memory_space<hbm>>
      %dma_wait3A_2579 = tpu.memref_slice %arg7[%mul3A_2] : memref<1024xi32, #tpu.memory_space<hbm>> -> memref<32xi32, #tpu.memory_space<hbm>>
      tpu.wait_dma2 semaphore(%run_scoped3A : memref<!tpu.dma_semaphore, #tpu.memory_space<semaphore_mem>>) src(%dma_wait3A_2579 : memref<32xi32, #tpu.memory_space<hbm>>) dst(%arg16 : memref<32xi32, #tpu.memory_space<vmem>>)
      tpu.yield
    }) : () -> ()
    %iota3A = tpu.iota {dimensions = array<i32: 0>} : vector<16xi32>
    %get3A = arith.constant 0 : index
    %get3A_8 = tpu.vector_load %arg15[%get3A] {strides = array<i32>} : memref<32xi32, #tpu.memory_space<vmem>>, vector<16xi32>,
    %get3A_9 = arith.constant 0 : index
    %get3A_10 = tpu.vector_load %arg16[%get3A_9] {strides = array<i32>} : memref<32xi32, #tpu.memory_space<vmem>>, vector<16xi32>,
    %eq3A = arith.constant 0 : i32
    %eq3A_11 = vector.broadcast %eq3A : i32 to vector<16xi32>
    %eq3A_12 = arith.cmpi eq, %iota3A, %eq3A_11 : vector<16xi32>
    %jit3A = arith.constant -2147483648 : i32
    %broadcast_in_dim3A = vector.broadcast %jit3A : i32 to vector<16xi32>
    %select_n3A = arith.select %eq3A_12, %get3A_8, %broadcast_in_dim3A : vector<16xi1>, vector<16xi32>
    %reduce_max3A = arith.constant true
    %reduce_max3A_13 = vector.broadcast %reduce_max3A : i1 to vector<16xi1>
    %reduce_max3A_14 = arith.constant -2147483648 : i32
    %reduce_max3A_15 = vector.broadcast %reduce_max3A_14 : i32 to vector<16xi32>
    %reduce_max3A_16 = arith.xori %select_n3A, %reduce_max3A_15 : vector<16xi32>
    %reduce_max3A_17 = tpu.scan <max>, %reduce_max3A_16 masked %reduce_max3A_13 : vector<16xi32>, vector<16xi1> -> vector<16xi32>
    %reduce_max3A_18 = arith.xori %reduce_max3A_17, %reduce_max3A_15 : vector<16xi32>
    %reduce_max3A_19 = vector.extract %reduce_max3A_18[15] : i32 from vector<16xi32>
    %jit3A_20 = arith.constant -2147483648 : i32
    %broadcast_in_dim3A_21 = vector.broadcast %jit3A_20 : i32 to vector<16xi32>
    %select_n3A_22 = arith.select %eq3A_12, %get3A_10, %broadcast_in_dim3A_21 : vector<16xi1>, vector<16xi32>
    %reduce_max3A_23 = arith.constant true
    %reduce_max3A_24 = vector.broadcast %reduce_max3A_23 : i1 to vector<16xi1>
    %reduce_max3A_25 = arith.constant -2147483648 : i32
    %reduce_max3A_26 = vector.broadcast %reduce_max3A_25 : i32 to vector<16xi32>
    %reduce_max3A_27 = arith.xori %select_n3A_22, %reduce_max3A_26 : vector<16xi32>
    %reduce_max3A_28 = tpu.scan <max>, %reduce_max3A_27 masked %reduce_max3A_24 : vector<16xi32>, vector<16xi1> -> vector<16xi32>
    %reduce_max3A_29 = arith.xori %reduce_max3A_28, %reduce_max3A_26 : vector<16xi32>
    %reduce_max3A_30 = vector.extract %reduce_max3A_29[15] : i32 from vector<16xi32>
    %dma_start3A_31 = arith.constant 0 : i32
    %dma_start3A_32 = arith.constant 0 : i32
    %dma_start3A_33 = tpu.memref_slice %arg14[%dma_start3A_31, %dma_start3A_32] : memref<32x128xf32, #tpu.memory_space<vmem>> -> memref<1x16xf32, #tpu.memory_space<vmem>>
    %dma_start3A_34 = tpu.memref_squeeze %dma_start3A_33 : memref<1x16xf32, #tpu.memory_space<vmem>> -> memref<16xf32, #tpu.memory_space<vmem>>
    %dma_start3A_35 = arith.constant 0 : i32
    %dma_start3A_36 = tpu.memref_slice %arg3[%reduce_max3A_19, %dma_start3A_35] : memref<1000x16xf32, #tpu.memory_space<hbm>> -> memref<1x16xf32, #tpu.memory_space<hbm>>
    %dma_start3A_37 = tpu.memref_squeeze %dma_start3A_36 : memref<1x16xf32, #tpu.memory_space<hbm>> -> memref<16xf32, #tpu.memory_space<hbm>>
    %dma_start3A_38 = arith.constant 0 : i32
    %dma_start3A_39 = tpu.memref_slice %arg14[%dma_start3A_31, %dma_start3A_38] : memref<32x128xf32, #tpu.memory_space<vmem>> -> memref<1x16xf32, #tpu.memory_space<vmem>>
    %dma_start3A_40 = tpu.memref_squeeze %dma_start3A_39 : memref<1x16xf32, #tpu.memory_space<vmem>> -> memref<16xf32, #tpu.memory_space<vmem>>
    %dma_start3A_41 = arith.constant 0 : i32
    %dma_start3A_42 = tpu.memref_slice %arg3[%reduce_max3A_19, %dma_start3A_41] : memref<1000x16xf32, #tpu.memory_space<hbm>> -> memref<1x16xf32, #tpu.memory_space<hbm>>
    %dma_start3A_43 = tpu.memref_squeeze %dma_start3A_42 : memref<1x16xf32, #tpu.memory_space<hbm>> -> memref<16xf32, #tpu.memory_space<hbm>>
    tpu.enqueue_dma source(%dma_start3A_43 : memref<16xf32, #tpu.memory_space<hbm>>) target(%dma_start3A_40 : memref<16xf32, #tpu.memory_space<vmem>>) target_semaphore(%arg23 : memref<!tpu.dma_semaphore, #tpu.memory_space<semaphore_mem>>)
    %dma_start3A_44 = arith.constant 0 : i32
    %dma_start3A_45 = arith.constant 16 : i32
    %dma_start3A_46 = tpu.memref_slice %arg14[%dma_start3A_44, %dma_start3A_45] : memref<32x128xf32, #tpu.memory_space<vmem>> -> memref<1x64xf32, #tpu.memory_space<vmem>>
    %dma_start3A_47 = tpu.memref_squeeze %dma_start3A_46 : memref<1x64xf32, #tpu.memory_space<vmem>> -> memref<64xf32, #tpu.memory_space<vmem>>
    %dma_start3A_48 = arith.constant 0 : i32
    %dma_start3A_49 = tpu.memref_slice %arg4[%reduce_max3A_30, %dma_start3A_48] : memref<100000x64xf32, #tpu.memory_space<hbm>> -> memref<1x64xf32, #tpu.memory_space<hbm>>
    %dma_start3A_50 = tpu.memref_squeeze %dma_start3A_49 : memref<1x64xf32, #tpu.memory_space<hbm>> -> memref<64xf32, #tpu.memory_space<hbm>>
    %dma_start3A_51 = arith.constant 16 : i32
    %dma_start3A_52 = tpu.memref_slice %arg14[%dma_start3A_44, %dma_start3A_51] : memref<32x128xf32, #tpu.memory_space<vmem>> -> memref<1x64xf32, #tpu.memory_space<vmem>>
    %dma_start3A_53 = tpu.memref_squeeze %dma_start3A_52 : memref<1x64xf32, #tpu.memory_space<vmem>> -> memref<64xf32, #tpu.memory_space<vmem>>
    %dma_start3A_54 = arith.constant 0 : i32
    %dma_start3A_55 = tpu.memref_slice %arg4[%reduce_max3A_30, %dma_start3A_54] : memref<100000x64xf32, #tpu.memory_space<hbm>> -> memref<1x64xf32, #tpu.memory_space<hbm>>
    %dma_start3A_56 = tpu.memref_squeeze %dma_start3A_55 : memref<1x64xf32, #tpu.memory_space<hbm>> -> memref<64xf32, #tpu.memory_space<hbm>>
    tpu.enqueue_dma source(%dma_start3A_56 : memref<64xf32, #tpu.memory_space<hbm>>) target(%dma_start3A_53 : memref<64xf32, #tpu.memory_space<vmem>>) target_semaphore(%arg23 : memref<!tpu.dma_semaphore, #tpu.memory_space<semaphore_mem>>)
    %eq3A_57 = arith.constant 1 : i32
    %eq3A_58 = vector.broadcast %eq3A_57 : i32 to vector<16xi32>
    %eq3A_59 = arith.cmpi eq, %iota3A, %eq3A_58 : vector<16xi32>
    %jit3A_60 = arith.constant -2147483648 : i32
    %broadcast_in_dim3A_61 = vector.broadcast %jit3A_60 : i32 to vector<16xi32>
    %select_n3A_62 = arith.select %eq3A_59, %get3A_8, %broadcast_in_dim3A_61 : vector<16xi1>, vector<16xi32>
    %reduce_max3A_63 = arith.constant true
    %reduce_max3A_64 = vector.broadcast %reduce_max3A_63 : i1 to vector<16xi1>
    %reduce_max3A_65 = arith.constant -2147483648 : i32
    %reduce_max3A_66 = vector.broadcast %reduce_max3A_65 : i32 to vector<16xi32>
    %reduce_max3A_67 = arith.xori %select_n3A_62, %reduce_max3A_66 : vector<16xi32>
    %reduce_max3A_68 = tpu.scan <max>, %reduce_max3A_67 masked %reduce_max3A_64 : vector<16xi32>, vector<16xi1> -> vector<16xi32>
    %reduce_max3A_69 = arith.xori %reduce_max3A_68, %reduce_max3A_66 : vector<16xi32>
    %reduce_max3A_70 = vector.extract %reduce_max3A_69[15] : i32 from vector<16xi32>
    %jit3A_71 = arith.constant -2147483648 : i32
    %broadcast_in_dim3A_72 = vector.broadcast %jit3A_71 : i32 to vector<16xi32>
    %select_n3A_73 = arith.select %eq3A_59, %get3A_10, %broadcast_in_dim3A_72 : vector<16xi1>, vector<16xi32>
    %reduce_max3A_74 = arith.constant true
    %reduce_max3A_75 = vector.broadcast %reduce_max3A_74 : i1 to vector<16xi1>
    %reduce_max3A_76 = arith.constant -2147483648 : i32
    %reduce_max3A_77 = vector.broadcast %reduce_max3A_76 : i32 to vector<16xi32>
    %reduce_max3A_78 = arith.xori %select_n3A_73, %reduce_max3A_77 : vector<16xi32>
    %reduce_max3A_79 = tpu.scan <max>, %reduce_max3A_78 masked %reduce_max3A_75 : vector<16xi32>, vector<16xi1> -> vector<16xi32>
    %reduce_max3A_80 = arith.xori %reduce_max3A_79, %reduce_max3A_77 : vector<16xi32>
    %reduce_max3A_81 = vector.extract %reduce_max3A_80[15] : i32 from vector<16xi32>
    %dma_start3A_82 = arith.constant 1 : i32
    %dma_start3A_83 = arith.constant 0 : i32
    %dma_start3A_84 = tpu.memref_slice %arg14[%dma_start3A_82, %dma_start3A_83] : memref<32x128xf32, #tpu.memory_space<vmem>> -> memref<1x16xf32, #tpu.memory_space<vmem>>
    %dma_start3A_85 = tpu.memref_squeeze %dma_start3A_84 : memref<1x16xf32, #tpu.memory_space<vmem>> -> memref<16xf32, #tpu.memory_space<vmem>>
    %dma_start3A_86 = arith.constant 0 : i32
    %dma_start3A_87 = tpu.memref_slice %arg3[%reduce_max3A_70, %dma_start3A_86] : memref<1000x16xf32, #tpu.memory_space<hbm>> -> memref<1x16xf32, #tpu.memory_space<hbm>>
    %dma_start3A_88 = tpu.memref_squeeze %dma_start3A_87 : memref<1x16xf32, #tpu.memory_space<hbm>> -> memref<16xf32, #tpu.memory_space<hbm>>
    %dma_start3A_89 = arith.constant 0 : i32
    %dma_start3A_90 = tpu.memref_slice %arg14[%dma_start3A_82, %dma_start3A_89] : memref<32x128xf32, #tpu.memory_space<vmem>> -> memref<1x16xf32, #tpu.memory_space<vmem>>
    %dma_start3A_91 = tpu.memref_squeeze %dma_start3A_90 : memref<1x16xf32, #tpu.memory_space<vmem>> -> memref<16xf32, #tpu.memory_space<vmem>>
    %dma_start3A_92 = arith.constant 0 : i32
    %dma_start3A_93 = tpu.memref_slice %arg3[%reduce_max3A_70, %dma_start3A_92] : memref<1000x16xf32, #tpu.memory_space<hbm>> -> memref<1x16xf32, #tpu.memory_space<hbm>>
    %dma_start3A_94 = tpu.memref_squeeze %dma_start3A_93 : memref<1x16xf32, #tpu.memory_space<hbm>> -> memref<16xf32, #tpu.memory_space<hbm>>
    tpu.enqueue_dma source(%dma_start3A_94 : memref<16xf32, #tpu.memory_space<hbm>>) target(%dma_start3A_91 : memref<16xf32, #tpu.memory_space<vmem>>) target_semaphore(%arg23 : memref<!tpu.dma_semaphore, #tpu.memory_space<semaphore_mem>>)
    %dma_start3A_95 = arith.constant 1 : i32
    %dma_start3A_96 = arith.constant 16 : i32
    %dma_start3A_97 = tpu.memref_slice %arg14[%dma_start3A_95, %dma_start3A_96] : memref<32x128xf32, #tpu.memory_space<vmem>> -> memref<1x64xf32, #tpu.memory_space<vmem>>
    %dma_start3A_98 = tpu.memref_squeeze %dma_start3A_97 : memref<1x64xf32, #tpu.memory_space<vmem>> -> memref<64xf32, #tpu.memory_space<vmem>>
    %dma_start3A_99 = arith.constant 0 : i32
    %dma_start3A_100 = tpu.memref_slice %arg4[%reduce_max3A_81, %dma_start3A_99] : memref<100000x64xf32, #tpu.memory_space<hbm>> -> memref<1x64xf32, #tpu.memory_space<hbm>>
    %dma_start3A_101 = tpu.memref_squeeze %dma_start3A_100 : memref<1x64xf32, #tpu.memory_space<hbm>> -> memref<64xf32, #tpu.memory_space<hbm>>
    %dma_start3A_102 = arith.constant 16 : i32
    %dma_start3A_103 = tpu.memref_slice %arg14[%dma_start3A_95, %dma_start3A_102] : memref<32x128xf32, #tpu.memory_space<vmem>> -> memref<1x64xf32, #tpu.memory_space<vmem>>
    %dma_start3A_104 = tpu.memref_squeeze %dma_start3A_103 : memref<1x64xf32, #tpu.memory_space<vmem>> -> memref<64xf32, #tpu.memory_space<vmem>>
    %dma_start3A_105 = arith.constant 0 : i32
    %dma_start3A_106 = tpu.memref_slice %arg4[%reduce_max3A_81, %dma_start3A_105] : memref<100000x64xf32, #tpu.memory_space<hbm>> -> memref<1x64xf32, #tpu.memory_space<hbm>>
    %dma_start3A_107 = tpu.memref_squeeze %dma_start3A_106 : memref<1x64xf32, #tpu.memory_space<hbm>> -> memref<64xf32, #tpu.memory_space<hbm>>
    tpu.enqueue_dma source(%dma_start3A_107 : memref<64xf32, #tpu.memory_space<hbm>>) target(%dma_start3A_104 : memref<64xf32, #tpu.memory_space<vmem>>) target_semaphore(%arg23 : memref<!tpu.dma_semaphore, #tpu.memory_space<semaphore_mem>>)
    %eq3A_108 = arith.constant 2 : i32
    %eq3A_109 = vector.broadcast %eq3A_108 : i32 to vector<16xi32>
    %eq3A_110 = arith.cmpi eq, %iota3A, %eq3A_109 : vector<16xi32>
    %jit3A_111 = arith.constant -2147483648 : i32
    %broadcast_in_dim3A_112 = vector.broadcast %jit3A_111 : i32 to vector<16xi32>
    %select_n3A_113 = arith.select %eq3A_110, %get3A_8, %broadcast_in_dim3A_112 : vector<16xi1>, vector<16xi32>
    %reduce_max3A_114 = arith.constant true
    %reduce_max3A_115 = vector.broadcast %reduce_max3A_114 : i1 to vector<16xi1>
    %reduce_max3A_116 = arith.constant -2147483648 : i32
    %reduce_max3A_117 = vector.broadcast %reduce_max3A_116 : i32 to vector<16xi32>
    %reduce_max3A_118 = arith.xori %select_n3A_113, %reduce_max3A_117 : vector<16xi32>
    %reduce_max3A_119 = tpu.scan <max>, %reduce_max3A_118 masked %reduce_max3A_115 : vector<16xi32>, vector<16xi1> -> vector<16xi32>
    %reduce_max3A_120 = arith.xori %reduce_max3A_119, %reduce_max3A_117 : vector<16xi32>
    %reduce_max3A_121 = vector.extract %reduce_max3A_120[15] : i32 from vector<16xi32>
    %jit3A_122 = arith.constant -2147483648 : i32
    %broadcast_in_dim3A_123 = vector.broadcast %jit3A_122 : i32 to vector<16xi32>
    %select_n3A_124 = arith.select %eq3A_110, %get3A_10, %broadcast_in_dim3A_123 : vector<16xi1>, vector<16xi32>
    %reduce_max3A_125 = arith.constant true
    %reduce_max3A_126 = vector.broadcast %reduce_max3A_125 : i1 to vector<16xi1>
    %reduce_max3A_127 = arith.constant -2147483648 : i32
    %reduce_max3A_128 = vector.broadcast %reduce_max3A_127 : i32 to vector<16xi32>
    %reduce_max3A_129 = arith.xori %select_n3A_124, %reduce_max3A_128 : vector<16xi32>
    %reduce_max3A_130 = tpu.scan <max>, %reduce_max3A_129 masked %reduce_max3A_126 : vector<16xi32>, vector<16xi1> -> vector<16xi32>
    %reduce_max3A_131 = arith.xori %reduce_max3A_130, %reduce_max3A_128 : vector<16xi32>
    %reduce_max3A_132 = vector.extract %reduce_max3A_131[15] : i32 from vector<16xi32>
    %dma_start3A_133 = arith.constant 2 : i32
    %dma_start3A_134 = arith.constant 0 : i32
    %dma_start3A_135 = tpu.memref_slice %arg14[%dma_start3A_133, %dma_start3A_134] : memref<32x128xf32, #tpu.memory_space<vmem>> -> memref<1x16xf32, #tpu.memory_space<vmem>>
    %dma_start3A_136 = tpu.memref_squeeze %dma_start3A_135 : memref<1x16xf32, #tpu.memory_space<vmem>> -> memref<16xf32, #tpu.memory_space<vmem>>
    %dma_start3A_137 = arith.constant 0 : i32
    %dma_start3A_138 = tpu.memref_slice %arg3[%reduce_max3A_121, %dma_start3A_137] : memref<1000x16xf32, #tpu.memory_space<hbm>> -> memref<1x16xf32, #tpu.memory_space<hbm>>
    %dma_start3A_139 = tpu.memref_squeeze %dma_start3A_138 : memref<1x16xf32, #tpu.memory_space<hbm>> -> memref<16xf32, #tpu.memory_space<hbm>>
    %dma_start3A_140 = arith.constant 0 : i32
    %dma_start3A_141 = tpu.memref_slice %arg14[%dma_start3A_133, %dma_start3A_140] : memref<32x128xf32, #tpu.memory_space<vmem>> -> memref<1x16xf32, #tpu.memory_space<vmem>>
    %dma_start3A_142 = tpu.memref_squeeze %dma_start3A_141 : memref<1x16xf32, #tpu.memory_space<vmem>> -> memref<16xf32, #tpu.memory_space<vmem>>
    %dma_start3A_143 = arith.constant 0 : i32
    %dma_start3A_144 = tpu.memref_slice %arg3[%reduce_max3A_121, %dma_start3A_143] : memref<1000x16xf32, #tpu.memory_space<hbm>> -> memref<1x16xf32, #tpu.memory_space<hbm>>
    %dma_start3A_145 = tpu.memref_squeeze %dma_start3A_144 : memref<1x16xf32, #tpu.memory_space<hbm>> -> memref<16xf32, #tpu.memory_space<hbm>>
    tpu.enqueue_dma source(%dma_start3A_145 : memref<16xf32, #tpu.memory_space<hbm>>) target(%dma_start3A_142 : memref<16xf32, #tpu.memory_space<vmem>>) target_semaphore(%arg23 : memref<!tpu.dma_semaphore, #tpu.memory_space<semaphore_mem>>)
    %dma_start3A_146 = arith.constant 2 : i32
    %dma_start3A_147 = arith.constant 16 : i32
    %dma_start3A_148 = tpu.memref_slice %arg14[%dma_start3A_146, %dma_start3A_147] : memref<32x128xf32, #tpu.memory_space<vmem>> -> memref<1x64xf32, #tpu.memory_space<vmem>>
    %dma_start3A_149 = tpu.memref_squeeze %dma_start3A_148 : memref<1x64xf32, #tpu.memory_space<vmem>> -> memref<64xf32, #tpu.memory_space<vmem>>
    %dma_start3A_150 = arith.constant 0 : i32
    %dma_start3A_151 = tpu.memref_slice %arg4[%reduce_max3A_132, %dma_start3A_150] : memref<100000x64xf32, #tpu.memory_space<hbm>> -> memref<1x64xf32, #tpu.memory_space<hbm>>
    %dma_start3A_152 = tpu.memref_squeeze %dma_start3A_151 : memref<1x64xf32, #tpu.memory_space<hbm>> -> memref<64xf32, #tpu.memory_space<hbm>>
    %dma_start3A_153 = arith.constant 16 : i32
    %dma_start3A_154 = tpu.memref_slice %arg14[%dma_start3A_146, %dma_start3A_153] : memref<32x128xf32, #tpu.memory_space<vmem>> -> memref<1x64xf32, #tpu.memory_space<vmem>>
    %dma_start3A_155 = tpu.memref_squeeze %dma_start3A_154 : memref<1x64xf32, #tpu.memory_space<vmem>> -> memref<64xf32, #tpu.memory_space<vmem>>
    %dma_start3A_156 = arith.constant 0 : i32
    %dma_start3A_157 = tpu.memref_slice %arg4[%reduce_max3A_132, %dma_start3A_156] : memref<100000x64xf32, #tpu.memory_space<hbm>> -> memref<1x64xf32, #tpu.memory_space<hbm>>
    %dma_start3A_158 = tpu.memref_squeeze %dma_start3A_157 : memref<1x64xf32, #tpu.memory_space<hbm>> -> memref<64xf32, #tpu.memory_space<hbm>>
    tpu.enqueue_dma source(%dma_start3A_158 : memref<64xf32, #tpu.memory_space<hbm>>) target(%dma_start3A_155 : memref<64xf32, #tpu.memory_space<vmem>>) target_semaphore(%arg23 : memref<!tpu.dma_semaphore, #tpu.memory_space<semaphore_mem>>)
    %eq3A_159 = arith.constant 3 : i32
    %eq3A_160 = vector.broadcast %eq3A_159 : i32 to vector<16xi32>
    %eq3A_161 = arith.cmpi eq, %iota3A, %eq3A_160 : vector<16xi32>
    %jit3A_162 = arith.constant -2147483648 : i32
    %broadcast_in_dim3A_163 = vector.broadcast %jit3A_162 : i32 to vector<16xi32>
    %select_n3A_164 = arith.select %eq3A_161, %get3A_8, %broadcast_in_dim3A_163 : vector<16xi1>, vector<16xi32>
    %reduce_max3A_165 = arith.constant true
    %reduce_max3A_166 = vector.broadcast %reduce_max3A_165 : i1 to vector<16xi1>
    %reduce_max3A_167 = arith.constant -2147483648 : i32
    %reduce_max3A_168 = vector.broadcast %reduce_max3A_167 : i32 to vector<16xi32>
    %reduce_max3A_169 = arith.xori %select_n3A_164, %reduce_max3A_168 : vector<16xi32>
    %reduce_max3A_170 = tpu.scan <max>, %reduce_max3A_169 masked %reduce_max3A_166 : vector<16xi32>, vector<16xi1> -> vector<16xi32>
    %reduce_max3A_171 = arith.xori %reduce_max3A_170, %reduce_max3A_168 : vector<16xi32>
    %reduce_max3A_172 = vector.extract %reduce_max3A_171[15] : i32 from vector<16xi32>
    %jit3A_173 = arith.constant -2147483648 : i32
    %broadcast_in_dim3A_174 = vector.broadcast %jit3A_173 : i32 to vector<16xi32>
    %select_n3A_175 = arith.select %eq3A_161, %get3A_10, %broadcast_in_dim3A_174 : vector<16xi1>, vector<16xi32>
    %reduce_max3A_176 = arith.constant true
    %reduce_max3A_177 = vector.broadcast %reduce_max3A_176 : i1 to vector<16xi1>
    %reduce_max3A_178 = arith.constant -2147483648 : i32
    %reduce_max3A_179 = vector.broadcast %reduce_max3A_178 : i32 to vector<16xi32>
    %reduce_max3A_180 = arith.xori %select_n3A_175, %reduce_max3A_179 : vector<16xi32>
    %reduce_max3A_181 = tpu.scan <max>, %reduce_max3A_180 masked %reduce_max3A_177 : vector<16xi32>, vector<16xi1> -> vector<16xi32>
    %reduce_max3A_182 = arith.xori %reduce_max3A_181, %reduce_max3A_179 : vector<16xi32>
    %reduce_max3A_183 = vector.extract %reduce_max3A_182[15] : i32 from vector<16xi32>
    %dma_start3A_184 = arith.constant 3 : i32
    %dma_start3A_185 = arith.constant 0 : i32
    %dma_start3A_186 = tpu.memref_slice %arg14[%dma_start3A_184, %dma_start3A_185] : memref<32x128xf32, #tpu.memory_space<vmem>> -> memref<1x16xf32, #tpu.memory_space<vmem>>
    %dma_start3A_187 = tpu.memref_squeeze %dma_start3A_186 : memref<1x16xf32, #tpu.memory_space<vmem>> -> memref<16xf32, #tpu.memory_space<vmem>>
    %dma_start3A_188 = arith.constant 0 : i32
    %dma_start3A_189 = tpu.memref_slice %arg3[%reduce_max3A_172, %dma_start3A_188] : memref<1000x16xf32, #tpu.memory_space<hbm>> -> memref<1x16xf32, #tpu.memory_space<hbm>>
    %dma_start3A_190 = tpu.memref_squeeze %dma_start3A_189 : memref<1x16xf32, #tpu.memory_space<hbm>> -> memref<16xf32, #tpu.memory_space<hbm>>
    %dma_start3A_191 = arith.constant 0 : i32
    %dma_start3A_192 = tpu.memref_slice %arg14[%dma_start3A_184, %dma_start3A_191] : memref<32x128xf32, #tpu.memory_space<vmem>> -> memref<1x16xf32, #tpu.memory_space<vmem>>
    %dma_start3A_193 = tpu.memref_squeeze %dma_start3A_192 : memref<1x16xf32, #tpu.memory_space<vmem>> -> memref<16xf32, #tpu.memory_space<vmem>>
    %dma_start3A_194 = arith.constant 0 : i32
    %dma_start3A_195 = tpu.memref_slice %arg3[%reduce_max3A_172, %dma_start3A_194] : memref<1000x16xf32, #tpu.memory_space<hbm>> -> memref<1x16xf32, #tpu.memory_space<hbm>>
    %dma_start3A_196 = tpu.memref_squeeze %dma_start3A_195 : memref<1x16xf32, #tpu.memory_space<hbm>> -> memref<16xf32, #tpu.memory_space<hbm>>
    tpu.enqueue_dma source(%dma_start3A_196 : memref<16xf32, #tpu.memory_space<hbm>>) target(%dma_start3A_193 : memref<16xf32, #tpu.memory_space<vmem>>) target_semaphore(%arg23 : memref<!tpu.dma_semaphore, #tpu.memory_space<semaphore_mem>>)
    %dma_start3A_197 = arith.constant 3 : i32
    %dma_start3A_198 = arith.constant 16 : i32
    %dma_start3A_199 = tpu.memref_slice %arg14[%dma_start3A_197, %dma_start3A_198] : memref<32x128xf32, #tpu.memory_space<vmem>> -> memref<1x64xf32, #tpu.memory_space<vmem>>
    %dma_start3A_200 = tpu.memref_squeeze %dma_start3A_199 : memref<1x64xf32, #tpu.memory_space<vmem>> -> memref<64xf32, #tpu.memory_space<vmem>>
    %dma_start3A_201 = arith.constant 0 : i32
    %dma_start3A_202 = tpu.memref_slice %arg4[%reduce_max3A_183, %dma_start3A_201] : memref<100000x64xf32, #tpu.memory_space<hbm>> -> memref<1x64xf32, #tpu.memory_space<hbm>>
    %dma_start3A_203 = tpu.memref_squeeze %dma_start3A_202 : memref<1x64xf32, #tpu.memory_space<hbm>> -> memref<64xf32, #tpu.memory_space<hbm>>
    %dma_start3A_204 = arith.constant 16 : i32
    %dma_start3A_205 = tpu.memref_slice %arg14[%dma_start3A_197, %dma_start3A_204] : memref<32x128xf32, #tpu.memory_space<vmem>> -> memref<1x64xf32, #tpu.memory_space<vmem>>
    %dma_start3A_206 = tpu.memref_squeeze %dma_start3A_205 : memref<1x64xf32, #tpu.memory_space<vmem>> -> memref<64xf32, #tpu.memory_space<vmem>>
    %dma_start3A_207 = arith.constant 0 : i32
    %dma_start3A_208 = tpu.memref_slice %arg4[%reduce_max3A_183, %dma_start3A_207] : memref<100000x64xf32, #tpu.memory_space<hbm>> -> memref<1x64xf32, #tpu.memory_space<hbm>>
    %dma_start3A_209 = tpu.memref_squeeze %dma_start3A_208 : memref<1x64xf32, #tpu.memory_space<hbm>> -> memref<64xf32, #tpu.memory_space<hbm>>
    tpu.enqueue_dma source(%dma_start3A_209 : memref<64xf32, #tpu.memory_space<hbm>>) target(%dma_start3A_206 : memref<64xf32, #tpu.memory_space<vmem>>) target_semaphore(%arg23 : memref<!tpu.dma_semaphore, #tpu.memory_space<semaphore_mem>>)
    %eq3A_210 = arith.constant 4 : i32
    %eq3A_211 = vector.broadcast %eq3A_210 : i32 to vector<16xi32>
    %eq3A_212 = arith.cmpi eq, %iota3A, %eq3A_211 : vector<16xi32>
    %jit3A_213 = arith.constant -2147483648 : i32
    %broadcast_in_dim3A_214 = vector.broadcast %jit3A_213 : i32 to vector<16xi32>
    %select_n3A_215 = arith.select %eq3A_212, %get3A_8, %broadcast_in_dim3A_214 : vector<16xi1>, vector<16xi32>
    %reduce_max3A_216 = arith.constant true
    %reduce_max3A_217 = vector.broadcast %reduce_max3A_216 : i1 to vector<16xi1>
    %reduce_max3A_218 = arith.constant -2147483648 : i32
    %reduce_max3A_219 = vector.broadcast %reduce_max3A_218 : i32 to vector<16xi32>
    %reduce_max3A_220 = arith.xori %select_n3A_215, %reduce_max3A_219 : vector<16xi32>
    %reduce_max3A_221 = tpu.scan <max>, %reduce_max3A_220 masked %reduce_max3A_217 : vector<16xi32>, vector<16xi1> -> vector<16xi32>
    %reduce_max3A_222 = arith.xori %reduce_max3A_221, %reduce_max3A_219 : vector<16xi32>
    %reduce_max3A_223 = vector.extract %reduce_max3A_222[15] : i32 from vector<16xi32>
    %jit3A_224 = arith.constant -2147483648 : i32
    %broadcast_in_dim3A_225 = vector.broadcast %jit3A_224 : i32 to vector<16xi32>
    %select_n3A_226 = arith.select %eq3A_212, %get3A_10, %broadcast_in_dim3A_225 : vector<16xi1>, vector<16xi32>
    %reduce_max3A_227 = arith.constant true
    %reduce_max3A_228 = vector.broadcast %reduce_max3A_227 : i1 to vector<16xi1>
    %reduce_max3A_229 = arith.constant -2147483648 : i32
    %reduce_max3A_230 = vector.broadcast %reduce_max3A_229 : i32 to vector<16xi32>
    %reduce_max3A_231 = arith.xori %select_n3A_226, %reduce_max3A_230 : vector<16xi32>
    %reduce_max3A_232 = tpu.scan <max>, %reduce_max3A_231 masked %reduce_max3A_228 : vector<16xi32>, vector<16xi1> -> vector<16xi32>
    %reduce_max3A_233 = arith.xori %reduce_max3A_232, %reduce_max3A_230 : vector<16xi32>
    %reduce_max3A_234 = vector.extract %reduce_max3A_233[15] : i32 from vector<16xi32>
    %dma_start3A_235 = arith.constant 4 : i32
    %dma_start3A_236 = arith.constant 0 : i32
    %dma_start3A_237 = tpu.memref_slice %arg14[%dma_start3A_235, %dma_start3A_236] : memref<32x128xf32, #tpu.memory_space<vmem>> -> memref<1x16xf32, #tpu.memory_space<vmem>>
    %dma_start3A_238 = tpu.memref_squeeze %dma_start3A_237 : memref<1x16xf32, #tpu.memory_space<vmem>> -> memref<16xf32, #tpu.memory_space<vmem>>
    %dma_start3A_239 = arith.constant 0 : i32
    %dma_start3A_240 = tpu.memref_slice %arg3[%reduce_max3A_223, %dma_start3A_239] : memref<1000x16xf32, #tpu.memory_space<hbm>> -> memref<1x16xf32, #tpu.memory_space<hbm>>
    %dma_start3A_241 = tpu.memref_squeeze %dma_start3A_240 : memref<1x16xf32, #tpu.memory_space<hbm>> -> memref<16xf32, #tpu.memory_space<hbm>>
    %dma_start3A_242 = arith.constant 0 : i32
    %dma_start3A_243 = tpu.memref_slice %arg14[%dma_start3A_235, %dma_start3A_242] : memref<32x128xf32, #tpu.memory_space<vmem>> -> memref<1x16xf32, #tpu.memory_space<vmem>>
    %dma_start3A_244 = tpu.memref_squeeze %dma_start3A_243 : memref<1x16xf32, #tpu.memory_space<vmem>> -> memref<16xf32, #tpu.memory_space<vmem>>
    %dma_start3A_245 = arith.constant 0 : i32
    %dma_start3A_246 = tpu.memref_slice %arg3[%reduce_max3A_223, %dma_start3A_245] : memref<1000x16xf32, #tpu.memory_space<hbm>> -> memref<1x16xf32, #tpu.memory_space<hbm>>
    %dma_start3A_247 = tpu.memref_squeeze %dma_start3A_246 : memref<1x16xf32, #tpu.memory_space<hbm>> -> memref<16xf32, #tpu.memory_space<hbm>>
    tpu.enqueue_dma source(%dma_start3A_247 : memref<16xf32, #tpu.memory_space<hbm>>) target(%dma_start3A_244 : memref<16xf32, #tpu.memory_space<vmem>>) target_semaphore(%arg23 : memref<!tpu.dma_semaphore, #tpu.memory_space<semaphore_mem>>)
    %dma_start3A_248 = arith.constant 4 : i32
    %dma_start3A_249 = arith.constant 16 : i32
    %dma_start3A_250 = tpu.memref_slice %arg14[%dma_start3A_248, %dma_start3A_249] : memref<32x128xf32, #tpu.memory_space<vmem>> -> memref<1x64xf32, #tpu.memory_space<vmem>>
    %dma_start3A_251 = tpu.memref_squeeze %dma_start3A_250 : memref<1x64xf32, #tpu.memory_space<vmem>> -> memref<64xf32, #tpu.memory_space<vmem>>
    %dma_start3A_252 = arith.constant 0 : i32
    %dma_start3A_253 = tpu.memref_slice %arg4[%reduce_max3A_234, %dma_start3A_252] : memref<100000x64xf32, #tpu.memory_space<hbm>> -> memref<1x64xf32, #tpu.memory_space<hbm>>
    %dma_start3A_254 = tpu.memref_squeeze %dma_start3A_253 : memref<1x64xf32, #tpu.memory_space<hbm>> -> memref<64xf32, #tpu.memory_space<hbm>>
    %dma_start3A_255 = arith.constant 16 : i32
    %dma_start3A_256 = tpu.memref_slice %arg14[%dma_start3A_248, %dma_start3A_255] : memref<32x128xf32, #tpu.memory_space<vmem>> -> memref<1x64xf32, #tpu.memory_space<vmem>>
    %dma_start3A_257 = tpu.memref_squeeze %dma_start3A_256 : memref<1x64xf32, #tpu.memory_space<vmem>> -> memref<64xf32, #tpu.memory_space<vmem>>
    %dma_start3A_258 = arith.constant 0 : i32
    %dma_start3A_259 = tpu.memref_slice %arg4[%reduce_max3A_234, %dma_start3A_258] : memref<100000x64xf32, #tpu.memory_space<hbm>> -> memref<1x64xf32, #tpu.memory_space<hbm>>
    %dma_start3A_260 = tpu.memref_squeeze %dma_start3A_259 : memref<1x64xf32, #tpu.memory_space<hbm>> -> memref<64xf32, #tpu.memory_space<hbm>>
    tpu.enqueue_dma source(%dma_start3A_260 : memref<64xf32, #tpu.memory_space<hbm>>) target(%dma_start3A_257 : memref<64xf32, #tpu.memory_space<vmem>>) target_semaphore(%arg23 : memref<!tpu.dma_semaphore, #tpu.memory_space<semaphore_mem>>)
    %eq3A_261 = arith.constant 5 : i32
    %eq3A_262 = vector.broadcast %eq3A_261 : i32 to vector<16xi32>
    %eq3A_263 = arith.cmpi eq, %iota3A, %eq3A_262 : vector<16xi32>
    %jit3A_264 = arith.constant -2147483648 : i32
    %broadcast_in_dim3A_265 = vector.broadcast %jit3A_264 : i32 to vector<16xi32>
    %select_n3A_266 = arith.select %eq3A_263, %get3A_8, %broadcast_in_dim3A_265 : vector<16xi1>, vector<16xi32>
    %reduce_max3A_267 = arith.constant true
    %reduce_max3A_268 = vector.broadcast %reduce_max3A_267 : i1 to vector<16xi1>
    %reduce_max3A_269 = arith.constant -2147483648 : i32
    %reduce_max3A_270 = vector.broadcast %reduce_max3A_269 : i32 to vector<16xi32>
    %reduce_max3A_271 = arith.xori %select_n3A_266, %reduce_max3A_270 : vector<16xi32>
    %reduce_max3A_272 = tpu.scan <max>, %reduce_max3A_271 masked %reduce_max3A_268 : vector<16xi32>, vector<16xi1> -> vector<16xi32>
    %reduce_max3A_273 = arith.xori %reduce_max3A_272, %reduce_max3A_270 : vector<16xi32>
    %reduce_max3A_274 = vector.extract %reduce_max3A_273[15] : i32 from vector<16xi32>
    %jit3A_275 = arith.constant -2147483648 : i32
    %broadcast_in_dim3A_276 = vector.broadcast %jit3A_275 : i32 to vector<16xi32>
    %select_n3A_277 = arith.select %eq3A_263, %get3A_10, %broadcast_in_dim3A_276 : vector<16xi1>, vector<16xi32>
    %reduce_max3A_278 = arith.constant true
    %reduce_max3A_279 = vector.broadcast %reduce_max3A_278 : i1 to vector<16xi1>
    %reduce_max3A_280 = arith.constant -2147483648 : i32
    %reduce_max3A_281 = vector.broadcast %reduce_max3A_280 : i32 to vector<16xi32>
    %reduce_max3A_282 = arith.xori %select_n3A_277, %reduce_max3A_281 : vector<16xi32>
    %reduce_max3A_283 = tpu.scan <max>, %reduce_max3A_282 masked %reduce_max3A_279 : vector<16xi32>, vector<16xi1> -> vector<16xi32>
    %reduce_max3A_284 = arith.xori %reduce_max3A_283, %reduce_max3A_281 : vector<16xi32>
    %reduce_max3A_285 = vector.extract %reduce_max3A_284[15] : i32 from vector<16xi32>
    %dma_start3A_286 = arith.constant 5 : i32
    %dma_start3A_287 = arith.constant 0 : i32
    %dma_start3A_288 = tpu.memref_slice %arg14[%dma_start3A_286, %dma_start3A_287] : memref<32x128xf32, #tpu.memory_space<vmem>> -> memref<1x16xf32, #tpu.memory_space<vmem>>
    %dma_start3A_289 = tpu.memref_squeeze %dma_start3A_288 : memref<1x16xf32, #tpu.memory_space<vmem>> -> memref<16xf32, #tpu.memory_space<vmem>>
    %dma_start3A_290 = arith.constant 0 : i32
    %dma_start3A_291 = tpu.memref_slice %arg3[%reduce_max3A_274, %dma_start3A_290] : memref<1000x16xf32, #tpu.memory_space<hbm>> -> memref<1x16xf32, #tpu.memory_space<hbm>>
    %dma_start3A_292 = tpu.memref_squeeze %dma_start3A_291 : memref<1x16xf32, #tpu.memory_space<hbm>> -> memref<16xf32, #tpu.memory_space<hbm>>
    %dma_start3A_293 = arith.constant 0 : i32
    %dma_start3A_294 = tpu.memref_slice %arg14[%dma_start3A_286, %dma_start3A_293] : memref<32x128xf32, #tpu.memory_space<vmem>> -> memref<1x16xf32, #tpu.memory_space<vmem>>
    %dma_start3A_295 = tpu.memref_squeeze %dma_start3A_294 : memref<1x16xf32, #tpu.memory_space<vmem>> -> memref<16xf32, #tpu.memory_space<vmem>>
    %dma_start3A_296 = arith.constant 0 : i32
    %dma_start3A_297 = tpu.memref_slice %arg3[%reduce_max3A_274, %dma_start3A_296] : memref<1000x16xf32, #tpu.memory_space<hbm>> -> memref<1x16xf32, #tpu.memory_space<hbm>>
    %dma_start3A_298 = tpu.memref_squeeze %dma_start3A_297 : memref<1x16xf32, #tpu.memory_space<hbm>> -> memref<16xf32, #tpu.memory_space<hbm>>
    tpu.enqueue_dma source(%dma_start3A_298 : memref<16xf32, #tpu.memory_space<hbm>>) target(%dma_start3A_295 : memref<16xf32, #tpu.memory_space<vmem>>) target_semaphore(%arg23 : memref<!tpu.dma_semaphore, #tpu.memory_space<semaphore_mem>>)
    %dma_start3A_299 = arith.constant 5 : i32
    %dma_start3A_300 = arith.constant 16 : i32
    %dma_start3A_301 = tpu.memref_slice %arg14[%dma_start3A_299, %dma_start3A_300] : memref<32x128xf32, #tpu.memory_space<vmem>> -> memref<1x64xf32, #tpu.memory_space<vmem>>
    %dma_start3A_302 = tpu.memref_squeeze %dma_start3A_301 : memref<1x64xf32, #tpu.memory_space<vmem>> -> memref<64xf32, #tpu.memory_space<vmem>>
    %dma_start3A_303 = arith.constant 0 : i32
    %dma_start3A_304 = tpu.memref_slice %arg4[%reduce_max3A_285, %dma_start3A_303] : memref<100000x64xf32, #tpu.memory_space<hbm>> -> memref<1x64xf32, #tpu.memory_space<hbm>>
    %dma_start3A_305 = tpu.memref_squeeze %dma_start3A_304 : memref<1x64xf32, #tpu.memory_space<hbm>> -> memref<64xf32, #tpu.memory_space<hbm>>
    %dma_start3A_306 = arith.constant 16 : i32
    %dma_start3A_307 = tpu.memref_slice %arg14[%dma_start3A_299, %dma_start3A_306] : memref<32x128xf32, #tpu.memory_space<vmem>> -> memref<1x64xf32, #tpu.memory_space<vmem>>
    %dma_start3A_308 = tpu.memref_squeeze %dma_start3A_307 : memref<1x64xf32, #tpu.memory_space<vmem>> -> memref<64xf32, #tpu.memory_space<vmem>>
    %dma_start3A_309 = arith.constant 0 : i32
    %dma_start3A_310 = tpu.memref_slice %arg4[%reduce_max3A_285, %dma_start3A_309] : memref<100000x64xf32, #tpu.memory_space<hbm>> -> memref<1x64xf32, #tpu.memory_space<hbm>>
    %dma_start3A_311 = tpu.memref_squeeze %dma_start3A_310 : memref<1x64xf32, #tpu.memory_space<hbm>> -> memref<64xf32, #tpu.memory_space<hbm>>
    tpu.enqueue_dma source(%dma_start3A_311 : memref<64xf32, #tpu.memory_space<hbm>>) target(%dma_start3A_308 : memref<64xf32, #tpu.memory_space<vmem>>) target_semaphore(%arg23 : memref<!tpu.dma_semaphore, #tpu.memory_space<semaphore_mem>>)
    %eq3A_312 = arith.constant 6 : i32
    %eq3A_313 = vector.broadcast %eq3A_312 : i32 to vector<16xi32>
    %eq3A_314 = arith.cmpi eq, %iota3A, %eq3A_313 : vector<16xi32>
    %jit3A_315 = arith.constant -2147483648 : i32
    %broadcast_in_dim3A_316 = vector.broadcast %jit3A_315 : i32 to vector<16xi32>
    %select_n3A_317 = arith.select %eq3A_314, %get3A_8, %broadcast_in_dim3A_316 : vector<16xi1>, vector<16xi32>
    %reduce_max3A_318 = arith.constant true
    %reduce_max3A_319 = vector.broadcast %reduce_max3A_318 : i1 to vector<16xi1>
    %reduce_max3A_320 = arith.constant -2147483648 : i32
    %reduce_max3A_321 = vector.broadcast %reduce_max3A_320 : i32 to vector<16xi32>
    %reduce_max3A_322 = arith.xori %select_n3A_317, %reduce_max3A_321 : vector<16xi32>
    %reduce_max3A_323 = tpu.scan <max>, %reduce_max3A_322 masked %reduce_max3A_319 : vector<16xi32>, vector<16xi1> -> vector<16xi32>
    %reduce_max3A_324 = arith.xori %reduce_max3A_323, %reduce_max3A_321 : vector<16xi32>
    %reduce_max3A_325 = vector.extract %reduce_max3A_324[15] : i32 from vector<16xi32>
    %jit3A_326 = arith.constant -2147483648 : i32
    %broadcast_in_dim3A_327 = vector.broadcast %jit3A_326 : i32 to vector<16xi32>
    %select_n3A_328 = arith.select %eq3A_314, %get3A_10, %broadcast_in_dim3A_327 : vector<16xi1>, vector<16xi32>
    %reduce_max3A_329 = arith.constant true
    %reduce_max3A_330 = vector.broadcast %reduce_max3A_329 : i1 to vector<16xi1>
    %reduce_max3A_331 = arith.constant -2147483648 : i32
    %reduce_max3A_332 = vector.broadcast %reduce_max3A_331 : i32 to vector<16xi32>
    %reduce_max3A_333 = arith.xori %select_n3A_328, %reduce_max3A_332 : vector<16xi32>
    %reduce_max3A_334 = tpu.scan <max>, %reduce_max3A_333 masked %reduce_max3A_330 : vector<16xi32>, vector<16xi1> -> vector<16xi32>
    %reduce_max3A_335 = arith.xori %reduce_max3A_334, %reduce_max3A_332 : vector<16xi32>
    %reduce_max3A_336 = vector.extract %reduce_max3A_335[15] : i32 from vector<16xi32>
    %dma_start3A_337 = arith.constant 6 : i32
    %dma_start3A_338 = arith.constant 0 : i32
    %dma_start3A_339 = tpu.memref_slice %arg14[%dma_start3A_337, %dma_start3A_338] : memref<32x128xf32, #tpu.memory_space<vmem>> -> memref<1x16xf32, #tpu.memory_space<vmem>>
    %dma_start3A_340 = tpu.memref_squeeze %dma_start3A_339 : memref<1x16xf32, #tpu.memory_space<vmem>> -> memref<16xf32, #tpu.memory_space<vmem>>
    %dma_start3A_341 = arith.constant 0 : i32
    %dma_start3A_342 = tpu.memref_slice %arg3[%reduce_max3A_325, %dma_start3A_341] : memref<1000x16xf32, #tpu.memory_space<hbm>> -> memref<1x16xf32, #tpu.memory_space<hbm>>
    %dma_start3A_343 = tpu.memref_squeeze %dma_start3A_342 : memref<1x16xf32, #tpu.memory_space<hbm>> -> memref<16xf32, #tpu.memory_space<hbm>>
    %dma_start3A_344 = arith.constant 0 : i32
    %dma_start3A_345 = tpu.memref_slice %arg14[%dma_start3A_337, %dma_start3A_344] : memref<32x128xf32, #tpu.memory_space<vmem>> -> memref<1x16xf32, #tpu.memory_space<vmem>>
    %dma_start3A_346 = tpu.memref_squeeze %dma_start3A_345 : memref<1x16xf32, #tpu.memory_space<vmem>> -> memref<16xf32, #tpu.memory_space<vmem>>
    %dma_start3A_347 = arith.constant 0 : i32
    %dma_start3A_348 = tpu.memref_slice %arg3[%reduce_max3A_325, %dma_start3A_347] : memref<1000x16xf32, #tpu.memory_space<hbm>> -> memref<1x16xf32, #tpu.memory_space<hbm>>
    %dma_start3A_349 = tpu.memref_squeeze %dma_start3A_348 : memref<1x16xf32, #tpu.memory_space<hbm>> -> memref<16xf32, #tpu.memory_space<hbm>>
    tpu.enqueue_dma source(%dma_start3A_349 : memref<16xf32, #tpu.memory_space<hbm>>) target(%dma_start3A_346 : memref<16xf32, #tpu.memory_space<vmem>>) target_semaphore(%arg23 : memref<!tpu.dma_semaphore, #tpu.memory_space<semaphore_mem>>)
    %dma_start3A_350 = arith.constant 6 : i32
    %dma_start3A_351 = arith.constant 16 : i32
    %dma_start3A_352 = tpu.memref_slice %arg14[%dma_start3A_350, %dma_start3A_351] : memref<32x128xf32, #tpu.memory_space<vmem>> -> memref<1x64xf32, #tpu.memory_space<vmem>>
    %dma_start3A_353 = tpu.memref_squeeze %dma_start3A_352 : memref<1x64xf32, #tpu.memory_space<vmem>> -> memref<64xf32, #tpu.memory_space<vmem>>
    %dma_start3A_354 = arith.constant 0 : i32
    %dma_start3A_355 = tpu.memref_slice %arg4[%reduce_max3A_336, %dma_start3A_354] : memref<100000x64xf32, #tpu.memory_space<hbm>> -> memref<1x64xf32, #tpu.memory_space<hbm>>
    %dma_start3A_356 = tpu.memref_squeeze %dma_start3A_355 : memref<1x64xf32, #tpu.memory_space<hbm>> -> memref<64xf32, #tpu.memory_space<hbm>>
    %dma_start3A_357 = arith.constant 16 : i32
    %dma_start3A_358 = tpu.memref_slice %arg14[%dma_start3A_350, %dma_start3A_357] : memref<32x128xf32, #tpu.memory_space<vmem>> -> memref<1x64xf32, #tpu.memory_space<vmem>>
    %dma_start3A_359 = tpu.memref_squeeze %dma_start3A_358 : memref<1x64xf32, #tpu.memory_space<vmem>> -> memref<64xf32, #tpu.memory_space<vmem>>
    %dma_start3A_360 = arith.constant 0 : i32
    %dma_start3A_361 = tpu.memref_slice %arg4[%reduce_max3A_336, %dma_start3A_360] : memref<100000x64xf32, #tpu.memory_space<hbm>> -> memref<1x64xf32, #tpu.memory_space<hbm>>
    %dma_start3A_362 = tpu.memref_squeeze %dma_start3A_361 : memref<1x64xf32, #tpu.memory_space<hbm>> -> memref<64xf32, #tpu.memory_space<hbm>>
    tpu.enqueue_dma source(%dma_start3A_362 : memref<64xf32, #tpu.memory_space<hbm>>) target(%dma_start3A_359 : memref<64xf32, #tpu.memory_space<vmem>>) target_semaphore(%arg23 : memref<!tpu.dma_semaphore, #tpu.memory_space<semaphore_mem>>)
    %eq3A_363 = arith.constant 7 : i32
    %eq3A_364 = vector.broadcast %eq3A_363 : i32 to vector<16xi32>
    %eq3A_365 = arith.cmpi eq, %iota3A, %eq3A_364 : vector<16xi32>
    %jit3A_366 = arith.constant -2147483648 : i32
    %broadcast_in_dim3A_367 = vector.broadcast %jit3A_366 : i32 to vector<16xi32>
    %select_n3A_368 = arith.select %eq3A_365, %get3A_8, %broadcast_in_dim3A_367 : vector<16xi1>, vector<16xi32>
    %reduce_max3A_369 = arith.constant true
    %reduce_max3A_370 = vector.broadcast %reduce_max3A_369 : i1 to vector<16xi1>
    %reduce_max3A_371 = arith.constant -2147483648 : i32
    %reduce_max3A_372 = vector.broadcast %reduce_max3A_371 : i32 to vector<16xi32>
    %reduce_max3A_373 = arith.xori %select_n3A_368, %reduce_max3A_372 : vector<16xi32>
    %reduce_max3A_374 = tpu.scan <max>, %reduce_max3A_373 masked %reduce_max3A_370 : vector<16xi32>, vector<16xi1> -> vector<16xi32>
    %reduce_max3A_375 = arith.xori %reduce_max3A_374, %reduce_max3A_372 : vector<16xi32>
    %reduce_max3A_376 = vector.extract %reduce_max3A_375[15] : i32 from vector<16xi32>
    %jit3A_377 = arith.constant -2147483648 : i32
    %broadcast_in_dim3A_378 = vector.broadcast %jit3A_377 : i32 to vector<16xi32>
    %select_n3A_379 = arith.select %eq3A_365, %get3A_10, %broadcast_in_dim3A_378 : vector<16xi1>, vector<16xi32>
    %reduce_max3A_380 = arith.constant true
    %reduce_max3A_381 = vector.broadcast %reduce_max3A_380 : i1 to vector<16xi1>
    %reduce_max3A_382 = arith.constant -2147483648 : i32
    %reduce_max3A_383 = vector.broadcast %reduce_max3A_382 : i32 to vector<16xi32>
    %reduce_max3A_384 = arith.xori %select_n3A_379, %reduce_max3A_383 : vector<16xi32>
    %reduce_max3A_385 = tpu.scan <max>, %reduce_max3A_384 masked %reduce_max3A_381 : vector<16xi32>, vector<16xi1> -> vector<16xi32>
    %reduce_max3A_386 = arith.xori %reduce_max3A_385, %reduce_max3A_383 : vector<16xi32>
    %reduce_max3A_387 = vector.extract %reduce_max3A_386[15] : i32 from vector<16xi32>
    %dma_start3A_388 = arith.constant 7 : i32
    %dma_start3A_389 = arith.constant 0 : i32
    %dma_start3A_390 = tpu.memref_slice %arg14[%dma_start3A_388, %dma_start3A_389] : memref<32x128xf32, #tpu.memory_space<vmem>> -> memref<1x16xf32, #tpu.memory_space<vmem>>
    %dma_start3A_391 = tpu.memref_squeeze %dma_start3A_390 : memref<1x16xf32, #tpu.memory_space<vmem>> -> memref<16xf32, #tpu.memory_space<vmem>>
    %dma_start3A_392 = arith.constant 0 : i32
    %dma_start3A_393 = tpu.memref_slice %arg3[%reduce_max3A_376, %dma_start3A_392] : memref<1000x16xf32, #tpu.memory_space<hbm>> -> memref<1x16xf32, #tpu.memory_space<hbm>>
    %dma_start3A_394 = tpu.memref_squeeze %dma_start3A_393 : memref<1x16xf32, #tpu.memory_space<hbm>> -> memref<16xf32, #tpu.memory_space<hbm>>
    %dma_start3A_395 = arith.constant 0 : i32
    %dma_start3A_396 = tpu.memref_slice %arg14[%dma_start3A_388, %dma_start3A_395] : memref<32x128xf32, #tpu.memory_space<vmem>> -> memref<1x16xf32, #tpu.memory_space<vmem>>
    %dma_start3A_397 = tpu.memref_squeeze %dma_start3A_396 : memref<1x16xf32, #tpu.memory_space<vmem>> -> memref<16xf32, #tpu.memory_space<vmem>>
    %dma_start3A_398 = arith.constant 0 : i32
    %dma_start3A_399 = tpu.memref_slice %arg3[%reduce_max3A_376, %dma_start3A_398] : memref<1000x16xf32, #tpu.memory_space<hbm>> -> memref<1x16xf32, #tpu.memory_space<hbm>>
    %dma_start3A_400 = tpu.memref_squeeze %dma_start3A_399 : memref<1x16xf32, #tpu.memory_space<hbm>> -> memref<16xf32, #tpu.memory_space<hbm>>
    tpu.enqueue_dma source(%dma_start3A_400 : memref<16xf32, #tpu.memory_space<hbm>>) target(%dma_start3A_397 : memref<16xf32, #tpu.memory_space<vmem>>) target_semaphore(%arg23 : memref<!tpu.dma_semaphore, #tpu.memory_space<semaphore_mem>>)
    %dma_start3A_401 = arith.constant 7 : i32
    %dma_start3A_402 = arith.constant 16 : i32
    %dma_start3A_403 = tpu.memref_slice %arg14[%dma_start3A_401, %dma_start3A_402] : memref<32x128xf32, #tpu.memory_space<vmem>> -> memref<1x64xf32, #tpu.memory_space<vmem>>
    %dma_start3A_404 = tpu.memref_squeeze %dma_start3A_403 : memref<1x64xf32, #tpu.memory_space<vmem>> -> memref<64xf32, #tpu.memory_space<vmem>>
    %dma_start3A_405 = arith.constant 0 : i32
    %dma_start3A_406 = tpu.memref_slice %arg4[%reduce_max3A_387, %dma_start3A_405] : memref<100000x64xf32, #tpu.memory_space<hbm>> -> memref<1x64xf32, #tpu.memory_space<hbm>>
    %dma_start3A_407 = tpu.memref_squeeze %dma_start3A_406 : memref<1x64xf32, #tpu.memory_space<hbm>> -> memref<64xf32, #tpu.memory_space<hbm>>
    %dma_start3A_408 = arith.constant 16 : i32
    %dma_start3A_409 = tpu.memref_slice %arg14[%dma_start3A_401, %dma_start3A_408] : memref<32x128xf32, #tpu.memory_space<vmem>> -> memref<1x64xf32, #tpu.memory_space<vmem>>
    %dma_start3A_410 = tpu.memref_squeeze %dma_start3A_409 : memref<1x64xf32, #tpu.memory_space<vmem>> -> memref<64xf32, #tpu.memory_space<vmem>>
    %dma_start3A_411 = arith.constant 0 : i32
    %dma_start3A_412 = tpu.memref_slice %arg4[%reduce_max3A_387, %dma_start3A_411] : memref<100000x64xf32, #tpu.memory_space<hbm>> -> memref<1x64xf32, #tpu.memory_space<hbm>>
    %dma_start3A_413 = tpu.memref_squeeze %dma_start3A_412 : memref<1x64xf32, #tpu.memory_space<hbm>> -> memref<64xf32, #tpu.memory_space<hbm>>
    tpu.enqueue_dma source(%dma_start3A_413 : memref<64xf32, #tpu.memory_space<hbm>>) target(%dma_start3A_410 : memref<64xf32, #tpu.memory_space<vmem>>) target_semaphore(%arg23 : memref<!tpu.dma_semaphore, #tpu.memory_space<semaphore_mem>>)
    %eq3A_414 = arith.constant 8 : i32
    %eq3A_415 = vector.broadcast %eq3A_414 : i32 to vector<16xi32>
    %eq3A_416 = arith.cmpi eq, %iota3A, %eq3A_415 : vector<16xi32>
    %jit3A_417 = arith.constant -2147483648 : i32
    %broadcast_in_dim3A_418 = vector.broadcast %jit3A_417 : i32 to vector<16xi32>
    %select_n3A_419 = arith.select %eq3A_416, %get3A_8, %broadcast_in_dim3A_418 : vector<16xi1>, vector<16xi32>
    %reduce_max3A_420 = arith.constant true
    %reduce_max3A_421 = vector.broadcast %reduce_max3A_420 : i1 to vector<16xi1>
    %reduce_max3A_422 = arith.constant -2147483648 : i32
    %reduce_max3A_423 = vector.broadcast %reduce_max3A_422 : i32 to vector<16xi32>
    %reduce_max3A_424 = arith.xori %select_n3A_419, %reduce_max3A_423 : vector<16xi32>
    %reduce_max3A_425 = tpu.scan <max>, %reduce_max3A_424 masked %reduce_max3A_421 : vector<16xi32>, vector<16xi1> -> vector<16xi32>
    %reduce_max3A_426 = arith.xori %reduce_max3A_425, %reduce_max3A_423 : vector<16xi32>
    %reduce_max3A_427 = vector.extract %reduce_max3A_426[15] : i32 from vector<16xi32>
    %jit3A_428 = arith.constant -2147483648 : i32
    %broadcast_in_dim3A_429 = vector.broadcast %jit3A_428 : i32 to vector<16xi32>
    %select_n3A_430 = arith.select %eq3A_416, %get3A_10, %broadcast_in_dim3A_429 : vector<16xi1>, vector<16xi32>
    %reduce_max3A_431 = arith.constant true
    %reduce_max3A_432 = vector.broadcast %reduce_max3A_431 : i1 to vector<16xi1>
    %reduce_max3A_433 = arith.constant -2147483648 : i32
    %reduce_max3A_434 = vector.broadcast %reduce_max3A_433 : i32 to vector<16xi32>
    %reduce_max3A_435 = arith.xori %select_n3A_430, %reduce_max3A_434 : vector<16xi32>
    %reduce_max3A_436 = tpu.scan <max>, %reduce_max3A_435 masked %reduce_max3A_432 : vector<16xi32>, vector<16xi1> -> vector<16xi32>
    %reduce_max3A_437 = arith.xori %reduce_max3A_436, %reduce_max3A_434 : vector<16xi32>
    %reduce_max3A_438 = vector.extract %reduce_max3A_437[15] : i32 from vector<16xi32>
    %dma_start3A_439 = arith.constant 8 : i32
    %dma_start3A_440 = arith.constant 0 : i32
    %dma_start3A_441 = tpu.memref_slice %arg14[%dma_start3A_439, %dma_start3A_440] : memref<32x128xf32, #tpu.memory_space<vmem>> -> memref<1x16xf32, #tpu.memory_space<vmem>>
    %dma_start3A_442 = tpu.memref_squeeze %dma_start3A_441 : memref<1x16xf32, #tpu.memory_space<vmem>> -> memref<16xf32, #tpu.memory_space<vmem>>
    %dma_start3A_443 = arith.constant 0 : i32
    %dma_start3A_444 = tpu.memref_slice %arg3[%reduce_max3A_427, %dma_start3A_443] : memref<1000x16xf32, #tpu.memory_space<hbm>> -> memref<1x16xf32, #tpu.memory_space<hbm>>
    %dma_start3A_445 = tpu.memref_squeeze %dma_start3A_444 : memref<1x16xf32, #tpu.memory_space<hbm>> -> memref<16xf32, #tpu.memory_space<hbm>>
    %dma_start3A_446 = arith.constant 0 : i32
    %dma_start3A_447 = tpu.memref_slice %arg14[%dma_start3A_439, %dma_start3A_446] : memref<32x128xf32, #tpu.memory_space<vmem>> -> memref<1x16xf32, #tpu.memory_space<vmem>>
    %dma_start3A_448 = tpu.memref_squeeze %dma_start3A_447 : memref<1x16xf32, #tpu.memory_space<vmem>> -> memref<16xf32, #tpu.memory_space<vmem>>
    %dma_start3A_449 = arith.constant 0 : i32
    %dma_start3A_450 = tpu.memref_slice %arg3[%reduce_max3A_427, %dma_start3A_449] : memref<1000x16xf32, #tpu.memory_space<hbm>> -> memref<1x16xf32, #tpu.memory_space<hbm>>
    %dma_start3A_451 = tpu.memref_squeeze %dma_start3A_450 : memref<1x16xf32, #tpu.memory_space<hbm>> -> memref<16xf32, #tpu.memory_space<hbm>>
    tpu.enqueue_dma source(%dma_start3A_451 : memref<16xf32, #tpu.memory_space<hbm>>) target(%dma_start3A_448 : memref<16xf32, #tpu.memory_space<vmem>>) target_semaphore(%arg23 : memref<!tpu.dma_semaphore, #tpu.memory_space<semaphore_mem>>)
    %dma_start3A_452 = arith.constant 8 : i32
    %dma_start3A_453 = arith.constant 16 : i32
    %dma_start3A_454 = tpu.memref_slice %arg14[%dma_start3A_452, %dma_start3A_453] : memref<32x128xf32, #tpu.memory_space<vmem>> -> memref<1x64xf32, #tpu.memory_space<vmem>>
    %dma_start3A_455 = tpu.memref_squeeze %dma_start3A_454 : memref<1x64xf32, #tpu.memory_space<vmem>> -> memref<64xf32, #tpu.memory_space<vmem>>
    %dma_start3A_456 = arith.constant 0 : i32
    %dma_start3A_457 = tpu.memref_slice %arg4[%reduce_max3A_438, %dma_start3A_456] : memref<100000x64xf32, #tpu.memory_space<hbm>> -> memref<1x64xf32, #tpu.memory_space<hbm>>
    %dma_start3A_458 = tpu.memref_squeeze %dma_start3A_457 : memref<1x64xf32, #tpu.memory_space<hbm>> -> memref<64xf32, #tpu.memory_space<hbm>>
    %dma_start3A_459 = arith.constant 16 : i32
    %dma_start3A_460 = tpu.memref_slice %arg14[%dma_start3A_452, %dma_start3A_459] : memref<32x128xf32, #tpu.memory_space<vmem>> -> memref<1x64xf32, #tpu.memory_space<vmem>>
    %dma_start3A_461 = tpu.memref_squeeze %dma_start3A_460 : memref<1x64xf32, #tpu.memory_space<vmem>> -> memref<64xf32, #tpu.memory_space<vmem>>
    %dma_start3A_462 = arith.constant 0 : i32
    %dma_start3A_463 = tpu.memref_slice %arg4[%reduce_max3A_438, %dma_start3A_462] : memref<100000x64xf32, #tpu.memory_space<hbm>> -> memref<1x64xf32, #tpu.memory_space<hbm>>
    %dma_start3A_464 = tpu.memref_squeeze %dma_start3A_463 : memref<1x64xf32, #tpu.memory_space<hbm>> -> memref<64xf32, #tpu.memory_space<hbm>>
    tpu.enqueue_dma source(%dma_start3A_464 : memref<64xf32, #tpu.memory_space<hbm>>) target(%dma_start3A_461 : memref<64xf32, #tpu.memory_space<vmem>>) target_semaphore(%arg23 : memref<!tpu.dma_semaphore, #tpu.memory_space<semaphore_mem>>)
    %eq3A_465 = arith.constant 9 : i32
    %eq3A_466 = vector.broadcast %eq3A_465 : i32 to vector<16xi32>
    %eq3A_467 = arith.cmpi eq, %iota3A, %eq3A_466 : vector<16xi32>
    %jit3A_468 = arith.constant -2147483648 : i32
    %broadcast_in_dim3A_469 = vector.broadcast %jit3A_468 : i32 to vector<16xi32>
    %select_n3A_470 = arith.select %eq3A_467, %get3A_8, %broadcast_in_dim3A_469 : vector<16xi1>, vector<16xi32>
    %reduce_max3A_471 = arith.constant true
    %reduce_max3A_472 = vector.broadcast %reduce_max3A_471 : i1 to vector<16xi1>
    %reduce_max3A_473 = arith.constant -2147483648 : i32
    %reduce_max3A_474 = vector.broadcast %reduce_max3A_473 : i32 to vector<16xi32>
    %reduce_max3A_475 = arith.xori %select_n3A_470, %reduce_max3A_474 : vector<16xi32>
    %reduce_max3A_476 = tpu.scan <max>, %reduce_max3A_475 masked %reduce_max3A_472 : vector<16xi32>, vector<16xi1> -> vector<16xi32>
    %reduce_max3A_477 = arith.xori %reduce_max3A_476, %reduce_max3A_474 : vector<16xi32>
    %reduce_max3A_478 = vector.extract %reduce_max3A_477[15] : i32 from vector<16xi32>
    %jit3A_479 = arith.constant -2147483648 : i32
    %broadcast_in_dim3A_480 = vector.broadcast %jit3A_479 : i32 to vector<16xi32>
    %select_n3A_481 = arith.select %eq3A_467, %get3A_10, %broadcast_in_dim3A_480 : vector<16xi1>, vector<16xi32>
    %reduce_max3A_482 = arith.constant true
    %reduce_max3A_483 = vector.broadcast %reduce_max3A_482 : i1 to vector<16xi1>
    %reduce_max3A_484 = arith.constant -2147483648 : i32
    %reduce_max3A_485 = vector.broadcast %reduce_max3A_484 : i32 to vector<16xi32>
    %reduce_max3A_486 = arith.xori %select_n3A_481, %reduce_max3A_485 : vector<16xi32>
    %reduce_max3A_487 = tpu.scan <max>, %reduce_max3A_486 masked %reduce_max3A_483 : vector<16xi32>, vector<16xi1> -> vector<16xi32>
    %reduce_max3A_488 = arith.xori %reduce_max3A_487, %reduce_max3A_485 : vector<16xi32>
    %reduce_max3A_489 = vector.extract %reduce_max3A_488[15] : i32 from vector<16xi32>
    %dma_start3A_490 = arith.constant 9 : i32
    %dma_start3A_491 = arith.constant 0 : i32
    %dma_start3A_492 = tpu.memref_slice %arg14[%dma_start3A_490, %dma_start3A_491] : memref<32x128xf32, #tpu.memory_space<vmem>> -> memref<1x16xf32, #tpu.memory_space<vmem>>
    %dma_start3A_493 = tpu.memref_squeeze %dma_start3A_492 : memref<1x16xf32, #tpu.memory_space<vmem>> -> memref<16xf32, #tpu.memory_space<vmem>>
    %dma_start3A_494 = arith.constant 0 : i32
    %dma_start3A_495 = tpu.memref_slice %arg3[%reduce_max3A_478, %dma_start3A_494] : memref<1000x16xf32, #tpu.memory_space<hbm>> -> memref<1x16xf32, #tpu.memory_space<hbm>>
    %dma_start3A_496 = tpu.memref_squeeze %dma_start3A_495 : memref<1x16xf32, #tpu.memory_space<hbm>> -> memref<16xf32, #tpu.memory_space<hbm>>
    %dma_start3A_497 = arith.constant 0 : i32
    %dma_start3A_498 = tpu.memref_slice %arg14[%dma_start3A_490, %dma_start3A_497] : memref<32x128xf32, #tpu.memory_space<vmem>> -> memref<1x16xf32, #tpu.memory_space<vmem>>
    %dma_start3A_499 = tpu.memref_squeeze %dma_start3A_498 : memref<1x16xf32, #tpu.memory_space<vmem>> -> memref<16xf32, #tpu.memory_space<vmem>>
    %dma_start3A_500 = arith.constant 0 : i32
    %dma_start3A_501 = tpu.memref_slice %arg3[%reduce_max3A_478, %dma_start3A_500] : memref<1000x16xf32, #tpu.memory_space<hbm>> -> memref<1x16xf32, #tpu.memory_space<hbm>>
    %dma_start3A_502 = tpu.memref_squeeze %dma_start3A_501 : memref<1x16xf32, #tpu.memory_space<hbm>> -> memref<16xf32, #tpu.memory_space<hbm>>
    tpu.enqueue_dma source(%dma_start3A_502 : memref<16xf32, #tpu.memory_space<hbm>>) target(%dma_start3A_499 : memref<16xf32, #tpu.memory_space<vmem>>) target_semaphore(%arg23 : memref<!tpu.dma_semaphore, #tpu.memory_space<semaphore_mem>>)
    %dma_start3A_503 = arith.constant 9 : i32
    %dma_start3A_504 = arith.constant 16 : i32
    %dma_start3A_505 = tpu.memref_slice %arg14[%dma_start3A_503, %dma_start3A_504] : memref<32x128xf32, #tpu.memory_space<vmem>> -> memref<1x64xf32, #tpu.memory_space<vmem>>
    %dma_start3A_506 = tpu.memref_squeeze %dma_start3A_505 : memref<1x64xf32, #tpu.memory_space<vmem>> -> memref<64xf32, #tpu.memory_space<vmem>>
    %dma_start3A_507 = arith.constant 0 : i32
    %dma_start3A_508 = tpu.memref_slice %arg4[%reduce_max3A_489, %dma_start3A_507] : memref<100000x64xf32, #tpu.memory_space<hbm>> -> memref<1x64xf32, #tpu.memory_space<hbm>>
    %dma_start3A_509 = tpu.memref_squeeze %dma_start3A_508 : memref<1x64xf32, #tpu.memory_space<hbm>> -> memref<64xf32, #tpu.memory_space<hbm>>
    %dma_start3A_510 = arith.constant 16 : i32
    %dma_start3A_511 = tpu.memref_slice %arg14[%dma_start3A_503, %dma_start3A_510] : memref<32x128xf32, #tpu.memory_space<vmem>> -> memref<1x64xf32, #tpu.memory_space<vmem>>
    %dma_start3A_512 = tpu.memref_squeeze %dma_start3A_511 : memref<1x64xf32, #tpu.memory_space<vmem>> -> memref<64xf32, #tpu.memory_space<vmem>>
    %dma_start3A_513 = arith.constant 0 : i32
    %dma_start3A_514 = tpu.memref_slice %arg4[%reduce_max3A_489, %dma_start3A_513] : memref<100000x64xf32, #tpu.memory_space<hbm>> -> memref<1x64xf32, #tpu.memory_space<hbm>>
    %dma_start3A_515 = tpu.memref_squeeze %dma_start3A_514 : memref<1x64xf32, #tpu.memory_space<hbm>> -> memref<64xf32, #tpu.memory_space<hbm>>
    tpu.enqueue_dma source(%dma_start3A_515 : memref<64xf32, #tpu.memory_space<hbm>>) target(%dma_start3A_512 : memref<64xf32, #tpu.memory_space<vmem>>) target_semaphore(%arg23 : memref<!tpu.dma_semaphore, #tpu.memory_space<semaphore_mem>>)
    %eq3A_516 = arith.constant 10 : i32
    %eq3A_517 = vector.broadcast %eq3A_516 : i32 to vector<16xi32>
    %eq3A_518 = arith.cmpi eq, %iota3A, %eq3A_517 : vector<16xi32>
    %jit3A_519 = arith.constant -2147483648 : i32
    %broadcast_in_dim3A_520 = vector.broadcast %jit3A_519 : i32 to vector<16xi32>
    %select_n3A_521 = arith.select %eq3A_518, %get3A_8, %broadcast_in_dim3A_520 : vector<16xi1>, vector<16xi32>
    %reduce_max3A_522 = arith.constant true
    %reduce_max3A_523 = vector.broadcast %reduce_max3A_522 : i1 to vector<16xi1>
    %reduce_max3A_524 = arith.constant -2147483648 : i32
    %reduce_max3A_525 = vector.broadcast %reduce_max3A_524 : i32 to vector<16xi32>
    %reduce_max3A_526 = arith.xori %select_n3A_521, %reduce_max3A_525 : vector<16xi32>
    %reduce_max3A_527 = tpu.scan <max>, %reduce_max3A_526 masked %reduce_max3A_523 : vector<16xi32>, vector<16xi1> -> vector<16xi32>
    %reduce_max3A_528 = arith.xori %reduce_max3A_527, %reduce_max3A_525 : vector<16xi32>
    %reduce_max3A_529 = vector.extract %reduce_max3A_528[15] : i32 from vector<16xi32>
    %jit3A_530 = arith.constant -2147483648 : i32
    %broadcast_in_dim3A_531 = vector.broadcast %jit3A_530 : i32 to vector<16xi32>
    %select_n3A_532 = arith.select %eq3A_518, %get3A_10, %broadcast_in_dim3A_531 : vector<16xi1>, vector<16xi32>
    %reduce_max3A_533 = arith.constant true
    %reduce_max3A_534 = vector.broadcast %reduce_max3A_533 : i1 to vector<16xi1>
    %reduce_max3A_535 = arith.constant -2147483648 : i32
    %reduce_max3A_536 = vector.broadcast %reduce_max3A_535 : i32 to vector<16xi32>
    %reduce_max3A_537 = arith.xori %select_n3A_532, %reduce_max3A_536 : vector<16xi32>
    %reduce_max3A_538 = tpu.scan <max>, %reduce_max3A_537 masked %reduce_max3A_534 : vector<16xi32>, vector<16xi1> -> vector<16xi32>
    %reduce_max3A_539 = arith.xori %reduce_max3A_538, %reduce_max3A_536 : vector<16xi32>
    %reduce_max3A_540 = vector.extract %reduce_max3A_539[15] : i32 from vector<16xi32>
    %dma_start3A_541 = arith.constant 10 : i32
    %dma_start3A_542 = arith.constant 0 : i32
    %dma_start3A_543 = tpu.memref_slice %arg14[%dma_start3A_541, %dma_start3A_542] : memref<32x128xf32, #tpu.memory_space<vmem>> -> memref<1x16xf32, #tpu.memory_space<vmem>>
    %dma_start3A_544 = tpu.memref_squeeze %dma_start3A_543 : memref<1x16xf32, #tpu.memory_space<vmem>> -> memref<16xf32, #tpu.memory_space<vmem>>
    %dma_start3A_545 = arith.constant 0 : i32
    %dma_start3A_546 = tpu.memref_slice %arg3[%reduce_max3A_529, %dma_start3A_545] : memref<1000x16xf32, #tpu.memory_space<hbm>> -> memref<1x16xf32, #tpu.memory_space<hbm>>
    %dma_start3A_547 = tpu.memref_squeeze %dma_start3A_546 : memref<1x16xf32, #tpu.memory_space<hbm>> -> memref<16xf32, #tpu.memory_space<hbm>>
    %dma_start3A_548 = arith.constant 0 : i32
    %dma_start3A_549 = tpu.memref_slice %arg14[%dma_start3A_541, %dma_start3A_548] : memref<32x128xf32, #tpu.memory_space<vmem>> -> memref<1x16xf32, #tpu.memory_space<vmem>>
    %dma_start3A_550 = tpu.memref_squeeze %dma_start3A_549 : memref<1x16xf32, #tpu.memory_space<vmem>> -> memref<16xf32, #tpu.memory_space<vmem>>
    %dma_start3A_551 = arith.constant 0 : i32
    %dma_start3A_552 = tpu.memref_slice %arg3[%reduce_max3A_529, %dma_start3A_551] : memref<1000x16xf32, #tpu.memory_space<hbm>> -> memref<1x16xf32, #tpu.memory_space<hbm>>
    %dma_start3A_553 = tpu.memref_squeeze %dma_start3A_552 : memref<1x16xf32, #tpu.memory_space<hbm>> -> memref<16xf32, #tpu.memory_space<hbm>>
    tpu.enqueue_dma source(%dma_start3A_553 : memref<16xf32, #tpu.memory_space<hbm>>) target(%dma_start3A_550 : memref<16xf32, #tpu.memory_space<vmem>>) target_semaphore(%arg23 : memref<!tpu.dma_semaphore, #tpu.memory_space<semaphore_mem>>)
    %dma_start3A_554 = arith.constant 10 : i32
    %dma_start3A_555 = arith.constant 16 : i32
    %dma_start3A_556 = tpu.memref_slice %arg14[%dma_start3A_554, %dma_start3A_555] : memref<32x128xf32, #tpu.memory_space<vmem>> -> memref<1x64xf32, #tpu.memory_space<vmem>>
    %dma_start3A_557 = tpu.memref_squeeze %dma_start3A_556 : memref<1x64xf32, #tpu.memory_space<vmem>> -> memref<64xf32, #tpu.memory_space<vmem>>
    %dma_start3A_558 = arith.constant 0 : i32
    %dma_start3A_559 = tpu.memref_slice %arg4[%reduce_max3A_540, %dma_start3A_558] : memref<100000x64xf32, #tpu.memory_space<hbm>> -> memref<1x64xf32, #tpu.memory_space<hbm>>
    %dma_start3A_560 = tpu.memref_squeeze %dma_start3A_559 : memref<1x64xf32, #tpu.memory_space<hbm>> -> memref<64xf32, #tpu.memory_space<hbm>>
    %dma_start3A_561 = arith.constant 16 : i32
    %dma_start3A_562 = tpu.memref_slice %arg14[%dma_start3A_554, %dma_start3A_561] : memref<32x128xf32, #tpu.memory_space<vmem>> -> memref<1x64xf32, #tpu.memory_space<vmem>>
    %dma_start3A_563 = tpu.memref_squeeze %dma_start3A_562 : memref<1x64xf32, #tpu.memory_space<vmem>> -> memref<64xf32, #tpu.memory_space<vmem>>
    %dma_start3A_564 = arith.constant 0 : i32
    %dma_start3A_565 = tpu.memref_slice %arg4[%reduce_max3A_540, %dma_start3A_564] : memref<100000x64xf32, #tpu.memory_space<hbm>> -> memref<1x64xf32, #tpu.memory_space<hbm>>
    %dma_start3A_566 = tpu.memref_squeeze %dma_start3A_565 : memref<1x64xf32, #tpu.memory_space<hbm>> -> memref<64xf32, #tpu.memory_space<hbm>>
    tpu.enqueue_dma source(%dma_start3A_566 : memref<64xf32, #tpu.memory_space<hbm>>) target(%dma_start3A_563 : memref<64xf32, #tpu.memory_space<vmem>>) target_semaphore(%arg23 : memref<!tpu.dma_semaphore, #tpu.memory_space<semaphore_mem>>)
    %eq3A_567 = arith.constant 11 : i32
    %eq3A_568 = vector.broadcast %eq3A_567 : i32 to vector<16xi32>
    %eq3A_569 = arith.cmpi eq, %iota3A, %eq3A_568 : vector<16xi32>
    %jit3A_570 = arith.constant -2147483648 : i32
    %broadcast_in_dim3A_571 = vector.broadcast %jit3A_570 : i32 to vector<16xi32>
    %select_n3A_572 = arith.select %eq3A_569, %get3A_8, %broadcast_in_dim3A_571 : vector<16xi1>, vector<16xi32>
    %reduce_max3A_573 = arith.constant true
    %reduce_max3A_574 = vector.broadcast %reduce_max3A_573 : i1 to vector<16xi1>
    %reduce_max3A_575 = arith.constant -2147483648 : i32
    %reduce_max3A_576 = vector.broadcast %reduce_max3A_575 : i32 to vector<16xi32>
    %reduce_max3A_577 = arith.xori %select_n3A_572, %reduce_max3A_576 : vector<16xi32>
    %reduce_max3A_578 = tpu.scan <max>, %reduce_max3A_577 masked %reduce_max3A_574 : vector<16xi32>, vector<16xi1> -> vector<16xi32>
    %reduce_max3A_579 = arith.xori %reduce_max3A_578, %reduce_max3A_576 : vector<16xi32>
    %reduce_max3A_580 = vector.extract %reduce_max3A_579[15] : i32 from vector<16xi32>
    %jit3A_581 = arith.constant -2147483648 : i32
    %broadcast_in_dim3A_582 = vector.broadcast %jit3A_581 : i32 to vector<16xi32>
    %select_n3A_583 = arith.select %eq3A_569, %get3A_10, %broadcast_in_dim3A_582 : vector<16xi1>, vector<16xi32>
    %reduce_max3A_584 = arith.constant true
    %reduce_max3A_585 = vector.broadcast %reduce_max3A_584 : i1 to vector<16xi1>
    %reduce_max3A_586 = arith.constant -2147483648 : i32
    %reduce_max3A_587 = vector.broadcast %reduce_max3A_586 : i32 to vector<16xi32>
    %reduce_max3A_588 = arith.xori %select_n3A_583, %reduce_max3A_587 : vector<16xi32>
    %reduce_max3A_589 = tpu.scan <max>, %reduce_max3A_588 masked %reduce_max3A_585 : vector<16xi32>, vector<16xi1> -> vector<16xi32>
    %reduce_max3A_590 = arith.xori %reduce_max3A_589, %reduce_max3A_587 : vector<16xi32>
    %reduce_max3A_591 = vector.extract %reduce_max3A_590[15] : i32 from vector<16xi32>
    %dma_start3A_592 = arith.constant 11 : i32
    %dma_start3A_593 = arith.constant 0 : i32
    %dma_start3A_594 = tpu.memref_slice %arg14[%dma_start3A_592, %dma_start3A_593] : memref<32x128xf32, #tpu.memory_space<vmem>> -> memref<1x16xf32, #tpu.memory_space<vmem>>
    %dma_start3A_595 = tpu.memref_squeeze %dma_start3A_594 : memref<1x16xf32, #tpu.memory_space<vmem>> -> memref<16xf32, #tpu.memory_space<vmem>>
    %dma_start3A_596 = arith.constant 0 : i32
    %dma_start3A_597 = tpu.memref_slice %arg3[%reduce_max3A_580, %dma_start3A_596] : memref<1000x16xf32, #tpu.memory_space<hbm>> -> memref<1x16xf32, #tpu.memory_space<hbm>>
    %dma_start3A_598 = tpu.memref_squeeze %dma_start3A_597 : memref<1x16xf32, #tpu.memory_space<hbm>> -> memref<16xf32, #tpu.memory_space<hbm>>
    %dma_start3A_599 = arith.constant 0 : i32
    %dma_start3A_600 = tpu.memref_slice %arg14[%dma_start3A_592, %dma_start3A_599] : memref<32x128xf32, #tpu.memory_space<vmem>> -> memref<1x16xf32, #tpu.memory_space<vmem>>
    %dma_start3A_601 = tpu.memref_squeeze %dma_start3A_600 : memref<1x16xf32, #tpu.memory_space<vmem>> -> memref<16xf32, #tpu.memory_space<vmem>>
    %dma_start3A_602 = arith.constant 0 : i32
    %dma_start3A_603 = tpu.memref_slice %arg3[%reduce_max3A_580, %dma_start3A_602] : memref<1000x16xf32, #tpu.memory_space<hbm>> -> memref<1x16xf32, #tpu.memory_space<hbm>>
    %dma_start3A_604 = tpu.memref_squeeze %dma_start3A_603 : memref<1x16xf32, #tpu.memory_space<hbm>> -> memref<16xf32, #tpu.memory_space<hbm>>
    tpu.enqueue_dma source(%dma_start3A_604 : memref<16xf32, #tpu.memory_space<hbm>>) target(%dma_start3A_601 : memref<16xf32, #tpu.memory_space<vmem>>) target_semaphore(%arg23 : memref<!tpu.dma_semaphore, #tpu.memory_space<semaphore_mem>>)
    %dma_start3A_605 = arith.constant 11 : i32
    %dma_start3A_606 = arith.constant 16 : i32
    %dma_start3A_607 = tpu.memref_slice %arg14[%dma_start3A_605, %dma_start3A_606] : memref<32x128xf32, #tpu.memory_space<vmem>> -> memref<1x64xf32, #tpu.memory_space<vmem>>
    %dma_start3A_608 = tpu.memref_squeeze %dma_start3A_607 : memref<1x64xf32, #tpu.memory_space<vmem>> -> memref<64xf32, #tpu.memory_space<vmem>>
    %dma_start3A_609 = arith.constant 0 : i32
    %dma_start3A_610 = tpu.memref_slice %arg4[%reduce_max3A_591, %dma_start3A_609] : memref<100000x64xf32, #tpu.memory_space<hbm>> -> memref<1x64xf32, #tpu.memory_space<hbm>>
    %dma_start3A_611 = tpu.memref_squeeze %dma_start3A_610 : memref<1x64xf32, #tpu.memory_space<hbm>> -> memref<64xf32, #tpu.memory_space<hbm>>
    %dma_start3A_612 = arith.constant 16 : i32
    %dma_start3A_613 = tpu.memref_slice %arg14[%dma_start3A_605, %dma_start3A_612] : memref<32x128xf32, #tpu.memory_space<vmem>> -> memref<1x64xf32, #tpu.memory_space<vmem>>
    %dma_start3A_614 = tpu.memref_squeeze %dma_start3A_613 : memref<1x64xf32, #tpu.memory_space<vmem>> -> memref<64xf32, #tpu.memory_space<vmem>>
    %dma_start3A_615 = arith.constant 0 : i32
    %dma_start3A_616 = tpu.memref_slice %arg4[%reduce_max3A_591, %dma_start3A_615] : memref<100000x64xf32, #tpu.memory_space<hbm>> -> memref<1x64xf32, #tpu.memory_space<hbm>>
    %dma_start3A_617 = tpu.memref_squeeze %dma_start3A_616 : memref<1x64xf32, #tpu.memory_space<hbm>> -> memref<64xf32, #tpu.memory_space<hbm>>
    tpu.enqueue_dma source(%dma_start3A_617 : memref<64xf32, #tpu.memory_space<hbm>>) target(%dma_start3A_614 : memref<64xf32, #tpu.memory_space<vmem>>) target_semaphore(%arg23 : memref<!tpu.dma_semaphore, #tpu.memory_space<semaphore_mem>>)
    %eq3A_618 = arith.constant 12 : i32
    %eq3A_619 = vector.broadcast %eq3A_618 : i32 to vector<16xi32>
    %eq3A_620 = arith.cmpi eq, %iota3A, %eq3A_619 : vector<16xi32>
    %jit3A_621 = arith.constant -2147483648 : i32
    %broadcast_in_dim3A_622 = vector.broadcast %jit3A_621 : i32 to vector<16xi32>
    %select_n3A_623 = arith.select %eq3A_620, %get3A_8, %broadcast_in_dim3A_622 : vector<16xi1>, vector<16xi32>
    %reduce_max3A_624 = arith.constant true
    %reduce_max3A_625 = vector.broadcast %reduce_max3A_624 : i1 to vector<16xi1>
    %reduce_max3A_626 = arith.constant -2147483648 : i32
    %reduce_max3A_627 = vector.broadcast %reduce_max3A_626 : i32 to vector<16xi32>
    %reduce_max3A_628 = arith.xori %select_n3A_623, %reduce_max3A_627 : vector<16xi32>
    %reduce_max3A_629 = tpu.scan <max>, %reduce_max3A_628 masked %reduce_max3A_625 : vector<16xi32>, vector<16xi1> -> vector<16xi32>
    %reduce_max3A_630 = arith.xori %reduce_max3A_629, %reduce_max3A_627 : vector<16xi32>
    %reduce_max3A_631 = vector.extract %reduce_max3A_630[15] : i32 from vector<16xi32>
    %jit3A_632 = arith.constant -2147483648 : i32
    %broadcast_in_dim3A_633 = vector.broadcast %jit3A_632 : i32 to vector<16xi32>
    %select_n3A_634 = arith.select %eq3A_620, %get3A_10, %broadcast_in_dim3A_633 : vector<16xi1>, vector<16xi32>
    %reduce_max3A_635 = arith.constant true
    %reduce_max3A_636 = vector.broadcast %reduce_max3A_635 : i1 to vector<16xi1>
    %reduce_max3A_637 = arith.constant -2147483648 : i32
    %reduce_max3A_638 = vector.broadcast %reduce_max3A_637 : i32 to vector<16xi32>
    %reduce_max3A_639 = arith.xori %select_n3A_634, %reduce_max3A_638 : vector<16xi32>
    %reduce_max3A_640 = tpu.scan <max>, %reduce_max3A_639 masked %reduce_max3A_636 : vector<16xi32>, vector<16xi1> -> vector<16xi32>
    %reduce_max3A_641 = arith.xori %reduce_max3A_640, %reduce_max3A_638 : vector<16xi32>
    %reduce_max3A_642 = vector.extract %reduce_max3A_641[15] : i32 from vector<16xi32>
    %dma_start3A_643 = arith.constant 12 : i32
    %dma_start3A_644 = arith.constant 0 : i32
    %dma_start3A_645 = tpu.memref_slice %arg14[%dma_start3A_643, %dma_start3A_644] : memref<32x128xf32, #tpu.memory_space<vmem>> -> memref<1x16xf32, #tpu.memory_space<vmem>>
    %dma_start3A_646 = tpu.memref_squeeze %dma_start3A_645 : memref<1x16xf32, #tpu.memory_space<vmem>> -> memref<16xf32, #tpu.memory_space<vmem>>
    %dma_start3A_647 = arith.constant 0 : i32
    %dma_start3A_648 = tpu.memref_slice %arg3[%reduce_max3A_631, %dma_start3A_647] : memref<1000x16xf32, #tpu.memory_space<hbm>> -> memref<1x16xf32, #tpu.memory_space<hbm>>
    %dma_start3A_649 = tpu.memref_squeeze %dma_start3A_648 : memref<1x16xf32, #tpu.memory_space<hbm>> -> memref<16xf32, #tpu.memory_space<hbm>>
    %dma_start3A_650 = arith.constant 0 : i32
    %dma_start3A_651 = tpu.memref_slice %arg14[%dma_start3A_643, %dma_start3A_650] : memref<32x128xf32, #tpu.memory_space<vmem>> -> memref<1x16xf32, #tpu.memory_space<vmem>>
    %dma_start3A_652 = tpu.memref_squeeze %dma_start3A_651 : memref<1x16xf32, #tpu.memory_space<vmem>> -> memref<16xf32, #tpu.memory_space<vmem>>
    %dma_start3A_653 = arith.constant 0 : i32
    %dma_start3A_654 = tpu.memref_slice %arg3[%reduce_max3A_631, %dma_start3A_653] : memref<1000x16xf32, #tpu.memory_space<hbm>> -> memref<1x16xf32, #tpu.memory_space<hbm>>
    %dma_start3A_655 = tpu.memref_squeeze %dma_start3A_654 : memref<1x16xf32, #tpu.memory_space<hbm>> -> memref<16xf32, #tpu.memory_space<hbm>>
    tpu.enqueue_dma source(%dma_start3A_655 : memref<16xf32, #tpu.memory_space<hbm>>) target(%dma_start3A_652 : memref<16xf32, #tpu.memory_space<vmem>>) target_semaphore(%arg23 : memref<!tpu.dma_semaphore, #tpu.memory_space<semaphore_mem>>)
    %dma_start3A_656 = arith.constant 12 : i32
    %dma_start3A_657 = arith.constant 16 : i32
    %dma_start3A_658 = tpu.memref_slice %arg14[%dma_start3A_656, %dma_start3A_657] : memref<32x128xf32, #tpu.memory_space<vmem>> -> memref<1x64xf32, #tpu.memory_space<vmem>>
    %dma_start3A_659 = tpu.memref_squeeze %dma_start3A_658 : memref<1x64xf32, #tpu.memory_space<vmem>> -> memref<64xf32, #tpu.memory_space<vmem>>
    %dma_start3A_660 = arith.constant 0 : i32
    %dma_start3A_661 = tpu.memref_slice %arg4[%reduce_max3A_642, %dma_start3A_660] : memref<100000x64xf32, #tpu.memory_space<hbm>> -> memref<1x64xf32, #tpu.memory_space<hbm>>
    %dma_start3A_662 = tpu.memref_squeeze %dma_start3A_661 : memref<1x64xf32, #tpu.memory_space<hbm>> -> memref<64xf32, #tpu.memory_space<hbm>>
    %dma_start3A_663 = arith.constant 16 : i32
    %dma_start3A_664 = tpu.memref_slice %arg14[%dma_start3A_656, %dma_start3A_663] : memref<32x128xf32, #tpu.memory_space<vmem>> -> memref<1x64xf32, #tpu.memory_space<vmem>>
    %dma_start3A_665 = tpu.memref_squeeze %dma_start3A_664 : memref<1x64xf32, #tpu.memory_space<vmem>> -> memref<64xf32, #tpu.memory_space<vmem>>
    %dma_start3A_666 = arith.constant 0 : i32
    %dma_start3A_667 = tpu.memref_slice %arg4[%reduce_max3A_642, %dma_start3A_666] : memref<100000x64xf32, #tpu.memory_space<hbm>> -> memref<1x64xf32, #tpu.memory_space<hbm>>
    %dma_start3A_668 = tpu.memref_squeeze %dma_start3A_667 : memref<1x64xf32, #tpu.memory_space<hbm>> -> memref<64xf32, #tpu.memory_space<hbm>>
    tpu.enqueue_dma source(%dma_start3A_668 : memref<64xf32, #tpu.memory_space<hbm>>) target(%dma_start3A_665 : memref<64xf32, #tpu.memory_space<vmem>>) target_semaphore(%arg23 : memref<!tpu.dma_semaphore, #tpu.memory_space<semaphore_mem>>)
    %eq3A_669 = arith.constant 13 : i32
    %eq3A_670 = vector.broadcast %eq3A_669 : i32 to vector<16xi32>
    %eq3A_671 = arith.cmpi eq, %iota3A, %eq3A_670 : vector<16xi32>
    %jit3A_672 = arith.constant -2147483648 : i32
    %broadcast_in_dim3A_673 = vector.broadcast %jit3A_672 : i32 to vector<16xi32>
    %select_n3A_674 = arith.select %eq3A_671, %get3A_8, %broadcast_in_dim3A_673 : vector<16xi1>, vector<16xi32>
    %reduce_max3A_675 = arith.constant true
    %reduce_max3A_676 = vector.broadcast %reduce_max3A_675 : i1 to vector<16xi1>
    %reduce_max3A_677 = arith.constant -2147483648 : i32
    %reduce_max3A_678 = vector.broadcast %reduce_max3A_677 : i32 to vector<16xi32>
    %reduce_max3A_679 = arith.xori %select_n3A_674, %reduce_max3A_678 : vector<16xi32>
    %reduce_max3A_680 = tpu.scan <max>, %reduce_max3A_679 masked %reduce_max3A_676 : vector<16xi32>, vector<16xi1> -> vector<16xi32>
    %reduce_max3A_681 = arith.xori %reduce_max3A_680, %reduce_max3A_678 : vector<16xi32>
    %reduce_max3A_682 = vector.extract %reduce_max3A_681[15] : i32 from vector<16xi32>
    %jit3A_683 = arith.constant -2147483648 : i32
    %broadcast_in_dim3A_684 = vector.broadcast %jit3A_683 : i32 to vector<16xi32>
    %select_n3A_685 = arith.select %eq3A_671, %get3A_10, %broadcast_in_dim3A_684 : vector<16xi1>, vector<16xi32>
    %reduce_max3A_686 = arith.constant true
    %reduce_max3A_687 = vector.broadcast %reduce_max3A_686 : i1 to vector<16xi1>
    %reduce_max3A_688 = arith.constant -2147483648 : i32
    %reduce_max3A_689 = vector.broadcast %reduce_max3A_688 : i32 to vector<16xi32>
    %reduce_max3A_690 = arith.xori %select_n3A_685, %reduce_max3A_689 : vector<16xi32>
    %reduce_max3A_691 = tpu.scan <max>, %reduce_max3A_690 masked %reduce_max3A_687 : vector<16xi32>, vector<16xi1> -> vector<16xi32>
    %reduce_max3A_692 = arith.xori %reduce_max3A_691, %reduce_max3A_689 : vector<16xi32>
    %reduce_max3A_693 = vector.extract %reduce_max3A_692[15] : i32 from vector<16xi32>
    %dma_start3A_694 = arith.constant 13 : i32
    %dma_start3A_695 = arith.constant 0 : i32
    %dma_start3A_696 = tpu.memref_slice %arg14[%dma_start3A_694, %dma_start3A_695] : memref<32x128xf32, #tpu.memory_space<vmem>> -> memref<1x16xf32, #tpu.memory_space<vmem>>
    %dma_start3A_697 = tpu.memref_squeeze %dma_start3A_696 : memref<1x16xf32, #tpu.memory_space<vmem>> -> memref<16xf32, #tpu.memory_space<vmem>>
    %dma_start3A_698 = arith.constant 0 : i32
    %dma_start3A_699 = tpu.memref_slice %arg3[%reduce_max3A_682, %dma_start3A_698] : memref<1000x16xf32, #tpu.memory_space<hbm>> -> memref<1x16xf32, #tpu.memory_space<hbm>>
    %dma_start3A_700 = tpu.memref_squeeze %dma_start3A_699 : memref<1x16xf32, #tpu.memory_space<hbm>> -> memref<16xf32, #tpu.memory_space<hbm>>
    %dma_start3A_701 = arith.constant 0 : i32
    %dma_start3A_702 = tpu.memref_slice %arg14[%dma_start3A_694, %dma_start3A_701] : memref<32x128xf32, #tpu.memory_space<vmem>> -> memref<1x16xf32, #tpu.memory_space<vmem>>
    %dma_start3A_703 = tpu.memref_squeeze %dma_start3A_702 : memref<1x16xf32, #tpu.memory_space<vmem>> -> memref<16xf32, #tpu.memory_space<vmem>>
    %dma_start3A_704 = arith.constant 0 : i32
    %dma_start3A_705 = tpu.memref_slice %arg3[%reduce_max3A_682, %dma_start3A_704] : memref<1000x16xf32, #tpu.memory_space<hbm>> -> memref<1x16xf32, #tpu.memory_space<hbm>>
    %dma_start3A_706 = tpu.memref_squeeze %dma_start3A_705 : memref<1x16xf32, #tpu.memory_space<hbm>> -> memref<16xf32, #tpu.memory_space<hbm>>
    tpu.enqueue_dma source(%dma_start3A_706 : memref<16xf32, #tpu.memory_space<hbm>>) target(%dma_start3A_703 : memref<16xf32, #tpu.memory_space<vmem>>) target_semaphore(%arg23 : memref<!tpu.dma_semaphore, #tpu.memory_space<semaphore_mem>>)
    %dma_start3A_707 = arith.constant 13 : i32
    %dma_start3A_708 = arith.constant 16 : i32
    %dma_start3A_709 = tpu.memref_slice %arg14[%dma_start3A_707, %dma_start3A_708] : memref<32x128xf32, #tpu.memory_space<vmem>> -> memref<1x64xf32, #tpu.memory_space<vmem>>
    %dma_start3A_710 = tpu.memref_squeeze %dma_start3A_709 : memref<1x64xf32, #tpu.memory_space<vmem>> -> memref<64xf32, #tpu.memory_space<vmem>>
    %dma_start3A_711 = arith.constant 0 : i32
    %dma_start3A_712 = tpu.memref_slice %arg4[%reduce_max3A_693, %dma_start3A_711] : memref<100000x64xf32, #tpu.memory_space<hbm>> -> memref<1x64xf32, #tpu.memory_space<hbm>>
    %dma_start3A_713 = tpu.memref_squeeze %dma_start3A_712 : memref<1x64xf32, #tpu.memory_space<hbm>> -> memref<64xf32, #tpu.memory_space<hbm>>
    %dma_start3A_714 = arith.constant 16 : i32
    %dma_start3A_715 = tpu.memref_slice %arg14[%dma_start3A_707, %dma_start3A_714] : memref<32x128xf32, #tpu.memory_space<vmem>> -> memref<1x64xf32, #tpu.memory_space<vmem>>
    %dma_start3A_716 = tpu.memref_squeeze %dma_start3A_715 : memref<1x64xf32, #tpu.memory_space<vmem>> -> memref<64xf32, #tpu.memory_space<vmem>>
    %dma_start3A_717 = arith.constant 0 : i32
    %dma_start3A_718 = tpu.memref_slice %arg4[%reduce_max3A_693, %dma_start3A_717] : memref<100000x64xf32, #tpu.memory_space<hbm>> -> memref<1x64xf32, #tpu.memory_space<hbm>>
    %dma_start3A_719 = tpu.memref_squeeze %dma_start3A_718 : memref<1x64xf32, #tpu.memory_space<hbm>> -> memref<64xf32, #tpu.memory_space<hbm>>
    tpu.enqueue_dma source(%dma_start3A_719 : memref<64xf32, #tpu.memory_space<hbm>>) target(%dma_start3A_716 : memref<64xf32, #tpu.memory_space<vmem>>) target_semaphore(%arg23 : memref<!tpu.dma_semaphore, #tpu.memory_space<semaphore_mem>>)
    %eq3A_720 = arith.constant 14 : i32
    %eq3A_721 = vector.broadcast %eq3A_720 : i32 to vector<16xi32>
    %eq3A_722 = arith.cmpi eq, %iota3A, %eq3A_721 : vector<16xi32>
    %jit3A_723 = arith.constant -2147483648 : i32
    %broadcast_in_dim3A_724 = vector.broadcast %jit3A_723 : i32 to vector<16xi32>
    %select_n3A_725 = arith.select %eq3A_722, %get3A_8, %broadcast_in_dim3A_724 : vector<16xi1>, vector<16xi32>
    %reduce_max3A_726 = arith.constant true
    %reduce_max3A_727 = vector.broadcast %reduce_max3A_726 : i1 to vector<16xi1>
    %reduce_max3A_728 = arith.constant -2147483648 : i32
    %reduce_max3A_729 = vector.broadcast %reduce_max3A_728 : i32 to vector<16xi32>
    %reduce_max3A_730 = arith.xori %select_n3A_725, %reduce_max3A_729 : vector<16xi32>
    %reduce_max3A_731 = tpu.scan <max>, %reduce_max3A_730 masked %reduce_max3A_727 : vector<16xi32>, vector<16xi1> -> vector<16xi32>
    %reduce_max3A_732 = arith.xori %reduce_max3A_731, %reduce_max3A_729 : vector<16xi32>
    %reduce_max3A_733 = vector.extract %reduce_max3A_732[15] : i32 from vector<16xi32>
    %jit3A_734 = arith.constant -2147483648 : i32
    %broadcast_in_dim3A_735 = vector.broadcast %jit3A_734 : i32 to vector<16xi32>
    %select_n3A_736 = arith.select %eq3A_722, %get3A_10, %broadcast_in_dim3A_735 : vector<16xi1>, vector<16xi32>
    %reduce_max3A_737 = arith.constant true
    %reduce_max3A_738 = vector.broadcast %reduce_max3A_737 : i1 to vector<16xi1>
    %reduce_max3A_739 = arith.constant -2147483648 : i32
    %reduce_max3A_740 = vector.broadcast %reduce_max3A_739 : i32 to vector<16xi32>
    %reduce_max3A_741 = arith.xori %select_n3A_736, %reduce_max3A_740 : vector<16xi32>
    %reduce_max3A_742 = tpu.scan <max>, %reduce_max3A_741 masked %reduce_max3A_738 : vector<16xi32>, vector<16xi1> -> vector<16xi32>
    %reduce_max3A_743 = arith.xori %reduce_max3A_742, %reduce_max3A_740 : vector<16xi32>
    %reduce_max3A_744 = vector.extract %reduce_max3A_743[15] : i32 from vector<16xi32>
    %dma_start3A_745 = arith.constant 14 : i32
    %dma_start3A_746 = arith.constant 0 : i32
    %dma_start3A_747 = tpu.memref_slice %arg14[%dma_start3A_745, %dma_start3A_746] : memref<32x128xf32, #tpu.memory_space<vmem>> -> memref<1x16xf32, #tpu.memory_space<vmem>>
    %dma_start3A_748 = tpu.memref_squeeze %dma_start3A_747 : memref<1x16xf32, #tpu.memory_space<vmem>> -> memref<16xf32, #tpu.memory_space<vmem>>
    %dma_start3A_749 = arith.constant 0 : i32
    %dma_start3A_750 = tpu.memref_slice %arg3[%reduce_max3A_733, %dma_start3A_749] : memref<1000x16xf32, #tpu.memory_space<hbm>> -> memref<1x16xf32, #tpu.memory_space<hbm>>
    %dma_start3A_751 = tpu.memref_squeeze %dma_start3A_750 : memref<1x16xf32, #tpu.memory_space<hbm>> -> memref<16xf32, #tpu.memory_space<hbm>>
    %dma_start3A_752 = arith.constant 0 : i32
    %dma_start3A_753 = tpu.memref_slice %arg14[%dma_start3A_745, %dma_start3A_752] : memref<32x128xf32, #tpu.memory_space<vmem>> -> memref<1x16xf32, #tpu.memory_space<vmem>>
    %dma_start3A_754 = tpu.memref_squeeze %dma_start3A_753 : memref<1x16xf32, #tpu.memory_space<vmem>> -> memref<16xf32, #tpu.memory_space<vmem>>
    %dma_start3A_755 = arith.constant 0 : i32
    %dma_start3A_756 = tpu.memref_slice %arg3[%reduce_max3A_733, %dma_start3A_755] : memref<1000x16xf32, #tpu.memory_space<hbm>> -> memref<1x16xf32, #tpu.memory_space<hbm>>
    %dma_start3A_757 = tpu.memref_squeeze %dma_start3A_756 : memref<1x16xf32, #tpu.memory_space<hbm>> -> memref<16xf32, #tpu.memory_space<hbm>>
    tpu.enqueue_dma source(%dma_start3A_757 : memref<16xf32, #tpu.memory_space<hbm>>) target(%dma_start3A_754 : memref<16xf32, #tpu.memory_space<vmem>>) target_semaphore(%arg23 : memref<!tpu.dma_semaphore, #tpu.memory_space<semaphore_mem>>)
    %dma_start3A_758 = arith.constant 14 : i32
    %dma_start3A_759 = arith.constant 16 : i32
    %dma_start3A_760 = tpu.memref_slice %arg14[%dma_start3A_758, %dma_start3A_759] : memref<32x128xf32, #tpu.memory_space<vmem>> -> memref<1x64xf32, #tpu.memory_space<vmem>>
    %dma_start3A_761 = tpu.memref_squeeze %dma_start3A_760 : memref<1x64xf32, #tpu.memory_space<vmem>> -> memref<64xf32, #tpu.memory_space<vmem>>
    %dma_start3A_762 = arith.constant 0 : i32
    %dma_start3A_763 = tpu.memref_slice %arg4[%reduce_max3A_744, %dma_start3A_762] : memref<100000x64xf32, #tpu.memory_space<hbm>> -> memref<1x64xf32, #tpu.memory_space<hbm>>
    %dma_start3A_764 = tpu.memref_squeeze %dma_start3A_763 : memref<1x64xf32, #tpu.memory_space<hbm>> -> memref<64xf32, #tpu.memory_space<hbm>>
    %dma_start3A_765 = arith.constant 16 : i32
    %dma_start3A_766 = tpu.memref_slice %arg14[%dma_start3A_758, %dma_start3A_765] : memref<32x128xf32, #tpu.memory_space<vmem>> -> memref<1x64xf32, #tpu.memory_space<vmem>>
    %dma_start3A_767 = tpu.memref_squeeze %dma_start3A_766 : memref<1x64xf32, #tpu.memory_space<vmem>> -> memref<64xf32, #tpu.memory_space<vmem>>
    %dma_start3A_768 = arith.constant 0 : i32
    %dma_start3A_769 = tpu.memref_slice %arg4[%reduce_max3A_744, %dma_start3A_768] : memref<100000x64xf32, #tpu.memory_space<hbm>> -> memref<1x64xf32, #tpu.memory_space<hbm>>
    %dma_start3A_770 = tpu.memref_squeeze %dma_start3A_769 : memref<1x64xf32, #tpu.memory_space<hbm>> -> memref<64xf32, #tpu.memory_space<hbm>>
    tpu.enqueue_dma source(%dma_start3A_770 : memref<64xf32, #tpu.memory_space<hbm>>) target(%dma_start3A_767 : memref<64xf32, #tpu.memory_space<vmem>>) target_semaphore(%arg23 : memref<!tpu.dma_semaphore, #tpu.memory_space<semaphore_mem>>)
    %eq3A_771 = arith.constant 15 : i32
    %eq3A_772 = vector.broadcast %eq3A_771 : i32 to vector<16xi32>
    %eq3A_773 = arith.cmpi eq, %iota3A, %eq3A_772 : vector<16xi32>
    %jit3A_774 = arith.constant -2147483648 : i32
    %broadcast_in_dim3A_775 = vector.broadcast %jit3A_774 : i32 to vector<16xi32>
    %select_n3A_776 = arith.select %eq3A_773, %get3A_8, %broadcast_in_dim3A_775 : vector<16xi1>, vector<16xi32>
    %reduce_max3A_777 = arith.constant true
    %reduce_max3A_778 = vector.broadcast %reduce_max3A_777 : i1 to vector<16xi1>
    %reduce_max3A_779 = arith.constant -2147483648 : i32
    %reduce_max3A_780 = vector.broadcast %reduce_max3A_779 : i32 to vector<16xi32>
    %reduce_max3A_781 = arith.xori %select_n3A_776, %reduce_max3A_780 : vector<16xi32>
    %reduce_max3A_782 = tpu.scan <max>, %reduce_max3A_781 masked %reduce_max3A_778 : vector<16xi32>, vector<16xi1> -> vector<16xi32>
    %reduce_max3A_783 = arith.xori %reduce_max3A_782, %reduce_max3A_780 : vector<16xi32>
    %reduce_max3A_784 = vector.extract %reduce_max3A_783[15] : i32 from vector<16xi32>
    %jit3A_785 = arith.constant -2147483648 : i32
    %broadcast_in_dim3A_786 = vector.broadcast %jit3A_785 : i32 to vector<16xi32>
    %select_n3A_787 = arith.select %eq3A_773, %get3A_10, %broadcast_in_dim3A_786 : vector<16xi1>, vector<16xi32>
    %reduce_max3A_788 = arith.constant true
    %reduce_max3A_789 = vector.broadcast %reduce_max3A_788 : i1 to vector<16xi1>
    %reduce_max3A_790 = arith.constant -2147483648 : i32
    %reduce_max3A_791 = vector.broadcast %reduce_max3A_790 : i32 to vector<16xi32>
    %reduce_max3A_792 = arith.xori %select_n3A_787, %reduce_max3A_791 : vector<16xi32>
    %reduce_max3A_793 = tpu.scan <max>, %reduce_max3A_792 masked %reduce_max3A_789 : vector<16xi32>, vector<16xi1> -> vector<16xi32>
    %reduce_max3A_794 = arith.xori %reduce_max3A_793, %reduce_max3A_791 : vector<16xi32>
    %reduce_max3A_795 = vector.extract %reduce_max3A_794[15] : i32 from vector<16xi32>
    %dma_start3A_796 = arith.constant 15 : i32
    %dma_start3A_797 = arith.constant 0 : i32
    %dma_start3A_798 = tpu.memref_slice %arg14[%dma_start3A_796, %dma_start3A_797] : memref<32x128xf32, #tpu.memory_space<vmem>> -> memref<1x16xf32, #tpu.memory_space<vmem>>
    %dma_start3A_799 = tpu.memref_squeeze %dma_start3A_798 : memref<1x16xf32, #tpu.memory_space<vmem>> -> memref<16xf32, #tpu.memory_space<vmem>>
    %dma_start3A_800 = arith.constant 0 : i32
    %dma_start3A_801 = tpu.memref_slice %arg3[%reduce_max3A_784, %dma_start3A_800] : memref<1000x16xf32, #tpu.memory_space<hbm>> -> memref<1x16xf32, #tpu.memory_space<hbm>>
    %dma_start3A_802 = tpu.memref_squeeze %dma_start3A_801 : memref<1x16xf32, #tpu.memory_space<hbm>> -> memref<16xf32, #tpu.memory_space<hbm>>
    %dma_start3A_803 = arith.constant 0 : i32
    %dma_start3A_804 = tpu.memref_slice %arg14[%dma_start3A_796, %dma_start3A_803] : memref<32x128xf32, #tpu.memory_space<vmem>> -> memref<1x16xf32, #tpu.memory_space<vmem>>
    %dma_start3A_805 = tpu.memref_squeeze %dma_start3A_804 : memref<1x16xf32, #tpu.memory_space<vmem>> -> memref<16xf32, #tpu.memory_space<vmem>>
    %dma_start3A_806 = arith.constant 0 : i32
    %dma_start3A_807 = tpu.memref_slice %arg3[%reduce_max3A_784, %dma_start3A_806] : memref<1000x16xf32, #tpu.memory_space<hbm>> -> memref<1x16xf32, #tpu.memory_space<hbm>>
    %dma_start3A_808 = tpu.memref_squeeze %dma_start3A_807 : memref<1x16xf32, #tpu.memory_space<hbm>> -> memref<16xf32, #tpu.memory_space<hbm>>
    tpu.enqueue_dma source(%dma_start3A_808 : memref<16xf32, #tpu.memory_space<hbm>>) target(%dma_start3A_805 : memref<16xf32, #tpu.memory_space<vmem>>) target_semaphore(%arg23 : memref<!tpu.dma_semaphore, #tpu.memory_space<semaphore_mem>>)
    %dma_start3A_809 = arith.constant 15 : i32
    %dma_start3A_810 = arith.constant 16 : i32
    %dma_start3A_811 = tpu.memref_slice %arg14[%dma_start3A_809, %dma_start3A_810] : memref<32x128xf32, #tpu.memory_space<vmem>> -> memref<1x64xf32, #tpu.memory_space<vmem>>
    %dma_start3A_812 = tpu.memref_squeeze %dma_start3A_811 : memref<1x64xf32, #tpu.memory_space<vmem>> -> memref<64xf32, #tpu.memory_space<vmem>>
    %dma_start3A_813 = arith.constant 0 : i32
    %dma_start3A_814 = tpu.memref_slice %arg4[%reduce_max3A_795, %dma_start3A_813] : memref<100000x64xf32, #tpu.memory_space<hbm>> -> memref<1x64xf32, #tpu.memory_space<hbm>>
    %dma_start3A_815 = tpu.memref_squeeze %dma_start3A_814 : memref<1x64xf32, #tpu.memory_space<hbm>> -> memref<64xf32, #tpu.memory_space<hbm>>
    %dma_start3A_816 = arith.constant 16 : i32
    %dma_start3A_817 = tpu.memref_slice %arg14[%dma_start3A_809, %dma_start3A_816] : memref<32x128xf32, #tpu.memory_space<vmem>> -> memref<1x64xf32, #tpu.memory_space<vmem>>
    %dma_start3A_818 = tpu.memref_squeeze %dma_start3A_817 : memref<1x64xf32, #tpu.memory_space<vmem>> -> memref<64xf32, #tpu.memory_space<vmem>>
    %dma_start3A_819 = arith.constant 0 : i32
    %dma_start3A_820 = tpu.memref_slice %arg4[%reduce_max3A_795, %dma_start3A_819] : memref<100000x64xf32, #tpu.memory_space<hbm>> -> memref<1x64xf32, #tpu.memory_space<hbm>>
    %dma_start3A_821 = tpu.memref_squeeze %dma_start3A_820 : memref<1x64xf32, #tpu.memory_space<hbm>> -> memref<64xf32, #tpu.memory_space<hbm>>
    tpu.enqueue_dma source(%dma_start3A_821 : memref<64xf32, #tpu.memory_space<hbm>>) target(%dma_start3A_818 : memref<64xf32, #tpu.memory_space<vmem>>) target_semaphore(%arg23 : memref<!tpu.dma_semaphore, #tpu.memory_space<semaphore_mem>>)
    %get3A_822 = arith.constant 16 : index
    %get3A_823 = tpu.vector_load %arg15[%get3A_822] {strides = array<i32>} : memref<32xi32, #tpu.memory_space<vmem>>, vector<16xi32>,
    %get3A_824 = arith.constant 16 : index
    %get3A_825 = tpu.vector_load %arg16[%get3A_824] {strides = array<i32>} : memref<32xi32, #tpu.memory_space<vmem>>, vector<16xi32>,
    %eq3A_826 = arith.constant 0 : i32
    %eq3A_827 = vector.broadcast %eq3A_826 : i32 to vector<16xi32>
    %eq3A_828 = arith.cmpi eq, %iota3A, %eq3A_827 : vector<16xi32>
    %jit3A_829 = arith.constant -2147483648 : i32
    %broadcast_in_dim3A_830 = vector.broadcast %jit3A_829 : i32 to vector<16xi32>
    %select_n3A_831 = arith.select %eq3A_828, %get3A_823, %broadcast_in_dim3A_830 : vector<16xi1>, vector<16xi32>
    %reduce_max3A_832 = arith.constant true
    %reduce_max3A_833 = vector.broadcast %reduce_max3A_832 : i1 to vector<16xi1>
    %reduce_max3A_834 = arith.constant -2147483648 : i32
    %reduce_max3A_835 = vector.broadcast %reduce_max3A_834 : i32 to vector<16xi32>
    %reduce_max3A_836 = arith.xori %select_n3A_831, %reduce_max3A_835 : vector<16xi32>
    %reduce_max3A_837 = tpu.scan <max>, %reduce_max3A_836 masked %reduce_max3A_833 : vector<16xi32>, vector<16xi1> -> vector<16xi32>
    %reduce_max3A_838 = arith.xori %reduce_max3A_837, %reduce_max3A_835 : vector<16xi32>
    %reduce_max3A_839 = vector.extract %reduce_max3A_838[15] : i32 from vector<16xi32>
    %jit3A_840 = arith.constant -2147483648 : i32
    %broadcast_in_dim3A_841 = vector.broadcast %jit3A_840 : i32 to vector<16xi32>
    %select_n3A_842 = arith.select %eq3A_828, %get3A_825, %broadcast_in_dim3A_841 : vector<16xi1>, vector<16xi32>
    %reduce_max3A_843 = arith.constant true
    %reduce_max3A_844 = vector.broadcast %reduce_max3A_843 : i1 to vector<16xi1>
    %reduce_max3A_845 = arith.constant -2147483648 : i32
    %reduce_max3A_846 = vector.broadcast %reduce_max3A_845 : i32 to vector<16xi32>
    %reduce_max3A_847 = arith.xori %select_n3A_842, %reduce_max3A_846 : vector<16xi32>
    %reduce_max3A_848 = tpu.scan <max>, %reduce_max3A_847 masked %reduce_max3A_844 : vector<16xi32>, vector<16xi1> -> vector<16xi32>
    %reduce_max3A_849 = arith.xori %reduce_max3A_848, %reduce_max3A_846 : vector<16xi32>
    %reduce_max3A_850 = vector.extract %reduce_max3A_849[15] : i32 from vector<16xi32>
    %dma_start3A_851 = arith.constant 16 : i32
    %dma_start3A_852 = arith.constant 0 : i32
    %dma_start3A_853 = tpu.memref_slice %arg14[%dma_start3A_851, %dma_start3A_852] : memref<32x128xf32, #tpu.memory_space<vmem>> -> memref<1x16xf32, #tpu.memory_space<vmem>>
    %dma_start3A_854 = tpu.memref_squeeze %dma_start3A_853 : memref<1x16xf32, #tpu.memory_space<vmem>> -> memref<16xf32, #tpu.memory_space<vmem>>
    %dma_start3A_855 = arith.constant 0 : i32
    %dma_start3A_856 = tpu.memref_slice %arg3[%reduce_max3A_839, %dma_start3A_855] : memref<1000x16xf32, #tpu.memory_space<hbm>> -> memref<1x16xf32, #tpu.memory_space<hbm>>
    %dma_start3A_857 = tpu.memref_squeeze %dma_start3A_856 : memref<1x16xf32, #tpu.memory_space<hbm>> -> memref<16xf32, #tpu.memory_space<hbm>>
    %dma_start3A_858 = arith.constant 0 : i32
    %dma_start3A_859 = tpu.memref_slice %arg14[%dma_start3A_851, %dma_start3A_858] : memref<32x128xf32, #tpu.memory_space<vmem>> -> memref<1x16xf32, #tpu.memory_space<vmem>>
    %dma_start3A_860 = tpu.memref_squeeze %dma_start3A_859 : memref<1x16xf32, #tpu.memory_space<vmem>> -> memref<16xf32, #tpu.memory_space<vmem>>
    %dma_start3A_861 = arith.constant 0 : i32
    %dma_start3A_862 = tpu.memref_slice %arg3[%reduce_max3A_839, %dma_start3A_861] : memref<1000x16xf32, #tpu.memory_space<hbm>> -> memref<1x16xf32, #tpu.memory_space<hbm>>
    %dma_start3A_863 = tpu.memref_squeeze %dma_start3A_862 : memref<1x16xf32, #tpu.memory_space<hbm>> -> memref<16xf32, #tpu.memory_space<hbm>>
    tpu.enqueue_dma source(%dma_start3A_863 : memref<16xf32, #tpu.memory_space<hbm>>) target(%dma_start3A_860 : memref<16xf32, #tpu.memory_space<vmem>>) target_semaphore(%arg23 : memref<!tpu.dma_semaphore, #tpu.memory_space<semaphore_mem>>)
    %dma_start3A_864 = arith.constant 16 : i32
    %dma_start3A_865 = arith.constant 16 : i32
    %dma_start3A_866 = tpu.memref_slice %arg14[%dma_start3A_864, %dma_start3A_865] : memref<32x128xf32, #tpu.memory_space<vmem>> -> memref<1x64xf32, #tpu.memory_space<vmem>>
    %dma_start3A_867 = tpu.memref_squeeze %dma_start3A_866 : memref<1x64xf32, #tpu.memory_space<vmem>> -> memref<64xf32, #tpu.memory_space<vmem>>
    %dma_start3A_868 = arith.constant 0 : i32
    %dma_start3A_869 = tpu.memref_slice %arg4[%reduce_max3A_850, %dma_start3A_868] : memref<100000x64xf32, #tpu.memory_space<hbm>> -> memref<1x64xf32, #tpu.memory_space<hbm>>
    %dma_start3A_870 = tpu.memref_squeeze %dma_start3A_869 : memref<1x64xf32, #tpu.memory_space<hbm>> -> memref<64xf32, #tpu.memory_space<hbm>>
    %dma_start3A_871 = arith.constant 16 : i32
    %dma_start3A_872 = tpu.memref_slice %arg14[%dma_start3A_864, %dma_start3A_871] : memref<32x128xf32, #tpu.memory_space<vmem>> -> memref<1x64xf32, #tpu.memory_space<vmem>>
    %dma_start3A_873 = tpu.memref_squeeze %dma_start3A_872 : memref<1x64xf32, #tpu.memory_space<vmem>> -> memref<64xf32, #tpu.memory_space<vmem>>
    %dma_start3A_874 = arith.constant 0 : i32
    %dma_start3A_875 = tpu.memref_slice %arg4[%reduce_max3A_850, %dma_start3A_874] : memref<100000x64xf32, #tpu.memory_space<hbm>> -> memref<1x64xf32, #tpu.memory_space<hbm>>
    %dma_start3A_876 = tpu.memref_squeeze %dma_start3A_875 : memref<1x64xf32, #tpu.memory_space<hbm>> -> memref<64xf32, #tpu.memory_space<hbm>>
    tpu.enqueue_dma source(%dma_start3A_876 : memref<64xf32, #tpu.memory_space<hbm>>) target(%dma_start3A_873 : memref<64xf32, #tpu.memory_space<vmem>>) target_semaphore(%arg23 : memref<!tpu.dma_semaphore, #tpu.memory_space<semaphore_mem>>)
    %eq3A_877 = arith.constant 1 : i32
    %eq3A_878 = vector.broadcast %eq3A_877 : i32 to vector<16xi32>
    %eq3A_879 = arith.cmpi eq, %iota3A, %eq3A_878 : vector<16xi32>
    %jit3A_880 = arith.constant -2147483648 : i32
    %broadcast_in_dim3A_881 = vector.broadcast %jit3A_880 : i32 to vector<16xi32>
    %select_n3A_882 = arith.select %eq3A_879, %get3A_823, %broadcast_in_dim3A_881 : vector<16xi1>, vector<16xi32>
    %reduce_max3A_883 = arith.constant true
    %reduce_max3A_884 = vector.broadcast %reduce_max3A_883 : i1 to vector<16xi1>
    %reduce_max3A_885 = arith.constant -2147483648 : i32
    %reduce_max3A_886 = vector.broadcast %reduce_max3A_885 : i32 to vector<16xi32>
    %reduce_max3A_887 = arith.xori %select_n3A_882, %reduce_max3A_886 : vector<16xi32>
    %reduce_max3A_888 = tpu.scan <max>, %reduce_max3A_887 masked %reduce_max3A_884 : vector<16xi32>, vector<16xi1> -> vector<16xi32>
    %reduce_max3A_889 = arith.xori %reduce_max3A_888, %reduce_max3A_886 : vector<16xi32>
    %reduce_max3A_890 = vector.extract %reduce_max3A_889[15] : i32 from vector<16xi32>
    %jit3A_891 = arith.constant -2147483648 : i32
    %broadcast_in_dim3A_892 = vector.broadcast %jit3A_891 : i32 to vector<16xi32>
    %select_n3A_893 = arith.select %eq3A_879, %get3A_825, %broadcast_in_dim3A_892 : vector<16xi1>, vector<16xi32>
    %reduce_max3A_894 = arith.constant true
    %reduce_max3A_895 = vector.broadcast %reduce_max3A_894 : i1 to vector<16xi1>
    %reduce_max3A_896 = arith.constant -2147483648 : i32
    %reduce_max3A_897 = vector.broadcast %reduce_max3A_896 : i32 to vector<16xi32>
    %reduce_max3A_898 = arith.xori %select_n3A_893, %reduce_max3A_897 : vector<16xi32>
    %reduce_max3A_899 = tpu.scan <max>, %reduce_max3A_898 masked %reduce_max3A_895 : vector<16xi32>, vector<16xi1> -> vector<16xi32>
    %reduce_max3A_900 = arith.xori %reduce_max3A_899, %reduce_max3A_897 : vector<16xi32>
    %reduce_max3A_901 = vector.extract %reduce_max3A_900[15] : i32 from vector<16xi32>
    %dma_start3A_902 = arith.constant 17 : i32
    %dma_start3A_903 = arith.constant 0 : i32
    %dma_start3A_904 = tpu.memref_slice %arg14[%dma_start3A_902, %dma_start3A_903] : memref<32x128xf32, #tpu.memory_space<vmem>> -> memref<1x16xf32, #tpu.memory_space<vmem>>
    %dma_start3A_905 = tpu.memref_squeeze %dma_start3A_904 : memref<1x16xf32, #tpu.memory_space<vmem>> -> memref<16xf32, #tpu.memory_space<vmem>>
    %dma_start3A_906 = arith.constant 0 : i32
    %dma_start3A_907 = tpu.memref_slice %arg3[%reduce_max3A_890, %dma_start3A_906] : memref<1000x16xf32, #tpu.memory_space<hbm>> -> memref<1x16xf32, #tpu.memory_space<hbm>>
    %dma_start3A_908 = tpu.memref_squeeze %dma_start3A_907 : memref<1x16xf32, #tpu.memory_space<hbm>> -> memref<16xf32, #tpu.memory_space<hbm>>
    %dma_start3A_909 = arith.constant 0 : i32
    %dma_start3A_910 = tpu.memref_slice %arg14[%dma_start3A_902, %dma_start3A_909] : memref<32x128xf32, #tpu.memory_space<vmem>> -> memref<1x16xf32, #tpu.memory_space<vmem>>
    %dma_start3A_911 = tpu.memref_squeeze %dma_start3A_910 : memref<1x16xf32, #tpu.memory_space<vmem>> -> memref<16xf32, #tpu.memory_space<vmem>>
    %dma_start3A_912 = arith.constant 0 : i32
    %dma_start3A_913 = tpu.memref_slice %arg3[%reduce_max3A_890, %dma_start3A_912] : memref<1000x16xf32, #tpu.memory_space<hbm>> -> memref<1x16xf32, #tpu.memory_space<hbm>>
    %dma_start3A_914 = tpu.memref_squeeze %dma_start3A_913 : memref<1x16xf32, #tpu.memory_space<hbm>> -> memref<16xf32, #tpu.memory_space<hbm>>
    tpu.enqueue_dma source(%dma_start3A_914 : memref<16xf32, #tpu.memory_space<hbm>>) target(%dma_start3A_911 : memref<16xf32, #tpu.memory_space<vmem>>) target_semaphore(%arg23 : memref<!tpu.dma_semaphore, #tpu.memory_space<semaphore_mem>>)
    %dma_start3A_915 = arith.constant 17 : i32
    %dma_start3A_916 = arith.constant 16 : i32
    %dma_start3A_917 = tpu.memref_slice %arg14[%dma_start3A_915, %dma_start3A_916] : memref<32x128xf32, #tpu.memory_space<vmem>> -> memref<1x64xf32, #tpu.memory_space<vmem>>
    %dma_start3A_918 = tpu.memref_squeeze %dma_start3A_917 : memref<1x64xf32, #tpu.memory_space<vmem>> -> memref<64xf32, #tpu.memory_space<vmem>>
    %dma_start3A_919 = arith.constant 0 : i32
    %dma_start3A_920 = tpu.memref_slice %arg4[%reduce_max3A_901, %dma_start3A_919] : memref<100000x64xf32, #tpu.memory_space<hbm>> -> memref<1x64xf32, #tpu.memory_space<hbm>>
    %dma_start3A_921 = tpu.memref_squeeze %dma_start3A_920 : memref<1x64xf32, #tpu.memory_space<hbm>> -> memref<64xf32, #tpu.memory_space<hbm>>
    %dma_start3A_922 = arith.constant 16 : i32
    %dma_start3A_923 = tpu.memref_slice %arg14[%dma_start3A_915, %dma_start3A_922] : memref<32x128xf32, #tpu.memory_space<vmem>> -> memref<1x64xf32, #tpu.memory_space<vmem>>
    %dma_start3A_924 = tpu.memref_squeeze %dma_start3A_923 : memref<1x64xf32, #tpu.memory_space<vmem>> -> memref<64xf32, #tpu.memory_space<vmem>>
    %dma_start3A_925 = arith.constant 0 : i32
    %dma_start3A_926 = tpu.memref_slice %arg4[%reduce_max3A_901, %dma_start3A_925] : memref<100000x64xf32, #tpu.memory_space<hbm>> -> memref<1x64xf32, #tpu.memory_space<hbm>>
    %dma_start3A_927 = tpu.memref_squeeze %dma_start3A_926 : memref<1x64xf32, #tpu.memory_space<hbm>> -> memref<64xf32, #tpu.memory_space<hbm>>
    tpu.enqueue_dma source(%dma_start3A_927 : memref<64xf32, #tpu.memory_space<hbm>>) target(%dma_start3A_924 : memref<64xf32, #tpu.memory_space<vmem>>) target_semaphore(%arg23 : memref<!tpu.dma_semaphore, #tpu.memory_space<semaphore_mem>>)
    %eq3A_928 = arith.constant 2 : i32
    %eq3A_929 = vector.broadcast %eq3A_928 : i32 to vector<16xi32>
    %eq3A_930 = arith.cmpi eq, %iota3A, %eq3A_929 : vector<16xi32>
    %jit3A_931 = arith.constant -2147483648 : i32
    %broadcast_in_dim3A_932 = vector.broadcast %jit3A_931 : i32 to vector<16xi32>
    %select_n3A_933 = arith.select %eq3A_930, %get3A_823, %broadcast_in_dim3A_932 : vector<16xi1>, vector<16xi32>
    %reduce_max3A_934 = arith.constant true
    %reduce_max3A_935 = vector.broadcast %reduce_max3A_934 : i1 to vector<16xi1>
    %reduce_max3A_936 = arith.constant -2147483648 : i32
    %reduce_max3A_937 = vector.broadcast %reduce_max3A_936 : i32 to vector<16xi32>
    %reduce_max3A_938 = arith.xori %select_n3A_933, %reduce_max3A_937 : vector<16xi32>
    %reduce_max3A_939 = tpu.scan <max>, %reduce_max3A_938 masked %reduce_max3A_935 : vector<16xi32>, vector<16xi1> -> vector<16xi32>
    %reduce_max3A_940 = arith.xori %reduce_max3A_939, %reduce_max3A_937 : vector<16xi32>
    %reduce_max3A_941 = vector.extract %reduce_max3A_940[15] : i32 from vector<16xi32>
    %jit3A_942 = arith.constant -2147483648 : i32
    %broadcast_in_dim3A_943 = vector.broadcast %jit3A_942 : i32 to vector<16xi32>
    %select_n3A_944 = arith.select %eq3A_930, %get3A_825, %broadcast_in_dim3A_943 : vector<16xi1>, vector<16xi32>
    %reduce_max3A_945 = arith.constant true
    %reduce_max3A_946 = vector.broadcast %reduce_max3A_945 : i1 to vector<16xi1>
    %reduce_max3A_947 = arith.constant -2147483648 : i32
    %reduce_max3A_948 = vector.broadcast %reduce_max3A_947 : i32 to vector<16xi32>
    %reduce_max3A_949 = arith.xori %select_n3A_944, %reduce_max3A_948 : vector<16xi32>
    %reduce_max3A_950 = tpu.scan <max>, %reduce_max3A_949 masked %reduce_max3A_946 : vector<16xi32>, vector<16xi1> -> vector<16xi32>
    %reduce_max3A_951 = arith.xori %reduce_max3A_950, %reduce_max3A_948 : vector<16xi32>
    %reduce_max3A_952 = vector.extract %reduce_max3A_951[15] : i32 from vector<16xi32>
    %dma_start3A_953 = arith.constant 18 : i32
    %dma_start3A_954 = arith.constant 0 : i32
    %dma_start3A_955 = tpu.memref_slice %arg14[%dma_start3A_953, %dma_start3A_954] : memref<32x128xf32, #tpu.memory_space<vmem>> -> memref<1x16xf32, #tpu.memory_space<vmem>>
    %dma_start3A_956 = tpu.memref_squeeze %dma_start3A_955 : memref<1x16xf32, #tpu.memory_space<vmem>> -> memref<16xf32, #tpu.memory_space<vmem>>
    %dma_start3A_957 = arith.constant 0 : i32
    %dma_start3A_958 = tpu.memref_slice %arg3[%reduce_max3A_941, %dma_start3A_957] : memref<1000x16xf32, #tpu.memory_space<hbm>> -> memref<1x16xf32, #tpu.memory_space<hbm>>
    %dma_start3A_959 = tpu.memref_squeeze %dma_start3A_958 : memref<1x16xf32, #tpu.memory_space<hbm>> -> memref<16xf32, #tpu.memory_space<hbm>>
    %dma_start3A_960 = arith.constant 0 : i32
    %dma_start3A_961 = tpu.memref_slice %arg14[%dma_start3A_953, %dma_start3A_960] : memref<32x128xf32, #tpu.memory_space<vmem>> -> memref<1x16xf32, #tpu.memory_space<vmem>>
    %dma_start3A_962 = tpu.memref_squeeze %dma_start3A_961 : memref<1x16xf32, #tpu.memory_space<vmem>> -> memref<16xf32, #tpu.memory_space<vmem>>
    %dma_start3A_963 = arith.constant 0 : i32
    %dma_start3A_964 = tpu.memref_slice %arg3[%reduce_max3A_941, %dma_start3A_963] : memref<1000x16xf32, #tpu.memory_space<hbm>> -> memref<1x16xf32, #tpu.memory_space<hbm>>
    %dma_start3A_965 = tpu.memref_squeeze %dma_start3A_964 : memref<1x16xf32, #tpu.memory_space<hbm>> -> memref<16xf32, #tpu.memory_space<hbm>>
    tpu.enqueue_dma source(%dma_start3A_965 : memref<16xf32, #tpu.memory_space<hbm>>) target(%dma_start3A_962 : memref<16xf32, #tpu.memory_space<vmem>>) target_semaphore(%arg23 : memref<!tpu.dma_semaphore, #tpu.memory_space<semaphore_mem>>)
    %dma_start3A_966 = arith.constant 18 : i32
    %dma_start3A_967 = arith.constant 16 : i32
    %dma_start3A_968 = tpu.memref_slice %arg14[%dma_start3A_966, %dma_start3A_967] : memref<32x128xf32, #tpu.memory_space<vmem>> -> memref<1x64xf32, #tpu.memory_space<vmem>>
    %dma_start3A_969 = tpu.memref_squeeze %dma_start3A_968 : memref<1x64xf32, #tpu.memory_space<vmem>> -> memref<64xf32, #tpu.memory_space<vmem>>
    %dma_start3A_970 = arith.constant 0 : i32
    %dma_start3A_971 = tpu.memref_slice %arg4[%reduce_max3A_952, %dma_start3A_970] : memref<100000x64xf32, #tpu.memory_space<hbm>> -> memref<1x64xf32, #tpu.memory_space<hbm>>
    %dma_start3A_972 = tpu.memref_squeeze %dma_start3A_971 : memref<1x64xf32, #tpu.memory_space<hbm>> -> memref<64xf32, #tpu.memory_space<hbm>>
    %dma_start3A_973 = arith.constant 16 : i32
    %dma_start3A_974 = tpu.memref_slice %arg14[%dma_start3A_966, %dma_start3A_973] : memref<32x128xf32, #tpu.memory_space<vmem>> -> memref<1x64xf32, #tpu.memory_space<vmem>>
    %dma_start3A_975 = tpu.memref_squeeze %dma_start3A_974 : memref<1x64xf32, #tpu.memory_space<vmem>> -> memref<64xf32, #tpu.memory_space<vmem>>
    %dma_start3A_976 = arith.constant 0 : i32
    %dma_start3A_977 = tpu.memref_slice %arg4[%reduce_max3A_952, %dma_start3A_976] : memref<100000x64xf32, #tpu.memory_space<hbm>> -> memref<1x64xf32, #tpu.memory_space<hbm>>
    %dma_start3A_978 = tpu.memref_squeeze %dma_start3A_977 : memref<1x64xf32, #tpu.memory_space<hbm>> -> memref<64xf32, #tpu.memory_space<hbm>>
    tpu.enqueue_dma source(%dma_start3A_978 : memref<64xf32, #tpu.memory_space<hbm>>) target(%dma_start3A_975 : memref<64xf32, #tpu.memory_space<vmem>>) target_semaphore(%arg23 : memref<!tpu.dma_semaphore, #tpu.memory_space<semaphore_mem>>)
    %eq3A_979 = arith.constant 3 : i32
    %eq3A_980 = vector.broadcast %eq3A_979 : i32 to vector<16xi32>
    %eq3A_981 = arith.cmpi eq, %iota3A, %eq3A_980 : vector<16xi32>
    %jit3A_982 = arith.constant -2147483648 : i32
    %broadcast_in_dim3A_983 = vector.broadcast %jit3A_982 : i32 to vector<16xi32>
    %select_n3A_984 = arith.select %eq3A_981, %get3A_823, %broadcast_in_dim3A_983 : vector<16xi1>, vector<16xi32>
    %reduce_max3A_985 = arith.constant true
    %reduce_max3A_986 = vector.broadcast %reduce_max3A_985 : i1 to vector<16xi1>
    %reduce_max3A_987 = arith.constant -2147483648 : i32
    %reduce_max3A_988 = vector.broadcast %reduce_max3A_987 : i32 to vector<16xi32>
    %reduce_max3A_989 = arith.xori %select_n3A_984, %reduce_max3A_988 : vector<16xi32>
    %reduce_max3A_990 = tpu.scan <max>, %reduce_max3A_989 masked %reduce_max3A_986 : vector<16xi32>, vector<16xi1> -> vector<16xi32>
    %reduce_max3A_991 = arith.xori %reduce_max3A_990, %reduce_max3A_988 : vector<16xi32>
    %reduce_max3A_992 = vector.extract %reduce_max3A_991[15] : i32 from vector<16xi32>
    %jit3A_993 = arith.constant -2147483648 : i32
    %broadcast_in_dim3A_994 = vector.broadcast %jit3A_993 : i32 to vector<16xi32>
    %select_n3A_995 = arith.select %eq3A_981, %get3A_825, %broadcast_in_dim3A_994 : vector<16xi1>, vector<16xi32>
    %reduce_max3A_996 = arith.constant true
    %reduce_max3A_997 = vector.broadcast %reduce_max3A_996 : i1 to vector<16xi1>
    %reduce_max3A_998 = arith.constant -2147483648 : i32
    %reduce_max3A_999 = vector.broadcast %reduce_max3A_998 : i32 to vector<16xi32>
    %reduce_max3A_1000 = arith.xori %select_n3A_995, %reduce_max3A_999 : vector<16xi32>
    %reduce_max3A_1001 = tpu.scan <max>, %reduce_max3A_1000 masked %reduce_max3A_997 : vector<16xi32>, vector<16xi1> -> vector<16xi32>
    %reduce_max3A_1002 = arith.xori %reduce_max3A_1001, %reduce_max3A_999 : vector<16xi32>
    %reduce_max3A_1003 = vector.extract %reduce_max3A_1002[15] : i32 from vector<16xi32>
    %dma_start3A_1004 = arith.constant 19 : i32
    %dma_start3A_1005 = arith.constant 0 : i32
    %dma_start3A_1006 = tpu.memref_slice %arg14[%dma_start3A_1004, %dma_start3A_1005] : memref<32x128xf32, #tpu.memory_space<vmem>> -> memref<1x16xf32, #tpu.memory_space<vmem>>
    %dma_start3A_1007 = tpu.memref_squeeze %dma_start3A_1006 : memref<1x16xf32, #tpu.memory_space<vmem>> -> memref<16xf32, #tpu.memory_space<vmem>>
    %dma_start3A_1008 = arith.constant 0 : i32
    %dma_start3A_1009 = tpu.memref_slice %arg3[%reduce_max3A_992, %dma_start3A_1008] : memref<1000x16xf32, #tpu.memory_space<hbm>> -> memref<1x16xf32, #tpu.memory_space<hbm>>
    %dma_start3A_1010 = tpu.memref_squeeze %dma_start3A_1009 : memref<1x16xf32, #tpu.memory_space<hbm>> -> memref<16xf32, #tpu.memory_space<hbm>>
    %dma_start3A_1011 = arith.constant 0 : i32
    %dma_start3A_1012 = tpu.memref_slice %arg14[%dma_start3A_1004, %dma_start3A_1011] : memref<32x128xf32, #tpu.memory_space<vmem>> -> memref<1x16xf32, #tpu.memory_space<vmem>>
    %dma_start3A_1013 = tpu.memref_squeeze %dma_start3A_1012 : memref<1x16xf32, #tpu.memory_space<vmem>> -> memref<16xf32, #tpu.memory_space<vmem>>
    %dma_start3A_1014 = arith.constant 0 : i32
    %dma_start3A_1015 = tpu.memref_slice %arg3[%reduce_max3A_992, %dma_start3A_1014] : memref<1000x16xf32, #tpu.memory_space<hbm>> -> memref<1x16xf32, #tpu.memory_space<hbm>>
    %dma_start3A_1016 = tpu.memref_squeeze %dma_start3A_1015 : memref<1x16xf32, #tpu.memory_space<hbm>> -> memref<16xf32, #tpu.memory_space<hbm>>
    tpu.enqueue_dma source(%dma_start3A_1016 : memref<16xf32, #tpu.memory_space<hbm>>) target(%dma_start3A_1013 : memref<16xf32, #tpu.memory_space<vmem>>) target_semaphore(%arg23 : memref<!tpu.dma_semaphore, #tpu.memory_space<semaphore_mem>>)
    %dma_start3A_1017 = arith.constant 19 : i32
    %dma_start3A_1018 = arith.constant 16 : i32
    %dma_start3A_1019 = tpu.memref_slice %arg14[%dma_start3A_1017, %dma_start3A_1018] : memref<32x128xf32, #tpu.memory_space<vmem>> -> memref<1x64xf32, #tpu.memory_space<vmem>>
    %dma_start3A_1020 = tpu.memref_squeeze %dma_start3A_1019 : memref<1x64xf32, #tpu.memory_space<vmem>> -> memref<64xf32, #tpu.memory_space<vmem>>
    %dma_start3A_1021 = arith.constant 0 : i32
    %dma_start3A_1022 = tpu.memref_slice %arg4[%reduce_max3A_1003, %dma_start3A_1021] : memref<100000x64xf32, #tpu.memory_space<hbm>> -> memref<1x64xf32, #tpu.memory_space<hbm>>
    %dma_start3A_1023 = tpu.memref_squeeze %dma_start3A_1022 : memref<1x64xf32, #tpu.memory_space<hbm>> -> memref<64xf32, #tpu.memory_space<hbm>>
    %dma_start3A_1024 = arith.constant 16 : i32
    %dma_start3A_1025 = tpu.memref_slice %arg14[%dma_start3A_1017, %dma_start3A_1024] : memref<32x128xf32, #tpu.memory_space<vmem>> -> memref<1x64xf32, #tpu.memory_space<vmem>>
    %dma_start3A_1026 = tpu.memref_squeeze %dma_start3A_1025 : memref<1x64xf32, #tpu.memory_space<vmem>> -> memref<64xf32, #tpu.memory_space<vmem>>
    %dma_start3A_1027 = arith.constant 0 : i32
    %dma_start3A_1028 = tpu.memref_slice %arg4[%reduce_max3A_1003, %dma_start3A_1027] : memref<100000x64xf32, #tpu.memory_space<hbm>> -> memref<1x64xf32, #tpu.memory_space<hbm>>
    %dma_start3A_1029 = tpu.memref_squeeze %dma_start3A_1028 : memref<1x64xf32, #tpu.memory_space<hbm>> -> memref<64xf32, #tpu.memory_space<hbm>>
    tpu.enqueue_dma source(%dma_start3A_1029 : memref<64xf32, #tpu.memory_space<hbm>>) target(%dma_start3A_1026 : memref<64xf32, #tpu.memory_space<vmem>>) target_semaphore(%arg23 : memref<!tpu.dma_semaphore, #tpu.memory_space<semaphore_mem>>)
    %eq3A_1030 = arith.constant 4 : i32
    %eq3A_1031 = vector.broadcast %eq3A_1030 : i32 to vector<16xi32>
    %eq3A_1032 = arith.cmpi eq, %iota3A, %eq3A_1031 : vector<16xi32>
    %jit3A_1033 = arith.constant -2147483648 : i32
    %broadcast_in_dim3A_1034 = vector.broadcast %jit3A_1033 : i32 to vector<16xi32>
    %select_n3A_1035 = arith.select %eq3A_1032, %get3A_823, %broadcast_in_dim3A_1034 : vector<16xi1>, vector<16xi32>
    %reduce_max3A_1036 = arith.constant true
    %reduce_max3A_1037 = vector.broadcast %reduce_max3A_1036 : i1 to vector<16xi1>
    %reduce_max3A_1038 = arith.constant -2147483648 : i32
    %reduce_max3A_1039 = vector.broadcast %reduce_max3A_1038 : i32 to vector<16xi32>
    %reduce_max3A_1040 = arith.xori %select_n3A_1035, %reduce_max3A_1039 : vector<16xi32>
    %reduce_max3A_1041 = tpu.scan <max>, %reduce_max3A_1040 masked %reduce_max3A_1037 : vector<16xi32>, vector<16xi1> -> vector<16xi32>
    %reduce_max3A_1042 = arith.xori %reduce_max3A_1041, %reduce_max3A_1039 : vector<16xi32>
    %reduce_max3A_1043 = vector.extract %reduce_max3A_1042[15] : i32 from vector<16xi32>
    %jit3A_1044 = arith.constant -2147483648 : i32
    %broadcast_in_dim3A_1045 = vector.broadcast %jit3A_1044 : i32 to vector<16xi32>
    %select_n3A_1046 = arith.select %eq3A_1032, %get3A_825, %broadcast_in_dim3A_1045 : vector<16xi1>, vector<16xi32>
    %reduce_max3A_1047 = arith.constant true
    %reduce_max3A_1048 = vector.broadcast %reduce_max3A_1047 : i1 to vector<16xi1>
    %reduce_max3A_1049 = arith.constant -2147483648 : i32
    %reduce_max3A_1050 = vector.broadcast %reduce_max3A_1049 : i32 to vector<16xi32>
    %reduce_max3A_1051 = arith.xori %select_n3A_1046, %reduce_max3A_1050 : vector<16xi32>
    %reduce_max3A_1052 = tpu.scan <max>, %reduce_max3A_1051 masked %reduce_max3A_1048 : vector<16xi32>, vector<16xi1> -> vector<16xi32>
    %reduce_max3A_1053 = arith.xori %reduce_max3A_1052, %reduce_max3A_1050 : vector<16xi32>
    %reduce_max3A_1054 = vector.extract %reduce_max3A_1053[15] : i32 from vector<16xi32>
    %dma_start3A_1055 = arith.constant 20 : i32
    %dma_start3A_1056 = arith.constant 0 : i32
    %dma_start3A_1057 = tpu.memref_slice %arg14[%dma_start3A_1055, %dma_start3A_1056] : memref<32x128xf32, #tpu.memory_space<vmem>> -> memref<1x16xf32, #tpu.memory_space<vmem>>
    %dma_start3A_1058 = tpu.memref_squeeze %dma_start3A_1057 : memref<1x16xf32, #tpu.memory_space<vmem>> -> memref<16xf32, #tpu.memory_space<vmem>>
    %dma_start3A_1059 = arith.constant 0 : i32
    %dma_start3A_1060 = tpu.memref_slice %arg3[%reduce_max3A_1043, %dma_start3A_1059] : memref<1000x16xf32, #tpu.memory_space<hbm>> -> memref<1x16xf32, #tpu.memory_space<hbm>>
    %dma_start3A_1061 = tpu.memref_squeeze %dma_start3A_1060 : memref<1x16xf32, #tpu.memory_space<hbm>> -> memref<16xf32, #tpu.memory_space<hbm>>
    %dma_start3A_1062 = arith.constant 0 : i32
    %dma_start3A_1063 = tpu.memref_slice %arg14[%dma_start3A_1055, %dma_start3A_1062] : memref<32x128xf32, #tpu.memory_space<vmem>> -> memref<1x16xf32, #tpu.memory_space<vmem>>
    %dma_start3A_1064 = tpu.memref_squeeze %dma_start3A_1063 : memref<1x16xf32, #tpu.memory_space<vmem>> -> memref<16xf32, #tpu.memory_space<vmem>>
    %dma_start3A_1065 = arith.constant 0 : i32
    %dma_start3A_1066 = tpu.memref_slice %arg3[%reduce_max3A_1043, %dma_start3A_1065] : memref<1000x16xf32, #tpu.memory_space<hbm>> -> memref<1x16xf32, #tpu.memory_space<hbm>>
    %dma_start3A_1067 = tpu.memref_squeeze %dma_start3A_1066 : memref<1x16xf32, #tpu.memory_space<hbm>> -> memref<16xf32, #tpu.memory_space<hbm>>
    tpu.enqueue_dma source(%dma_start3A_1067 : memref<16xf32, #tpu.memory_space<hbm>>) target(%dma_start3A_1064 : memref<16xf32, #tpu.memory_space<vmem>>) target_semaphore(%arg23 : memref<!tpu.dma_semaphore, #tpu.memory_space<semaphore_mem>>)
    %dma_start3A_1068 = arith.constant 20 : i32
    %dma_start3A_1069 = arith.constant 16 : i32
    %dma_start3A_1070 = tpu.memref_slice %arg14[%dma_start3A_1068, %dma_start3A_1069] : memref<32x128xf32, #tpu.memory_space<vmem>> -> memref<1x64xf32, #tpu.memory_space<vmem>>
    %dma_start3A_1071 = tpu.memref_squeeze %dma_start3A_1070 : memref<1x64xf32, #tpu.memory_space<vmem>> -> memref<64xf32, #tpu.memory_space<vmem>>
    %dma_start3A_1072 = arith.constant 0 : i32
    %dma_start3A_1073 = tpu.memref_slice %arg4[%reduce_max3A_1054, %dma_start3A_1072] : memref<100000x64xf32, #tpu.memory_space<hbm>> -> memref<1x64xf32, #tpu.memory_space<hbm>>
    %dma_start3A_1074 = tpu.memref_squeeze %dma_start3A_1073 : memref<1x64xf32, #tpu.memory_space<hbm>> -> memref<64xf32, #tpu.memory_space<hbm>>
    %dma_start3A_1075 = arith.constant 16 : i32
    %dma_start3A_1076 = tpu.memref_slice %arg14[%dma_start3A_1068, %dma_start3A_1075] : memref<32x128xf32, #tpu.memory_space<vmem>> -> memref<1x64xf32, #tpu.memory_space<vmem>>
    %dma_start3A_1077 = tpu.memref_squeeze %dma_start3A_1076 : memref<1x64xf32, #tpu.memory_space<vmem>> -> memref<64xf32, #tpu.memory_space<vmem>>
    %dma_start3A_1078 = arith.constant 0 : i32
    %dma_start3A_1079 = tpu.memref_slice %arg4[%reduce_max3A_1054, %dma_start3A_1078] : memref<100000x64xf32, #tpu.memory_space<hbm>> -> memref<1x64xf32, #tpu.memory_space<hbm>>
    %dma_start3A_1080 = tpu.memref_squeeze %dma_start3A_1079 : memref<1x64xf32, #tpu.memory_space<hbm>> -> memref<64xf32, #tpu.memory_space<hbm>>
    tpu.enqueue_dma source(%dma_start3A_1080 : memref<64xf32, #tpu.memory_space<hbm>>) target(%dma_start3A_1077 : memref<64xf32, #tpu.memory_space<vmem>>) target_semaphore(%arg23 : memref<!tpu.dma_semaphore, #tpu.memory_space<semaphore_mem>>)
    %eq3A_1081 = arith.constant 5 : i32
    %eq3A_1082 = vector.broadcast %eq3A_1081 : i32 to vector<16xi32>
    %eq3A_1083 = arith.cmpi eq, %iota3A, %eq3A_1082 : vector<16xi32>
    %jit3A_1084 = arith.constant -2147483648 : i32
    %broadcast_in_dim3A_1085 = vector.broadcast %jit3A_1084 : i32 to vector<16xi32>
    %select_n3A_1086 = arith.select %eq3A_1083, %get3A_823, %broadcast_in_dim3A_1085 : vector<16xi1>, vector<16xi32>
    %reduce_max3A_1087 = arith.constant true
    %reduce_max3A_1088 = vector.broadcast %reduce_max3A_1087 : i1 to vector<16xi1>
    %reduce_max3A_1089 = arith.constant -2147483648 : i32
    %reduce_max3A_1090 = vector.broadcast %reduce_max3A_1089 : i32 to vector<16xi32>
    %reduce_max3A_1091 = arith.xori %select_n3A_1086, %reduce_max3A_1090 : vector<16xi32>
    %reduce_max3A_1092 = tpu.scan <max>, %reduce_max3A_1091 masked %reduce_max3A_1088 : vector<16xi32>, vector<16xi1> -> vector<16xi32>
    %reduce_max3A_1093 = arith.xori %reduce_max3A_1092, %reduce_max3A_1090 : vector<16xi32>
    %reduce_max3A_1094 = vector.extract %reduce_max3A_1093[15] : i32 from vector<16xi32>
    %jit3A_1095 = arith.constant -2147483648 : i32
    %broadcast_in_dim3A_1096 = vector.broadcast %jit3A_1095 : i32 to vector<16xi32>
    %select_n3A_1097 = arith.select %eq3A_1083, %get3A_825, %broadcast_in_dim3A_1096 : vector<16xi1>, vector<16xi32>
    %reduce_max3A_1098 = arith.constant true
    %reduce_max3A_1099 = vector.broadcast %reduce_max3A_1098 : i1 to vector<16xi1>
    %reduce_max3A_1100 = arith.constant -2147483648 : i32
    %reduce_max3A_1101 = vector.broadcast %reduce_max3A_1100 : i32 to vector<16xi32>
    %reduce_max3A_1102 = arith.xori %select_n3A_1097, %reduce_max3A_1101 : vector<16xi32>
    %reduce_max3A_1103 = tpu.scan <max>, %reduce_max3A_1102 masked %reduce_max3A_1099 : vector<16xi32>, vector<16xi1> -> vector<16xi32>
    %reduce_max3A_1104 = arith.xori %reduce_max3A_1103, %reduce_max3A_1101 : vector<16xi32>
    %reduce_max3A_1105 = vector.extract %reduce_max3A_1104[15] : i32 from vector<16xi32>
    %dma_start3A_1106 = arith.constant 21 : i32
    %dma_start3A_1107 = arith.constant 0 : i32
    %dma_start3A_1108 = tpu.memref_slice %arg14[%dma_start3A_1106, %dma_start3A_1107] : memref<32x128xf32, #tpu.memory_space<vmem>> -> memref<1x16xf32, #tpu.memory_space<vmem>>
    %dma_start3A_1109 = tpu.memref_squeeze %dma_start3A_1108 : memref<1x16xf32, #tpu.memory_space<vmem>> -> memref<16xf32, #tpu.memory_space<vmem>>
    %dma_start3A_1110 = arith.constant 0 : i32
    %dma_start3A_1111 = tpu.memref_slice %arg3[%reduce_max3A_1094, %dma_start3A_1110] : memref<1000x16xf32, #tpu.memory_space<hbm>> -> memref<1x16xf32, #tpu.memory_space<hbm>>
    %dma_start3A_1112 = tpu.memref_squeeze %dma_start3A_1111 : memref<1x16xf32, #tpu.memory_space<hbm>> -> memref<16xf32, #tpu.memory_space<hbm>>
    %dma_start3A_1113 = arith.constant 0 : i32
    %dma_start3A_1114 = tpu.memref_slice %arg14[%dma_start3A_1106, %dma_start3A_1113] : memref<32x128xf32, #tpu.memory_space<vmem>> -> memref<1x16xf32, #tpu.memory_space<vmem>>
    %dma_start3A_1115 = tpu.memref_squeeze %dma_start3A_1114 : memref<1x16xf32, #tpu.memory_space<vmem>> -> memref<16xf32, #tpu.memory_space<vmem>>
    %dma_start3A_1116 = arith.constant 0 : i32
    %dma_start3A_1117 = tpu.memref_slice %arg3[%reduce_max3A_1094, %dma_start3A_1116] : memref<1000x16xf32, #tpu.memory_space<hbm>> -> memref<1x16xf32, #tpu.memory_space<hbm>>
    %dma_start3A_1118 = tpu.memref_squeeze %dma_start3A_1117 : memref<1x16xf32, #tpu.memory_space<hbm>> -> memref<16xf32, #tpu.memory_space<hbm>>
    tpu.enqueue_dma source(%dma_start3A_1118 : memref<16xf32, #tpu.memory_space<hbm>>) target(%dma_start3A_1115 : memref<16xf32, #tpu.memory_space<vmem>>) target_semaphore(%arg23 : memref<!tpu.dma_semaphore, #tpu.memory_space<semaphore_mem>>)
    %dma_start3A_1119 = arith.constant 21 : i32
    %dma_start3A_1120 = arith.constant 16 : i32
    %dma_start3A_1121 = tpu.memref_slice %arg14[%dma_start3A_1119, %dma_start3A_1120] : memref<32x128xf32, #tpu.memory_space<vmem>> -> memref<1x64xf32, #tpu.memory_space<vmem>>
    %dma_start3A_1122 = tpu.memref_squeeze %dma_start3A_1121 : memref<1x64xf32, #tpu.memory_space<vmem>> -> memref<64xf32, #tpu.memory_space<vmem>>
    %dma_start3A_1123 = arith.constant 0 : i32
    %dma_start3A_1124 = tpu.memref_slice %arg4[%reduce_max3A_1105, %dma_start3A_1123] : memref<100000x64xf32, #tpu.memory_space<hbm>> -> memref<1x64xf32, #tpu.memory_space<hbm>>
    %dma_start3A_1125 = tpu.memref_squeeze %dma_start3A_1124 : memref<1x64xf32, #tpu.memory_space<hbm>> -> memref<64xf32, #tpu.memory_space<hbm>>
    %dma_start3A_1126 = arith.constant 16 : i32
    %dma_start3A_1127 = tpu.memref_slice %arg14[%dma_start3A_1119, %dma_start3A_1126] : memref<32x128xf32, #tpu.memory_space<vmem>> -> memref<1x64xf32, #tpu.memory_space<vmem>>
    %dma_start3A_1128 = tpu.memref_squeeze %dma_start3A_1127 : memref<1x64xf32, #tpu.memory_space<vmem>> -> memref<64xf32, #tpu.memory_space<vmem>>
    %dma_start3A_1129 = arith.constant 0 : i32
    %dma_start3A_1130 = tpu.memref_slice %arg4[%reduce_max3A_1105, %dma_start3A_1129] : memref<100000x64xf32, #tpu.memory_space<hbm>> -> memref<1x64xf32, #tpu.memory_space<hbm>>
    %dma_start3A_1131 = tpu.memref_squeeze %dma_start3A_1130 : memref<1x64xf32, #tpu.memory_space<hbm>> -> memref<64xf32, #tpu.memory_space<hbm>>
    tpu.enqueue_dma source(%dma_start3A_1131 : memref<64xf32, #tpu.memory_space<hbm>>) target(%dma_start3A_1128 : memref<64xf32, #tpu.memory_space<vmem>>) target_semaphore(%arg23 : memref<!tpu.dma_semaphore, #tpu.memory_space<semaphore_mem>>)
    %eq3A_1132 = arith.constant 6 : i32
    %eq3A_1133 = vector.broadcast %eq3A_1132 : i32 to vector<16xi32>
    %eq3A_1134 = arith.cmpi eq, %iota3A, %eq3A_1133 : vector<16xi32>
    %jit3A_1135 = arith.constant -2147483648 : i32
    %broadcast_in_dim3A_1136 = vector.broadcast %jit3A_1135 : i32 to vector<16xi32>
    %select_n3A_1137 = arith.select %eq3A_1134, %get3A_823, %broadcast_in_dim3A_1136 : vector<16xi1>, vector<16xi32>
    %reduce_max3A_1138 = arith.constant true
    %reduce_max3A_1139 = vector.broadcast %reduce_max3A_1138 : i1 to vector<16xi1>
    %reduce_max3A_1140 = arith.constant -2147483648 : i32
    %reduce_max3A_1141 = vector.broadcast %reduce_max3A_1140 : i32 to vector<16xi32>
    %reduce_max3A_1142 = arith.xori %select_n3A_1137, %reduce_max3A_1141 : vector<16xi32>
    %reduce_max3A_1143 = tpu.scan <max>, %reduce_max3A_1142 masked %reduce_max3A_1139 : vector<16xi32>, vector<16xi1> -> vector<16xi32>
    %reduce_max3A_1144 = arith.xori %reduce_max3A_1143, %reduce_max3A_1141 : vector<16xi32>
    %reduce_max3A_1145 = vector.extract %reduce_max3A_1144[15] : i32 from vector<16xi32>
    %jit3A_1146 = arith.constant -2147483648 : i32
    %broadcast_in_dim3A_1147 = vector.broadcast %jit3A_1146 : i32 to vector<16xi32>
    %select_n3A_1148 = arith.select %eq3A_1134, %get3A_825, %broadcast_in_dim3A_1147 : vector<16xi1>, vector<16xi32>
    %reduce_max3A_1149 = arith.constant true
    %reduce_max3A_1150 = vector.broadcast %reduce_max3A_1149 : i1 to vector<16xi1>
    %reduce_max3A_1151 = arith.constant -2147483648 : i32
    %reduce_max3A_1152 = vector.broadcast %reduce_max3A_1151 : i32 to vector<16xi32>
    %reduce_max3A_1153 = arith.xori %select_n3A_1148, %reduce_max3A_1152 : vector<16xi32>
    %reduce_max3A_1154 = tpu.scan <max>, %reduce_max3A_1153 masked %reduce_max3A_1150 : vector<16xi32>, vector<16xi1> -> vector<16xi32>
    %reduce_max3A_1155 = arith.xori %reduce_max3A_1154, %reduce_max3A_1152 : vector<16xi32>
    %reduce_max3A_1156 = vector.extract %reduce_max3A_1155[15] : i32 from vector<16xi32>
    %dma_start3A_1157 = arith.constant 22 : i32
    %dma_start3A_1158 = arith.constant 0 : i32
    %dma_start3A_1159 = tpu.memref_slice %arg14[%dma_start3A_1157, %dma_start3A_1158] : memref<32x128xf32, #tpu.memory_space<vmem>> -> memref<1x16xf32, #tpu.memory_space<vmem>>
    %dma_start3A_1160 = tpu.memref_squeeze %dma_start3A_1159 : memref<1x16xf32, #tpu.memory_space<vmem>> -> memref<16xf32, #tpu.memory_space<vmem>>
    %dma_start3A_1161 = arith.constant 0 : i32
    %dma_start3A_1162 = tpu.memref_slice %arg3[%reduce_max3A_1145, %dma_start3A_1161] : memref<1000x16xf32, #tpu.memory_space<hbm>> -> memref<1x16xf32, #tpu.memory_space<hbm>>
    %dma_start3A_1163 = tpu.memref_squeeze %dma_start3A_1162 : memref<1x16xf32, #tpu.memory_space<hbm>> -> memref<16xf32, #tpu.memory_space<hbm>>
    %dma_start3A_1164 = arith.constant 0 : i32
    %dma_start3A_1165 = tpu.memref_slice %arg14[%dma_start3A_1157, %dma_start3A_1164] : memref<32x128xf32, #tpu.memory_space<vmem>> -> memref<1x16xf32, #tpu.memory_space<vmem>>
    %dma_start3A_1166 = tpu.memref_squeeze %dma_start3A_1165 : memref<1x16xf32, #tpu.memory_space<vmem>> -> memref<16xf32, #tpu.memory_space<vmem>>
    %dma_start3A_1167 = arith.constant 0 : i32
    %dma_start3A_1168 = tpu.memref_slice %arg3[%reduce_max3A_1145, %dma_start3A_1167] : memref<1000x16xf32, #tpu.memory_space<hbm>> -> memref<1x16xf32, #tpu.memory_space<hbm>>
    %dma_start3A_1169 = tpu.memref_squeeze %dma_start3A_1168 : memref<1x16xf32, #tpu.memory_space<hbm>> -> memref<16xf32, #tpu.memory_space<hbm>>
    tpu.enqueue_dma source(%dma_start3A_1169 : memref<16xf32, #tpu.memory_space<hbm>>) target(%dma_start3A_1166 : memref<16xf32, #tpu.memory_space<vmem>>) target_semaphore(%arg23 : memref<!tpu.dma_semaphore, #tpu.memory_space<semaphore_mem>>)
    %dma_start3A_1170 = arith.constant 22 : i32
    %dma_start3A_1171 = arith.constant 16 : i32
    %dma_start3A_1172 = tpu.memref_slice %arg14[%dma_start3A_1170, %dma_start3A_1171] : memref<32x128xf32, #tpu.memory_space<vmem>> -> memref<1x64xf32, #tpu.memory_space<vmem>>
    %dma_start3A_1173 = tpu.memref_squeeze %dma_start3A_1172 : memref<1x64xf32, #tpu.memory_space<vmem>> -> memref<64xf32, #tpu.memory_space<vmem>>
    %dma_start3A_1174 = arith.constant 0 : i32
    %dma_start3A_1175 = tpu.memref_slice %arg4[%reduce_max3A_1156, %dma_start3A_1174] : memref<100000x64xf32, #tpu.memory_space<hbm>> -> memref<1x64xf32, #tpu.memory_space<hbm>>
    %dma_start3A_1176 = tpu.memref_squeeze %dma_start3A_1175 : memref<1x64xf32, #tpu.memory_space<hbm>> -> memref<64xf32, #tpu.memory_space<hbm>>
    %dma_start3A_1177 = arith.constant 16 : i32
    %dma_start3A_1178 = tpu.memref_slice %arg14[%dma_start3A_1170, %dma_start3A_1177] : memref<32x128xf32, #tpu.memory_space<vmem>> -> memref<1x64xf32, #tpu.memory_space<vmem>>
    %dma_start3A_1179 = tpu.memref_squeeze %dma_start3A_1178 : memref<1x64xf32, #tpu.memory_space<vmem>> -> memref<64xf32, #tpu.memory_space<vmem>>
    %dma_start3A_1180 = arith.constant 0 : i32
    %dma_start3A_1181 = tpu.memref_slice %arg4[%reduce_max3A_1156, %dma_start3A_1180] : memref<100000x64xf32, #tpu.memory_space<hbm>> -> memref<1x64xf32, #tpu.memory_space<hbm>>
    %dma_start3A_1182 = tpu.memref_squeeze %dma_start3A_1181 : memref<1x64xf32, #tpu.memory_space<hbm>> -> memref<64xf32, #tpu.memory_space<hbm>>
    tpu.enqueue_dma source(%dma_start3A_1182 : memref<64xf32, #tpu.memory_space<hbm>>) target(%dma_start3A_1179 : memref<64xf32, #tpu.memory_space<vmem>>) target_semaphore(%arg23 : memref<!tpu.dma_semaphore, #tpu.memory_space<semaphore_mem>>)
    %eq3A_1183 = arith.constant 7 : i32
    %eq3A_1184 = vector.broadcast %eq3A_1183 : i32 to vector<16xi32>
    %eq3A_1185 = arith.cmpi eq, %iota3A, %eq3A_1184 : vector<16xi32>
    %jit3A_1186 = arith.constant -2147483648 : i32
    %broadcast_in_dim3A_1187 = vector.broadcast %jit3A_1186 : i32 to vector<16xi32>
    %select_n3A_1188 = arith.select %eq3A_1185, %get3A_823, %broadcast_in_dim3A_1187 : vector<16xi1>, vector<16xi32>
    %reduce_max3A_1189 = arith.constant true
    %reduce_max3A_1190 = vector.broadcast %reduce_max3A_1189 : i1 to vector<16xi1>
    %reduce_max3A_1191 = arith.constant -2147483648 : i32
    %reduce_max3A_1192 = vector.broadcast %reduce_max3A_1191 : i32 to vector<16xi32>
    %reduce_max3A_1193 = arith.xori %select_n3A_1188, %reduce_max3A_1192 : vector<16xi32>
    %reduce_max3A_1194 = tpu.scan <max>, %reduce_max3A_1193 masked %reduce_max3A_1190 : vector<16xi32>, vector<16xi1> -> vector<16xi32>
    %reduce_max3A_1195 = arith.xori %reduce_max3A_1194, %reduce_max3A_1192 : vector<16xi32>
    %reduce_max3A_1196 = vector.extract %reduce_max3A_1195[15] : i32 from vector<16xi32>
    %jit3A_1197 = arith.constant -2147483648 : i32
    %broadcast_in_dim3A_1198 = vector.broadcast %jit3A_1197 : i32 to vector<16xi32>
    %select_n3A_1199 = arith.select %eq3A_1185, %get3A_825, %broadcast_in_dim3A_1198 : vector<16xi1>, vector<16xi32>
    %reduce_max3A_1200 = arith.constant true
    %reduce_max3A_1201 = vector.broadcast %reduce_max3A_1200 : i1 to vector<16xi1>
    %reduce_max3A_1202 = arith.constant -2147483648 : i32
    %reduce_max3A_1203 = vector.broadcast %reduce_max3A_1202 : i32 to vector<16xi32>
    %reduce_max3A_1204 = arith.xori %select_n3A_1199, %reduce_max3A_1203 : vector<16xi32>
    %reduce_max3A_1205 = tpu.scan <max>, %reduce_max3A_1204 masked %reduce_max3A_1201 : vector<16xi32>, vector<16xi1> -> vector<16xi32>
    %reduce_max3A_1206 = arith.xori %reduce_max3A_1205, %reduce_max3A_1203 : vector<16xi32>
    %reduce_max3A_1207 = vector.extract %reduce_max3A_1206[15] : i32 from vector<16xi32>
    %dma_start3A_1208 = arith.constant 23 : i32
    %dma_start3A_1209 = arith.constant 0 : i32
    %dma_start3A_1210 = tpu.memref_slice %arg14[%dma_start3A_1208, %dma_start3A_1209] : memref<32x128xf32, #tpu.memory_space<vmem>> -> memref<1x16xf32, #tpu.memory_space<vmem>>
    %dma_start3A_1211 = tpu.memref_squeeze %dma_start3A_1210 : memref<1x16xf32, #tpu.memory_space<vmem>> -> memref<16xf32, #tpu.memory_space<vmem>>
    %dma_start3A_1212 = arith.constant 0 : i32
    %dma_start3A_1213 = tpu.memref_slice %arg3[%reduce_max3A_1196, %dma_start3A_1212] : memref<1000x16xf32, #tpu.memory_space<hbm>> -> memref<1x16xf32, #tpu.memory_space<hbm>>
    %dma_start3A_1214 = tpu.memref_squeeze %dma_start3A_1213 : memref<1x16xf32, #tpu.memory_space<hbm>> -> memref<16xf32, #tpu.memory_space<hbm>>
    %dma_start3A_1215 = arith.constant 0 : i32
    %dma_start3A_1216 = tpu.memref_slice %arg14[%dma_start3A_1208, %dma_start3A_1215] : memref<32x128xf32, #tpu.memory_space<vmem>> -> memref<1x16xf32, #tpu.memory_space<vmem>>
    %dma_start3A_1217 = tpu.memref_squeeze %dma_start3A_1216 : memref<1x16xf32, #tpu.memory_space<vmem>> -> memref<16xf32, #tpu.memory_space<vmem>>
    %dma_start3A_1218 = arith.constant 0 : i32
    %dma_start3A_1219 = tpu.memref_slice %arg3[%reduce_max3A_1196, %dma_start3A_1218] : memref<1000x16xf32, #tpu.memory_space<hbm>> -> memref<1x16xf32, #tpu.memory_space<hbm>>
    %dma_start3A_1220 = tpu.memref_squeeze %dma_start3A_1219 : memref<1x16xf32, #tpu.memory_space<hbm>> -> memref<16xf32, #tpu.memory_space<hbm>>
    tpu.enqueue_dma source(%dma_start3A_1220 : memref<16xf32, #tpu.memory_space<hbm>>) target(%dma_start3A_1217 : memref<16xf32, #tpu.memory_space<vmem>>) target_semaphore(%arg23 : memref<!tpu.dma_semaphore, #tpu.memory_space<semaphore_mem>>)
    %dma_start3A_1221 = arith.constant 23 : i32
    %dma_start3A_1222 = arith.constant 16 : i32
    %dma_start3A_1223 = tpu.memref_slice %arg14[%dma_start3A_1221, %dma_start3A_1222] : memref<32x128xf32, #tpu.memory_space<vmem>> -> memref<1x64xf32, #tpu.memory_space<vmem>>
    %dma_start3A_1224 = tpu.memref_squeeze %dma_start3A_1223 : memref<1x64xf32, #tpu.memory_space<vmem>> -> memref<64xf32, #tpu.memory_space<vmem>>
    %dma_start3A_1225 = arith.constant 0 : i32
    %dma_start3A_1226 = tpu.memref_slice %arg4[%reduce_max3A_1207, %dma_start3A_1225] : memref<100000x64xf32, #tpu.memory_space<hbm>> -> memref<1x64xf32, #tpu.memory_space<hbm>>
    %dma_start3A_1227 = tpu.memref_squeeze %dma_start3A_1226 : memref<1x64xf32, #tpu.memory_space<hbm>> -> memref<64xf32, #tpu.memory_space<hbm>>
    %dma_start3A_1228 = arith.constant 16 : i32
    %dma_start3A_1229 = tpu.memref_slice %arg14[%dma_start3A_1221, %dma_start3A_1228] : memref<32x128xf32, #tpu.memory_space<vmem>> -> memref<1x64xf32, #tpu.memory_space<vmem>>
    %dma_start3A_1230 = tpu.memref_squeeze %dma_start3A_1229 : memref<1x64xf32, #tpu.memory_space<vmem>> -> memref<64xf32, #tpu.memory_space<vmem>>
    %dma_start3A_1231 = arith.constant 0 : i32
    %dma_start3A_1232 = tpu.memref_slice %arg4[%reduce_max3A_1207, %dma_start3A_1231] : memref<100000x64xf32, #tpu.memory_space<hbm>> -> memref<1x64xf32, #tpu.memory_space<hbm>>
    %dma_start3A_1233 = tpu.memref_squeeze %dma_start3A_1232 : memref<1x64xf32, #tpu.memory_space<hbm>> -> memref<64xf32, #tpu.memory_space<hbm>>
    tpu.enqueue_dma source(%dma_start3A_1233 : memref<64xf32, #tpu.memory_space<hbm>>) target(%dma_start3A_1230 : memref<64xf32, #tpu.memory_space<vmem>>) target_semaphore(%arg23 : memref<!tpu.dma_semaphore, #tpu.memory_space<semaphore_mem>>)
    %eq3A_1234 = arith.constant 8 : i32
    %eq3A_1235 = vector.broadcast %eq3A_1234 : i32 to vector<16xi32>
    %eq3A_1236 = arith.cmpi eq, %iota3A, %eq3A_1235 : vector<16xi32>
    %jit3A_1237 = arith.constant -2147483648 : i32
    %broadcast_in_dim3A_1238 = vector.broadcast %jit3A_1237 : i32 to vector<16xi32>
    %select_n3A_1239 = arith.select %eq3A_1236, %get3A_823, %broadcast_in_dim3A_1238 : vector<16xi1>, vector<16xi32>
    %reduce_max3A_1240 = arith.constant true
    %reduce_max3A_1241 = vector.broadcast %reduce_max3A_1240 : i1 to vector<16xi1>
    %reduce_max3A_1242 = arith.constant -2147483648 : i32
    %reduce_max3A_1243 = vector.broadcast %reduce_max3A_1242 : i32 to vector<16xi32>
    %reduce_max3A_1244 = arith.xori %select_n3A_1239, %reduce_max3A_1243 : vector<16xi32>
    %reduce_max3A_1245 = tpu.scan <max>, %reduce_max3A_1244 masked %reduce_max3A_1241 : vector<16xi32>, vector<16xi1> -> vector<16xi32>
    %reduce_max3A_1246 = arith.xori %reduce_max3A_1245, %reduce_max3A_1243 : vector<16xi32>
    %reduce_max3A_1247 = vector.extract %reduce_max3A_1246[15] : i32 from vector<16xi32>
    %jit3A_1248 = arith.constant -2147483648 : i32
    %broadcast_in_dim3A_1249 = vector.broadcast %jit3A_1248 : i32 to vector<16xi32>
    %select_n3A_1250 = arith.select %eq3A_1236, %get3A_825, %broadcast_in_dim3A_1249 : vector<16xi1>, vector<16xi32>
    %reduce_max3A_1251 = arith.constant true
    %reduce_max3A_1252 = vector.broadcast %reduce_max3A_1251 : i1 to vector<16xi1>
    %reduce_max3A_1253 = arith.constant -2147483648 : i32
    %reduce_max3A_1254 = vector.broadcast %reduce_max3A_1253 : i32 to vector<16xi32>
    %reduce_max3A_1255 = arith.xori %select_n3A_1250, %reduce_max3A_1254 : vector<16xi32>
    %reduce_max3A_1256 = tpu.scan <max>, %reduce_max3A_1255 masked %reduce_max3A_1252 : vector<16xi32>, vector<16xi1> -> vector<16xi32>
    %reduce_max3A_1257 = arith.xori %reduce_max3A_1256, %reduce_max3A_1254 : vector<16xi32>
    %reduce_max3A_1258 = vector.extract %reduce_max3A_1257[15] : i32 from vector<16xi32>
    %dma_start3A_1259 = arith.constant 24 : i32
    %dma_start3A_1260 = arith.constant 0 : i32
    %dma_start3A_1261 = tpu.memref_slice %arg14[%dma_start3A_1259, %dma_start3A_1260] : memref<32x128xf32, #tpu.memory_space<vmem>> -> memref<1x16xf32, #tpu.memory_space<vmem>>
    %dma_start3A_1262 = tpu.memref_squeeze %dma_start3A_1261 : memref<1x16xf32, #tpu.memory_space<vmem>> -> memref<16xf32, #tpu.memory_space<vmem>>
    %dma_start3A_1263 = arith.constant 0 : i32
    %dma_start3A_1264 = tpu.memref_slice %arg3[%reduce_max3A_1247, %dma_start3A_1263] : memref<1000x16xf32, #tpu.memory_space<hbm>> -> memref<1x16xf32, #tpu.memory_space<hbm>>
    %dma_start3A_1265 = tpu.memref_squeeze %dma_start3A_1264 : memref<1x16xf32, #tpu.memory_space<hbm>> -> memref<16xf32, #tpu.memory_space<hbm>>
    %dma_start3A_1266 = arith.constant 0 : i32
    %dma_start3A_1267 = tpu.memref_slice %arg14[%dma_start3A_1259, %dma_start3A_1266] : memref<32x128xf32, #tpu.memory_space<vmem>> -> memref<1x16xf32, #tpu.memory_space<vmem>>
    %dma_start3A_1268 = tpu.memref_squeeze %dma_start3A_1267 : memref<1x16xf32, #tpu.memory_space<vmem>> -> memref<16xf32, #tpu.memory_space<vmem>>
    %dma_start3A_1269 = arith.constant 0 : i32
    %dma_start3A_1270 = tpu.memref_slice %arg3[%reduce_max3A_1247, %dma_start3A_1269] : memref<1000x16xf32, #tpu.memory_space<hbm>> -> memref<1x16xf32, #tpu.memory_space<hbm>>
    %dma_start3A_1271 = tpu.memref_squeeze %dma_start3A_1270 : memref<1x16xf32, #tpu.memory_space<hbm>> -> memref<16xf32, #tpu.memory_space<hbm>>
    tpu.enqueue_dma source(%dma_start3A_1271 : memref<16xf32, #tpu.memory_space<hbm>>) target(%dma_start3A_1268 : memref<16xf32, #tpu.memory_space<vmem>>) target_semaphore(%arg23 : memref<!tpu.dma_semaphore, #tpu.memory_space<semaphore_mem>>)
    %dma_start3A_1272 = arith.constant 24 : i32
    %dma_start3A_1273 = arith.constant 16 : i32
    %dma_start3A_1274 = tpu.memref_slice %arg14[%dma_start3A_1272, %dma_start3A_1273] : memref<32x128xf32, #tpu.memory_space<vmem>> -> memref<1x64xf32, #tpu.memory_space<vmem>>
    %dma_start3A_1275 = tpu.memref_squeeze %dma_start3A_1274 : memref<1x64xf32, #tpu.memory_space<vmem>> -> memref<64xf32, #tpu.memory_space<vmem>>
    %dma_start3A_1276 = arith.constant 0 : i32
    %dma_start3A_1277 = tpu.memref_slice %arg4[%reduce_max3A_1258, %dma_start3A_1276] : memref<100000x64xf32, #tpu.memory_space<hbm>> -> memref<1x64xf32, #tpu.memory_space<hbm>>
    %dma_start3A_1278 = tpu.memref_squeeze %dma_start3A_1277 : memref<1x64xf32, #tpu.memory_space<hbm>> -> memref<64xf32, #tpu.memory_space<hbm>>
    %dma_start3A_1279 = arith.constant 16 : i32
    %dma_start3A_1280 = tpu.memref_slice %arg14[%dma_start3A_1272, %dma_start3A_1279] : memref<32x128xf32, #tpu.memory_space<vmem>> -> memref<1x64xf32, #tpu.memory_space<vmem>>
    %dma_start3A_1281 = tpu.memref_squeeze %dma_start3A_1280 : memref<1x64xf32, #tpu.memory_space<vmem>> -> memref<64xf32, #tpu.memory_space<vmem>>
    %dma_start3A_1282 = arith.constant 0 : i32
    %dma_start3A_1283 = tpu.memref_slice %arg4[%reduce_max3A_1258, %dma_start3A_1282] : memref<100000x64xf32, #tpu.memory_space<hbm>> -> memref<1x64xf32, #tpu.memory_space<hbm>>
    %dma_start3A_1284 = tpu.memref_squeeze %dma_start3A_1283 : memref<1x64xf32, #tpu.memory_space<hbm>> -> memref<64xf32, #tpu.memory_space<hbm>>
    tpu.enqueue_dma source(%dma_start3A_1284 : memref<64xf32, #tpu.memory_space<hbm>>) target(%dma_start3A_1281 : memref<64xf32, #tpu.memory_space<vmem>>) target_semaphore(%arg23 : memref<!tpu.dma_semaphore, #tpu.memory_space<semaphore_mem>>)
    %eq3A_1285 = arith.constant 9 : i32
    %eq3A_1286 = vector.broadcast %eq3A_1285 : i32 to vector<16xi32>
    %eq3A_1287 = arith.cmpi eq, %iota3A, %eq3A_1286 : vector<16xi32>
    %jit3A_1288 = arith.constant -2147483648 : i32
    %broadcast_in_dim3A_1289 = vector.broadcast %jit3A_1288 : i32 to vector<16xi32>
    %select_n3A_1290 = arith.select %eq3A_1287, %get3A_823, %broadcast_in_dim3A_1289 : vector<16xi1>, vector<16xi32>
    %reduce_max3A_1291 = arith.constant true
    %reduce_max3A_1292 = vector.broadcast %reduce_max3A_1291 : i1 to vector<16xi1>
    %reduce_max3A_1293 = arith.constant -2147483648 : i32
    %reduce_max3A_1294 = vector.broadcast %reduce_max3A_1293 : i32 to vector<16xi32>
    %reduce_max3A_1295 = arith.xori %select_n3A_1290, %reduce_max3A_1294 : vector<16xi32>
    %reduce_max3A_1296 = tpu.scan <max>, %reduce_max3A_1295 masked %reduce_max3A_1292 : vector<16xi32>, vector<16xi1> -> vector<16xi32>
    %reduce_max3A_1297 = arith.xori %reduce_max3A_1296, %reduce_max3A_1294 : vector<16xi32>
    %reduce_max3A_1298 = vector.extract %reduce_max3A_1297[15] : i32 from vector<16xi32>
    %jit3A_1299 = arith.constant -2147483648 : i32
    %broadcast_in_dim3A_1300 = vector.broadcast %jit3A_1299 : i32 to vector<16xi32>
    %select_n3A_1301 = arith.select %eq3A_1287, %get3A_825, %broadcast_in_dim3A_1300 : vector<16xi1>, vector<16xi32>
    %reduce_max3A_1302 = arith.constant true
    %reduce_max3A_1303 = vector.broadcast %reduce_max3A_1302 : i1 to vector<16xi1>
    %reduce_max3A_1304 = arith.constant -2147483648 : i32
    %reduce_max3A_1305 = vector.broadcast %reduce_max3A_1304 : i32 to vector<16xi32>
    %reduce_max3A_1306 = arith.xori %select_n3A_1301, %reduce_max3A_1305 : vector<16xi32>
    %reduce_max3A_1307 = tpu.scan <max>, %reduce_max3A_1306 masked %reduce_max3A_1303 : vector<16xi32>, vector<16xi1> -> vector<16xi32>
    %reduce_max3A_1308 = arith.xori %reduce_max3A_1307, %reduce_max3A_1305 : vector<16xi32>
    %reduce_max3A_1309 = vector.extract %reduce_max3A_1308[15] : i32 from vector<16xi32>
    %dma_start3A_1310 = arith.constant 25 : i32
    %dma_start3A_1311 = arith.constant 0 : i32
    %dma_start3A_1312 = tpu.memref_slice %arg14[%dma_start3A_1310, %dma_start3A_1311] : memref<32x128xf32, #tpu.memory_space<vmem>> -> memref<1x16xf32, #tpu.memory_space<vmem>>
    %dma_start3A_1313 = tpu.memref_squeeze %dma_start3A_1312 : memref<1x16xf32, #tpu.memory_space<vmem>> -> memref<16xf32, #tpu.memory_space<vmem>>
    %dma_start3A_1314 = arith.constant 0 : i32
    %dma_start3A_1315 = tpu.memref_slice %arg3[%reduce_max3A_1298, %dma_start3A_1314] : memref<1000x16xf32, #tpu.memory_space<hbm>> -> memref<1x16xf32, #tpu.memory_space<hbm>>
    %dma_start3A_1316 = tpu.memref_squeeze %dma_start3A_1315 : memref<1x16xf32, #tpu.memory_space<hbm>> -> memref<16xf32, #tpu.memory_space<hbm>>
    %dma_start3A_1317 = arith.constant 0 : i32
    %dma_start3A_1318 = tpu.memref_slice %arg14[%dma_start3A_1310, %dma_start3A_1317] : memref<32x128xf32, #tpu.memory_space<vmem>> -> memref<1x16xf32, #tpu.memory_space<vmem>>
    %dma_start3A_1319 = tpu.memref_squeeze %dma_start3A_1318 : memref<1x16xf32, #tpu.memory_space<vmem>> -> memref<16xf32, #tpu.memory_space<vmem>>
    %dma_start3A_1320 = arith.constant 0 : i32
    %dma_start3A_1321 = tpu.memref_slice %arg3[%reduce_max3A_1298, %dma_start3A_1320] : memref<1000x16xf32, #tpu.memory_space<hbm>> -> memref<1x16xf32, #tpu.memory_space<hbm>>
    %dma_start3A_1322 = tpu.memref_squeeze %dma_start3A_1321 : memref<1x16xf32, #tpu.memory_space<hbm>> -> memref<16xf32, #tpu.memory_space<hbm>>
    tpu.enqueue_dma source(%dma_start3A_1322 : memref<16xf32, #tpu.memory_space<hbm>>) target(%dma_start3A_1319 : memref<16xf32, #tpu.memory_space<vmem>>) target_semaphore(%arg23 : memref<!tpu.dma_semaphore, #tpu.memory_space<semaphore_mem>>)
    %dma_start3A_1323 = arith.constant 25 : i32
    %dma_start3A_1324 = arith.constant 16 : i32
    %dma_start3A_1325 = tpu.memref_slice %arg14[%dma_start3A_1323, %dma_start3A_1324] : memref<32x128xf32, #tpu.memory_space<vmem>> -> memref<1x64xf32, #tpu.memory_space<vmem>>
    %dma_start3A_1326 = tpu.memref_squeeze %dma_start3A_1325 : memref<1x64xf32, #tpu.memory_space<vmem>> -> memref<64xf32, #tpu.memory_space<vmem>>
    %dma_start3A_1327 = arith.constant 0 : i32
    %dma_start3A_1328 = tpu.memref_slice %arg4[%reduce_max3A_1309, %dma_start3A_1327] : memref<100000x64xf32, #tpu.memory_space<hbm>> -> memref<1x64xf32, #tpu.memory_space<hbm>>
    %dma_start3A_1329 = tpu.memref_squeeze %dma_start3A_1328 : memref<1x64xf32, #tpu.memory_space<hbm>> -> memref<64xf32, #tpu.memory_space<hbm>>
    %dma_start3A_1330 = arith.constant 16 : i32
    %dma_start3A_1331 = tpu.memref_slice %arg14[%dma_start3A_1323, %dma_start3A_1330] : memref<32x128xf32, #tpu.memory_space<vmem>> -> memref<1x64xf32, #tpu.memory_space<vmem>>
    %dma_start3A_1332 = tpu.memref_squeeze %dma_start3A_1331 : memref<1x64xf32, #tpu.memory_space<vmem>> -> memref<64xf32, #tpu.memory_space<vmem>>
    %dma_start3A_1333 = arith.constant 0 : i32
    %dma_start3A_1334 = tpu.memref_slice %arg4[%reduce_max3A_1309, %dma_start3A_1333] : memref<100000x64xf32, #tpu.memory_space<hbm>> -> memref<1x64xf32, #tpu.memory_space<hbm>>
    %dma_start3A_1335 = tpu.memref_squeeze %dma_start3A_1334 : memref<1x64xf32, #tpu.memory_space<hbm>> -> memref<64xf32, #tpu.memory_space<hbm>>
    tpu.enqueue_dma source(%dma_start3A_1335 : memref<64xf32, #tpu.memory_space<hbm>>) target(%dma_start3A_1332 : memref<64xf32, #tpu.memory_space<vmem>>) target_semaphore(%arg23 : memref<!tpu.dma_semaphore, #tpu.memory_space<semaphore_mem>>)
    %eq3A_1336 = arith.constant 10 : i32
    %eq3A_1337 = vector.broadcast %eq3A_1336 : i32 to vector<16xi32>
    %eq3A_1338 = arith.cmpi eq, %iota3A, %eq3A_1337 : vector<16xi32>
    %jit3A_1339 = arith.constant -2147483648 : i32
    %broadcast_in_dim3A_1340 = vector.broadcast %jit3A_1339 : i32 to vector<16xi32>
    %select_n3A_1341 = arith.select %eq3A_1338, %get3A_823, %broadcast_in_dim3A_1340 : vector<16xi1>, vector<16xi32>
    %reduce_max3A_1342 = arith.constant true
    %reduce_max3A_1343 = vector.broadcast %reduce_max3A_1342 : i1 to vector<16xi1>
    %reduce_max3A_1344 = arith.constant -2147483648 : i32
    %reduce_max3A_1345 = vector.broadcast %reduce_max3A_1344 : i32 to vector<16xi32>
    %reduce_max3A_1346 = arith.xori %select_n3A_1341, %reduce_max3A_1345 : vector<16xi32>
    %reduce_max3A_1347 = tpu.scan <max>, %reduce_max3A_1346 masked %reduce_max3A_1343 : vector<16xi32>, vector<16xi1> -> vector<16xi32>
    %reduce_max3A_1348 = arith.xori %reduce_max3A_1347, %reduce_max3A_1345 : vector<16xi32>
    %reduce_max3A_1349 = vector.extract %reduce_max3A_1348[15] : i32 from vector<16xi32>
    %jit3A_1350 = arith.constant -2147483648 : i32
    %broadcast_in_dim3A_1351 = vector.broadcast %jit3A_1350 : i32 to vector<16xi32>
    %select_n3A_1352 = arith.select %eq3A_1338, %get3A_825, %broadcast_in_dim3A_1351 : vector<16xi1>, vector<16xi32>
    %reduce_max3A_1353 = arith.constant true
    %reduce_max3A_1354 = vector.broadcast %reduce_max3A_1353 : i1 to vector<16xi1>
    %reduce_max3A_1355 = arith.constant -2147483648 : i32
    %reduce_max3A_1356 = vector.broadcast %reduce_max3A_1355 : i32 to vector<16xi32>
    %reduce_max3A_1357 = arith.xori %select_n3A_1352, %reduce_max3A_1356 : vector<16xi32>
    %reduce_max3A_1358 = tpu.scan <max>, %reduce_max3A_1357 masked %reduce_max3A_1354 : vector<16xi32>, vector<16xi1> -> vector<16xi32>
    %reduce_max3A_1359 = arith.xori %reduce_max3A_1358, %reduce_max3A_1356 : vector<16xi32>
    %reduce_max3A_1360 = vector.extract %reduce_max3A_1359[15] : i32 from vector<16xi32>
    %dma_start3A_1361 = arith.constant 26 : i32
    %dma_start3A_1362 = arith.constant 0 : i32
    %dma_start3A_1363 = tpu.memref_slice %arg14[%dma_start3A_1361, %dma_start3A_1362] : memref<32x128xf32, #tpu.memory_space<vmem>> -> memref<1x16xf32, #tpu.memory_space<vmem>>
    %dma_start3A_1364 = tpu.memref_squeeze %dma_start3A_1363 : memref<1x16xf32, #tpu.memory_space<vmem>> -> memref<16xf32, #tpu.memory_space<vmem>>
    %dma_start3A_1365 = arith.constant 0 : i32
    %dma_start3A_1366 = tpu.memref_slice %arg3[%reduce_max3A_1349, %dma_start3A_1365] : memref<1000x16xf32, #tpu.memory_space<hbm>> -> memref<1x16xf32, #tpu.memory_space<hbm>>
    %dma_start3A_1367 = tpu.memref_squeeze %dma_start3A_1366 : memref<1x16xf32, #tpu.memory_space<hbm>> -> memref<16xf32, #tpu.memory_space<hbm>>
    %dma_start3A_1368 = arith.constant 0 : i32
    %dma_start3A_1369 = tpu.memref_slice %arg14[%dma_start3A_1361, %dma_start3A_1368] : memref<32x128xf32, #tpu.memory_space<vmem>> -> memref<1x16xf32, #tpu.memory_space<vmem>>
    %dma_start3A_1370 = tpu.memref_squeeze %dma_start3A_1369 : memref<1x16xf32, #tpu.memory_space<vmem>> -> memref<16xf32, #tpu.memory_space<vmem>>
    %dma_start3A_1371 = arith.constant 0 : i32
    %dma_start3A_1372 = tpu.memref_slice %arg3[%reduce_max3A_1349, %dma_start3A_1371] : memref<1000x16xf32, #tpu.memory_space<hbm>> -> memref<1x16xf32, #tpu.memory_space<hbm>>
    %dma_start3A_1373 = tpu.memref_squeeze %dma_start3A_1372 : memref<1x16xf32, #tpu.memory_space<hbm>> -> memref<16xf32, #tpu.memory_space<hbm>>
    tpu.enqueue_dma source(%dma_start3A_1373 : memref<16xf32, #tpu.memory_space<hbm>>) target(%dma_start3A_1370 : memref<16xf32, #tpu.memory_space<vmem>>) target_semaphore(%arg23 : memref<!tpu.dma_semaphore, #tpu.memory_space<semaphore_mem>>)
    %dma_start3A_1374 = arith.constant 26 : i32
    %dma_start3A_1375 = arith.constant 16 : i32
    %dma_start3A_1376 = tpu.memref_slice %arg14[%dma_start3A_1374, %dma_start3A_1375] : memref<32x128xf32, #tpu.memory_space<vmem>> -> memref<1x64xf32, #tpu.memory_space<vmem>>
    %dma_start3A_1377 = tpu.memref_squeeze %dma_start3A_1376 : memref<1x64xf32, #tpu.memory_space<vmem>> -> memref<64xf32, #tpu.memory_space<vmem>>
    %dma_start3A_1378 = arith.constant 0 : i32
    %dma_start3A_1379 = tpu.memref_slice %arg4[%reduce_max3A_1360, %dma_start3A_1378] : memref<100000x64xf32, #tpu.memory_space<hbm>> -> memref<1x64xf32, #tpu.memory_space<hbm>>
    %dma_start3A_1380 = tpu.memref_squeeze %dma_start3A_1379 : memref<1x64xf32, #tpu.memory_space<hbm>> -> memref<64xf32, #tpu.memory_space<hbm>>
    %dma_start3A_1381 = arith.constant 16 : i32
    %dma_start3A_1382 = tpu.memref_slice %arg14[%dma_start3A_1374, %dma_start3A_1381] : memref<32x128xf32, #tpu.memory_space<vmem>> -> memref<1x64xf32, #tpu.memory_space<vmem>>
    %dma_start3A_1383 = tpu.memref_squeeze %dma_start3A_1382 : memref<1x64xf32, #tpu.memory_space<vmem>> -> memref<64xf32, #tpu.memory_space<vmem>>
    %dma_start3A_1384 = arith.constant 0 : i32
    %dma_start3A_1385 = tpu.memref_slice %arg4[%reduce_max3A_1360, %dma_start3A_1384] : memref<100000x64xf32, #tpu.memory_space<hbm>> -> memref<1x64xf32, #tpu.memory_space<hbm>>
    %dma_start3A_1386 = tpu.memref_squeeze %dma_start3A_1385 : memref<1x64xf32, #tpu.memory_space<hbm>> -> memref<64xf32, #tpu.memory_space<hbm>>
    tpu.enqueue_dma source(%dma_start3A_1386 : memref<64xf32, #tpu.memory_space<hbm>>) target(%dma_start3A_1383 : memref<64xf32, #tpu.memory_space<vmem>>) target_semaphore(%arg23 : memref<!tpu.dma_semaphore, #tpu.memory_space<semaphore_mem>>)
    %eq3A_1387 = arith.constant 11 : i32
    %eq3A_1388 = vector.broadcast %eq3A_1387 : i32 to vector<16xi32>
    %eq3A_1389 = arith.cmpi eq, %iota3A, %eq3A_1388 : vector<16xi32>
    %jit3A_1390 = arith.constant -2147483648 : i32
    %broadcast_in_dim3A_1391 = vector.broadcast %jit3A_1390 : i32 to vector<16xi32>
    %select_n3A_1392 = arith.select %eq3A_1389, %get3A_823, %broadcast_in_dim3A_1391 : vector<16xi1>, vector<16xi32>
    %reduce_max3A_1393 = arith.constant true
    %reduce_max3A_1394 = vector.broadcast %reduce_max3A_1393 : i1 to vector<16xi1>
    %reduce_max3A_1395 = arith.constant -2147483648 : i32
    %reduce_max3A_1396 = vector.broadcast %reduce_max3A_1395 : i32 to vector<16xi32>
    %reduce_max3A_1397 = arith.xori %select_n3A_1392, %reduce_max3A_1396 : vector<16xi32>
    %reduce_max3A_1398 = tpu.scan <max>, %reduce_max3A_1397 masked %reduce_max3A_1394 : vector<16xi32>, vector<16xi1> -> vector<16xi32>
    %reduce_max3A_1399 = arith.xori %reduce_max3A_1398, %reduce_max3A_1396 : vector<16xi32>
    %reduce_max3A_1400 = vector.extract %reduce_max3A_1399[15] : i32 from vector<16xi32>
    %jit3A_1401 = arith.constant -2147483648 : i32
    %broadcast_in_dim3A_1402 = vector.broadcast %jit3A_1401 : i32 to vector<16xi32>
    %select_n3A_1403 = arith.select %eq3A_1389, %get3A_825, %broadcast_in_dim3A_1402 : vector<16xi1>, vector<16xi32>
    %reduce_max3A_1404 = arith.constant true
    %reduce_max3A_1405 = vector.broadcast %reduce_max3A_1404 : i1 to vector<16xi1>
    %reduce_max3A_1406 = arith.constant -2147483648 : i32
    %reduce_max3A_1407 = vector.broadcast %reduce_max3A_1406 : i32 to vector<16xi32>
    %reduce_max3A_1408 = arith.xori %select_n3A_1403, %reduce_max3A_1407 : vector<16xi32>
    %reduce_max3A_1409 = tpu.scan <max>, %reduce_max3A_1408 masked %reduce_max3A_1405 : vector<16xi32>, vector<16xi1> -> vector<16xi32>
    %reduce_max3A_1410 = arith.xori %reduce_max3A_1409, %reduce_max3A_1407 : vector<16xi32>
    %reduce_max3A_1411 = vector.extract %reduce_max3A_1410[15] : i32 from vector<16xi32>
    %dma_start3A_1412 = arith.constant 27 : i32
    %dma_start3A_1413 = arith.constant 0 : i32
    %dma_start3A_1414 = tpu.memref_slice %arg14[%dma_start3A_1412, %dma_start3A_1413] : memref<32x128xf32, #tpu.memory_space<vmem>> -> memref<1x16xf32, #tpu.memory_space<vmem>>
    %dma_start3A_1415 = tpu.memref_squeeze %dma_start3A_1414 : memref<1x16xf32, #tpu.memory_space<vmem>> -> memref<16xf32, #tpu.memory_space<vmem>>
    %dma_start3A_1416 = arith.constant 0 : i32
    %dma_start3A_1417 = tpu.memref_slice %arg3[%reduce_max3A_1400, %dma_start3A_1416] : memref<1000x16xf32, #tpu.memory_space<hbm>> -> memref<1x16xf32, #tpu.memory_space<hbm>>
    %dma_start3A_1418 = tpu.memref_squeeze %dma_start3A_1417 : memref<1x16xf32, #tpu.memory_space<hbm>> -> memref<16xf32, #tpu.memory_space<hbm>>
    %dma_start3A_1419 = arith.constant 0 : i32
    %dma_start3A_1420 = tpu.memref_slice %arg14[%dma_start3A_1412, %dma_start3A_1419] : memref<32x128xf32, #tpu.memory_space<vmem>> -> memref<1x16xf32, #tpu.memory_space<vmem>>
    %dma_start3A_1421 = tpu.memref_squeeze %dma_start3A_1420 : memref<1x16xf32, #tpu.memory_space<vmem>> -> memref<16xf32, #tpu.memory_space<vmem>>
    %dma_start3A_1422 = arith.constant 0 : i32
    %dma_start3A_1423 = tpu.memref_slice %arg3[%reduce_max3A_1400, %dma_start3A_1422] : memref<1000x16xf32, #tpu.memory_space<hbm>> -> memref<1x16xf32, #tpu.memory_space<hbm>>
    %dma_start3A_1424 = tpu.memref_squeeze %dma_start3A_1423 : memref<1x16xf32, #tpu.memory_space<hbm>> -> memref<16xf32, #tpu.memory_space<hbm>>
    tpu.enqueue_dma source(%dma_start3A_1424 : memref<16xf32, #tpu.memory_space<hbm>>) target(%dma_start3A_1421 : memref<16xf32, #tpu.memory_space<vmem>>) target_semaphore(%arg23 : memref<!tpu.dma_semaphore, #tpu.memory_space<semaphore_mem>>)
    %dma_start3A_1425 = arith.constant 27 : i32
    %dma_start3A_1426 = arith.constant 16 : i32
    %dma_start3A_1427 = tpu.memref_slice %arg14[%dma_start3A_1425, %dma_start3A_1426] : memref<32x128xf32, #tpu.memory_space<vmem>> -> memref<1x64xf32, #tpu.memory_space<vmem>>
    %dma_start3A_1428 = tpu.memref_squeeze %dma_start3A_1427 : memref<1x64xf32, #tpu.memory_space<vmem>> -> memref<64xf32, #tpu.memory_space<vmem>>
    %dma_start3A_1429 = arith.constant 0 : i32
    %dma_start3A_1430 = tpu.memref_slice %arg4[%reduce_max3A_1411, %dma_start3A_1429] : memref<100000x64xf32, #tpu.memory_space<hbm>> -> memref<1x64xf32, #tpu.memory_space<hbm>>
    %dma_start3A_1431 = tpu.memref_squeeze %dma_start3A_1430 : memref<1x64xf32, #tpu.memory_space<hbm>> -> memref<64xf32, #tpu.memory_space<hbm>>
    %dma_start3A_1432 = arith.constant 16 : i32
    %dma_start3A_1433 = tpu.memref_slice %arg14[%dma_start3A_1425, %dma_start3A_1432] : memref<32x128xf32, #tpu.memory_space<vmem>> -> memref<1x64xf32, #tpu.memory_space<vmem>>
    %dma_start3A_1434 = tpu.memref_squeeze %dma_start3A_1433 : memref<1x64xf32, #tpu.memory_space<vmem>> -> memref<64xf32, #tpu.memory_space<vmem>>
    %dma_start3A_1435 = arith.constant 0 : i32
    %dma_start3A_1436 = tpu.memref_slice %arg4[%reduce_max3A_1411, %dma_start3A_1435] : memref<100000x64xf32, #tpu.memory_space<hbm>> -> memref<1x64xf32, #tpu.memory_space<hbm>>
    %dma_start3A_1437 = tpu.memref_squeeze %dma_start3A_1436 : memref<1x64xf32, #tpu.memory_space<hbm>> -> memref<64xf32, #tpu.memory_space<hbm>>
    tpu.enqueue_dma source(%dma_start3A_1437 : memref<64xf32, #tpu.memory_space<hbm>>) target(%dma_start3A_1434 : memref<64xf32, #tpu.memory_space<vmem>>) target_semaphore(%arg23 : memref<!tpu.dma_semaphore, #tpu.memory_space<semaphore_mem>>)
    %eq3A_1438 = arith.constant 12 : i32
    %eq3A_1439 = vector.broadcast %eq3A_1438 : i32 to vector<16xi32>
    %eq3A_1440 = arith.cmpi eq, %iota3A, %eq3A_1439 : vector<16xi32>
    %jit3A_1441 = arith.constant -2147483648 : i32
    %broadcast_in_dim3A_1442 = vector.broadcast %jit3A_1441 : i32 to vector<16xi32>
    %select_n3A_1443 = arith.select %eq3A_1440, %get3A_823, %broadcast_in_dim3A_1442 : vector<16xi1>, vector<16xi32>
    %reduce_max3A_1444 = arith.constant true
    %reduce_max3A_1445 = vector.broadcast %reduce_max3A_1444 : i1 to vector<16xi1>
    %reduce_max3A_1446 = arith.constant -2147483648 : i32
    %reduce_max3A_1447 = vector.broadcast %reduce_max3A_1446 : i32 to vector<16xi32>
    %reduce_max3A_1448 = arith.xori %select_n3A_1443, %reduce_max3A_1447 : vector<16xi32>
    %reduce_max3A_1449 = tpu.scan <max>, %reduce_max3A_1448 masked %reduce_max3A_1445 : vector<16xi32>, vector<16xi1> -> vector<16xi32>
    %reduce_max3A_1450 = arith.xori %reduce_max3A_1449, %reduce_max3A_1447 : vector<16xi32>
    %reduce_max3A_1451 = vector.extract %reduce_max3A_1450[15] : i32 from vector<16xi32>
    %jit3A_1452 = arith.constant -2147483648 : i32
    %broadcast_in_dim3A_1453 = vector.broadcast %jit3A_1452 : i32 to vector<16xi32>
    %select_n3A_1454 = arith.select %eq3A_1440, %get3A_825, %broadcast_in_dim3A_1453 : vector<16xi1>, vector<16xi32>
    %reduce_max3A_1455 = arith.constant true
    %reduce_max3A_1456 = vector.broadcast %reduce_max3A_1455 : i1 to vector<16xi1>
    %reduce_max3A_1457 = arith.constant -2147483648 : i32
    %reduce_max3A_1458 = vector.broadcast %reduce_max3A_1457 : i32 to vector<16xi32>
    %reduce_max3A_1459 = arith.xori %select_n3A_1454, %reduce_max3A_1458 : vector<16xi32>
    %reduce_max3A_1460 = tpu.scan <max>, %reduce_max3A_1459 masked %reduce_max3A_1456 : vector<16xi32>, vector<16xi1> -> vector<16xi32>
    %reduce_max3A_1461 = arith.xori %reduce_max3A_1460, %reduce_max3A_1458 : vector<16xi32>
    %reduce_max3A_1462 = vector.extract %reduce_max3A_1461[15] : i32 from vector<16xi32>
    %dma_start3A_1463 = arith.constant 28 : i32
    %dma_start3A_1464 = arith.constant 0 : i32
    %dma_start3A_1465 = tpu.memref_slice %arg14[%dma_start3A_1463, %dma_start3A_1464] : memref<32x128xf32, #tpu.memory_space<vmem>> -> memref<1x16xf32, #tpu.memory_space<vmem>>
    %dma_start3A_1466 = tpu.memref_squeeze %dma_start3A_1465 : memref<1x16xf32, #tpu.memory_space<vmem>> -> memref<16xf32, #tpu.memory_space<vmem>>
    %dma_start3A_1467 = arith.constant 0 : i32
    %dma_start3A_1468 = tpu.memref_slice %arg3[%reduce_max3A_1451, %dma_start3A_1467] : memref<1000x16xf32, #tpu.memory_space<hbm>> -> memref<1x16xf32, #tpu.memory_space<hbm>>
    %dma_start3A_1469 = tpu.memref_squeeze %dma_start3A_1468 : memref<1x16xf32, #tpu.memory_space<hbm>> -> memref<16xf32, #tpu.memory_space<hbm>>
    %dma_start3A_1470 = arith.constant 0 : i32
    %dma_start3A_1471 = tpu.memref_slice %arg14[%dma_start3A_1463, %dma_start3A_1470] : memref<32x128xf32, #tpu.memory_space<vmem>> -> memref<1x16xf32, #tpu.memory_space<vmem>>
    %dma_start3A_1472 = tpu.memref_squeeze %dma_start3A_1471 : memref<1x16xf32, #tpu.memory_space<vmem>> -> memref<16xf32, #tpu.memory_space<vmem>>
    %dma_start3A_1473 = arith.constant 0 : i32
    %dma_start3A_1474 = tpu.memref_slice %arg3[%reduce_max3A_1451, %dma_start3A_1473] : memref<1000x16xf32, #tpu.memory_space<hbm>> -> memref<1x16xf32, #tpu.memory_space<hbm>>
    %dma_start3A_1475 = tpu.memref_squeeze %dma_start3A_1474 : memref<1x16xf32, #tpu.memory_space<hbm>> -> memref<16xf32, #tpu.memory_space<hbm>>
    tpu.enqueue_dma source(%dma_start3A_1475 : memref<16xf32, #tpu.memory_space<hbm>>) target(%dma_start3A_1472 : memref<16xf32, #tpu.memory_space<vmem>>) target_semaphore(%arg23 : memref<!tpu.dma_semaphore, #tpu.memory_space<semaphore_mem>>)
    %dma_start3A_1476 = arith.constant 28 : i32
    %dma_start3A_1477 = arith.constant 16 : i32
    %dma_start3A_1478 = tpu.memref_slice %arg14[%dma_start3A_1476, %dma_start3A_1477] : memref<32x128xf32, #tpu.memory_space<vmem>> -> memref<1x64xf32, #tpu.memory_space<vmem>>
    %dma_start3A_1479 = tpu.memref_squeeze %dma_start3A_1478 : memref<1x64xf32, #tpu.memory_space<vmem>> -> memref<64xf32, #tpu.memory_space<vmem>>
    %dma_start3A_1480 = arith.constant 0 : i32
    %dma_start3A_1481 = tpu.memref_slice %arg4[%reduce_max3A_1462, %dma_start3A_1480] : memref<100000x64xf32, #tpu.memory_space<hbm>> -> memref<1x64xf32, #tpu.memory_space<hbm>>
    %dma_start3A_1482 = tpu.memref_squeeze %dma_start3A_1481 : memref<1x64xf32, #tpu.memory_space<hbm>> -> memref<64xf32, #tpu.memory_space<hbm>>
    %dma_start3A_1483 = arith.constant 16 : i32
    %dma_start3A_1484 = tpu.memref_slice %arg14[%dma_start3A_1476, %dma_start3A_1483] : memref<32x128xf32, #tpu.memory_space<vmem>> -> memref<1x64xf32, #tpu.memory_space<vmem>>
    %dma_start3A_1485 = tpu.memref_squeeze %dma_start3A_1484 : memref<1x64xf32, #tpu.memory_space<vmem>> -> memref<64xf32, #tpu.memory_space<vmem>>
    %dma_start3A_1486 = arith.constant 0 : i32
    %dma_start3A_1487 = tpu.memref_slice %arg4[%reduce_max3A_1462, %dma_start3A_1486] : memref<100000x64xf32, #tpu.memory_space<hbm>> -> memref<1x64xf32, #tpu.memory_space<hbm>>
    %dma_start3A_1488 = tpu.memref_squeeze %dma_start3A_1487 : memref<1x64xf32, #tpu.memory_space<hbm>> -> memref<64xf32, #tpu.memory_space<hbm>>
    tpu.enqueue_dma source(%dma_start3A_1488 : memref<64xf32, #tpu.memory_space<hbm>>) target(%dma_start3A_1485 : memref<64xf32, #tpu.memory_space<vmem>>) target_semaphore(%arg23 : memref<!tpu.dma_semaphore, #tpu.memory_space<semaphore_mem>>)
    %eq3A_1489 = arith.constant 13 : i32
    %eq3A_1490 = vector.broadcast %eq3A_1489 : i32 to vector<16xi32>
    %eq3A_1491 = arith.cmpi eq, %iota3A, %eq3A_1490 : vector<16xi32>
    %jit3A_1492 = arith.constant -2147483648 : i32
    %broadcast_in_dim3A_1493 = vector.broadcast %jit3A_1492 : i32 to vector<16xi32>
    %select_n3A_1494 = arith.select %eq3A_1491, %get3A_823, %broadcast_in_dim3A_1493 : vector<16xi1>, vector<16xi32>
    %reduce_max3A_1495 = arith.constant true
    %reduce_max3A_1496 = vector.broadcast %reduce_max3A_1495 : i1 to vector<16xi1>
    %reduce_max3A_1497 = arith.constant -2147483648 : i32
    %reduce_max3A_1498 = vector.broadcast %reduce_max3A_1497 : i32 to vector<16xi32>
    %reduce_max3A_1499 = arith.xori %select_n3A_1494, %reduce_max3A_1498 : vector<16xi32>
    %reduce_max3A_1500 = tpu.scan <max>, %reduce_max3A_1499 masked %reduce_max3A_1496 : vector<16xi32>, vector<16xi1> -> vector<16xi32>
    %reduce_max3A_1501 = arith.xori %reduce_max3A_1500, %reduce_max3A_1498 : vector<16xi32>
    %reduce_max3A_1502 = vector.extract %reduce_max3A_1501[15] : i32 from vector<16xi32>
    %jit3A_1503 = arith.constant -2147483648 : i32
    %broadcast_in_dim3A_1504 = vector.broadcast %jit3A_1503 : i32 to vector<16xi32>
    %select_n3A_1505 = arith.select %eq3A_1491, %get3A_825, %broadcast_in_dim3A_1504 : vector<16xi1>, vector<16xi32>
    %reduce_max3A_1506 = arith.constant true
    %reduce_max3A_1507 = vector.broadcast %reduce_max3A_1506 : i1 to vector<16xi1>
    %reduce_max3A_1508 = arith.constant -2147483648 : i32
    %reduce_max3A_1509 = vector.broadcast %reduce_max3A_1508 : i32 to vector<16xi32>
    %reduce_max3A_1510 = arith.xori %select_n3A_1505, %reduce_max3A_1509 : vector<16xi32>
    %reduce_max3A_1511 = tpu.scan <max>, %reduce_max3A_1510 masked %reduce_max3A_1507 : vector<16xi32>, vector<16xi1> -> vector<16xi32>
    %reduce_max3A_1512 = arith.xori %reduce_max3A_1511, %reduce_max3A_1509 : vector<16xi32>
    %reduce_max3A_1513 = vector.extract %reduce_max3A_1512[15] : i32 from vector<16xi32>
    %dma_start3A_1514 = arith.constant 29 : i32
    %dma_start3A_1515 = arith.constant 0 : i32
    %dma_start3A_1516 = tpu.memref_slice %arg14[%dma_start3A_1514, %dma_start3A_1515] : memref<32x128xf32, #tpu.memory_space<vmem>> -> memref<1x16xf32, #tpu.memory_space<vmem>>
    %dma_start3A_1517 = tpu.memref_squeeze %dma_start3A_1516 : memref<1x16xf32, #tpu.memory_space<vmem>> -> memref<16xf32, #tpu.memory_space<vmem>>
    %dma_start3A_1518 = arith.constant 0 : i32
    %dma_start3A_1519 = tpu.memref_slice %arg3[%reduce_max3A_1502, %dma_start3A_1518] : memref<1000x16xf32, #tpu.memory_space<hbm>> -> memref<1x16xf32, #tpu.memory_space<hbm>>
    %dma_start3A_1520 = tpu.memref_squeeze %dma_start3A_1519 : memref<1x16xf32, #tpu.memory_space<hbm>> -> memref<16xf32, #tpu.memory_space<hbm>>
    %dma_start3A_1521 = arith.constant 0 : i32
    %dma_start3A_1522 = tpu.memref_slice %arg14[%dma_start3A_1514, %dma_start3A_1521] : memref<32x128xf32, #tpu.memory_space<vmem>> -> memref<1x16xf32, #tpu.memory_space<vmem>>
    %dma_start3A_1523 = tpu.memref_squeeze %dma_start3A_1522 : memref<1x16xf32, #tpu.memory_space<vmem>> -> memref<16xf32, #tpu.memory_space<vmem>>
    %dma_start3A_1524 = arith.constant 0 : i32
    %dma_start3A_1525 = tpu.memref_slice %arg3[%reduce_max3A_1502, %dma_start3A_1524] : memref<1000x16xf32, #tpu.memory_space<hbm>> -> memref<1x16xf32, #tpu.memory_space<hbm>>
    %dma_start3A_1526 = tpu.memref_squeeze %dma_start3A_1525 : memref<1x16xf32, #tpu.memory_space<hbm>> -> memref<16xf32, #tpu.memory_space<hbm>>
    tpu.enqueue_dma source(%dma_start3A_1526 : memref<16xf32, #tpu.memory_space<hbm>>) target(%dma_start3A_1523 : memref<16xf32, #tpu.memory_space<vmem>>) target_semaphore(%arg23 : memref<!tpu.dma_semaphore, #tpu.memory_space<semaphore_mem>>)
    %dma_start3A_1527 = arith.constant 29 : i32
    %dma_start3A_1528 = arith.constant 16 : i32
    %dma_start3A_1529 = tpu.memref_slice %arg14[%dma_start3A_1527, %dma_start3A_1528] : memref<32x128xf32, #tpu.memory_space<vmem>> -> memref<1x64xf32, #tpu.memory_space<vmem>>
    %dma_start3A_1530 = tpu.memref_squeeze %dma_start3A_1529 : memref<1x64xf32, #tpu.memory_space<vmem>> -> memref<64xf32, #tpu.memory_space<vmem>>
    %dma_start3A_1531 = arith.constant 0 : i32
    %dma_start3A_1532 = tpu.memref_slice %arg4[%reduce_max3A_1513, %dma_start3A_1531] : memref<100000x64xf32, #tpu.memory_space<hbm>> -> memref<1x64xf32, #tpu.memory_space<hbm>>
    %dma_start3A_1533 = tpu.memref_squeeze %dma_start3A_1532 : memref<1x64xf32, #tpu.memory_space<hbm>> -> memref<64xf32, #tpu.memory_space<hbm>>
    %dma_start3A_1534 = arith.constant 16 : i32
    %dma_start3A_1535 = tpu.memref_slice %arg14[%dma_start3A_1527, %dma_start3A_1534] : memref<32x128xf32, #tpu.memory_space<vmem>> -> memref<1x64xf32, #tpu.memory_space<vmem>>
    %dma_start3A_1536 = tpu.memref_squeeze %dma_start3A_1535 : memref<1x64xf32, #tpu.memory_space<vmem>> -> memref<64xf32, #tpu.memory_space<vmem>>
    %dma_start3A_1537 = arith.constant 0 : i32
    %dma_start3A_1538 = tpu.memref_slice %arg4[%reduce_max3A_1513, %dma_start3A_1537] : memref<100000x64xf32, #tpu.memory_space<hbm>> -> memref<1x64xf32, #tpu.memory_space<hbm>>
    %dma_start3A_1539 = tpu.memref_squeeze %dma_start3A_1538 : memref<1x64xf32, #tpu.memory_space<hbm>> -> memref<64xf32, #tpu.memory_space<hbm>>
    tpu.enqueue_dma source(%dma_start3A_1539 : memref<64xf32, #tpu.memory_space<hbm>>) target(%dma_start3A_1536 : memref<64xf32, #tpu.memory_space<vmem>>) target_semaphore(%arg23 : memref<!tpu.dma_semaphore, #tpu.memory_space<semaphore_mem>>)
    %eq3A_1540 = arith.constant 14 : i32
    %eq3A_1541 = vector.broadcast %eq3A_1540 : i32 to vector<16xi32>
    %eq3A_1542 = arith.cmpi eq, %iota3A, %eq3A_1541 : vector<16xi32>
    %jit3A_1543 = arith.constant -2147483648 : i32
    %broadcast_in_dim3A_1544 = vector.broadcast %jit3A_1543 : i32 to vector<16xi32>
    %select_n3A_1545 = arith.select %eq3A_1542, %get3A_823, %broadcast_in_dim3A_1544 : vector<16xi1>, vector<16xi32>
    %reduce_max3A_1546 = arith.constant true
    %reduce_max3A_1547 = vector.broadcast %reduce_max3A_1546 : i1 to vector<16xi1>
    %reduce_max3A_1548 = arith.constant -2147483648 : i32
    %reduce_max3A_1549 = vector.broadcast %reduce_max3A_1548 : i32 to vector<16xi32>
    %reduce_max3A_1550 = arith.xori %select_n3A_1545, %reduce_max3A_1549 : vector<16xi32>
    %reduce_max3A_1551 = tpu.scan <max>, %reduce_max3A_1550 masked %reduce_max3A_1547 : vector<16xi32>, vector<16xi1> -> vector<16xi32>
    %reduce_max3A_1552 = arith.xori %reduce_max3A_1551, %reduce_max3A_1549 : vector<16xi32>
    %reduce_max3A_1553 = vector.extract %reduce_max3A_1552[15] : i32 from vector<16xi32>
    %jit3A_1554 = arith.constant -2147483648 : i32
    %broadcast_in_dim3A_1555 = vector.broadcast %jit3A_1554 : i32 to vector<16xi32>
    %select_n3A_1556 = arith.select %eq3A_1542, %get3A_825, %broadcast_in_dim3A_1555 : vector<16xi1>, vector<16xi32>
    %reduce_max3A_1557 = arith.constant true
    %reduce_max3A_1558 = vector.broadcast %reduce_max3A_1557 : i1 to vector<16xi1>
    %reduce_max3A_1559 = arith.constant -2147483648 : i32
    %reduce_max3A_1560 = vector.broadcast %reduce_max3A_1559 : i32 to vector<16xi32>
    %reduce_max3A_1561 = arith.xori %select_n3A_1556, %reduce_max3A_1560 : vector<16xi32>
    %reduce_max3A_1562 = tpu.scan <max>, %reduce_max3A_1561 masked %reduce_max3A_1558 : vector<16xi32>, vector<16xi1> -> vector<16xi32>
    %reduce_max3A_1563 = arith.xori %reduce_max3A_1562, %reduce_max3A_1560 : vector<16xi32>
    %reduce_max3A_1564 = vector.extract %reduce_max3A_1563[15] : i32 from vector<16xi32>
    %dma_start3A_1565 = arith.constant 30 : i32
    %dma_start3A_1566 = arith.constant 0 : i32
    %dma_start3A_1567 = tpu.memref_slice %arg14[%dma_start3A_1565, %dma_start3A_1566] : memref<32x128xf32, #tpu.memory_space<vmem>> -> memref<1x16xf32, #tpu.memory_space<vmem>>
    %dma_start3A_1568 = tpu.memref_squeeze %dma_start3A_1567 : memref<1x16xf32, #tpu.memory_space<vmem>> -> memref<16xf32, #tpu.memory_space<vmem>>
    %dma_start3A_1569 = arith.constant 0 : i32
    %dma_start3A_1570 = tpu.memref_slice %arg3[%reduce_max3A_1553, %dma_start3A_1569] : memref<1000x16xf32, #tpu.memory_space<hbm>> -> memref<1x16xf32, #tpu.memory_space<hbm>>
    %dma_start3A_1571 = tpu.memref_squeeze %dma_start3A_1570 : memref<1x16xf32, #tpu.memory_space<hbm>> -> memref<16xf32, #tpu.memory_space<hbm>>
    %dma_start3A_1572 = arith.constant 0 : i32
    %dma_start3A_1573 = tpu.memref_slice %arg14[%dma_start3A_1565, %dma_start3A_1572] : memref<32x128xf32, #tpu.memory_space<vmem>> -> memref<1x16xf32, #tpu.memory_space<vmem>>
    %dma_start3A_1574 = tpu.memref_squeeze %dma_start3A_1573 : memref<1x16xf32, #tpu.memory_space<vmem>> -> memref<16xf32, #tpu.memory_space<vmem>>
    %dma_start3A_1575 = arith.constant 0 : i32
    %dma_start3A_1576 = tpu.memref_slice %arg3[%reduce_max3A_1553, %dma_start3A_1575] : memref<1000x16xf32, #tpu.memory_space<hbm>> -> memref<1x16xf32, #tpu.memory_space<hbm>>
    %dma_start3A_1577 = tpu.memref_squeeze %dma_start3A_1576 : memref<1x16xf32, #tpu.memory_space<hbm>> -> memref<16xf32, #tpu.memory_space<hbm>>
    tpu.enqueue_dma source(%dma_start3A_1577 : memref<16xf32, #tpu.memory_space<hbm>>) target(%dma_start3A_1574 : memref<16xf32, #tpu.memory_space<vmem>>) target_semaphore(%arg23 : memref<!tpu.dma_semaphore, #tpu.memory_space<semaphore_mem>>)
    %dma_start3A_1578 = arith.constant 30 : i32
    %dma_start3A_1579 = arith.constant 16 : i32
    %dma_start3A_1580 = tpu.memref_slice %arg14[%dma_start3A_1578, %dma_start3A_1579] : memref<32x128xf32, #tpu.memory_space<vmem>> -> memref<1x64xf32, #tpu.memory_space<vmem>>
    %dma_start3A_1581 = tpu.memref_squeeze %dma_start3A_1580 : memref<1x64xf32, #tpu.memory_space<vmem>> -> memref<64xf32, #tpu.memory_space<vmem>>
    %dma_start3A_1582 = arith.constant 0 : i32
    %dma_start3A_1583 = tpu.memref_slice %arg4[%reduce_max3A_1564, %dma_start3A_1582] : memref<100000x64xf32, #tpu.memory_space<hbm>> -> memref<1x64xf32, #tpu.memory_space<hbm>>
    %dma_start3A_1584 = tpu.memref_squeeze %dma_start3A_1583 : memref<1x64xf32, #tpu.memory_space<hbm>> -> memref<64xf32, #tpu.memory_space<hbm>>
    %dma_start3A_1585 = arith.constant 16 : i32
    %dma_start3A_1586 = tpu.memref_slice %arg14[%dma_start3A_1578, %dma_start3A_1585] : memref<32x128xf32, #tpu.memory_space<vmem>> -> memref<1x64xf32, #tpu.memory_space<vmem>>
    %dma_start3A_1587 = tpu.memref_squeeze %dma_start3A_1586 : memref<1x64xf32, #tpu.memory_space<vmem>> -> memref<64xf32, #tpu.memory_space<vmem>>
    %dma_start3A_1588 = arith.constant 0 : i32
    %dma_start3A_1589 = tpu.memref_slice %arg4[%reduce_max3A_1564, %dma_start3A_1588] : memref<100000x64xf32, #tpu.memory_space<hbm>> -> memref<1x64xf32, #tpu.memory_space<hbm>>
    %dma_start3A_1590 = tpu.memref_squeeze %dma_start3A_1589 : memref<1x64xf32, #tpu.memory_space<hbm>> -> memref<64xf32, #tpu.memory_space<hbm>>
    tpu.enqueue_dma source(%dma_start3A_1590 : memref<64xf32, #tpu.memory_space<hbm>>) target(%dma_start3A_1587 : memref<64xf32, #tpu.memory_space<vmem>>) target_semaphore(%arg23 : memref<!tpu.dma_semaphore, #tpu.memory_space<semaphore_mem>>)
    %eq3A_1591 = arith.constant 15 : i32
    %eq3A_1592 = vector.broadcast %eq3A_1591 : i32 to vector<16xi32>
    %eq3A_1593 = arith.cmpi eq, %iota3A, %eq3A_1592 : vector<16xi32>
    %jit3A_1594 = arith.constant -2147483648 : i32
    %broadcast_in_dim3A_1595 = vector.broadcast %jit3A_1594 : i32 to vector<16xi32>
    %select_n3A_1596 = arith.select %eq3A_1593, %get3A_823, %broadcast_in_dim3A_1595 : vector<16xi1>, vector<16xi32>
    %reduce_max3A_1597 = arith.constant true
    %reduce_max3A_1598 = vector.broadcast %reduce_max3A_1597 : i1 to vector<16xi1>
    %reduce_max3A_1599 = arith.constant -2147483648 : i32
    %reduce_max3A_1600 = vector.broadcast %reduce_max3A_1599 : i32 to vector<16xi32>
    %reduce_max3A_1601 = arith.xori %select_n3A_1596, %reduce_max3A_1600 : vector<16xi32>
    %reduce_max3A_1602 = tpu.scan <max>, %reduce_max3A_1601 masked %reduce_max3A_1598 : vector<16xi32>, vector<16xi1> -> vector<16xi32>
    %reduce_max3A_1603 = arith.xori %reduce_max3A_1602, %reduce_max3A_1600 : vector<16xi32>
    %reduce_max3A_1604 = vector.extract %reduce_max3A_1603[15] : i32 from vector<16xi32>
    %jit3A_1605 = arith.constant -2147483648 : i32
    %broadcast_in_dim3A_1606 = vector.broadcast %jit3A_1605 : i32 to vector<16xi32>
    %select_n3A_1607 = arith.select %eq3A_1593, %get3A_825, %broadcast_in_dim3A_1606 : vector<16xi1>, vector<16xi32>
    %reduce_max3A_1608 = arith.constant true
    %reduce_max3A_1609 = vector.broadcast %reduce_max3A_1608 : i1 to vector<16xi1>
    %reduce_max3A_1610 = arith.constant -2147483648 : i32
    %reduce_max3A_1611 = vector.broadcast %reduce_max3A_1610 : i32 to vector<16xi32>
    %reduce_max3A_1612 = arith.xori %select_n3A_1607, %reduce_max3A_1611 : vector<16xi32>
    %reduce_max3A_1613 = tpu.scan <max>, %reduce_max3A_1612 masked %reduce_max3A_1609 : vector<16xi32>, vector<16xi1> -> vector<16xi32>
    %reduce_max3A_1614 = arith.xori %reduce_max3A_1613, %reduce_max3A_1611 : vector<16xi32>
    %reduce_max3A_1615 = vector.extract %reduce_max3A_1614[15] : i32 from vector<16xi32>
    %dma_start3A_1616 = arith.constant 31 : i32
    %dma_start3A_1617 = arith.constant 0 : i32
    %dma_start3A_1618 = tpu.memref_slice %arg14[%dma_start3A_1616, %dma_start3A_1617] : memref<32x128xf32, #tpu.memory_space<vmem>> -> memref<1x16xf32, #tpu.memory_space<vmem>>
    %dma_start3A_1619 = tpu.memref_squeeze %dma_start3A_1618 : memref<1x16xf32, #tpu.memory_space<vmem>> -> memref<16xf32, #tpu.memory_space<vmem>>
    %dma_start3A_1620 = arith.constant 0 : i32
    %dma_start3A_1621 = tpu.memref_slice %arg3[%reduce_max3A_1604, %dma_start3A_1620] : memref<1000x16xf32, #tpu.memory_space<hbm>> -> memref<1x16xf32, #tpu.memory_space<hbm>>
    %dma_start3A_1622 = tpu.memref_squeeze %dma_start3A_1621 : memref<1x16xf32, #tpu.memory_space<hbm>> -> memref<16xf32, #tpu.memory_space<hbm>>
    %dma_start3A_1623 = arith.constant 0 : i32
    %dma_start3A_1624 = tpu.memref_slice %arg14[%dma_start3A_1616, %dma_start3A_1623] : memref<32x128xf32, #tpu.memory_space<vmem>> -> memref<1x16xf32, #tpu.memory_space<vmem>>
    %dma_start3A_1625 = tpu.memref_squeeze %dma_start3A_1624 : memref<1x16xf32, #tpu.memory_space<vmem>> -> memref<16xf32, #tpu.memory_space<vmem>>
    %dma_start3A_1626 = arith.constant 0 : i32
    %dma_start3A_1627 = tpu.memref_slice %arg3[%reduce_max3A_1604, %dma_start3A_1626] : memref<1000x16xf32, #tpu.memory_space<hbm>> -> memref<1x16xf32, #tpu.memory_space<hbm>>
    %dma_start3A_1628 = tpu.memref_squeeze %dma_start3A_1627 : memref<1x16xf32, #tpu.memory_space<hbm>> -> memref<16xf32, #tpu.memory_space<hbm>>
    tpu.enqueue_dma source(%dma_start3A_1628 : memref<16xf32, #tpu.memory_space<hbm>>) target(%dma_start3A_1625 : memref<16xf32, #tpu.memory_space<vmem>>) target_semaphore(%arg23 : memref<!tpu.dma_semaphore, #tpu.memory_space<semaphore_mem>>)
    %dma_start3A_1629 = arith.constant 31 : i32
    %dma_start3A_1630 = arith.constant 16 : i32
    %dma_start3A_1631 = tpu.memref_slice %arg14[%dma_start3A_1629, %dma_start3A_1630] : memref<32x128xf32, #tpu.memory_space<vmem>> -> memref<1x64xf32, #tpu.memory_space<vmem>>
    %dma_start3A_1632 = tpu.memref_squeeze %dma_start3A_1631 : memref<1x64xf32, #tpu.memory_space<vmem>> -> memref<64xf32, #tpu.memory_space<vmem>>
    %dma_start3A_1633 = arith.constant 0 : i32
    %dma_start3A_1634 = tpu.memref_slice %arg4[%reduce_max3A_1615, %dma_start3A_1633] : memref<100000x64xf32, #tpu.memory_space<hbm>> -> memref<1x64xf32, #tpu.memory_space<hbm>>
    %dma_start3A_1635 = tpu.memref_squeeze %dma_start3A_1634 : memref<1x64xf32, #tpu.memory_space<hbm>> -> memref<64xf32, #tpu.memory_space<hbm>>
    %dma_start3A_1636 = arith.constant 16 : i32
    %dma_start3A_1637 = tpu.memref_slice %arg14[%dma_start3A_1629, %dma_start3A_1636] : memref<32x128xf32, #tpu.memory_space<vmem>> -> memref<1x64xf32, #tpu.memory_space<vmem>>
    %dma_start3A_1638 = tpu.memref_squeeze %dma_start3A_1637 : memref<1x64xf32, #tpu.memory_space<vmem>> -> memref<64xf32, #tpu.memory_space<vmem>>
    %dma_start3A_1639 = arith.constant 0 : i32
    %dma_start3A_1640 = tpu.memref_slice %arg4[%reduce_max3A_1615, %dma_start3A_1639] : memref<100000x64xf32, #tpu.memory_space<hbm>> -> memref<1x64xf32, #tpu.memory_space<hbm>>
    %dma_start3A_1641 = tpu.memref_squeeze %dma_start3A_1640 : memref<1x64xf32, #tpu.memory_space<hbm>> -> memref<64xf32, #tpu.memory_space<hbm>>
    tpu.enqueue_dma source(%dma_start3A_1641 : memref<64xf32, #tpu.memory_space<hbm>>) target(%dma_start3A_1638 : memref<64xf32, #tpu.memory_space<vmem>>) target_semaphore(%arg23 : memref<!tpu.dma_semaphore, #tpu.memory_space<semaphore_mem>>)
    %dma_wait3A = arith.constant 0 : i32
    %dma_wait3A_1642 = arith.constant 0 : i32
    %dma_wait3A_1643 = arith.constant 0 : i32
    %dma_wait3A_1644 = tpu.memref_slice %arg14[%dma_wait3A_1642, %dma_wait3A_1643] : memref<32x128xf32, #tpu.memory_space<vmem>> -> memref<1x16xf32, #tpu.memory_space<vmem>>
    %dma_wait3A_1645 = tpu.memref_squeeze %dma_wait3A_1644 : memref<1x16xf32, #tpu.memory_space<vmem>> -> memref<16xf32, #tpu.memory_space<vmem>>
    %dma_wait3A_1646 = arith.constant 0 : i32
    %dma_wait3A_1647 = tpu.memref_slice %arg3[%dma_wait3A, %dma_wait3A_1646] : memref<1000x16xf32, #tpu.memory_space<hbm>> -> memref<1x16xf32, #tpu.memory_space<hbm>>
    %dma_wait3A_1648 = tpu.memref_squeeze %dma_wait3A_1647 : memref<1x16xf32, #tpu.memory_space<hbm>> -> memref<16xf32, #tpu.memory_space<hbm>>
    %dma_wait3A_1649 = arith.constant 0 : i32
    %dma_wait3A_1650 = tpu.memref_slice %arg14[%dma_wait3A_1642, %dma_wait3A_1649] : memref<32x128xf32, #tpu.memory_space<vmem>> -> memref<1x16xf32, #tpu.memory_space<vmem>>
    %dma_wait3A_1651 = tpu.memref_squeeze %dma_wait3A_1650 : memref<1x16xf32, #tpu.memory_space<vmem>> -> memref<16xf32, #tpu.memory_space<vmem>>
    %dma_wait3A_1652 = arith.constant 0 : i32
    %dma_wait3A_1653 = tpu.memref_slice %arg3[%dma_wait3A, %dma_wait3A_1652] : memref<1000x16xf32, #tpu.memory_space<hbm>> -> memref<1x16xf32, #tpu.memory_space<hbm>>
    %dma_wait3A_1654 = tpu.memref_squeeze %dma_wait3A_1653 : memref<1x16xf32, #tpu.memory_space<hbm>> -> memref<16xf32, #tpu.memory_space<hbm>>
    tpu.wait_dma2 semaphore(%arg23 : memref<!tpu.dma_semaphore, #tpu.memory_space<semaphore_mem>>) src(%dma_wait3A_1654 : memref<16xf32, #tpu.memory_space<hbm>>) dst(%dma_wait3A_1651 : memref<16xf32, #tpu.memory_space<vmem>>)
    %dma_wait3A_1655 = arith.constant 0 : i32
    %dma_wait3A_1656 = arith.constant 0 : i32
    %dma_wait3A_1657 = arith.constant 16 : i32
    %dma_wait3A_1658 = tpu.memref_slice %arg14[%dma_wait3A_1656, %dma_wait3A_1657] : memref<32x128xf32, #tpu.memory_space<vmem>> -> memref<1x64xf32, #tpu.memory_space<vmem>>
    %dma_wait3A_1659 = tpu.memref_squeeze %dma_wait3A_1658 : memref<1x64xf32, #tpu.memory_space<vmem>> -> memref<64xf32, #tpu.memory_space<vmem>>
    %dma_wait3A_1660 = arith.constant 0 : i32
    %dma_wait3A_1661 = tpu.memref_slice %arg4[%dma_wait3A_1655, %dma_wait3A_1660] : memref<100000x64xf32, #tpu.memory_space<hbm>> -> memref<1x64xf32, #tpu.memory_space<hbm>>
    %dma_wait3A_1662 = tpu.memref_squeeze %dma_wait3A_1661 : memref<1x64xf32, #tpu.memory_space<hbm>> -> memref<64xf32, #tpu.memory_space<hbm>>
    %dma_wait3A_1663 = arith.constant 16 : i32
    %dma_wait3A_1664 = tpu.memref_slice %arg14[%dma_wait3A_1656, %dma_wait3A_1663] : memref<32x128xf32, #tpu.memory_space<vmem>> -> memref<1x64xf32, #tpu.memory_space<vmem>>
    %dma_wait3A_1665 = tpu.memref_squeeze %dma_wait3A_1664 : memref<1x64xf32, #tpu.memory_space<vmem>> -> memref<64xf32, #tpu.memory_space<vmem>>
    %dma_wait3A_1666 = arith.constant 0 : i32
    %dma_wait3A_1667 = tpu.memref_slice %arg4[%dma_wait3A_1655, %dma_wait3A_1666] : memref<100000x64xf32, #tpu.memory_space<hbm>> -> memref<1x64xf32, #tpu.memory_space<hbm>>
    %dma_wait3A_1668 = tpu.memref_squeeze %dma_wait3A_1667 : memref<1x64xf32, #tpu.memory_space<hbm>> -> memref<64xf32, #tpu.memory_space<hbm>>
    tpu.wait_dma2 semaphore(%arg23 : memref<!tpu.dma_semaphore, #tpu.memory_space<semaphore_mem>>) src(%dma_wait3A_1668 : memref<64xf32, #tpu.memory_space<hbm>>) dst(%dma_wait3A_1665 : memref<64xf32, #tpu.memory_space<vmem>>)
    %dma_wait3A_1669 = arith.constant 0 : i32
    %dma_wait3A_1670 = arith.constant 1 : i32
    %dma_wait3A_1671 = arith.constant 0 : i32
    %dma_wait3A_1672 = tpu.memref_slice %arg14[%dma_wait3A_1670, %dma_wait3A_1671] : memref<32x128xf32, #tpu.memory_space<vmem>> -> memref<1x16xf32, #tpu.memory_space<vmem>>
    %dma_wait3A_1673 = tpu.memref_squeeze %dma_wait3A_1672 : memref<1x16xf32, #tpu.memory_space<vmem>> -> memref<16xf32, #tpu.memory_space<vmem>>
    %dma_wait3A_1674 = arith.constant 0 : i32
    %dma_wait3A_1675 = tpu.memref_slice %arg3[%dma_wait3A_1669, %dma_wait3A_1674] : memref<1000x16xf32, #tpu.memory_space<hbm>> -> memref<1x16xf32, #tpu.memory_space<hbm>>
    %dma_wait3A_1676 = tpu.memref_squeeze %dma_wait3A_1675 : memref<1x16xf32, #tpu.memory_space<hbm>> -> memref<16xf32, #tpu.memory_space<hbm>>
    %dma_wait3A_1677 = arith.constant 0 : i32
    %dma_wait3A_1678 = tpu.memref_slice %arg14[%dma_wait3A_1670, %dma_wait3A_1677] : memref<32x128xf32, #tpu.memory_space<vmem>> -> memref<1x16xf32, #tpu.memory_space<vmem>>
    %dma_wait3A_1679 = tpu.memref_squeeze %dma_wait3A_1678 : memref<1x16xf32, #tpu.memory_space<vmem>> -> memref<16xf32, #tpu.memory_space<vmem>>
    %dma_wait3A_1680 = arith.constant 0 : i32
    %dma_wait3A_1681 = tpu.memref_slice %arg3[%dma_wait3A_1669, %dma_wait3A_1680] : memref<1000x16xf32, #tpu.memory_space<hbm>> -> memref<1x16xf32, #tpu.memory_space<hbm>>
    %dma_wait3A_1682 = tpu.memref_squeeze %dma_wait3A_1681 : memref<1x16xf32, #tpu.memory_space<hbm>> -> memref<16xf32, #tpu.memory_space<hbm>>
    tpu.wait_dma2 semaphore(%arg23 : memref<!tpu.dma_semaphore, #tpu.memory_space<semaphore_mem>>) src(%dma_wait3A_1682 : memref<16xf32, #tpu.memory_space<hbm>>) dst(%dma_wait3A_1679 : memref<16xf32, #tpu.memory_space<vmem>>)
    %dma_wait3A_1683 = arith.constant 0 : i32
    %dma_wait3A_1684 = arith.constant 1 : i32
    %dma_wait3A_1685 = arith.constant 16 : i32
    %dma_wait3A_1686 = tpu.memref_slice %arg14[%dma_wait3A_1684, %dma_wait3A_1685] : memref<32x128xf32, #tpu.memory_space<vmem>> -> memref<1x64xf32, #tpu.memory_space<vmem>>
    %dma_wait3A_1687 = tpu.memref_squeeze %dma_wait3A_1686 : memref<1x64xf32, #tpu.memory_space<vmem>> -> memref<64xf32, #tpu.memory_space<vmem>>
    %dma_wait3A_1688 = arith.constant 0 : i32
    %dma_wait3A_1689 = tpu.memref_slice %arg4[%dma_wait3A_1683, %dma_wait3A_1688] : memref<100000x64xf32, #tpu.memory_space<hbm>> -> memref<1x64xf32, #tpu.memory_space<hbm>>
    %dma_wait3A_1690 = tpu.memref_squeeze %dma_wait3A_1689 : memref<1x64xf32, #tpu.memory_space<hbm>> -> memref<64xf32, #tpu.memory_space<hbm>>
    %dma_wait3A_1691 = arith.constant 16 : i32
    %dma_wait3A_1692 = tpu.memref_slice %arg14[%dma_wait3A_1684, %dma_wait3A_1691] : memref<32x128xf32, #tpu.memory_space<vmem>> -> memref<1x64xf32, #tpu.memory_space<vmem>>
    %dma_wait3A_1693 = tpu.memref_squeeze %dma_wait3A_1692 : memref<1x64xf32, #tpu.memory_space<vmem>> -> memref<64xf32, #tpu.memory_space<vmem>>
    %dma_wait3A_1694 = arith.constant 0 : i32
    %dma_wait3A_1695 = tpu.memref_slice %arg4[%dma_wait3A_1683, %dma_wait3A_1694] : memref<100000x64xf32, #tpu.memory_space<hbm>> -> memref<1x64xf32, #tpu.memory_space<hbm>>
    %dma_wait3A_1696 = tpu.memref_squeeze %dma_wait3A_1695 : memref<1x64xf32, #tpu.memory_space<hbm>> -> memref<64xf32, #tpu.memory_space<hbm>>
    tpu.wait_dma2 semaphore(%arg23 : memref<!tpu.dma_semaphore, #tpu.memory_space<semaphore_mem>>) src(%dma_wait3A_1696 : memref<64xf32, #tpu.memory_space<hbm>>) dst(%dma_wait3A_1693 : memref<64xf32, #tpu.memory_space<vmem>>)
    %dma_wait3A_1697 = arith.constant 0 : i32
    %dma_wait3A_1698 = arith.constant 2 : i32
    %dma_wait3A_1699 = arith.constant 0 : i32
    %dma_wait3A_1700 = tpu.memref_slice %arg14[%dma_wait3A_1698, %dma_wait3A_1699] : memref<32x128xf32, #tpu.memory_space<vmem>> -> memref<1x16xf32, #tpu.memory_space<vmem>>
    %dma_wait3A_1701 = tpu.memref_squeeze %dma_wait3A_1700 : memref<1x16xf32, #tpu.memory_space<vmem>> -> memref<16xf32, #tpu.memory_space<vmem>>
    %dma_wait3A_1702 = arith.constant 0 : i32
    %dma_wait3A_1703 = tpu.memref_slice %arg3[%dma_wait3A_1697, %dma_wait3A_1702] : memref<1000x16xf32, #tpu.memory_space<hbm>> -> memref<1x16xf32, #tpu.memory_space<hbm>>
    %dma_wait3A_1704 = tpu.memref_squeeze %dma_wait3A_1703 : memref<1x16xf32, #tpu.memory_space<hbm>> -> memref<16xf32, #tpu.memory_space<hbm>>
    %dma_wait3A_1705 = arith.constant 0 : i32
    %dma_wait3A_1706 = tpu.memref_slice %arg14[%dma_wait3A_1698, %dma_wait3A_1705] : memref<32x128xf32, #tpu.memory_space<vmem>> -> memref<1x16xf32, #tpu.memory_space<vmem>>
    %dma_wait3A_1707 = tpu.memref_squeeze %dma_wait3A_1706 : memref<1x16xf32, #tpu.memory_space<vmem>> -> memref<16xf32, #tpu.memory_space<vmem>>
    %dma_wait3A_1708 = arith.constant 0 : i32
    %dma_wait3A_1709 = tpu.memref_slice %arg3[%dma_wait3A_1697, %dma_wait3A_1708] : memref<1000x16xf32, #tpu.memory_space<hbm>> -> memref<1x16xf32, #tpu.memory_space<hbm>>
    %dma_wait3A_1710 = tpu.memref_squeeze %dma_wait3A_1709 : memref<1x16xf32, #tpu.memory_space<hbm>> -> memref<16xf32, #tpu.memory_space<hbm>>
    tpu.wait_dma2 semaphore(%arg23 : memref<!tpu.dma_semaphore, #tpu.memory_space<semaphore_mem>>) src(%dma_wait3A_1710 : memref<16xf32, #tpu.memory_space<hbm>>) dst(%dma_wait3A_1707 : memref<16xf32, #tpu.memory_space<vmem>>)
    %dma_wait3A_1711 = arith.constant 0 : i32
    %dma_wait3A_1712 = arith.constant 2 : i32
    %dma_wait3A_1713 = arith.constant 16 : i32
    %dma_wait3A_1714 = tpu.memref_slice %arg14[%dma_wait3A_1712, %dma_wait3A_1713] : memref<32x128xf32, #tpu.memory_space<vmem>> -> memref<1x64xf32, #tpu.memory_space<vmem>>
    %dma_wait3A_1715 = tpu.memref_squeeze %dma_wait3A_1714 : memref<1x64xf32, #tpu.memory_space<vmem>> -> memref<64xf32, #tpu.memory_space<vmem>>
    %dma_wait3A_1716 = arith.constant 0 : i32
    %dma_wait3A_1717 = tpu.memref_slice %arg4[%dma_wait3A_1711, %dma_wait3A_1716] : memref<100000x64xf32, #tpu.memory_space<hbm>> -> memref<1x64xf32, #tpu.memory_space<hbm>>
    %dma_wait3A_1718 = tpu.memref_squeeze %dma_wait3A_1717 : memref<1x64xf32, #tpu.memory_space<hbm>> -> memref<64xf32, #tpu.memory_space<hbm>>
    %dma_wait3A_1719 = arith.constant 16 : i32
    %dma_wait3A_1720 = tpu.memref_slice %arg14[%dma_wait3A_1712, %dma_wait3A_1719] : memref<32x128xf32, #tpu.memory_space<vmem>> -> memref<1x64xf32, #tpu.memory_space<vmem>>
    %dma_wait3A_1721 = tpu.memref_squeeze %dma_wait3A_1720 : memref<1x64xf32, #tpu.memory_space<vmem>> -> memref<64xf32, #tpu.memory_space<vmem>>
    %dma_wait3A_1722 = arith.constant 0 : i32
    %dma_wait3A_1723 = tpu.memref_slice %arg4[%dma_wait3A_1711, %dma_wait3A_1722] : memref<100000x64xf32, #tpu.memory_space<hbm>> -> memref<1x64xf32, #tpu.memory_space<hbm>>
    %dma_wait3A_1724 = tpu.memref_squeeze %dma_wait3A_1723 : memref<1x64xf32, #tpu.memory_space<hbm>> -> memref<64xf32, #tpu.memory_space<hbm>>
    tpu.wait_dma2 semaphore(%arg23 : memref<!tpu.dma_semaphore, #tpu.memory_space<semaphore_mem>>) src(%dma_wait3A_1724 : memref<64xf32, #tpu.memory_space<hbm>>) dst(%dma_wait3A_1721 : memref<64xf32, #tpu.memory_space<vmem>>)
    %dma_wait3A_1725 = arith.constant 0 : i32
    %dma_wait3A_1726 = arith.constant 3 : i32
    %dma_wait3A_1727 = arith.constant 0 : i32
    %dma_wait3A_1728 = tpu.memref_slice %arg14[%dma_wait3A_1726, %dma_wait3A_1727] : memref<32x128xf32, #tpu.memory_space<vmem>> -> memref<1x16xf32, #tpu.memory_space<vmem>>
    %dma_wait3A_1729 = tpu.memref_squeeze %dma_wait3A_1728 : memref<1x16xf32, #tpu.memory_space<vmem>> -> memref<16xf32, #tpu.memory_space<vmem>>
    %dma_wait3A_1730 = arith.constant 0 : i32
    %dma_wait3A_1731 = tpu.memref_slice %arg3[%dma_wait3A_1725, %dma_wait3A_1730] : memref<1000x16xf32, #tpu.memory_space<hbm>> -> memref<1x16xf32, #tpu.memory_space<hbm>>
    %dma_wait3A_1732 = tpu.memref_squeeze %dma_wait3A_1731 : memref<1x16xf32, #tpu.memory_space<hbm>> -> memref<16xf32, #tpu.memory_space<hbm>>
    %dma_wait3A_1733 = arith.constant 0 : i32
    %dma_wait3A_1734 = tpu.memref_slice %arg14[%dma_wait3A_1726, %dma_wait3A_1733] : memref<32x128xf32, #tpu.memory_space<vmem>> -> memref<1x16xf32, #tpu.memory_space<vmem>>
    %dma_wait3A_1735 = tpu.memref_squeeze %dma_wait3A_1734 : memref<1x16xf32, #tpu.memory_space<vmem>> -> memref<16xf32, #tpu.memory_space<vmem>>
    %dma_wait3A_1736 = arith.constant 0 : i32
    %dma_wait3A_1737 = tpu.memref_slice %arg3[%dma_wait3A_1725, %dma_wait3A_1736] : memref<1000x16xf32, #tpu.memory_space<hbm>> -> memref<1x16xf32, #tpu.memory_space<hbm>>
    %dma_wait3A_1738 = tpu.memref_squeeze %dma_wait3A_1737 : memref<1x16xf32, #tpu.memory_space<hbm>> -> memref<16xf32, #tpu.memory_space<hbm>>
    tpu.wait_dma2 semaphore(%arg23 : memref<!tpu.dma_semaphore, #tpu.memory_space<semaphore_mem>>) src(%dma_wait3A_1738 : memref<16xf32, #tpu.memory_space<hbm>>) dst(%dma_wait3A_1735 : memref<16xf32, #tpu.memory_space<vmem>>)
    %dma_wait3A_1739 = arith.constant 0 : i32
    %dma_wait3A_1740 = arith.constant 3 : i32
    %dma_wait3A_1741 = arith.constant 16 : i32
    %dma_wait3A_1742 = tpu.memref_slice %arg14[%dma_wait3A_1740, %dma_wait3A_1741] : memref<32x128xf32, #tpu.memory_space<vmem>> -> memref<1x64xf32, #tpu.memory_space<vmem>>
    %dma_wait3A_1743 = tpu.memref_squeeze %dma_wait3A_1742 : memref<1x64xf32, #tpu.memory_space<vmem>> -> memref<64xf32, #tpu.memory_space<vmem>>
    %dma_wait3A_1744 = arith.constant 0 : i32
    %dma_wait3A_1745 = tpu.memref_slice %arg4[%dma_wait3A_1739, %dma_wait3A_1744] : memref<100000x64xf32, #tpu.memory_space<hbm>> -> memref<1x64xf32, #tpu.memory_space<hbm>>
    %dma_wait3A_1746 = tpu.memref_squeeze %dma_wait3A_1745 : memref<1x64xf32, #tpu.memory_space<hbm>> -> memref<64xf32, #tpu.memory_space<hbm>>
    %dma_wait3A_1747 = arith.constant 16 : i32
    %dma_wait3A_1748 = tpu.memref_slice %arg14[%dma_wait3A_1740, %dma_wait3A_1747] : memref<32x128xf32, #tpu.memory_space<vmem>> -> memref<1x64xf32, #tpu.memory_space<vmem>>
    %dma_wait3A_1749 = tpu.memref_squeeze %dma_wait3A_1748 : memref<1x64xf32, #tpu.memory_space<vmem>> -> memref<64xf32, #tpu.memory_space<vmem>>
    %dma_wait3A_1750 = arith.constant 0 : i32
    %dma_wait3A_1751 = tpu.memref_slice %arg4[%dma_wait3A_1739, %dma_wait3A_1750] : memref<100000x64xf32, #tpu.memory_space<hbm>> -> memref<1x64xf32, #tpu.memory_space<hbm>>
    %dma_wait3A_1752 = tpu.memref_squeeze %dma_wait3A_1751 : memref<1x64xf32, #tpu.memory_space<hbm>> -> memref<64xf32, #tpu.memory_space<hbm>>
    tpu.wait_dma2 semaphore(%arg23 : memref<!tpu.dma_semaphore, #tpu.memory_space<semaphore_mem>>) src(%dma_wait3A_1752 : memref<64xf32, #tpu.memory_space<hbm>>) dst(%dma_wait3A_1749 : memref<64xf32, #tpu.memory_space<vmem>>)
    %dma_wait3A_1753 = arith.constant 0 : i32
    %dma_wait3A_1754 = arith.constant 4 : i32
    %dma_wait3A_1755 = arith.constant 0 : i32
    %dma_wait3A_1756 = tpu.memref_slice %arg14[%dma_wait3A_1754, %dma_wait3A_1755] : memref<32x128xf32, #tpu.memory_space<vmem>> -> memref<1x16xf32, #tpu.memory_space<vmem>>
    %dma_wait3A_1757 = tpu.memref_squeeze %dma_wait3A_1756 : memref<1x16xf32, #tpu.memory_space<vmem>> -> memref<16xf32, #tpu.memory_space<vmem>>
    %dma_wait3A_1758 = arith.constant 0 : i32
    %dma_wait3A_1759 = tpu.memref_slice %arg3[%dma_wait3A_1753, %dma_wait3A_1758] : memref<1000x16xf32, #tpu.memory_space<hbm>> -> memref<1x16xf32, #tpu.memory_space<hbm>>
    %dma_wait3A_1760 = tpu.memref_squeeze %dma_wait3A_1759 : memref<1x16xf32, #tpu.memory_space<hbm>> -> memref<16xf32, #tpu.memory_space<hbm>>
    %dma_wait3A_1761 = arith.constant 0 : i32
    %dma_wait3A_1762 = tpu.memref_slice %arg14[%dma_wait3A_1754, %dma_wait3A_1761] : memref<32x128xf32, #tpu.memory_space<vmem>> -> memref<1x16xf32, #tpu.memory_space<vmem>>
    %dma_wait3A_1763 = tpu.memref_squeeze %dma_wait3A_1762 : memref<1x16xf32, #tpu.memory_space<vmem>> -> memref<16xf32, #tpu.memory_space<vmem>>
    %dma_wait3A_1764 = arith.constant 0 : i32
    %dma_wait3A_1765 = tpu.memref_slice %arg3[%dma_wait3A_1753, %dma_wait3A_1764] : memref<1000x16xf32, #tpu.memory_space<hbm>> -> memref<1x16xf32, #tpu.memory_space<hbm>>
    %dma_wait3A_1766 = tpu.memref_squeeze %dma_wait3A_1765 : memref<1x16xf32, #tpu.memory_space<hbm>> -> memref<16xf32, #tpu.memory_space<hbm>>
    tpu.wait_dma2 semaphore(%arg23 : memref<!tpu.dma_semaphore, #tpu.memory_space<semaphore_mem>>) src(%dma_wait3A_1766 : memref<16xf32, #tpu.memory_space<hbm>>) dst(%dma_wait3A_1763 : memref<16xf32, #tpu.memory_space<vmem>>)
    %dma_wait3A_1767 = arith.constant 0 : i32
    %dma_wait3A_1768 = arith.constant 4 : i32
    %dma_wait3A_1769 = arith.constant 16 : i32
    %dma_wait3A_1770 = tpu.memref_slice %arg14[%dma_wait3A_1768, %dma_wait3A_1769] : memref<32x128xf32, #tpu.memory_space<vmem>> -> memref<1x64xf32, #tpu.memory_space<vmem>>
    %dma_wait3A_1771 = tpu.memref_squeeze %dma_wait3A_1770 : memref<1x64xf32, #tpu.memory_space<vmem>> -> memref<64xf32, #tpu.memory_space<vmem>>
    %dma_wait3A_1772 = arith.constant 0 : i32
    %dma_wait3A_1773 = tpu.memref_slice %arg4[%dma_wait3A_1767, %dma_wait3A_1772] : memref<100000x64xf32, #tpu.memory_space<hbm>> -> memref<1x64xf32, #tpu.memory_space<hbm>>
    %dma_wait3A_1774 = tpu.memref_squeeze %dma_wait3A_1773 : memref<1x64xf32, #tpu.memory_space<hbm>> -> memref<64xf32, #tpu.memory_space<hbm>>
    %dma_wait3A_1775 = arith.constant 16 : i32
    %dma_wait3A_1776 = tpu.memref_slice %arg14[%dma_wait3A_1768, %dma_wait3A_1775] : memref<32x128xf32, #tpu.memory_space<vmem>> -> memref<1x64xf32, #tpu.memory_space<vmem>>
    %dma_wait3A_1777 = tpu.memref_squeeze %dma_wait3A_1776 : memref<1x64xf32, #tpu.memory_space<vmem>> -> memref<64xf32, #tpu.memory_space<vmem>>
    %dma_wait3A_1778 = arith.constant 0 : i32
    %dma_wait3A_1779 = tpu.memref_slice %arg4[%dma_wait3A_1767, %dma_wait3A_1778] : memref<100000x64xf32, #tpu.memory_space<hbm>> -> memref<1x64xf32, #tpu.memory_space<hbm>>
    %dma_wait3A_1780 = tpu.memref_squeeze %dma_wait3A_1779 : memref<1x64xf32, #tpu.memory_space<hbm>> -> memref<64xf32, #tpu.memory_space<hbm>>
    tpu.wait_dma2 semaphore(%arg23 : memref<!tpu.dma_semaphore, #tpu.memory_space<semaphore_mem>>) src(%dma_wait3A_1780 : memref<64xf32, #tpu.memory_space<hbm>>) dst(%dma_wait3A_1777 : memref<64xf32, #tpu.memory_space<vmem>>)
    %dma_wait3A_1781 = arith.constant 0 : i32
    %dma_wait3A_1782 = arith.constant 5 : i32
    %dma_wait3A_1783 = arith.constant 0 : i32
    %dma_wait3A_1784 = tpu.memref_slice %arg14[%dma_wait3A_1782, %dma_wait3A_1783] : memref<32x128xf32, #tpu.memory_space<vmem>> -> memref<1x16xf32, #tpu.memory_space<vmem>>
    %dma_wait3A_1785 = tpu.memref_squeeze %dma_wait3A_1784 : memref<1x16xf32, #tpu.memory_space<vmem>> -> memref<16xf32, #tpu.memory_space<vmem>>
    %dma_wait3A_1786 = arith.constant 0 : i32
    %dma_wait3A_1787 = tpu.memref_slice %arg3[%dma_wait3A_1781, %dma_wait3A_1786] : memref<1000x16xf32, #tpu.memory_space<hbm>> -> memref<1x16xf32, #tpu.memory_space<hbm>>
    %dma_wait3A_1788 = tpu.memref_squeeze %dma_wait3A_1787 : memref<1x16xf32, #tpu.memory_space<hbm>> -> memref<16xf32, #tpu.memory_space<hbm>>
    %dma_wait3A_1789 = arith.constant 0 : i32
    %dma_wait3A_1790 = tpu.memref_slice %arg14[%dma_wait3A_1782, %dma_wait3A_1789] : memref<32x128xf32, #tpu.memory_space<vmem>> -> memref<1x16xf32, #tpu.memory_space<vmem>>
    %dma_wait3A_1791 = tpu.memref_squeeze %dma_wait3A_1790 : memref<1x16xf32, #tpu.memory_space<vmem>> -> memref<16xf32, #tpu.memory_space<vmem>>
    %dma_wait3A_1792 = arith.constant 0 : i32
    %dma_wait3A_1793 = tpu.memref_slice %arg3[%dma_wait3A_1781, %dma_wait3A_1792] : memref<1000x16xf32, #tpu.memory_space<hbm>> -> memref<1x16xf32, #tpu.memory_space<hbm>>
    %dma_wait3A_1794 = tpu.memref_squeeze %dma_wait3A_1793 : memref<1x16xf32, #tpu.memory_space<hbm>> -> memref<16xf32, #tpu.memory_space<hbm>>
    tpu.wait_dma2 semaphore(%arg23 : memref<!tpu.dma_semaphore, #tpu.memory_space<semaphore_mem>>) src(%dma_wait3A_1794 : memref<16xf32, #tpu.memory_space<hbm>>) dst(%dma_wait3A_1791 : memref<16xf32, #tpu.memory_space<vmem>>)
    %dma_wait3A_1795 = arith.constant 0 : i32
    %dma_wait3A_1796 = arith.constant 5 : i32
    %dma_wait3A_1797 = arith.constant 16 : i32
    %dma_wait3A_1798 = tpu.memref_slice %arg14[%dma_wait3A_1796, %dma_wait3A_1797] : memref<32x128xf32, #tpu.memory_space<vmem>> -> memref<1x64xf32, #tpu.memory_space<vmem>>
    %dma_wait3A_1799 = tpu.memref_squeeze %dma_wait3A_1798 : memref<1x64xf32, #tpu.memory_space<vmem>> -> memref<64xf32, #tpu.memory_space<vmem>>
    %dma_wait3A_1800 = arith.constant 0 : i32
    %dma_wait3A_1801 = tpu.memref_slice %arg4[%dma_wait3A_1795, %dma_wait3A_1800] : memref<100000x64xf32, #tpu.memory_space<hbm>> -> memref<1x64xf32, #tpu.memory_space<hbm>>
    %dma_wait3A_1802 = tpu.memref_squeeze %dma_wait3A_1801 : memref<1x64xf32, #tpu.memory_space<hbm>> -> memref<64xf32, #tpu.memory_space<hbm>>
    %dma_wait3A_1803 = arith.constant 16 : i32
    %dma_wait3A_1804 = tpu.memref_slice %arg14[%dma_wait3A_1796, %dma_wait3A_1803] : memref<32x128xf32, #tpu.memory_space<vmem>> -> memref<1x64xf32, #tpu.memory_space<vmem>>
    %dma_wait3A_1805 = tpu.memref_squeeze %dma_wait3A_1804 : memref<1x64xf32, #tpu.memory_space<vmem>> -> memref<64xf32, #tpu.memory_space<vmem>>
    %dma_wait3A_1806 = arith.constant 0 : i32
    %dma_wait3A_1807 = tpu.memref_slice %arg4[%dma_wait3A_1795, %dma_wait3A_1806] : memref<100000x64xf32, #tpu.memory_space<hbm>> -> memref<1x64xf32, #tpu.memory_space<hbm>>
    %dma_wait3A_1808 = tpu.memref_squeeze %dma_wait3A_1807 : memref<1x64xf32, #tpu.memory_space<hbm>> -> memref<64xf32, #tpu.memory_space<hbm>>
    tpu.wait_dma2 semaphore(%arg23 : memref<!tpu.dma_semaphore, #tpu.memory_space<semaphore_mem>>) src(%dma_wait3A_1808 : memref<64xf32, #tpu.memory_space<hbm>>) dst(%dma_wait3A_1805 : memref<64xf32, #tpu.memory_space<vmem>>)
    %dma_wait3A_1809 = arith.constant 0 : i32
    %dma_wait3A_1810 = arith.constant 6 : i32
    %dma_wait3A_1811 = arith.constant 0 : i32
    %dma_wait3A_1812 = tpu.memref_slice %arg14[%dma_wait3A_1810, %dma_wait3A_1811] : memref<32x128xf32, #tpu.memory_space<vmem>> -> memref<1x16xf32, #tpu.memory_space<vmem>>
    %dma_wait3A_1813 = tpu.memref_squeeze %dma_wait3A_1812 : memref<1x16xf32, #tpu.memory_space<vmem>> -> memref<16xf32, #tpu.memory_space<vmem>>
    %dma_wait3A_1814 = arith.constant 0 : i32
    %dma_wait3A_1815 = tpu.memref_slice %arg3[%dma_wait3A_1809, %dma_wait3A_1814] : memref<1000x16xf32, #tpu.memory_space<hbm>> -> memref<1x16xf32, #tpu.memory_space<hbm>>
    %dma_wait3A_1816 = tpu.memref_squeeze %dma_wait3A_1815 : memref<1x16xf32, #tpu.memory_space<hbm>> -> memref<16xf32, #tpu.memory_space<hbm>>
    %dma_wait3A_1817 = arith.constant 0 : i32
    %dma_wait3A_1818 = tpu.memref_slice %arg14[%dma_wait3A_1810, %dma_wait3A_1817] : memref<32x128xf32, #tpu.memory_space<vmem>> -> memref<1x16xf32, #tpu.memory_space<vmem>>
    %dma_wait3A_1819 = tpu.memref_squeeze %dma_wait3A_1818 : memref<1x16xf32, #tpu.memory_space<vmem>> -> memref<16xf32, #tpu.memory_space<vmem>>
    %dma_wait3A_1820 = arith.constant 0 : i32
    %dma_wait3A_1821 = tpu.memref_slice %arg3[%dma_wait3A_1809, %dma_wait3A_1820] : memref<1000x16xf32, #tpu.memory_space<hbm>> -> memref<1x16xf32, #tpu.memory_space<hbm>>
    %dma_wait3A_1822 = tpu.memref_squeeze %dma_wait3A_1821 : memref<1x16xf32, #tpu.memory_space<hbm>> -> memref<16xf32, #tpu.memory_space<hbm>>
    tpu.wait_dma2 semaphore(%arg23 : memref<!tpu.dma_semaphore, #tpu.memory_space<semaphore_mem>>) src(%dma_wait3A_1822 : memref<16xf32, #tpu.memory_space<hbm>>) dst(%dma_wait3A_1819 : memref<16xf32, #tpu.memory_space<vmem>>)
    %dma_wait3A_1823 = arith.constant 0 : i32
    %dma_wait3A_1824 = arith.constant 6 : i32
    %dma_wait3A_1825 = arith.constant 16 : i32
    %dma_wait3A_1826 = tpu.memref_slice %arg14[%dma_wait3A_1824, %dma_wait3A_1825] : memref<32x128xf32, #tpu.memory_space<vmem>> -> memref<1x64xf32, #tpu.memory_space<vmem>>
    %dma_wait3A_1827 = tpu.memref_squeeze %dma_wait3A_1826 : memref<1x64xf32, #tpu.memory_space<vmem>> -> memref<64xf32, #tpu.memory_space<vmem>>
    %dma_wait3A_1828 = arith.constant 0 : i32
    %dma_wait3A_1829 = tpu.memref_slice %arg4[%dma_wait3A_1823, %dma_wait3A_1828] : memref<100000x64xf32, #tpu.memory_space<hbm>> -> memref<1x64xf32, #tpu.memory_space<hbm>>
    %dma_wait3A_1830 = tpu.memref_squeeze %dma_wait3A_1829 : memref<1x64xf32, #tpu.memory_space<hbm>> -> memref<64xf32, #tpu.memory_space<hbm>>
    %dma_wait3A_1831 = arith.constant 16 : i32
    %dma_wait3A_1832 = tpu.memref_slice %arg14[%dma_wait3A_1824, %dma_wait3A_1831] : memref<32x128xf32, #tpu.memory_space<vmem>> -> memref<1x64xf32, #tpu.memory_space<vmem>>
    %dma_wait3A_1833 = tpu.memref_squeeze %dma_wait3A_1832 : memref<1x64xf32, #tpu.memory_space<vmem>> -> memref<64xf32, #tpu.memory_space<vmem>>
    %dma_wait3A_1834 = arith.constant 0 : i32
    %dma_wait3A_1835 = tpu.memref_slice %arg4[%dma_wait3A_1823, %dma_wait3A_1834] : memref<100000x64xf32, #tpu.memory_space<hbm>> -> memref<1x64xf32, #tpu.memory_space<hbm>>
    %dma_wait3A_1836 = tpu.memref_squeeze %dma_wait3A_1835 : memref<1x64xf32, #tpu.memory_space<hbm>> -> memref<64xf32, #tpu.memory_space<hbm>>
    tpu.wait_dma2 semaphore(%arg23 : memref<!tpu.dma_semaphore, #tpu.memory_space<semaphore_mem>>) src(%dma_wait3A_1836 : memref<64xf32, #tpu.memory_space<hbm>>) dst(%dma_wait3A_1833 : memref<64xf32, #tpu.memory_space<vmem>>)
    %dma_wait3A_1837 = arith.constant 0 : i32
    %dma_wait3A_1838 = arith.constant 7 : i32
    %dma_wait3A_1839 = arith.constant 0 : i32
    %dma_wait3A_1840 = tpu.memref_slice %arg14[%dma_wait3A_1838, %dma_wait3A_1839] : memref<32x128xf32, #tpu.memory_space<vmem>> -> memref<1x16xf32, #tpu.memory_space<vmem>>
    %dma_wait3A_1841 = tpu.memref_squeeze %dma_wait3A_1840 : memref<1x16xf32, #tpu.memory_space<vmem>> -> memref<16xf32, #tpu.memory_space<vmem>>
    %dma_wait3A_1842 = arith.constant 0 : i32
    %dma_wait3A_1843 = tpu.memref_slice %arg3[%dma_wait3A_1837, %dma_wait3A_1842] : memref<1000x16xf32, #tpu.memory_space<hbm>> -> memref<1x16xf32, #tpu.memory_space<hbm>>
    %dma_wait3A_1844 = tpu.memref_squeeze %dma_wait3A_1843 : memref<1x16xf32, #tpu.memory_space<hbm>> -> memref<16xf32, #tpu.memory_space<hbm>>
    %dma_wait3A_1845 = arith.constant 0 : i32
    %dma_wait3A_1846 = tpu.memref_slice %arg14[%dma_wait3A_1838, %dma_wait3A_1845] : memref<32x128xf32, #tpu.memory_space<vmem>> -> memref<1x16xf32, #tpu.memory_space<vmem>>
    %dma_wait3A_1847 = tpu.memref_squeeze %dma_wait3A_1846 : memref<1x16xf32, #tpu.memory_space<vmem>> -> memref<16xf32, #tpu.memory_space<vmem>>
    %dma_wait3A_1848 = arith.constant 0 : i32
    %dma_wait3A_1849 = tpu.memref_slice %arg3[%dma_wait3A_1837, %dma_wait3A_1848] : memref<1000x16xf32, #tpu.memory_space<hbm>> -> memref<1x16xf32, #tpu.memory_space<hbm>>
    %dma_wait3A_1850 = tpu.memref_squeeze %dma_wait3A_1849 : memref<1x16xf32, #tpu.memory_space<hbm>> -> memref<16xf32, #tpu.memory_space<hbm>>
    tpu.wait_dma2 semaphore(%arg23 : memref<!tpu.dma_semaphore, #tpu.memory_space<semaphore_mem>>) src(%dma_wait3A_1850 : memref<16xf32, #tpu.memory_space<hbm>>) dst(%dma_wait3A_1847 : memref<16xf32, #tpu.memory_space<vmem>>)
    %dma_wait3A_1851 = arith.constant 0 : i32
    %dma_wait3A_1852 = arith.constant 7 : i32
    %dma_wait3A_1853 = arith.constant 16 : i32
    %dma_wait3A_1854 = tpu.memref_slice %arg14[%dma_wait3A_1852, %dma_wait3A_1853] : memref<32x128xf32, #tpu.memory_space<vmem>> -> memref<1x64xf32, #tpu.memory_space<vmem>>
    %dma_wait3A_1855 = tpu.memref_squeeze %dma_wait3A_1854 : memref<1x64xf32, #tpu.memory_space<vmem>> -> memref<64xf32, #tpu.memory_space<vmem>>
    %dma_wait3A_1856 = arith.constant 0 : i32
    %dma_wait3A_1857 = tpu.memref_slice %arg4[%dma_wait3A_1851, %dma_wait3A_1856] : memref<100000x64xf32, #tpu.memory_space<hbm>> -> memref<1x64xf32, #tpu.memory_space<hbm>>
    %dma_wait3A_1858 = tpu.memref_squeeze %dma_wait3A_1857 : memref<1x64xf32, #tpu.memory_space<hbm>> -> memref<64xf32, #tpu.memory_space<hbm>>
    %dma_wait3A_1859 = arith.constant 16 : i32
    %dma_wait3A_1860 = tpu.memref_slice %arg14[%dma_wait3A_1852, %dma_wait3A_1859] : memref<32x128xf32, #tpu.memory_space<vmem>> -> memref<1x64xf32, #tpu.memory_space<vmem>>
    %dma_wait3A_1861 = tpu.memref_squeeze %dma_wait3A_1860 : memref<1x64xf32, #tpu.memory_space<vmem>> -> memref<64xf32, #tpu.memory_space<vmem>>
    %dma_wait3A_1862 = arith.constant 0 : i32
    %dma_wait3A_1863 = tpu.memref_slice %arg4[%dma_wait3A_1851, %dma_wait3A_1862] : memref<100000x64xf32, #tpu.memory_space<hbm>> -> memref<1x64xf32, #tpu.memory_space<hbm>>
    %dma_wait3A_1864 = tpu.memref_squeeze %dma_wait3A_1863 : memref<1x64xf32, #tpu.memory_space<hbm>> -> memref<64xf32, #tpu.memory_space<hbm>>
    tpu.wait_dma2 semaphore(%arg23 : memref<!tpu.dma_semaphore, #tpu.memory_space<semaphore_mem>>) src(%dma_wait3A_1864 : memref<64xf32, #tpu.memory_space<hbm>>) dst(%dma_wait3A_1861 : memref<64xf32, #tpu.memory_space<vmem>>)
    %dma_wait3A_1865 = arith.constant 0 : i32
    %dma_wait3A_1866 = arith.constant 8 : i32
    %dma_wait3A_1867 = arith.constant 0 : i32
    %dma_wait3A_1868 = tpu.memref_slice %arg14[%dma_wait3A_1866, %dma_wait3A_1867] : memref<32x128xf32, #tpu.memory_space<vmem>> -> memref<1x16xf32, #tpu.memory_space<vmem>>
    %dma_wait3A_1869 = tpu.memref_squeeze %dma_wait3A_1868 : memref<1x16xf32, #tpu.memory_space<vmem>> -> memref<16xf32, #tpu.memory_space<vmem>>
    %dma_wait3A_1870 = arith.constant 0 : i32
    %dma_wait3A_1871 = tpu.memref_slice %arg3[%dma_wait3A_1865, %dma_wait3A_1870] : memref<1000x16xf32, #tpu.memory_space<hbm>> -> memref<1x16xf32, #tpu.memory_space<hbm>>
    %dma_wait3A_1872 = tpu.memref_squeeze %dma_wait3A_1871 : memref<1x16xf32, #tpu.memory_space<hbm>> -> memref<16xf32, #tpu.memory_space<hbm>>
    %dma_wait3A_1873 = arith.constant 0 : i32
    %dma_wait3A_1874 = tpu.memref_slice %arg14[%dma_wait3A_1866, %dma_wait3A_1873] : memref<32x128xf32, #tpu.memory_space<vmem>> -> memref<1x16xf32, #tpu.memory_space<vmem>>
    %dma_wait3A_1875 = tpu.memref_squeeze %dma_wait3A_1874 : memref<1x16xf32, #tpu.memory_space<vmem>> -> memref<16xf32, #tpu.memory_space<vmem>>
    %dma_wait3A_1876 = arith.constant 0 : i32
    %dma_wait3A_1877 = tpu.memref_slice %arg3[%dma_wait3A_1865, %dma_wait3A_1876] : memref<1000x16xf32, #tpu.memory_space<hbm>> -> memref<1x16xf32, #tpu.memory_space<hbm>>
    %dma_wait3A_1878 = tpu.memref_squeeze %dma_wait3A_1877 : memref<1x16xf32, #tpu.memory_space<hbm>> -> memref<16xf32, #tpu.memory_space<hbm>>
    tpu.wait_dma2 semaphore(%arg23 : memref<!tpu.dma_semaphore, #tpu.memory_space<semaphore_mem>>) src(%dma_wait3A_1878 : memref<16xf32, #tpu.memory_space<hbm>>) dst(%dma_wait3A_1875 : memref<16xf32, #tpu.memory_space<vmem>>)
    %dma_wait3A_1879 = arith.constant 0 : i32
    %dma_wait3A_1880 = arith.constant 8 : i32
    %dma_wait3A_1881 = arith.constant 16 : i32
    %dma_wait3A_1882 = tpu.memref_slice %arg14[%dma_wait3A_1880, %dma_wait3A_1881] : memref<32x128xf32, #tpu.memory_space<vmem>> -> memref<1x64xf32, #tpu.memory_space<vmem>>
    %dma_wait3A_1883 = tpu.memref_squeeze %dma_wait3A_1882 : memref<1x64xf32, #tpu.memory_space<vmem>> -> memref<64xf32, #tpu.memory_space<vmem>>
    %dma_wait3A_1884 = arith.constant 0 : i32
    %dma_wait3A_1885 = tpu.memref_slice %arg4[%dma_wait3A_1879, %dma_wait3A_1884] : memref<100000x64xf32, #tpu.memory_space<hbm>> -> memref<1x64xf32, #tpu.memory_space<hbm>>
    %dma_wait3A_1886 = tpu.memref_squeeze %dma_wait3A_1885 : memref<1x64xf32, #tpu.memory_space<hbm>> -> memref<64xf32, #tpu.memory_space<hbm>>
    %dma_wait3A_1887 = arith.constant 16 : i32
    %dma_wait3A_1888 = tpu.memref_slice %arg14[%dma_wait3A_1880, %dma_wait3A_1887] : memref<32x128xf32, #tpu.memory_space<vmem>> -> memref<1x64xf32, #tpu.memory_space<vmem>>
    %dma_wait3A_1889 = tpu.memref_squeeze %dma_wait3A_1888 : memref<1x64xf32, #tpu.memory_space<vmem>> -> memref<64xf32, #tpu.memory_space<vmem>>
    %dma_wait3A_1890 = arith.constant 0 : i32
    %dma_wait3A_1891 = tpu.memref_slice %arg4[%dma_wait3A_1879, %dma_wait3A_1890] : memref<100000x64xf32, #tpu.memory_space<hbm>> -> memref<1x64xf32, #tpu.memory_space<hbm>>
    %dma_wait3A_1892 = tpu.memref_squeeze %dma_wait3A_1891 : memref<1x64xf32, #tpu.memory_space<hbm>> -> memref<64xf32, #tpu.memory_space<hbm>>
    tpu.wait_dma2 semaphore(%arg23 : memref<!tpu.dma_semaphore, #tpu.memory_space<semaphore_mem>>) src(%dma_wait3A_1892 : memref<64xf32, #tpu.memory_space<hbm>>) dst(%dma_wait3A_1889 : memref<64xf32, #tpu.memory_space<vmem>>)
    %dma_wait3A_1893 = arith.constant 0 : i32
    %dma_wait3A_1894 = arith.constant 9 : i32
    %dma_wait3A_1895 = arith.constant 0 : i32
    %dma_wait3A_1896 = tpu.memref_slice %arg14[%dma_wait3A_1894, %dma_wait3A_1895] : memref<32x128xf32, #tpu.memory_space<vmem>> -> memref<1x16xf32, #tpu.memory_space<vmem>>
    %dma_wait3A_1897 = tpu.memref_squeeze %dma_wait3A_1896 : memref<1x16xf32, #tpu.memory_space<vmem>> -> memref<16xf32, #tpu.memory_space<vmem>>
    %dma_wait3A_1898 = arith.constant 0 : i32
    %dma_wait3A_1899 = tpu.memref_slice %arg3[%dma_wait3A_1893, %dma_wait3A_1898] : memref<1000x16xf32, #tpu.memory_space<hbm>> -> memref<1x16xf32, #tpu.memory_space<hbm>>
    %dma_wait3A_1900 = tpu.memref_squeeze %dma_wait3A_1899 : memref<1x16xf32, #tpu.memory_space<hbm>> -> memref<16xf32, #tpu.memory_space<hbm>>
    %dma_wait3A_1901 = arith.constant 0 : i32
    %dma_wait3A_1902 = tpu.memref_slice %arg14[%dma_wait3A_1894, %dma_wait3A_1901] : memref<32x128xf32, #tpu.memory_space<vmem>> -> memref<1x16xf32, #tpu.memory_space<vmem>>
    %dma_wait3A_1903 = tpu.memref_squeeze %dma_wait3A_1902 : memref<1x16xf32, #tpu.memory_space<vmem>> -> memref<16xf32, #tpu.memory_space<vmem>>
    %dma_wait3A_1904 = arith.constant 0 : i32
    %dma_wait3A_1905 = tpu.memref_slice %arg3[%dma_wait3A_1893, %dma_wait3A_1904] : memref<1000x16xf32, #tpu.memory_space<hbm>> -> memref<1x16xf32, #tpu.memory_space<hbm>>
    %dma_wait3A_1906 = tpu.memref_squeeze %dma_wait3A_1905 : memref<1x16xf32, #tpu.memory_space<hbm>> -> memref<16xf32, #tpu.memory_space<hbm>>
    tpu.wait_dma2 semaphore(%arg23 : memref<!tpu.dma_semaphore, #tpu.memory_space<semaphore_mem>>) src(%dma_wait3A_1906 : memref<16xf32, #tpu.memory_space<hbm>>) dst(%dma_wait3A_1903 : memref<16xf32, #tpu.memory_space<vmem>>)
    %dma_wait3A_1907 = arith.constant 0 : i32
    %dma_wait3A_1908 = arith.constant 9 : i32
    %dma_wait3A_1909 = arith.constant 16 : i32
    %dma_wait3A_1910 = tpu.memref_slice %arg14[%dma_wait3A_1908, %dma_wait3A_1909] : memref<32x128xf32, #tpu.memory_space<vmem>> -> memref<1x64xf32, #tpu.memory_space<vmem>>
    %dma_wait3A_1911 = tpu.memref_squeeze %dma_wait3A_1910 : memref<1x64xf32, #tpu.memory_space<vmem>> -> memref<64xf32, #tpu.memory_space<vmem>>
    %dma_wait3A_1912 = arith.constant 0 : i32
    %dma_wait3A_1913 = tpu.memref_slice %arg4[%dma_wait3A_1907, %dma_wait3A_1912] : memref<100000x64xf32, #tpu.memory_space<hbm>> -> memref<1x64xf32, #tpu.memory_space<hbm>>
    %dma_wait3A_1914 = tpu.memref_squeeze %dma_wait3A_1913 : memref<1x64xf32, #tpu.memory_space<hbm>> -> memref<64xf32, #tpu.memory_space<hbm>>
    %dma_wait3A_1915 = arith.constant 16 : i32
    %dma_wait3A_1916 = tpu.memref_slice %arg14[%dma_wait3A_1908, %dma_wait3A_1915] : memref<32x128xf32, #tpu.memory_space<vmem>> -> memref<1x64xf32, #tpu.memory_space<vmem>>
    %dma_wait3A_1917 = tpu.memref_squeeze %dma_wait3A_1916 : memref<1x64xf32, #tpu.memory_space<vmem>> -> memref<64xf32, #tpu.memory_space<vmem>>
    %dma_wait3A_1918 = arith.constant 0 : i32
    %dma_wait3A_1919 = tpu.memref_slice %arg4[%dma_wait3A_1907, %dma_wait3A_1918] : memref<100000x64xf32, #tpu.memory_space<hbm>> -> memref<1x64xf32, #tpu.memory_space<hbm>>
    %dma_wait3A_1920 = tpu.memref_squeeze %dma_wait3A_1919 : memref<1x64xf32, #tpu.memory_space<hbm>> -> memref<64xf32, #tpu.memory_space<hbm>>
    tpu.wait_dma2 semaphore(%arg23 : memref<!tpu.dma_semaphore, #tpu.memory_space<semaphore_mem>>) src(%dma_wait3A_1920 : memref<64xf32, #tpu.memory_space<hbm>>) dst(%dma_wait3A_1917 : memref<64xf32, #tpu.memory_space<vmem>>)
    %dma_wait3A_1921 = arith.constant 0 : i32
    %dma_wait3A_1922 = arith.constant 10 : i32
    %dma_wait3A_1923 = arith.constant 0 : i32
    %dma_wait3A_1924 = tpu.memref_slice %arg14[%dma_wait3A_1922, %dma_wait3A_1923] : memref<32x128xf32, #tpu.memory_space<vmem>> -> memref<1x16xf32, #tpu.memory_space<vmem>>
    %dma_wait3A_1925 = tpu.memref_squeeze %dma_wait3A_1924 : memref<1x16xf32, #tpu.memory_space<vmem>> -> memref<16xf32, #tpu.memory_space<vmem>>
    %dma_wait3A_1926 = arith.constant 0 : i32
    %dma_wait3A_1927 = tpu.memref_slice %arg3[%dma_wait3A_1921, %dma_wait3A_1926] : memref<1000x16xf32, #tpu.memory_space<hbm>> -> memref<1x16xf32, #tpu.memory_space<hbm>>
    %dma_wait3A_1928 = tpu.memref_squeeze %dma_wait3A_1927 : memref<1x16xf32, #tpu.memory_space<hbm>> -> memref<16xf32, #tpu.memory_space<hbm>>
    %dma_wait3A_1929 = arith.constant 0 : i32
    %dma_wait3A_1930 = tpu.memref_slice %arg14[%dma_wait3A_1922, %dma_wait3A_1929] : memref<32x128xf32, #tpu.memory_space<vmem>> -> memref<1x16xf32, #tpu.memory_space<vmem>>
    %dma_wait3A_1931 = tpu.memref_squeeze %dma_wait3A_1930 : memref<1x16xf32, #tpu.memory_space<vmem>> -> memref<16xf32, #tpu.memory_space<vmem>>
    %dma_wait3A_1932 = arith.constant 0 : i32
    %dma_wait3A_1933 = tpu.memref_slice %arg3[%dma_wait3A_1921, %dma_wait3A_1932] : memref<1000x16xf32, #tpu.memory_space<hbm>> -> memref<1x16xf32, #tpu.memory_space<hbm>>
    %dma_wait3A_1934 = tpu.memref_squeeze %dma_wait3A_1933 : memref<1x16xf32, #tpu.memory_space<hbm>> -> memref<16xf32, #tpu.memory_space<hbm>>
    tpu.wait_dma2 semaphore(%arg23 : memref<!tpu.dma_semaphore, #tpu.memory_space<semaphore_mem>>) src(%dma_wait3A_1934 : memref<16xf32, #tpu.memory_space<hbm>>) dst(%dma_wait3A_1931 : memref<16xf32, #tpu.memory_space<vmem>>)
    %dma_wait3A_1935 = arith.constant 0 : i32
    %dma_wait3A_1936 = arith.constant 10 : i32
    %dma_wait3A_1937 = arith.constant 16 : i32
    %dma_wait3A_1938 = tpu.memref_slice %arg14[%dma_wait3A_1936, %dma_wait3A_1937] : memref<32x128xf32, #tpu.memory_space<vmem>> -> memref<1x64xf32, #tpu.memory_space<vmem>>
    %dma_wait3A_1939 = tpu.memref_squeeze %dma_wait3A_1938 : memref<1x64xf32, #tpu.memory_space<vmem>> -> memref<64xf32, #tpu.memory_space<vmem>>
    %dma_wait3A_1940 = arith.constant 0 : i32
    %dma_wait3A_1941 = tpu.memref_slice %arg4[%dma_wait3A_1935, %dma_wait3A_1940] : memref<100000x64xf32, #tpu.memory_space<hbm>> -> memref<1x64xf32, #tpu.memory_space<hbm>>
    %dma_wait3A_1942 = tpu.memref_squeeze %dma_wait3A_1941 : memref<1x64xf32, #tpu.memory_space<hbm>> -> memref<64xf32, #tpu.memory_space<hbm>>
    %dma_wait3A_1943 = arith.constant 16 : i32
    %dma_wait3A_1944 = tpu.memref_slice %arg14[%dma_wait3A_1936, %dma_wait3A_1943] : memref<32x128xf32, #tpu.memory_space<vmem>> -> memref<1x64xf32, #tpu.memory_space<vmem>>
    %dma_wait3A_1945 = tpu.memref_squeeze %dma_wait3A_1944 : memref<1x64xf32, #tpu.memory_space<vmem>> -> memref<64xf32, #tpu.memory_space<vmem>>
    %dma_wait3A_1946 = arith.constant 0 : i32
    %dma_wait3A_1947 = tpu.memref_slice %arg4[%dma_wait3A_1935, %dma_wait3A_1946] : memref<100000x64xf32, #tpu.memory_space<hbm>> -> memref<1x64xf32, #tpu.memory_space<hbm>>
    %dma_wait3A_1948 = tpu.memref_squeeze %dma_wait3A_1947 : memref<1x64xf32, #tpu.memory_space<hbm>> -> memref<64xf32, #tpu.memory_space<hbm>>
    tpu.wait_dma2 semaphore(%arg23 : memref<!tpu.dma_semaphore, #tpu.memory_space<semaphore_mem>>) src(%dma_wait3A_1948 : memref<64xf32, #tpu.memory_space<hbm>>) dst(%dma_wait3A_1945 : memref<64xf32, #tpu.memory_space<vmem>>)
    %dma_wait3A_1949 = arith.constant 0 : i32
    %dma_wait3A_1950 = arith.constant 11 : i32
    %dma_wait3A_1951 = arith.constant 0 : i32
    %dma_wait3A_1952 = tpu.memref_slice %arg14[%dma_wait3A_1950, %dma_wait3A_1951] : memref<32x128xf32, #tpu.memory_space<vmem>> -> memref<1x16xf32, #tpu.memory_space<vmem>>
    %dma_wait3A_1953 = tpu.memref_squeeze %dma_wait3A_1952 : memref<1x16xf32, #tpu.memory_space<vmem>> -> memref<16xf32, #tpu.memory_space<vmem>>
    %dma_wait3A_1954 = arith.constant 0 : i32
    %dma_wait3A_1955 = tpu.memref_slice %arg3[%dma_wait3A_1949, %dma_wait3A_1954] : memref<1000x16xf32, #tpu.memory_space<hbm>> -> memref<1x16xf32, #tpu.memory_space<hbm>>
    %dma_wait3A_1956 = tpu.memref_squeeze %dma_wait3A_1955 : memref<1x16xf32, #tpu.memory_space<hbm>> -> memref<16xf32, #tpu.memory_space<hbm>>
    %dma_wait3A_1957 = arith.constant 0 : i32
    %dma_wait3A_1958 = tpu.memref_slice %arg14[%dma_wait3A_1950, %dma_wait3A_1957] : memref<32x128xf32, #tpu.memory_space<vmem>> -> memref<1x16xf32, #tpu.memory_space<vmem>>
    %dma_wait3A_1959 = tpu.memref_squeeze %dma_wait3A_1958 : memref<1x16xf32, #tpu.memory_space<vmem>> -> memref<16xf32, #tpu.memory_space<vmem>>
    %dma_wait3A_1960 = arith.constant 0 : i32
    %dma_wait3A_1961 = tpu.memref_slice %arg3[%dma_wait3A_1949, %dma_wait3A_1960] : memref<1000x16xf32, #tpu.memory_space<hbm>> -> memref<1x16xf32, #tpu.memory_space<hbm>>
    %dma_wait3A_1962 = tpu.memref_squeeze %dma_wait3A_1961 : memref<1x16xf32, #tpu.memory_space<hbm>> -> memref<16xf32, #tpu.memory_space<hbm>>
    tpu.wait_dma2 semaphore(%arg23 : memref<!tpu.dma_semaphore, #tpu.memory_space<semaphore_mem>>) src(%dma_wait3A_1962 : memref<16xf32, #tpu.memory_space<hbm>>) dst(%dma_wait3A_1959 : memref<16xf32, #tpu.memory_space<vmem>>)
    %dma_wait3A_1963 = arith.constant 0 : i32
    %dma_wait3A_1964 = arith.constant 11 : i32
    %dma_wait3A_1965 = arith.constant 16 : i32
    %dma_wait3A_1966 = tpu.memref_slice %arg14[%dma_wait3A_1964, %dma_wait3A_1965] : memref<32x128xf32, #tpu.memory_space<vmem>> -> memref<1x64xf32, #tpu.memory_space<vmem>>
    %dma_wait3A_1967 = tpu.memref_squeeze %dma_wait3A_1966 : memref<1x64xf32, #tpu.memory_space<vmem>> -> memref<64xf32, #tpu.memory_space<vmem>>
    %dma_wait3A_1968 = arith.constant 0 : i32
    %dma_wait3A_1969 = tpu.memref_slice %arg4[%dma_wait3A_1963, %dma_wait3A_1968] : memref<100000x64xf32, #tpu.memory_space<hbm>> -> memref<1x64xf32, #tpu.memory_space<hbm>>
    %dma_wait3A_1970 = tpu.memref_squeeze %dma_wait3A_1969 : memref<1x64xf32, #tpu.memory_space<hbm>> -> memref<64xf32, #tpu.memory_space<hbm>>
    %dma_wait3A_1971 = arith.constant 16 : i32
    %dma_wait3A_1972 = tpu.memref_slice %arg14[%dma_wait3A_1964, %dma_wait3A_1971] : memref<32x128xf32, #tpu.memory_space<vmem>> -> memref<1x64xf32, #tpu.memory_space<vmem>>
    %dma_wait3A_1973 = tpu.memref_squeeze %dma_wait3A_1972 : memref<1x64xf32, #tpu.memory_space<vmem>> -> memref<64xf32, #tpu.memory_space<vmem>>
    %dma_wait3A_1974 = arith.constant 0 : i32
    %dma_wait3A_1975 = tpu.memref_slice %arg4[%dma_wait3A_1963, %dma_wait3A_1974] : memref<100000x64xf32, #tpu.memory_space<hbm>> -> memref<1x64xf32, #tpu.memory_space<hbm>>
    %dma_wait3A_1976 = tpu.memref_squeeze %dma_wait3A_1975 : memref<1x64xf32, #tpu.memory_space<hbm>> -> memref<64xf32, #tpu.memory_space<hbm>>
    tpu.wait_dma2 semaphore(%arg23 : memref<!tpu.dma_semaphore, #tpu.memory_space<semaphore_mem>>) src(%dma_wait3A_1976 : memref<64xf32, #tpu.memory_space<hbm>>) dst(%dma_wait3A_1973 : memref<64xf32, #tpu.memory_space<vmem>>)
    %dma_wait3A_1977 = arith.constant 0 : i32
    %dma_wait3A_1978 = arith.constant 12 : i32
    %dma_wait3A_1979 = arith.constant 0 : i32
    %dma_wait3A_1980 = tpu.memref_slice %arg14[%dma_wait3A_1978, %dma_wait3A_1979] : memref<32x128xf32, #tpu.memory_space<vmem>> -> memref<1x16xf32, #tpu.memory_space<vmem>>
    %dma_wait3A_1981 = tpu.memref_squeeze %dma_wait3A_1980 : memref<1x16xf32, #tpu.memory_space<vmem>> -> memref<16xf32, #tpu.memory_space<vmem>>
    %dma_wait3A_1982 = arith.constant 0 : i32
    %dma_wait3A_1983 = tpu.memref_slice %arg3[%dma_wait3A_1977, %dma_wait3A_1982] : memref<1000x16xf32, #tpu.memory_space<hbm>> -> memref<1x16xf32, #tpu.memory_space<hbm>>
    %dma_wait3A_1984 = tpu.memref_squeeze %dma_wait3A_1983 : memref<1x16xf32, #tpu.memory_space<hbm>> -> memref<16xf32, #tpu.memory_space<hbm>>
    %dma_wait3A_1985 = arith.constant 0 : i32
    %dma_wait3A_1986 = tpu.memref_slice %arg14[%dma_wait3A_1978, %dma_wait3A_1985] : memref<32x128xf32, #tpu.memory_space<vmem>> -> memref<1x16xf32, #tpu.memory_space<vmem>>
    %dma_wait3A_1987 = tpu.memref_squeeze %dma_wait3A_1986 : memref<1x16xf32, #tpu.memory_space<vmem>> -> memref<16xf32, #tpu.memory_space<vmem>>
    %dma_wait3A_1988 = arith.constant 0 : i32
    %dma_wait3A_1989 = tpu.memref_slice %arg3[%dma_wait3A_1977, %dma_wait3A_1988] : memref<1000x16xf32, #tpu.memory_space<hbm>> -> memref<1x16xf32, #tpu.memory_space<hbm>>
    %dma_wait3A_1990 = tpu.memref_squeeze %dma_wait3A_1989 : memref<1x16xf32, #tpu.memory_space<hbm>> -> memref<16xf32, #tpu.memory_space<hbm>>
    tpu.wait_dma2 semaphore(%arg23 : memref<!tpu.dma_semaphore, #tpu.memory_space<semaphore_mem>>) src(%dma_wait3A_1990 : memref<16xf32, #tpu.memory_space<hbm>>) dst(%dma_wait3A_1987 : memref<16xf32, #tpu.memory_space<vmem>>)
    %dma_wait3A_1991 = arith.constant 0 : i32
    %dma_wait3A_1992 = arith.constant 12 : i32
    %dma_wait3A_1993 = arith.constant 16 : i32
    %dma_wait3A_1994 = tpu.memref_slice %arg14[%dma_wait3A_1992, %dma_wait3A_1993] : memref<32x128xf32, #tpu.memory_space<vmem>> -> memref<1x64xf32, #tpu.memory_space<vmem>>
    %dma_wait3A_1995 = tpu.memref_squeeze %dma_wait3A_1994 : memref<1x64xf32, #tpu.memory_space<vmem>> -> memref<64xf32, #tpu.memory_space<vmem>>
    %dma_wait3A_1996 = arith.constant 0 : i32
    %dma_wait3A_1997 = tpu.memref_slice %arg4[%dma_wait3A_1991, %dma_wait3A_1996] : memref<100000x64xf32, #tpu.memory_space<hbm>> -> memref<1x64xf32, #tpu.memory_space<hbm>>
    %dma_wait3A_1998 = tpu.memref_squeeze %dma_wait3A_1997 : memref<1x64xf32, #tpu.memory_space<hbm>> -> memref<64xf32, #tpu.memory_space<hbm>>
    %dma_wait3A_1999 = arith.constant 16 : i32
    %dma_wait3A_2000 = tpu.memref_slice %arg14[%dma_wait3A_1992, %dma_wait3A_1999] : memref<32x128xf32, #tpu.memory_space<vmem>> -> memref<1x64xf32, #tpu.memory_space<vmem>>
    %dma_wait3A_2001 = tpu.memref_squeeze %dma_wait3A_2000 : memref<1x64xf32, #tpu.memory_space<vmem>> -> memref<64xf32, #tpu.memory_space<vmem>>
    %dma_wait3A_2002 = arith.constant 0 : i32
    %dma_wait3A_2003 = tpu.memref_slice %arg4[%dma_wait3A_1991, %dma_wait3A_2002] : memref<100000x64xf32, #tpu.memory_space<hbm>> -> memref<1x64xf32, #tpu.memory_space<hbm>>
    %dma_wait3A_2004 = tpu.memref_squeeze %dma_wait3A_2003 : memref<1x64xf32, #tpu.memory_space<hbm>> -> memref<64xf32, #tpu.memory_space<hbm>>
    tpu.wait_dma2 semaphore(%arg23 : memref<!tpu.dma_semaphore, #tpu.memory_space<semaphore_mem>>) src(%dma_wait3A_2004 : memref<64xf32, #tpu.memory_space<hbm>>) dst(%dma_wait3A_2001 : memref<64xf32, #tpu.memory_space<vmem>>)
    %dma_wait3A_2005 = arith.constant 0 : i32
    %dma_wait3A_2006 = arith.constant 13 : i32
    %dma_wait3A_2007 = arith.constant 0 : i32
    %dma_wait3A_2008 = tpu.memref_slice %arg14[%dma_wait3A_2006, %dma_wait3A_2007] : memref<32x128xf32, #tpu.memory_space<vmem>> -> memref<1x16xf32, #tpu.memory_space<vmem>>
    %dma_wait3A_2009 = tpu.memref_squeeze %dma_wait3A_2008 : memref<1x16xf32, #tpu.memory_space<vmem>> -> memref<16xf32, #tpu.memory_space<vmem>>
    %dma_wait3A_2010 = arith.constant 0 : i32
    %dma_wait3A_2011 = tpu.memref_slice %arg3[%dma_wait3A_2005, %dma_wait3A_2010] : memref<1000x16xf32, #tpu.memory_space<hbm>> -> memref<1x16xf32, #tpu.memory_space<hbm>>
    %dma_wait3A_2012 = tpu.memref_squeeze %dma_wait3A_2011 : memref<1x16xf32, #tpu.memory_space<hbm>> -> memref<16xf32, #tpu.memory_space<hbm>>
    %dma_wait3A_2013 = arith.constant 0 : i32
    %dma_wait3A_2014 = tpu.memref_slice %arg14[%dma_wait3A_2006, %dma_wait3A_2013] : memref<32x128xf32, #tpu.memory_space<vmem>> -> memref<1x16xf32, #tpu.memory_space<vmem>>
    %dma_wait3A_2015 = tpu.memref_squeeze %dma_wait3A_2014 : memref<1x16xf32, #tpu.memory_space<vmem>> -> memref<16xf32, #tpu.memory_space<vmem>>
    %dma_wait3A_2016 = arith.constant 0 : i32
    %dma_wait3A_2017 = tpu.memref_slice %arg3[%dma_wait3A_2005, %dma_wait3A_2016] : memref<1000x16xf32, #tpu.memory_space<hbm>> -> memref<1x16xf32, #tpu.memory_space<hbm>>
    %dma_wait3A_2018 = tpu.memref_squeeze %dma_wait3A_2017 : memref<1x16xf32, #tpu.memory_space<hbm>> -> memref<16xf32, #tpu.memory_space<hbm>>
    tpu.wait_dma2 semaphore(%arg23 : memref<!tpu.dma_semaphore, #tpu.memory_space<semaphore_mem>>) src(%dma_wait3A_2018 : memref<16xf32, #tpu.memory_space<hbm>>) dst(%dma_wait3A_2015 : memref<16xf32, #tpu.memory_space<vmem>>)
    %dma_wait3A_2019 = arith.constant 0 : i32
    %dma_wait3A_2020 = arith.constant 13 : i32
    %dma_wait3A_2021 = arith.constant 16 : i32
    %dma_wait3A_2022 = tpu.memref_slice %arg14[%dma_wait3A_2020, %dma_wait3A_2021] : memref<32x128xf32, #tpu.memory_space<vmem>> -> memref<1x64xf32, #tpu.memory_space<vmem>>
    %dma_wait3A_2023 = tpu.memref_squeeze %dma_wait3A_2022 : memref<1x64xf32, #tpu.memory_space<vmem>> -> memref<64xf32, #tpu.memory_space<vmem>>
    %dma_wait3A_2024 = arith.constant 0 : i32
    %dma_wait3A_2025 = tpu.memref_slice %arg4[%dma_wait3A_2019, %dma_wait3A_2024] : memref<100000x64xf32, #tpu.memory_space<hbm>> -> memref<1x64xf32, #tpu.memory_space<hbm>>
    %dma_wait3A_2026 = tpu.memref_squeeze %dma_wait3A_2025 : memref<1x64xf32, #tpu.memory_space<hbm>> -> memref<64xf32, #tpu.memory_space<hbm>>
    %dma_wait3A_2027 = arith.constant 16 : i32
    %dma_wait3A_2028 = tpu.memref_slice %arg14[%dma_wait3A_2020, %dma_wait3A_2027] : memref<32x128xf32, #tpu.memory_space<vmem>> -> memref<1x64xf32, #tpu.memory_space<vmem>>
    %dma_wait3A_2029 = tpu.memref_squeeze %dma_wait3A_2028 : memref<1x64xf32, #tpu.memory_space<vmem>> -> memref<64xf32, #tpu.memory_space<vmem>>
    %dma_wait3A_2030 = arith.constant 0 : i32
    %dma_wait3A_2031 = tpu.memref_slice %arg4[%dma_wait3A_2019, %dma_wait3A_2030] : memref<100000x64xf32, #tpu.memory_space<hbm>> -> memref<1x64xf32, #tpu.memory_space<hbm>>
    %dma_wait3A_2032 = tpu.memref_squeeze %dma_wait3A_2031 : memref<1x64xf32, #tpu.memory_space<hbm>> -> memref<64xf32, #tpu.memory_space<hbm>>
    tpu.wait_dma2 semaphore(%arg23 : memref<!tpu.dma_semaphore, #tpu.memory_space<semaphore_mem>>) src(%dma_wait3A_2032 : memref<64xf32, #tpu.memory_space<hbm>>) dst(%dma_wait3A_2029 : memref<64xf32, #tpu.memory_space<vmem>>)
    %dma_wait3A_2033 = arith.constant 0 : i32
    %dma_wait3A_2034 = arith.constant 14 : i32
    %dma_wait3A_2035 = arith.constant 0 : i32
    %dma_wait3A_2036 = tpu.memref_slice %arg14[%dma_wait3A_2034, %dma_wait3A_2035] : memref<32x128xf32, #tpu.memory_space<vmem>> -> memref<1x16xf32, #tpu.memory_space<vmem>>
    %dma_wait3A_2037 = tpu.memref_squeeze %dma_wait3A_2036 : memref<1x16xf32, #tpu.memory_space<vmem>> -> memref<16xf32, #tpu.memory_space<vmem>>
    %dma_wait3A_2038 = arith.constant 0 : i32
    %dma_wait3A_2039 = tpu.memref_slice %arg3[%dma_wait3A_2033, %dma_wait3A_2038] : memref<1000x16xf32, #tpu.memory_space<hbm>> -> memref<1x16xf32, #tpu.memory_space<hbm>>
    %dma_wait3A_2040 = tpu.memref_squeeze %dma_wait3A_2039 : memref<1x16xf32, #tpu.memory_space<hbm>> -> memref<16xf32, #tpu.memory_space<hbm>>
    %dma_wait3A_2041 = arith.constant 0 : i32
    %dma_wait3A_2042 = tpu.memref_slice %arg14[%dma_wait3A_2034, %dma_wait3A_2041] : memref<32x128xf32, #tpu.memory_space<vmem>> -> memref<1x16xf32, #tpu.memory_space<vmem>>
    %dma_wait3A_2043 = tpu.memref_squeeze %dma_wait3A_2042 : memref<1x16xf32, #tpu.memory_space<vmem>> -> memref<16xf32, #tpu.memory_space<vmem>>
    %dma_wait3A_2044 = arith.constant 0 : i32
    %dma_wait3A_2045 = tpu.memref_slice %arg3[%dma_wait3A_2033, %dma_wait3A_2044] : memref<1000x16xf32, #tpu.memory_space<hbm>> -> memref<1x16xf32, #tpu.memory_space<hbm>>
    %dma_wait3A_2046 = tpu.memref_squeeze %dma_wait3A_2045 : memref<1x16xf32, #tpu.memory_space<hbm>> -> memref<16xf32, #tpu.memory_space<hbm>>
    tpu.wait_dma2 semaphore(%arg23 : memref<!tpu.dma_semaphore, #tpu.memory_space<semaphore_mem>>) src(%dma_wait3A_2046 : memref<16xf32, #tpu.memory_space<hbm>>) dst(%dma_wait3A_2043 : memref<16xf32, #tpu.memory_space<vmem>>)
    %dma_wait3A_2047 = arith.constant 0 : i32
    %dma_wait3A_2048 = arith.constant 14 : i32
    %dma_wait3A_2049 = arith.constant 16 : i32
    %dma_wait3A_2050 = tpu.memref_slice %arg14[%dma_wait3A_2048, %dma_wait3A_2049] : memref<32x128xf32, #tpu.memory_space<vmem>> -> memref<1x64xf32, #tpu.memory_space<vmem>>
    %dma_wait3A_2051 = tpu.memref_squeeze %dma_wait3A_2050 : memref<1x64xf32, #tpu.memory_space<vmem>> -> memref<64xf32, #tpu.memory_space<vmem>>
    %dma_wait3A_2052 = arith.constant 0 : i32
    %dma_wait3A_2053 = tpu.memref_slice %arg4[%dma_wait3A_2047, %dma_wait3A_2052] : memref<100000x64xf32, #tpu.memory_space<hbm>> -> memref<1x64xf32, #tpu.memory_space<hbm>>
    %dma_wait3A_2054 = tpu.memref_squeeze %dma_wait3A_2053 : memref<1x64xf32, #tpu.memory_space<hbm>> -> memref<64xf32, #tpu.memory_space<hbm>>
    %dma_wait3A_2055 = arith.constant 16 : i32
    %dma_wait3A_2056 = tpu.memref_slice %arg14[%dma_wait3A_2048, %dma_wait3A_2055] : memref<32x128xf32, #tpu.memory_space<vmem>> -> memref<1x64xf32, #tpu.memory_space<vmem>>
    %dma_wait3A_2057 = tpu.memref_squeeze %dma_wait3A_2056 : memref<1x64xf32, #tpu.memory_space<vmem>> -> memref<64xf32, #tpu.memory_space<vmem>>
    %dma_wait3A_2058 = arith.constant 0 : i32
    %dma_wait3A_2059 = tpu.memref_slice %arg4[%dma_wait3A_2047, %dma_wait3A_2058] : memref<100000x64xf32, #tpu.memory_space<hbm>> -> memref<1x64xf32, #tpu.memory_space<hbm>>
    %dma_wait3A_2060 = tpu.memref_squeeze %dma_wait3A_2059 : memref<1x64xf32, #tpu.memory_space<hbm>> -> memref<64xf32, #tpu.memory_space<hbm>>
    tpu.wait_dma2 semaphore(%arg23 : memref<!tpu.dma_semaphore, #tpu.memory_space<semaphore_mem>>) src(%dma_wait3A_2060 : memref<64xf32, #tpu.memory_space<hbm>>) dst(%dma_wait3A_2057 : memref<64xf32, #tpu.memory_space<vmem>>)
    %dma_wait3A_2061 = arith.constant 0 : i32
    %dma_wait3A_2062 = arith.constant 15 : i32
    %dma_wait3A_2063 = arith.constant 0 : i32
    %dma_wait3A_2064 = tpu.memref_slice %arg14[%dma_wait3A_2062, %dma_wait3A_2063] : memref<32x128xf32, #tpu.memory_space<vmem>> -> memref<1x16xf32, #tpu.memory_space<vmem>>
    %dma_wait3A_2065 = tpu.memref_squeeze %dma_wait3A_2064 : memref<1x16xf32, #tpu.memory_space<vmem>> -> memref<16xf32, #tpu.memory_space<vmem>>
    %dma_wait3A_2066 = arith.constant 0 : i32
    %dma_wait3A_2067 = tpu.memref_slice %arg3[%dma_wait3A_2061, %dma_wait3A_2066] : memref<1000x16xf32, #tpu.memory_space<hbm>> -> memref<1x16xf32, #tpu.memory_space<hbm>>
    %dma_wait3A_2068 = tpu.memref_squeeze %dma_wait3A_2067 : memref<1x16xf32, #tpu.memory_space<hbm>> -> memref<16xf32, #tpu.memory_space<hbm>>
    %dma_wait3A_2069 = arith.constant 0 : i32
    %dma_wait3A_2070 = tpu.memref_slice %arg14[%dma_wait3A_2062, %dma_wait3A_2069] : memref<32x128xf32, #tpu.memory_space<vmem>> -> memref<1x16xf32, #tpu.memory_space<vmem>>
    %dma_wait3A_2071 = tpu.memref_squeeze %dma_wait3A_2070 : memref<1x16xf32, #tpu.memory_space<vmem>> -> memref<16xf32, #tpu.memory_space<vmem>>
    %dma_wait3A_2072 = arith.constant 0 : i32
    %dma_wait3A_2073 = tpu.memref_slice %arg3[%dma_wait3A_2061, %dma_wait3A_2072] : memref<1000x16xf32, #tpu.memory_space<hbm>> -> memref<1x16xf32, #tpu.memory_space<hbm>>
    %dma_wait3A_2074 = tpu.memref_squeeze %dma_wait3A_2073 : memref<1x16xf32, #tpu.memory_space<hbm>> -> memref<16xf32, #tpu.memory_space<hbm>>
    tpu.wait_dma2 semaphore(%arg23 : memref<!tpu.dma_semaphore, #tpu.memory_space<semaphore_mem>>) src(%dma_wait3A_2074 : memref<16xf32, #tpu.memory_space<hbm>>) dst(%dma_wait3A_2071 : memref<16xf32, #tpu.memory_space<vmem>>)
    %dma_wait3A_2075 = arith.constant 0 : i32
    %dma_wait3A_2076 = arith.constant 15 : i32
    %dma_wait3A_2077 = arith.constant 16 : i32
    %dma_wait3A_2078 = tpu.memref_slice %arg14[%dma_wait3A_2076, %dma_wait3A_2077] : memref<32x128xf32, #tpu.memory_space<vmem>> -> memref<1x64xf32, #tpu.memory_space<vmem>>
    %dma_wait3A_2079 = tpu.memref_squeeze %dma_wait3A_2078 : memref<1x64xf32, #tpu.memory_space<vmem>> -> memref<64xf32, #tpu.memory_space<vmem>>
    %dma_wait3A_2080 = arith.constant 0 : i32
    %dma_wait3A_2081 = tpu.memref_slice %arg4[%dma_wait3A_2075, %dma_wait3A_2080] : memref<100000x64xf32, #tpu.memory_space<hbm>> -> memref<1x64xf32, #tpu.memory_space<hbm>>
    %dma_wait3A_2082 = tpu.memref_squeeze %dma_wait3A_2081 : memref<1x64xf32, #tpu.memory_space<hbm>> -> memref<64xf32, #tpu.memory_space<hbm>>
    %dma_wait3A_2083 = arith.constant 16 : i32
    %dma_wait3A_2084 = tpu.memref_slice %arg14[%dma_wait3A_2076, %dma_wait3A_2083] : memref<32x128xf32, #tpu.memory_space<vmem>> -> memref<1x64xf32, #tpu.memory_space<vmem>>
    %dma_wait3A_2085 = tpu.memref_squeeze %dma_wait3A_2084 : memref<1x64xf32, #tpu.memory_space<vmem>> -> memref<64xf32, #tpu.memory_space<vmem>>
    %dma_wait3A_2086 = arith.constant 0 : i32
    %dma_wait3A_2087 = tpu.memref_slice %arg4[%dma_wait3A_2075, %dma_wait3A_2086] : memref<100000x64xf32, #tpu.memory_space<hbm>> -> memref<1x64xf32, #tpu.memory_space<hbm>>
    %dma_wait3A_2088 = tpu.memref_squeeze %dma_wait3A_2087 : memref<1x64xf32, #tpu.memory_space<hbm>> -> memref<64xf32, #tpu.memory_space<hbm>>
    tpu.wait_dma2 semaphore(%arg23 : memref<!tpu.dma_semaphore, #tpu.memory_space<semaphore_mem>>) src(%dma_wait3A_2088 : memref<64xf32, #tpu.memory_space<hbm>>) dst(%dma_wait3A_2085 : memref<64xf32, #tpu.memory_space<vmem>>)
    %dma_wait3A_2089 = arith.constant 0 : i32
    %dma_wait3A_2090 = arith.constant 16 : i32
    %dma_wait3A_2091 = arith.constant 0 : i32
    %dma_wait3A_2092 = tpu.memref_slice %arg14[%dma_wait3A_2090, %dma_wait3A_2091] : memref<32x128xf32, #tpu.memory_space<vmem>> -> memref<1x16xf32, #tpu.memory_space<vmem>>
    %dma_wait3A_2093 = tpu.memref_squeeze %dma_wait3A_2092 : memref<1x16xf32, #tpu.memory_space<vmem>> -> memref<16xf32, #tpu.memory_space<vmem>>
    %dma_wait3A_2094 = arith.constant 0 : i32
    %dma_wait3A_2095 = tpu.memref_slice %arg3[%dma_wait3A_2089, %dma_wait3A_2094] : memref<1000x16xf32, #tpu.memory_space<hbm>> -> memref<1x16xf32, #tpu.memory_space<hbm>>
    %dma_wait3A_2096 = tpu.memref_squeeze %dma_wait3A_2095 : memref<1x16xf32, #tpu.memory_space<hbm>> -> memref<16xf32, #tpu.memory_space<hbm>>
    %dma_wait3A_2097 = arith.constant 0 : i32
    %dma_wait3A_2098 = tpu.memref_slice %arg14[%dma_wait3A_2090, %dma_wait3A_2097] : memref<32x128xf32, #tpu.memory_space<vmem>> -> memref<1x16xf32, #tpu.memory_space<vmem>>
    %dma_wait3A_2099 = tpu.memref_squeeze %dma_wait3A_2098 : memref<1x16xf32, #tpu.memory_space<vmem>> -> memref<16xf32, #tpu.memory_space<vmem>>
    %dma_wait3A_2100 = arith.constant 0 : i32
    %dma_wait3A_2101 = tpu.memref_slice %arg3[%dma_wait3A_2089, %dma_wait3A_2100] : memref<1000x16xf32, #tpu.memory_space<hbm>> -> memref<1x16xf32, #tpu.memory_space<hbm>>
    %dma_wait3A_2102 = tpu.memref_squeeze %dma_wait3A_2101 : memref<1x16xf32, #tpu.memory_space<hbm>> -> memref<16xf32, #tpu.memory_space<hbm>>
    tpu.wait_dma2 semaphore(%arg23 : memref<!tpu.dma_semaphore, #tpu.memory_space<semaphore_mem>>) src(%dma_wait3A_2102 : memref<16xf32, #tpu.memory_space<hbm>>) dst(%dma_wait3A_2099 : memref<16xf32, #tpu.memory_space<vmem>>)
    %dma_wait3A_2103 = arith.constant 0 : i32
    %dma_wait3A_2104 = arith.constant 16 : i32
    %dma_wait3A_2105 = arith.constant 16 : i32
    %dma_wait3A_2106 = tpu.memref_slice %arg14[%dma_wait3A_2104, %dma_wait3A_2105] : memref<32x128xf32, #tpu.memory_space<vmem>> -> memref<1x64xf32, #tpu.memory_space<vmem>>
    %dma_wait3A_2107 = tpu.memref_squeeze %dma_wait3A_2106 : memref<1x64xf32, #tpu.memory_space<vmem>> -> memref<64xf32, #tpu.memory_space<vmem>>
    %dma_wait3A_2108 = arith.constant 0 : i32
    %dma_wait3A_2109 = tpu.memref_slice %arg4[%dma_wait3A_2103, %dma_wait3A_2108] : memref<100000x64xf32, #tpu.memory_space<hbm>> -> memref<1x64xf32, #tpu.memory_space<hbm>>
    %dma_wait3A_2110 = tpu.memref_squeeze %dma_wait3A_2109 : memref<1x64xf32, #tpu.memory_space<hbm>> -> memref<64xf32, #tpu.memory_space<hbm>>
    %dma_wait3A_2111 = arith.constant 16 : i32
    %dma_wait3A_2112 = tpu.memref_slice %arg14[%dma_wait3A_2104, %dma_wait3A_2111] : memref<32x128xf32, #tpu.memory_space<vmem>> -> memref<1x64xf32, #tpu.memory_space<vmem>>
    %dma_wait3A_2113 = tpu.memref_squeeze %dma_wait3A_2112 : memref<1x64xf32, #tpu.memory_space<vmem>> -> memref<64xf32, #tpu.memory_space<vmem>>
    %dma_wait3A_2114 = arith.constant 0 : i32
    %dma_wait3A_2115 = tpu.memref_slice %arg4[%dma_wait3A_2103, %dma_wait3A_2114] : memref<100000x64xf32, #tpu.memory_space<hbm>> -> memref<1x64xf32, #tpu.memory_space<hbm>>
    %dma_wait3A_2116 = tpu.memref_squeeze %dma_wait3A_2115 : memref<1x64xf32, #tpu.memory_space<hbm>> -> memref<64xf32, #tpu.memory_space<hbm>>
    tpu.wait_dma2 semaphore(%arg23 : memref<!tpu.dma_semaphore, #tpu.memory_space<semaphore_mem>>) src(%dma_wait3A_2116 : memref<64xf32, #tpu.memory_space<hbm>>) dst(%dma_wait3A_2113 : memref<64xf32, #tpu.memory_space<vmem>>)
    %dma_wait3A_2117 = arith.constant 0 : i32
    %dma_wait3A_2118 = arith.constant 17 : i32
    %dma_wait3A_2119 = arith.constant 0 : i32
    %dma_wait3A_2120 = tpu.memref_slice %arg14[%dma_wait3A_2118, %dma_wait3A_2119] : memref<32x128xf32, #tpu.memory_space<vmem>> -> memref<1x16xf32, #tpu.memory_space<vmem>>
    %dma_wait3A_2121 = tpu.memref_squeeze %dma_wait3A_2120 : memref<1x16xf32, #tpu.memory_space<vmem>> -> memref<16xf32, #tpu.memory_space<vmem>>
    %dma_wait3A_2122 = arith.constant 0 : i32
    %dma_wait3A_2123 = tpu.memref_slice %arg3[%dma_wait3A_2117, %dma_wait3A_2122] : memref<1000x16xf32, #tpu.memory_space<hbm>> -> memref<1x16xf32, #tpu.memory_space<hbm>>
    %dma_wait3A_2124 = tpu.memref_squeeze %dma_wait3A_2123 : memref<1x16xf32, #tpu.memory_space<hbm>> -> memref<16xf32, #tpu.memory_space<hbm>>
    %dma_wait3A_2125 = arith.constant 0 : i32
    %dma_wait3A_2126 = tpu.memref_slice %arg14[%dma_wait3A_2118, %dma_wait3A_2125] : memref<32x128xf32, #tpu.memory_space<vmem>> -> memref<1x16xf32, #tpu.memory_space<vmem>>
    %dma_wait3A_2127 = tpu.memref_squeeze %dma_wait3A_2126 : memref<1x16xf32, #tpu.memory_space<vmem>> -> memref<16xf32, #tpu.memory_space<vmem>>
    %dma_wait3A_2128 = arith.constant 0 : i32
    %dma_wait3A_2129 = tpu.memref_slice %arg3[%dma_wait3A_2117, %dma_wait3A_2128] : memref<1000x16xf32, #tpu.memory_space<hbm>> -> memref<1x16xf32, #tpu.memory_space<hbm>>
    %dma_wait3A_2130 = tpu.memref_squeeze %dma_wait3A_2129 : memref<1x16xf32, #tpu.memory_space<hbm>> -> memref<16xf32, #tpu.memory_space<hbm>>
    tpu.wait_dma2 semaphore(%arg23 : memref<!tpu.dma_semaphore, #tpu.memory_space<semaphore_mem>>) src(%dma_wait3A_2130 : memref<16xf32, #tpu.memory_space<hbm>>) dst(%dma_wait3A_2127 : memref<16xf32, #tpu.memory_space<vmem>>)
    %dma_wait3A_2131 = arith.constant 0 : i32
    %dma_wait3A_2132 = arith.constant 17 : i32
    %dma_wait3A_2133 = arith.constant 16 : i32
    %dma_wait3A_2134 = tpu.memref_slice %arg14[%dma_wait3A_2132, %dma_wait3A_2133] : memref<32x128xf32, #tpu.memory_space<vmem>> -> memref<1x64xf32, #tpu.memory_space<vmem>>
    %dma_wait3A_2135 = tpu.memref_squeeze %dma_wait3A_2134 : memref<1x64xf32, #tpu.memory_space<vmem>> -> memref<64xf32, #tpu.memory_space<vmem>>
    %dma_wait3A_2136 = arith.constant 0 : i32
    %dma_wait3A_2137 = tpu.memref_slice %arg4[%dma_wait3A_2131, %dma_wait3A_2136] : memref<100000x64xf32, #tpu.memory_space<hbm>> -> memref<1x64xf32, #tpu.memory_space<hbm>>
    %dma_wait3A_2138 = tpu.memref_squeeze %dma_wait3A_2137 : memref<1x64xf32, #tpu.memory_space<hbm>> -> memref<64xf32, #tpu.memory_space<hbm>>
    %dma_wait3A_2139 = arith.constant 16 : i32
    %dma_wait3A_2140 = tpu.memref_slice %arg14[%dma_wait3A_2132, %dma_wait3A_2139] : memref<32x128xf32, #tpu.memory_space<vmem>> -> memref<1x64xf32, #tpu.memory_space<vmem>>
    %dma_wait3A_2141 = tpu.memref_squeeze %dma_wait3A_2140 : memref<1x64xf32, #tpu.memory_space<vmem>> -> memref<64xf32, #tpu.memory_space<vmem>>
    %dma_wait3A_2142 = arith.constant 0 : i32
    %dma_wait3A_2143 = tpu.memref_slice %arg4[%dma_wait3A_2131, %dma_wait3A_2142] : memref<100000x64xf32, #tpu.memory_space<hbm>> -> memref<1x64xf32, #tpu.memory_space<hbm>>
    %dma_wait3A_2144 = tpu.memref_squeeze %dma_wait3A_2143 : memref<1x64xf32, #tpu.memory_space<hbm>> -> memref<64xf32, #tpu.memory_space<hbm>>
    tpu.wait_dma2 semaphore(%arg23 : memref<!tpu.dma_semaphore, #tpu.memory_space<semaphore_mem>>) src(%dma_wait3A_2144 : memref<64xf32, #tpu.memory_space<hbm>>) dst(%dma_wait3A_2141 : memref<64xf32, #tpu.memory_space<vmem>>)
    %dma_wait3A_2145 = arith.constant 0 : i32
    %dma_wait3A_2146 = arith.constant 18 : i32
    %dma_wait3A_2147 = arith.constant 0 : i32
    %dma_wait3A_2148 = tpu.memref_slice %arg14[%dma_wait3A_2146, %dma_wait3A_2147] : memref<32x128xf32, #tpu.memory_space<vmem>> -> memref<1x16xf32, #tpu.memory_space<vmem>>
    %dma_wait3A_2149 = tpu.memref_squeeze %dma_wait3A_2148 : memref<1x16xf32, #tpu.memory_space<vmem>> -> memref<16xf32, #tpu.memory_space<vmem>>
    %dma_wait3A_2150 = arith.constant 0 : i32
    %dma_wait3A_2151 = tpu.memref_slice %arg3[%dma_wait3A_2145, %dma_wait3A_2150] : memref<1000x16xf32, #tpu.memory_space<hbm>> -> memref<1x16xf32, #tpu.memory_space<hbm>>
    %dma_wait3A_2152 = tpu.memref_squeeze %dma_wait3A_2151 : memref<1x16xf32, #tpu.memory_space<hbm>> -> memref<16xf32, #tpu.memory_space<hbm>>
    %dma_wait3A_2153 = arith.constant 0 : i32
    %dma_wait3A_2154 = tpu.memref_slice %arg14[%dma_wait3A_2146, %dma_wait3A_2153] : memref<32x128xf32, #tpu.memory_space<vmem>> -> memref<1x16xf32, #tpu.memory_space<vmem>>
    %dma_wait3A_2155 = tpu.memref_squeeze %dma_wait3A_2154 : memref<1x16xf32, #tpu.memory_space<vmem>> -> memref<16xf32, #tpu.memory_space<vmem>>
    %dma_wait3A_2156 = arith.constant 0 : i32
    %dma_wait3A_2157 = tpu.memref_slice %arg3[%dma_wait3A_2145, %dma_wait3A_2156] : memref<1000x16xf32, #tpu.memory_space<hbm>> -> memref<1x16xf32, #tpu.memory_space<hbm>>
    %dma_wait3A_2158 = tpu.memref_squeeze %dma_wait3A_2157 : memref<1x16xf32, #tpu.memory_space<hbm>> -> memref<16xf32, #tpu.memory_space<hbm>>
    tpu.wait_dma2 semaphore(%arg23 : memref<!tpu.dma_semaphore, #tpu.memory_space<semaphore_mem>>) src(%dma_wait3A_2158 : memref<16xf32, #tpu.memory_space<hbm>>) dst(%dma_wait3A_2155 : memref<16xf32, #tpu.memory_space<vmem>>)
    %dma_wait3A_2159 = arith.constant 0 : i32
    %dma_wait3A_2160 = arith.constant 18 : i32
    %dma_wait3A_2161 = arith.constant 16 : i32
    %dma_wait3A_2162 = tpu.memref_slice %arg14[%dma_wait3A_2160, %dma_wait3A_2161] : memref<32x128xf32, #tpu.memory_space<vmem>> -> memref<1x64xf32, #tpu.memory_space<vmem>>
    %dma_wait3A_2163 = tpu.memref_squeeze %dma_wait3A_2162 : memref<1x64xf32, #tpu.memory_space<vmem>> -> memref<64xf32, #tpu.memory_space<vmem>>
    %dma_wait3A_2164 = arith.constant 0 : i32
    %dma_wait3A_2165 = tpu.memref_slice %arg4[%dma_wait3A_2159, %dma_wait3A_2164] : memref<100000x64xf32, #tpu.memory_space<hbm>> -> memref<1x64xf32, #tpu.memory_space<hbm>>
    %dma_wait3A_2166 = tpu.memref_squeeze %dma_wait3A_2165 : memref<1x64xf32, #tpu.memory_space<hbm>> -> memref<64xf32, #tpu.memory_space<hbm>>
    %dma_wait3A_2167 = arith.constant 16 : i32
    %dma_wait3A_2168 = tpu.memref_slice %arg14[%dma_wait3A_2160, %dma_wait3A_2167] : memref<32x128xf32, #tpu.memory_space<vmem>> -> memref<1x64xf32, #tpu.memory_space<vmem>>
    %dma_wait3A_2169 = tpu.memref_squeeze %dma_wait3A_2168 : memref<1x64xf32, #tpu.memory_space<vmem>> -> memref<64xf32, #tpu.memory_space<vmem>>
    %dma_wait3A_2170 = arith.constant 0 : i32
    %dma_wait3A_2171 = tpu.memref_slice %arg4[%dma_wait3A_2159, %dma_wait3A_2170] : memref<100000x64xf32, #tpu.memory_space<hbm>> -> memref<1x64xf32, #tpu.memory_space<hbm>>
    %dma_wait3A_2172 = tpu.memref_squeeze %dma_wait3A_2171 : memref<1x64xf32, #tpu.memory_space<hbm>> -> memref<64xf32, #tpu.memory_space<hbm>>
    tpu.wait_dma2 semaphore(%arg23 : memref<!tpu.dma_semaphore, #tpu.memory_space<semaphore_mem>>) src(%dma_wait3A_2172 : memref<64xf32, #tpu.memory_space<hbm>>) dst(%dma_wait3A_2169 : memref<64xf32, #tpu.memory_space<vmem>>)
    %dma_wait3A_2173 = arith.constant 0 : i32
    %dma_wait3A_2174 = arith.constant 19 : i32
    %dma_wait3A_2175 = arith.constant 0 : i32
    %dma_wait3A_2176 = tpu.memref_slice %arg14[%dma_wait3A_2174, %dma_wait3A_2175] : memref<32x128xf32, #tpu.memory_space<vmem>> -> memref<1x16xf32, #tpu.memory_space<vmem>>
    %dma_wait3A_2177 = tpu.memref_squeeze %dma_wait3A_2176 : memref<1x16xf32, #tpu.memory_space<vmem>> -> memref<16xf32, #tpu.memory_space<vmem>>
    %dma_wait3A_2178 = arith.constant 0 : i32
    %dma_wait3A_2179 = tpu.memref_slice %arg3[%dma_wait3A_2173, %dma_wait3A_2178] : memref<1000x16xf32, #tpu.memory_space<hbm>> -> memref<1x16xf32, #tpu.memory_space<hbm>>
    %dma_wait3A_2180 = tpu.memref_squeeze %dma_wait3A_2179 : memref<1x16xf32, #tpu.memory_space<hbm>> -> memref<16xf32, #tpu.memory_space<hbm>>
    %dma_wait3A_2181 = arith.constant 0 : i32
    %dma_wait3A_2182 = tpu.memref_slice %arg14[%dma_wait3A_2174, %dma_wait3A_2181] : memref<32x128xf32, #tpu.memory_space<vmem>> -> memref<1x16xf32, #tpu.memory_space<vmem>>
    %dma_wait3A_2183 = tpu.memref_squeeze %dma_wait3A_2182 : memref<1x16xf32, #tpu.memory_space<vmem>> -> memref<16xf32, #tpu.memory_space<vmem>>
    %dma_wait3A_2184 = arith.constant 0 : i32
    %dma_wait3A_2185 = tpu.memref_slice %arg3[%dma_wait3A_2173, %dma_wait3A_2184] : memref<1000x16xf32, #tpu.memory_space<hbm>> -> memref<1x16xf32, #tpu.memory_space<hbm>>
    %dma_wait3A_2186 = tpu.memref_squeeze %dma_wait3A_2185 : memref<1x16xf32, #tpu.memory_space<hbm>> -> memref<16xf32, #tpu.memory_space<hbm>>
    tpu.wait_dma2 semaphore(%arg23 : memref<!tpu.dma_semaphore, #tpu.memory_space<semaphore_mem>>) src(%dma_wait3A_2186 : memref<16xf32, #tpu.memory_space<hbm>>) dst(%dma_wait3A_2183 : memref<16xf32, #tpu.memory_space<vmem>>)
    %dma_wait3A_2187 = arith.constant 0 : i32
    %dma_wait3A_2188 = arith.constant 19 : i32
    %dma_wait3A_2189 = arith.constant 16 : i32
    %dma_wait3A_2190 = tpu.memref_slice %arg14[%dma_wait3A_2188, %dma_wait3A_2189] : memref<32x128xf32, #tpu.memory_space<vmem>> -> memref<1x64xf32, #tpu.memory_space<vmem>>
    %dma_wait3A_2191 = tpu.memref_squeeze %dma_wait3A_2190 : memref<1x64xf32, #tpu.memory_space<vmem>> -> memref<64xf32, #tpu.memory_space<vmem>>
    %dma_wait3A_2192 = arith.constant 0 : i32
    %dma_wait3A_2193 = tpu.memref_slice %arg4[%dma_wait3A_2187, %dma_wait3A_2192] : memref<100000x64xf32, #tpu.memory_space<hbm>> -> memref<1x64xf32, #tpu.memory_space<hbm>>
    %dma_wait3A_2194 = tpu.memref_squeeze %dma_wait3A_2193 : memref<1x64xf32, #tpu.memory_space<hbm>> -> memref<64xf32, #tpu.memory_space<hbm>>
    %dma_wait3A_2195 = arith.constant 16 : i32
    %dma_wait3A_2196 = tpu.memref_slice %arg14[%dma_wait3A_2188, %dma_wait3A_2195] : memref<32x128xf32, #tpu.memory_space<vmem>> -> memref<1x64xf32, #tpu.memory_space<vmem>>
    %dma_wait3A_2197 = tpu.memref_squeeze %dma_wait3A_2196 : memref<1x64xf32, #tpu.memory_space<vmem>> -> memref<64xf32, #tpu.memory_space<vmem>>
    %dma_wait3A_2198 = arith.constant 0 : i32
    %dma_wait3A_2199 = tpu.memref_slice %arg4[%dma_wait3A_2187, %dma_wait3A_2198] : memref<100000x64xf32, #tpu.memory_space<hbm>> -> memref<1x64xf32, #tpu.memory_space<hbm>>
    %dma_wait3A_2200 = tpu.memref_squeeze %dma_wait3A_2199 : memref<1x64xf32, #tpu.memory_space<hbm>> -> memref<64xf32, #tpu.memory_space<hbm>>
    tpu.wait_dma2 semaphore(%arg23 : memref<!tpu.dma_semaphore, #tpu.memory_space<semaphore_mem>>) src(%dma_wait3A_2200 : memref<64xf32, #tpu.memory_space<hbm>>) dst(%dma_wait3A_2197 : memref<64xf32, #tpu.memory_space<vmem>>)
    %dma_wait3A_2201 = arith.constant 0 : i32
    %dma_wait3A_2202 = arith.constant 20 : i32
    %dma_wait3A_2203 = arith.constant 0 : i32
    %dma_wait3A_2204 = tpu.memref_slice %arg14[%dma_wait3A_2202, %dma_wait3A_2203] : memref<32x128xf32, #tpu.memory_space<vmem>> -> memref<1x16xf32, #tpu.memory_space<vmem>>
    %dma_wait3A_2205 = tpu.memref_squeeze %dma_wait3A_2204 : memref<1x16xf32, #tpu.memory_space<vmem>> -> memref<16xf32, #tpu.memory_space<vmem>>
    %dma_wait3A_2206 = arith.constant 0 : i32
    %dma_wait3A_2207 = tpu.memref_slice %arg3[%dma_wait3A_2201, %dma_wait3A_2206] : memref<1000x16xf32, #tpu.memory_space<hbm>> -> memref<1x16xf32, #tpu.memory_space<hbm>>
    %dma_wait3A_2208 = tpu.memref_squeeze %dma_wait3A_2207 : memref<1x16xf32, #tpu.memory_space<hbm>> -> memref<16xf32, #tpu.memory_space<hbm>>
    %dma_wait3A_2209 = arith.constant 0 : i32
    %dma_wait3A_2210 = tpu.memref_slice %arg14[%dma_wait3A_2202, %dma_wait3A_2209] : memref<32x128xf32, #tpu.memory_space<vmem>> -> memref<1x16xf32, #tpu.memory_space<vmem>>
    %dma_wait3A_2211 = tpu.memref_squeeze %dma_wait3A_2210 : memref<1x16xf32, #tpu.memory_space<vmem>> -> memref<16xf32, #tpu.memory_space<vmem>>
    %dma_wait3A_2212 = arith.constant 0 : i32
    %dma_wait3A_2213 = tpu.memref_slice %arg3[%dma_wait3A_2201, %dma_wait3A_2212] : memref<1000x16xf32, #tpu.memory_space<hbm>> -> memref<1x16xf32, #tpu.memory_space<hbm>>
    %dma_wait3A_2214 = tpu.memref_squeeze %dma_wait3A_2213 : memref<1x16xf32, #tpu.memory_space<hbm>> -> memref<16xf32, #tpu.memory_space<hbm>>
    tpu.wait_dma2 semaphore(%arg23 : memref<!tpu.dma_semaphore, #tpu.memory_space<semaphore_mem>>) src(%dma_wait3A_2214 : memref<16xf32, #tpu.memory_space<hbm>>) dst(%dma_wait3A_2211 : memref<16xf32, #tpu.memory_space<vmem>>)
    %dma_wait3A_2215 = arith.constant 0 : i32
    %dma_wait3A_2216 = arith.constant 20 : i32
    %dma_wait3A_2217 = arith.constant 16 : i32
    %dma_wait3A_2218 = tpu.memref_slice %arg14[%dma_wait3A_2216, %dma_wait3A_2217] : memref<32x128xf32, #tpu.memory_space<vmem>> -> memref<1x64xf32, #tpu.memory_space<vmem>>
    %dma_wait3A_2219 = tpu.memref_squeeze %dma_wait3A_2218 : memref<1x64xf32, #tpu.memory_space<vmem>> -> memref<64xf32, #tpu.memory_space<vmem>>
    %dma_wait3A_2220 = arith.constant 0 : i32
    %dma_wait3A_2221 = tpu.memref_slice %arg4[%dma_wait3A_2215, %dma_wait3A_2220] : memref<100000x64xf32, #tpu.memory_space<hbm>> -> memref<1x64xf32, #tpu.memory_space<hbm>>
    %dma_wait3A_2222 = tpu.memref_squeeze %dma_wait3A_2221 : memref<1x64xf32, #tpu.memory_space<hbm>> -> memref<64xf32, #tpu.memory_space<hbm>>
    %dma_wait3A_2223 = arith.constant 16 : i32
    %dma_wait3A_2224 = tpu.memref_slice %arg14[%dma_wait3A_2216, %dma_wait3A_2223] : memref<32x128xf32, #tpu.memory_space<vmem>> -> memref<1x64xf32, #tpu.memory_space<vmem>>
    %dma_wait3A_2225 = tpu.memref_squeeze %dma_wait3A_2224 : memref<1x64xf32, #tpu.memory_space<vmem>> -> memref<64xf32, #tpu.memory_space<vmem>>
    %dma_wait3A_2226 = arith.constant 0 : i32
    %dma_wait3A_2227 = tpu.memref_slice %arg4[%dma_wait3A_2215, %dma_wait3A_2226] : memref<100000x64xf32, #tpu.memory_space<hbm>> -> memref<1x64xf32, #tpu.memory_space<hbm>>
    %dma_wait3A_2228 = tpu.memref_squeeze %dma_wait3A_2227 : memref<1x64xf32, #tpu.memory_space<hbm>> -> memref<64xf32, #tpu.memory_space<hbm>>
    tpu.wait_dma2 semaphore(%arg23 : memref<!tpu.dma_semaphore, #tpu.memory_space<semaphore_mem>>) src(%dma_wait3A_2228 : memref<64xf32, #tpu.memory_space<hbm>>) dst(%dma_wait3A_2225 : memref<64xf32, #tpu.memory_space<vmem>>)
    %dma_wait3A_2229 = arith.constant 0 : i32
    %dma_wait3A_2230 = arith.constant 21 : i32
    %dma_wait3A_2231 = arith.constant 0 : i32
    %dma_wait3A_2232 = tpu.memref_slice %arg14[%dma_wait3A_2230, %dma_wait3A_2231] : memref<32x128xf32, #tpu.memory_space<vmem>> -> memref<1x16xf32, #tpu.memory_space<vmem>>
    %dma_wait3A_2233 = tpu.memref_squeeze %dma_wait3A_2232 : memref<1x16xf32, #tpu.memory_space<vmem>> -> memref<16xf32, #tpu.memory_space<vmem>>
    %dma_wait3A_2234 = arith.constant 0 : i32
    %dma_wait3A_2235 = tpu.memref_slice %arg3[%dma_wait3A_2229, %dma_wait3A_2234] : memref<1000x16xf32, #tpu.memory_space<hbm>> -> memref<1x16xf32, #tpu.memory_space<hbm>>
    %dma_wait3A_2236 = tpu.memref_squeeze %dma_wait3A_2235 : memref<1x16xf32, #tpu.memory_space<hbm>> -> memref<16xf32, #tpu.memory_space<hbm>>
    %dma_wait3A_2237 = arith.constant 0 : i32
    %dma_wait3A_2238 = tpu.memref_slice %arg14[%dma_wait3A_2230, %dma_wait3A_2237] : memref<32x128xf32, #tpu.memory_space<vmem>> -> memref<1x16xf32, #tpu.memory_space<vmem>>
    %dma_wait3A_2239 = tpu.memref_squeeze %dma_wait3A_2238 : memref<1x16xf32, #tpu.memory_space<vmem>> -> memref<16xf32, #tpu.memory_space<vmem>>
    %dma_wait3A_2240 = arith.constant 0 : i32
    %dma_wait3A_2241 = tpu.memref_slice %arg3[%dma_wait3A_2229, %dma_wait3A_2240] : memref<1000x16xf32, #tpu.memory_space<hbm>> -> memref<1x16xf32, #tpu.memory_space<hbm>>
    %dma_wait3A_2242 = tpu.memref_squeeze %dma_wait3A_2241 : memref<1x16xf32, #tpu.memory_space<hbm>> -> memref<16xf32, #tpu.memory_space<hbm>>
    tpu.wait_dma2 semaphore(%arg23 : memref<!tpu.dma_semaphore, #tpu.memory_space<semaphore_mem>>) src(%dma_wait3A_2242 : memref<16xf32, #tpu.memory_space<hbm>>) dst(%dma_wait3A_2239 : memref<16xf32, #tpu.memory_space<vmem>>)
    %dma_wait3A_2243 = arith.constant 0 : i32
    %dma_wait3A_2244 = arith.constant 21 : i32
    %dma_wait3A_2245 = arith.constant 16 : i32
    %dma_wait3A_2246 = tpu.memref_slice %arg14[%dma_wait3A_2244, %dma_wait3A_2245] : memref<32x128xf32, #tpu.memory_space<vmem>> -> memref<1x64xf32, #tpu.memory_space<vmem>>
    %dma_wait3A_2247 = tpu.memref_squeeze %dma_wait3A_2246 : memref<1x64xf32, #tpu.memory_space<vmem>> -> memref<64xf32, #tpu.memory_space<vmem>>
    %dma_wait3A_2248 = arith.constant 0 : i32
    %dma_wait3A_2249 = tpu.memref_slice %arg4[%dma_wait3A_2243, %dma_wait3A_2248] : memref<100000x64xf32, #tpu.memory_space<hbm>> -> memref<1x64xf32, #tpu.memory_space<hbm>>
    %dma_wait3A_2250 = tpu.memref_squeeze %dma_wait3A_2249 : memref<1x64xf32, #tpu.memory_space<hbm>> -> memref<64xf32, #tpu.memory_space<hbm>>
    %dma_wait3A_2251 = arith.constant 16 : i32
    %dma_wait3A_2252 = tpu.memref_slice %arg14[%dma_wait3A_2244, %dma_wait3A_2251] : memref<32x128xf32, #tpu.memory_space<vmem>> -> memref<1x64xf32, #tpu.memory_space<vmem>>
    %dma_wait3A_2253 = tpu.memref_squeeze %dma_wait3A_2252 : memref<1x64xf32, #tpu.memory_space<vmem>> -> memref<64xf32, #tpu.memory_space<vmem>>
    %dma_wait3A_2254 = arith.constant 0 : i32
    %dma_wait3A_2255 = tpu.memref_slice %arg4[%dma_wait3A_2243, %dma_wait3A_2254] : memref<100000x64xf32, #tpu.memory_space<hbm>> -> memref<1x64xf32, #tpu.memory_space<hbm>>
    %dma_wait3A_2256 = tpu.memref_squeeze %dma_wait3A_2255 : memref<1x64xf32, #tpu.memory_space<hbm>> -> memref<64xf32, #tpu.memory_space<hbm>>
    tpu.wait_dma2 semaphore(%arg23 : memref<!tpu.dma_semaphore, #tpu.memory_space<semaphore_mem>>) src(%dma_wait3A_2256 : memref<64xf32, #tpu.memory_space<hbm>>) dst(%dma_wait3A_2253 : memref<64xf32, #tpu.memory_space<vmem>>)
    %dma_wait3A_2257 = arith.constant 0 : i32
    %dma_wait3A_2258 = arith.constant 22 : i32
    %dma_wait3A_2259 = arith.constant 0 : i32
    %dma_wait3A_2260 = tpu.memref_slice %arg14[%dma_wait3A_2258, %dma_wait3A_2259] : memref<32x128xf32, #tpu.memory_space<vmem>> -> memref<1x16xf32, #tpu.memory_space<vmem>>
    %dma_wait3A_2261 = tpu.memref_squeeze %dma_wait3A_2260 : memref<1x16xf32, #tpu.memory_space<vmem>> -> memref<16xf32, #tpu.memory_space<vmem>>
    %dma_wait3A_2262 = arith.constant 0 : i32
    %dma_wait3A_2263 = tpu.memref_slice %arg3[%dma_wait3A_2257, %dma_wait3A_2262] : memref<1000x16xf32, #tpu.memory_space<hbm>> -> memref<1x16xf32, #tpu.memory_space<hbm>>
    %dma_wait3A_2264 = tpu.memref_squeeze %dma_wait3A_2263 : memref<1x16xf32, #tpu.memory_space<hbm>> -> memref<16xf32, #tpu.memory_space<hbm>>
    %dma_wait3A_2265 = arith.constant 0 : i32
    %dma_wait3A_2266 = tpu.memref_slice %arg14[%dma_wait3A_2258, %dma_wait3A_2265] : memref<32x128xf32, #tpu.memory_space<vmem>> -> memref<1x16xf32, #tpu.memory_space<vmem>>
    %dma_wait3A_2267 = tpu.memref_squeeze %dma_wait3A_2266 : memref<1x16xf32, #tpu.memory_space<vmem>> -> memref<16xf32, #tpu.memory_space<vmem>>
    %dma_wait3A_2268 = arith.constant 0 : i32
    %dma_wait3A_2269 = tpu.memref_slice %arg3[%dma_wait3A_2257, %dma_wait3A_2268] : memref<1000x16xf32, #tpu.memory_space<hbm>> -> memref<1x16xf32, #tpu.memory_space<hbm>>
    %dma_wait3A_2270 = tpu.memref_squeeze %dma_wait3A_2269 : memref<1x16xf32, #tpu.memory_space<hbm>> -> memref<16xf32, #tpu.memory_space<hbm>>
    tpu.wait_dma2 semaphore(%arg23 : memref<!tpu.dma_semaphore, #tpu.memory_space<semaphore_mem>>) src(%dma_wait3A_2270 : memref<16xf32, #tpu.memory_space<hbm>>) dst(%dma_wait3A_2267 : memref<16xf32, #tpu.memory_space<vmem>>)
    %dma_wait3A_2271 = arith.constant 0 : i32
    %dma_wait3A_2272 = arith.constant 22 : i32
    %dma_wait3A_2273 = arith.constant 16 : i32
    %dma_wait3A_2274 = tpu.memref_slice %arg14[%dma_wait3A_2272, %dma_wait3A_2273] : memref<32x128xf32, #tpu.memory_space<vmem>> -> memref<1x64xf32, #tpu.memory_space<vmem>>
    %dma_wait3A_2275 = tpu.memref_squeeze %dma_wait3A_2274 : memref<1x64xf32, #tpu.memory_space<vmem>> -> memref<64xf32, #tpu.memory_space<vmem>>
    %dma_wait3A_2276 = arith.constant 0 : i32
    %dma_wait3A_2277 = tpu.memref_slice %arg4[%dma_wait3A_2271, %dma_wait3A_2276] : memref<100000x64xf32, #tpu.memory_space<hbm>> -> memref<1x64xf32, #tpu.memory_space<hbm>>
    %dma_wait3A_2278 = tpu.memref_squeeze %dma_wait3A_2277 : memref<1x64xf32, #tpu.memory_space<hbm>> -> memref<64xf32, #tpu.memory_space<hbm>>
    %dma_wait3A_2279 = arith.constant 16 : i32
    %dma_wait3A_2280 = tpu.memref_slice %arg14[%dma_wait3A_2272, %dma_wait3A_2279] : memref<32x128xf32, #tpu.memory_space<vmem>> -> memref<1x64xf32, #tpu.memory_space<vmem>>
    %dma_wait3A_2281 = tpu.memref_squeeze %dma_wait3A_2280 : memref<1x64xf32, #tpu.memory_space<vmem>> -> memref<64xf32, #tpu.memory_space<vmem>>
    %dma_wait3A_2282 = arith.constant 0 : i32
    %dma_wait3A_2283 = tpu.memref_slice %arg4[%dma_wait3A_2271, %dma_wait3A_2282] : memref<100000x64xf32, #tpu.memory_space<hbm>> -> memref<1x64xf32, #tpu.memory_space<hbm>>
    %dma_wait3A_2284 = tpu.memref_squeeze %dma_wait3A_2283 : memref<1x64xf32, #tpu.memory_space<hbm>> -> memref<64xf32, #tpu.memory_space<hbm>>
    tpu.wait_dma2 semaphore(%arg23 : memref<!tpu.dma_semaphore, #tpu.memory_space<semaphore_mem>>) src(%dma_wait3A_2284 : memref<64xf32, #tpu.memory_space<hbm>>) dst(%dma_wait3A_2281 : memref<64xf32, #tpu.memory_space<vmem>>)
    %dma_wait3A_2285 = arith.constant 0 : i32
    %dma_wait3A_2286 = arith.constant 23 : i32
    %dma_wait3A_2287 = arith.constant 0 : i32
    %dma_wait3A_2288 = tpu.memref_slice %arg14[%dma_wait3A_2286, %dma_wait3A_2287] : memref<32x128xf32, #tpu.memory_space<vmem>> -> memref<1x16xf32, #tpu.memory_space<vmem>>
    %dma_wait3A_2289 = tpu.memref_squeeze %dma_wait3A_2288 : memref<1x16xf32, #tpu.memory_space<vmem>> -> memref<16xf32, #tpu.memory_space<vmem>>
    %dma_wait3A_2290 = arith.constant 0 : i32
    %dma_wait3A_2291 = tpu.memref_slice %arg3[%dma_wait3A_2285, %dma_wait3A_2290] : memref<1000x16xf32, #tpu.memory_space<hbm>> -> memref<1x16xf32, #tpu.memory_space<hbm>>
    %dma_wait3A_2292 = tpu.memref_squeeze %dma_wait3A_2291 : memref<1x16xf32, #tpu.memory_space<hbm>> -> memref<16xf32, #tpu.memory_space<hbm>>
    %dma_wait3A_2293 = arith.constant 0 : i32
    %dma_wait3A_2294 = tpu.memref_slice %arg14[%dma_wait3A_2286, %dma_wait3A_2293] : memref<32x128xf32, #tpu.memory_space<vmem>> -> memref<1x16xf32, #tpu.memory_space<vmem>>
    %dma_wait3A_2295 = tpu.memref_squeeze %dma_wait3A_2294 : memref<1x16xf32, #tpu.memory_space<vmem>> -> memref<16xf32, #tpu.memory_space<vmem>>
    %dma_wait3A_2296 = arith.constant 0 : i32
    %dma_wait3A_2297 = tpu.memref_slice %arg3[%dma_wait3A_2285, %dma_wait3A_2296] : memref<1000x16xf32, #tpu.memory_space<hbm>> -> memref<1x16xf32, #tpu.memory_space<hbm>>
    %dma_wait3A_2298 = tpu.memref_squeeze %dma_wait3A_2297 : memref<1x16xf32, #tpu.memory_space<hbm>> -> memref<16xf32, #tpu.memory_space<hbm>>
    tpu.wait_dma2 semaphore(%arg23 : memref<!tpu.dma_semaphore, #tpu.memory_space<semaphore_mem>>) src(%dma_wait3A_2298 : memref<16xf32, #tpu.memory_space<hbm>>) dst(%dma_wait3A_2295 : memref<16xf32, #tpu.memory_space<vmem>>)
    %dma_wait3A_2299 = arith.constant 0 : i32
    %dma_wait3A_2300 = arith.constant 23 : i32
    %dma_wait3A_2301 = arith.constant 16 : i32
    %dma_wait3A_2302 = tpu.memref_slice %arg14[%dma_wait3A_2300, %dma_wait3A_2301] : memref<32x128xf32, #tpu.memory_space<vmem>> -> memref<1x64xf32, #tpu.memory_space<vmem>>
    %dma_wait3A_2303 = tpu.memref_squeeze %dma_wait3A_2302 : memref<1x64xf32, #tpu.memory_space<vmem>> -> memref<64xf32, #tpu.memory_space<vmem>>
    %dma_wait3A_2304 = arith.constant 0 : i32
    %dma_wait3A_2305 = tpu.memref_slice %arg4[%dma_wait3A_2299, %dma_wait3A_2304] : memref<100000x64xf32, #tpu.memory_space<hbm>> -> memref<1x64xf32, #tpu.memory_space<hbm>>
    %dma_wait3A_2306 = tpu.memref_squeeze %dma_wait3A_2305 : memref<1x64xf32, #tpu.memory_space<hbm>> -> memref<64xf32, #tpu.memory_space<hbm>>
    %dma_wait3A_2307 = arith.constant 16 : i32
    %dma_wait3A_2308 = tpu.memref_slice %arg14[%dma_wait3A_2300, %dma_wait3A_2307] : memref<32x128xf32, #tpu.memory_space<vmem>> -> memref<1x64xf32, #tpu.memory_space<vmem>>
    %dma_wait3A_2309 = tpu.memref_squeeze %dma_wait3A_2308 : memref<1x64xf32, #tpu.memory_space<vmem>> -> memref<64xf32, #tpu.memory_space<vmem>>
    %dma_wait3A_2310 = arith.constant 0 : i32
    %dma_wait3A_2311 = tpu.memref_slice %arg4[%dma_wait3A_2299, %dma_wait3A_2310] : memref<100000x64xf32, #tpu.memory_space<hbm>> -> memref<1x64xf32, #tpu.memory_space<hbm>>
    %dma_wait3A_2312 = tpu.memref_squeeze %dma_wait3A_2311 : memref<1x64xf32, #tpu.memory_space<hbm>> -> memref<64xf32, #tpu.memory_space<hbm>>
    tpu.wait_dma2 semaphore(%arg23 : memref<!tpu.dma_semaphore, #tpu.memory_space<semaphore_mem>>) src(%dma_wait3A_2312 : memref<64xf32, #tpu.memory_space<hbm>>) dst(%dma_wait3A_2309 : memref<64xf32, #tpu.memory_space<vmem>>)
    %dma_wait3A_2313 = arith.constant 0 : i32
    %dma_wait3A_2314 = arith.constant 24 : i32
    %dma_wait3A_2315 = arith.constant 0 : i32
    %dma_wait3A_2316 = tpu.memref_slice %arg14[%dma_wait3A_2314, %dma_wait3A_2315] : memref<32x128xf32, #tpu.memory_space<vmem>> -> memref<1x16xf32, #tpu.memory_space<vmem>>
    %dma_wait3A_2317 = tpu.memref_squeeze %dma_wait3A_2316 : memref<1x16xf32, #tpu.memory_space<vmem>> -> memref<16xf32, #tpu.memory_space<vmem>>
    %dma_wait3A_2318 = arith.constant 0 : i32
    %dma_wait3A_2319 = tpu.memref_slice %arg3[%dma_wait3A_2313, %dma_wait3A_2318] : memref<1000x16xf32, #tpu.memory_space<hbm>> -> memref<1x16xf32, #tpu.memory_space<hbm>>
    %dma_wait3A_2320 = tpu.memref_squeeze %dma_wait3A_2319 : memref<1x16xf32, #tpu.memory_space<hbm>> -> memref<16xf32, #tpu.memory_space<hbm>>
    %dma_wait3A_2321 = arith.constant 0 : i32
    %dma_wait3A_2322 = tpu.memref_slice %arg14[%dma_wait3A_2314, %dma_wait3A_2321] : memref<32x128xf32, #tpu.memory_space<vmem>> -> memref<1x16xf32, #tpu.memory_space<vmem>>
    %dma_wait3A_2323 = tpu.memref_squeeze %dma_wait3A_2322 : memref<1x16xf32, #tpu.memory_space<vmem>> -> memref<16xf32, #tpu.memory_space<vmem>>
    %dma_wait3A_2324 = arith.constant 0 : i32
    %dma_wait3A_2325 = tpu.memref_slice %arg3[%dma_wait3A_2313, %dma_wait3A_2324] : memref<1000x16xf32, #tpu.memory_space<hbm>> -> memref<1x16xf32, #tpu.memory_space<hbm>>
    %dma_wait3A_2326 = tpu.memref_squeeze %dma_wait3A_2325 : memref<1x16xf32, #tpu.memory_space<hbm>> -> memref<16xf32, #tpu.memory_space<hbm>>
    tpu.wait_dma2 semaphore(%arg23 : memref<!tpu.dma_semaphore, #tpu.memory_space<semaphore_mem>>) src(%dma_wait3A_2326 : memref<16xf32, #tpu.memory_space<hbm>>) dst(%dma_wait3A_2323 : memref<16xf32, #tpu.memory_space<vmem>>)
    %dma_wait3A_2327 = arith.constant 0 : i32
    %dma_wait3A_2328 = arith.constant 24 : i32
    %dma_wait3A_2329 = arith.constant 16 : i32
    %dma_wait3A_2330 = tpu.memref_slice %arg14[%dma_wait3A_2328, %dma_wait3A_2329] : memref<32x128xf32, #tpu.memory_space<vmem>> -> memref<1x64xf32, #tpu.memory_space<vmem>>
    %dma_wait3A_2331 = tpu.memref_squeeze %dma_wait3A_2330 : memref<1x64xf32, #tpu.memory_space<vmem>> -> memref<64xf32, #tpu.memory_space<vmem>>
    %dma_wait3A_2332 = arith.constant 0 : i32
    %dma_wait3A_2333 = tpu.memref_slice %arg4[%dma_wait3A_2327, %dma_wait3A_2332] : memref<100000x64xf32, #tpu.memory_space<hbm>> -> memref<1x64xf32, #tpu.memory_space<hbm>>
    %dma_wait3A_2334 = tpu.memref_squeeze %dma_wait3A_2333 : memref<1x64xf32, #tpu.memory_space<hbm>> -> memref<64xf32, #tpu.memory_space<hbm>>
    %dma_wait3A_2335 = arith.constant 16 : i32
    %dma_wait3A_2336 = tpu.memref_slice %arg14[%dma_wait3A_2328, %dma_wait3A_2335] : memref<32x128xf32, #tpu.memory_space<vmem>> -> memref<1x64xf32, #tpu.memory_space<vmem>>
    %dma_wait3A_2337 = tpu.memref_squeeze %dma_wait3A_2336 : memref<1x64xf32, #tpu.memory_space<vmem>> -> memref<64xf32, #tpu.memory_space<vmem>>
    %dma_wait3A_2338 = arith.constant 0 : i32
    %dma_wait3A_2339 = tpu.memref_slice %arg4[%dma_wait3A_2327, %dma_wait3A_2338] : memref<100000x64xf32, #tpu.memory_space<hbm>> -> memref<1x64xf32, #tpu.memory_space<hbm>>
    %dma_wait3A_2340 = tpu.memref_squeeze %dma_wait3A_2339 : memref<1x64xf32, #tpu.memory_space<hbm>> -> memref<64xf32, #tpu.memory_space<hbm>>
    tpu.wait_dma2 semaphore(%arg23 : memref<!tpu.dma_semaphore, #tpu.memory_space<semaphore_mem>>) src(%dma_wait3A_2340 : memref<64xf32, #tpu.memory_space<hbm>>) dst(%dma_wait3A_2337 : memref<64xf32, #tpu.memory_space<vmem>>)
    %dma_wait3A_2341 = arith.constant 0 : i32
    %dma_wait3A_2342 = arith.constant 25 : i32
    %dma_wait3A_2343 = arith.constant 0 : i32
    %dma_wait3A_2344 = tpu.memref_slice %arg14[%dma_wait3A_2342, %dma_wait3A_2343] : memref<32x128xf32, #tpu.memory_space<vmem>> -> memref<1x16xf32, #tpu.memory_space<vmem>>
    %dma_wait3A_2345 = tpu.memref_squeeze %dma_wait3A_2344 : memref<1x16xf32, #tpu.memory_space<vmem>> -> memref<16xf32, #tpu.memory_space<vmem>>
    %dma_wait3A_2346 = arith.constant 0 : i32
    %dma_wait3A_2347 = tpu.memref_slice %arg3[%dma_wait3A_2341, %dma_wait3A_2346] : memref<1000x16xf32, #tpu.memory_space<hbm>> -> memref<1x16xf32, #tpu.memory_space<hbm>>
    %dma_wait3A_2348 = tpu.memref_squeeze %dma_wait3A_2347 : memref<1x16xf32, #tpu.memory_space<hbm>> -> memref<16xf32, #tpu.memory_space<hbm>>
    %dma_wait3A_2349 = arith.constant 0 : i32
    %dma_wait3A_2350 = tpu.memref_slice %arg14[%dma_wait3A_2342, %dma_wait3A_2349] : memref<32x128xf32, #tpu.memory_space<vmem>> -> memref<1x16xf32, #tpu.memory_space<vmem>>
    %dma_wait3A_2351 = tpu.memref_squeeze %dma_wait3A_2350 : memref<1x16xf32, #tpu.memory_space<vmem>> -> memref<16xf32, #tpu.memory_space<vmem>>
    %dma_wait3A_2352 = arith.constant 0 : i32
    %dma_wait3A_2353 = tpu.memref_slice %arg3[%dma_wait3A_2341, %dma_wait3A_2352] : memref<1000x16xf32, #tpu.memory_space<hbm>> -> memref<1x16xf32, #tpu.memory_space<hbm>>
    %dma_wait3A_2354 = tpu.memref_squeeze %dma_wait3A_2353 : memref<1x16xf32, #tpu.memory_space<hbm>> -> memref<16xf32, #tpu.memory_space<hbm>>
    tpu.wait_dma2 semaphore(%arg23 : memref<!tpu.dma_semaphore, #tpu.memory_space<semaphore_mem>>) src(%dma_wait3A_2354 : memref<16xf32, #tpu.memory_space<hbm>>) dst(%dma_wait3A_2351 : memref<16xf32, #tpu.memory_space<vmem>>)
    %dma_wait3A_2355 = arith.constant 0 : i32
    %dma_wait3A_2356 = arith.constant 25 : i32
    %dma_wait3A_2357 = arith.constant 16 : i32
    %dma_wait3A_2358 = tpu.memref_slice %arg14[%dma_wait3A_2356, %dma_wait3A_2357] : memref<32x128xf32, #tpu.memory_space<vmem>> -> memref<1x64xf32, #tpu.memory_space<vmem>>
    %dma_wait3A_2359 = tpu.memref_squeeze %dma_wait3A_2358 : memref<1x64xf32, #tpu.memory_space<vmem>> -> memref<64xf32, #tpu.memory_space<vmem>>
    %dma_wait3A_2360 = arith.constant 0 : i32
    %dma_wait3A_2361 = tpu.memref_slice %arg4[%dma_wait3A_2355, %dma_wait3A_2360] : memref<100000x64xf32, #tpu.memory_space<hbm>> -> memref<1x64xf32, #tpu.memory_space<hbm>>
    %dma_wait3A_2362 = tpu.memref_squeeze %dma_wait3A_2361 : memref<1x64xf32, #tpu.memory_space<hbm>> -> memref<64xf32, #tpu.memory_space<hbm>>
    %dma_wait3A_2363 = arith.constant 16 : i32
    %dma_wait3A_2364 = tpu.memref_slice %arg14[%dma_wait3A_2356, %dma_wait3A_2363] : memref<32x128xf32, #tpu.memory_space<vmem>> -> memref<1x64xf32, #tpu.memory_space<vmem>>
    %dma_wait3A_2365 = tpu.memref_squeeze %dma_wait3A_2364 : memref<1x64xf32, #tpu.memory_space<vmem>> -> memref<64xf32, #tpu.memory_space<vmem>>
    %dma_wait3A_2366 = arith.constant 0 : i32
    %dma_wait3A_2367 = tpu.memref_slice %arg4[%dma_wait3A_2355, %dma_wait3A_2366] : memref<100000x64xf32, #tpu.memory_space<hbm>> -> memref<1x64xf32, #tpu.memory_space<hbm>>
    %dma_wait3A_2368 = tpu.memref_squeeze %dma_wait3A_2367 : memref<1x64xf32, #tpu.memory_space<hbm>> -> memref<64xf32, #tpu.memory_space<hbm>>
    tpu.wait_dma2 semaphore(%arg23 : memref<!tpu.dma_semaphore, #tpu.memory_space<semaphore_mem>>) src(%dma_wait3A_2368 : memref<64xf32, #tpu.memory_space<hbm>>) dst(%dma_wait3A_2365 : memref<64xf32, #tpu.memory_space<vmem>>)
    %dma_wait3A_2369 = arith.constant 0 : i32
    %dma_wait3A_2370 = arith.constant 26 : i32
    %dma_wait3A_2371 = arith.constant 0 : i32
    %dma_wait3A_2372 = tpu.memref_slice %arg14[%dma_wait3A_2370, %dma_wait3A_2371] : memref<32x128xf32, #tpu.memory_space<vmem>> -> memref<1x16xf32, #tpu.memory_space<vmem>>
    %dma_wait3A_2373 = tpu.memref_squeeze %dma_wait3A_2372 : memref<1x16xf32, #tpu.memory_space<vmem>> -> memref<16xf32, #tpu.memory_space<vmem>>
    %dma_wait3A_2374 = arith.constant 0 : i32
    %dma_wait3A_2375 = tpu.memref_slice %arg3[%dma_wait3A_2369, %dma_wait3A_2374] : memref<1000x16xf32, #tpu.memory_space<hbm>> -> memref<1x16xf32, #tpu.memory_space<hbm>>
    %dma_wait3A_2376 = tpu.memref_squeeze %dma_wait3A_2375 : memref<1x16xf32, #tpu.memory_space<hbm>> -> memref<16xf32, #tpu.memory_space<hbm>>
    %dma_wait3A_2377 = arith.constant 0 : i32
    %dma_wait3A_2378 = tpu.memref_slice %arg14[%dma_wait3A_2370, %dma_wait3A_2377] : memref<32x128xf32, #tpu.memory_space<vmem>> -> memref<1x16xf32, #tpu.memory_space<vmem>>
    %dma_wait3A_2379 = tpu.memref_squeeze %dma_wait3A_2378 : memref<1x16xf32, #tpu.memory_space<vmem>> -> memref<16xf32, #tpu.memory_space<vmem>>
    %dma_wait3A_2380 = arith.constant 0 : i32
    %dma_wait3A_2381 = tpu.memref_slice %arg3[%dma_wait3A_2369, %dma_wait3A_2380] : memref<1000x16xf32, #tpu.memory_space<hbm>> -> memref<1x16xf32, #tpu.memory_space<hbm>>
    %dma_wait3A_2382 = tpu.memref_squeeze %dma_wait3A_2381 : memref<1x16xf32, #tpu.memory_space<hbm>> -> memref<16xf32, #tpu.memory_space<hbm>>
    tpu.wait_dma2 semaphore(%arg23 : memref<!tpu.dma_semaphore, #tpu.memory_space<semaphore_mem>>) src(%dma_wait3A_2382 : memref<16xf32, #tpu.memory_space<hbm>>) dst(%dma_wait3A_2379 : memref<16xf32, #tpu.memory_space<vmem>>)
    %dma_wait3A_2383 = arith.constant 0 : i32
    %dma_wait3A_2384 = arith.constant 26 : i32
    %dma_wait3A_2385 = arith.constant 16 : i32
    %dma_wait3A_2386 = tpu.memref_slice %arg14[%dma_wait3A_2384, %dma_wait3A_2385] : memref<32x128xf32, #tpu.memory_space<vmem>> -> memref<1x64xf32, #tpu.memory_space<vmem>>
    %dma_wait3A_2387 = tpu.memref_squeeze %dma_wait3A_2386 : memref<1x64xf32, #tpu.memory_space<vmem>> -> memref<64xf32, #tpu.memory_space<vmem>>
    %dma_wait3A_2388 = arith.constant 0 : i32
    %dma_wait3A_2389 = tpu.memref_slice %arg4[%dma_wait3A_2383, %dma_wait3A_2388] : memref<100000x64xf32, #tpu.memory_space<hbm>> -> memref<1x64xf32, #tpu.memory_space<hbm>>
    %dma_wait3A_2390 = tpu.memref_squeeze %dma_wait3A_2389 : memref<1x64xf32, #tpu.memory_space<hbm>> -> memref<64xf32, #tpu.memory_space<hbm>>
    %dma_wait3A_2391 = arith.constant 16 : i32
    %dma_wait3A_2392 = tpu.memref_slice %arg14[%dma_wait3A_2384, %dma_wait3A_2391] : memref<32x128xf32, #tpu.memory_space<vmem>> -> memref<1x64xf32, #tpu.memory_space<vmem>>
    %dma_wait3A_2393 = tpu.memref_squeeze %dma_wait3A_2392 : memref<1x64xf32, #tpu.memory_space<vmem>> -> memref<64xf32, #tpu.memory_space<vmem>>
    %dma_wait3A_2394 = arith.constant 0 : i32
    %dma_wait3A_2395 = tpu.memref_slice %arg4[%dma_wait3A_2383, %dma_wait3A_2394] : memref<100000x64xf32, #tpu.memory_space<hbm>> -> memref<1x64xf32, #tpu.memory_space<hbm>>
    %dma_wait3A_2396 = tpu.memref_squeeze %dma_wait3A_2395 : memref<1x64xf32, #tpu.memory_space<hbm>> -> memref<64xf32, #tpu.memory_space<hbm>>
    tpu.wait_dma2 semaphore(%arg23 : memref<!tpu.dma_semaphore, #tpu.memory_space<semaphore_mem>>) src(%dma_wait3A_2396 : memref<64xf32, #tpu.memory_space<hbm>>) dst(%dma_wait3A_2393 : memref<64xf32, #tpu.memory_space<vmem>>)
    %dma_wait3A_2397 = arith.constant 0 : i32
    %dma_wait3A_2398 = arith.constant 27 : i32
    %dma_wait3A_2399 = arith.constant 0 : i32
    %dma_wait3A_2400 = tpu.memref_slice %arg14[%dma_wait3A_2398, %dma_wait3A_2399] : memref<32x128xf32, #tpu.memory_space<vmem>> -> memref<1x16xf32, #tpu.memory_space<vmem>>
    %dma_wait3A_2401 = tpu.memref_squeeze %dma_wait3A_2400 : memref<1x16xf32, #tpu.memory_space<vmem>> -> memref<16xf32, #tpu.memory_space<vmem>>
    %dma_wait3A_2402 = arith.constant 0 : i32
    %dma_wait3A_2403 = tpu.memref_slice %arg3[%dma_wait3A_2397, %dma_wait3A_2402] : memref<1000x16xf32, #tpu.memory_space<hbm>> -> memref<1x16xf32, #tpu.memory_space<hbm>>
    %dma_wait3A_2404 = tpu.memref_squeeze %dma_wait3A_2403 : memref<1x16xf32, #tpu.memory_space<hbm>> -> memref<16xf32, #tpu.memory_space<hbm>>
    %dma_wait3A_2405 = arith.constant 0 : i32
    %dma_wait3A_2406 = tpu.memref_slice %arg14[%dma_wait3A_2398, %dma_wait3A_2405] : memref<32x128xf32, #tpu.memory_space<vmem>> -> memref<1x16xf32, #tpu.memory_space<vmem>>
    %dma_wait3A_2407 = tpu.memref_squeeze %dma_wait3A_2406 : memref<1x16xf32, #tpu.memory_space<vmem>> -> memref<16xf32, #tpu.memory_space<vmem>>
    %dma_wait3A_2408 = arith.constant 0 : i32
    %dma_wait3A_2409 = tpu.memref_slice %arg3[%dma_wait3A_2397, %dma_wait3A_2408] : memref<1000x16xf32, #tpu.memory_space<hbm>> -> memref<1x16xf32, #tpu.memory_space<hbm>>
    %dma_wait3A_2410 = tpu.memref_squeeze %dma_wait3A_2409 : memref<1x16xf32, #tpu.memory_space<hbm>> -> memref<16xf32, #tpu.memory_space<hbm>>
    tpu.wait_dma2 semaphore(%arg23 : memref<!tpu.dma_semaphore, #tpu.memory_space<semaphore_mem>>) src(%dma_wait3A_2410 : memref<16xf32, #tpu.memory_space<hbm>>) dst(%dma_wait3A_2407 : memref<16xf32, #tpu.memory_space<vmem>>)
    %dma_wait3A_2411 = arith.constant 0 : i32
    %dma_wait3A_2412 = arith.constant 27 : i32
    %dma_wait3A_2413 = arith.constant 16 : i32
    %dma_wait3A_2414 = tpu.memref_slice %arg14[%dma_wait3A_2412, %dma_wait3A_2413] : memref<32x128xf32, #tpu.memory_space<vmem>> -> memref<1x64xf32, #tpu.memory_space<vmem>>
    %dma_wait3A_2415 = tpu.memref_squeeze %dma_wait3A_2414 : memref<1x64xf32, #tpu.memory_space<vmem>> -> memref<64xf32, #tpu.memory_space<vmem>>
    %dma_wait3A_2416 = arith.constant 0 : i32
    %dma_wait3A_2417 = tpu.memref_slice %arg4[%dma_wait3A_2411, %dma_wait3A_2416] : memref<100000x64xf32, #tpu.memory_space<hbm>> -> memref<1x64xf32, #tpu.memory_space<hbm>>
    %dma_wait3A_2418 = tpu.memref_squeeze %dma_wait3A_2417 : memref<1x64xf32, #tpu.memory_space<hbm>> -> memref<64xf32, #tpu.memory_space<hbm>>
    %dma_wait3A_2419 = arith.constant 16 : i32
    %dma_wait3A_2420 = tpu.memref_slice %arg14[%dma_wait3A_2412, %dma_wait3A_2419] : memref<32x128xf32, #tpu.memory_space<vmem>> -> memref<1x64xf32, #tpu.memory_space<vmem>>
    %dma_wait3A_2421 = tpu.memref_squeeze %dma_wait3A_2420 : memref<1x64xf32, #tpu.memory_space<vmem>> -> memref<64xf32, #tpu.memory_space<vmem>>
    %dma_wait3A_2422 = arith.constant 0 : i32
    %dma_wait3A_2423 = tpu.memref_slice %arg4[%dma_wait3A_2411, %dma_wait3A_2422] : memref<100000x64xf32, #tpu.memory_space<hbm>> -> memref<1x64xf32, #tpu.memory_space<hbm>>
    %dma_wait3A_2424 = tpu.memref_squeeze %dma_wait3A_2423 : memref<1x64xf32, #tpu.memory_space<hbm>> -> memref<64xf32, #tpu.memory_space<hbm>>
    tpu.wait_dma2 semaphore(%arg23 : memref<!tpu.dma_semaphore, #tpu.memory_space<semaphore_mem>>) src(%dma_wait3A_2424 : memref<64xf32, #tpu.memory_space<hbm>>) dst(%dma_wait3A_2421 : memref<64xf32, #tpu.memory_space<vmem>>)
    %dma_wait3A_2425 = arith.constant 0 : i32
    %dma_wait3A_2426 = arith.constant 28 : i32
    %dma_wait3A_2427 = arith.constant 0 : i32
    %dma_wait3A_2428 = tpu.memref_slice %arg14[%dma_wait3A_2426, %dma_wait3A_2427] : memref<32x128xf32, #tpu.memory_space<vmem>> -> memref<1x16xf32, #tpu.memory_space<vmem>>
    %dma_wait3A_2429 = tpu.memref_squeeze %dma_wait3A_2428 : memref<1x16xf32, #tpu.memory_space<vmem>> -> memref<16xf32, #tpu.memory_space<vmem>>
    %dma_wait3A_2430 = arith.constant 0 : i32
    %dma_wait3A_2431 = tpu.memref_slice %arg3[%dma_wait3A_2425, %dma_wait3A_2430] : memref<1000x16xf32, #tpu.memory_space<hbm>> -> memref<1x16xf32, #tpu.memory_space<hbm>>
    %dma_wait3A_2432 = tpu.memref_squeeze %dma_wait3A_2431 : memref<1x16xf32, #tpu.memory_space<hbm>> -> memref<16xf32, #tpu.memory_space<hbm>>
    %dma_wait3A_2433 = arith.constant 0 : i32
    %dma_wait3A_2434 = tpu.memref_slice %arg14[%dma_wait3A_2426, %dma_wait3A_2433] : memref<32x128xf32, #tpu.memory_space<vmem>> -> memref<1x16xf32, #tpu.memory_space<vmem>>
    %dma_wait3A_2435 = tpu.memref_squeeze %dma_wait3A_2434 : memref<1x16xf32, #tpu.memory_space<vmem>> -> memref<16xf32, #tpu.memory_space<vmem>>
    %dma_wait3A_2436 = arith.constant 0 : i32
    %dma_wait3A_2437 = tpu.memref_slice %arg3[%dma_wait3A_2425, %dma_wait3A_2436] : memref<1000x16xf32, #tpu.memory_space<hbm>> -> memref<1x16xf32, #tpu.memory_space<hbm>>
    %dma_wait3A_2438 = tpu.memref_squeeze %dma_wait3A_2437 : memref<1x16xf32, #tpu.memory_space<hbm>> -> memref<16xf32, #tpu.memory_space<hbm>>
    tpu.wait_dma2 semaphore(%arg23 : memref<!tpu.dma_semaphore, #tpu.memory_space<semaphore_mem>>) src(%dma_wait3A_2438 : memref<16xf32, #tpu.memory_space<hbm>>) dst(%dma_wait3A_2435 : memref<16xf32, #tpu.memory_space<vmem>>)
    %dma_wait3A_2439 = arith.constant 0 : i32
    %dma_wait3A_2440 = arith.constant 28 : i32
    %dma_wait3A_2441 = arith.constant 16 : i32
    %dma_wait3A_2442 = tpu.memref_slice %arg14[%dma_wait3A_2440, %dma_wait3A_2441] : memref<32x128xf32, #tpu.memory_space<vmem>> -> memref<1x64xf32, #tpu.memory_space<vmem>>
    %dma_wait3A_2443 = tpu.memref_squeeze %dma_wait3A_2442 : memref<1x64xf32, #tpu.memory_space<vmem>> -> memref<64xf32, #tpu.memory_space<vmem>>
    %dma_wait3A_2444 = arith.constant 0 : i32
    %dma_wait3A_2445 = tpu.memref_slice %arg4[%dma_wait3A_2439, %dma_wait3A_2444] : memref<100000x64xf32, #tpu.memory_space<hbm>> -> memref<1x64xf32, #tpu.memory_space<hbm>>
    %dma_wait3A_2446 = tpu.memref_squeeze %dma_wait3A_2445 : memref<1x64xf32, #tpu.memory_space<hbm>> -> memref<64xf32, #tpu.memory_space<hbm>>
    %dma_wait3A_2447 = arith.constant 16 : i32
    %dma_wait3A_2448 = tpu.memref_slice %arg14[%dma_wait3A_2440, %dma_wait3A_2447] : memref<32x128xf32, #tpu.memory_space<vmem>> -> memref<1x64xf32, #tpu.memory_space<vmem>>
    %dma_wait3A_2449 = tpu.memref_squeeze %dma_wait3A_2448 : memref<1x64xf32, #tpu.memory_space<vmem>> -> memref<64xf32, #tpu.memory_space<vmem>>
    %dma_wait3A_2450 = arith.constant 0 : i32
    %dma_wait3A_2451 = tpu.memref_slice %arg4[%dma_wait3A_2439, %dma_wait3A_2450] : memref<100000x64xf32, #tpu.memory_space<hbm>> -> memref<1x64xf32, #tpu.memory_space<hbm>>
    %dma_wait3A_2452 = tpu.memref_squeeze %dma_wait3A_2451 : memref<1x64xf32, #tpu.memory_space<hbm>> -> memref<64xf32, #tpu.memory_space<hbm>>
    tpu.wait_dma2 semaphore(%arg23 : memref<!tpu.dma_semaphore, #tpu.memory_space<semaphore_mem>>) src(%dma_wait3A_2452 : memref<64xf32, #tpu.memory_space<hbm>>) dst(%dma_wait3A_2449 : memref<64xf32, #tpu.memory_space<vmem>>)
    %dma_wait3A_2453 = arith.constant 0 : i32
    %dma_wait3A_2454 = arith.constant 29 : i32
    %dma_wait3A_2455 = arith.constant 0 : i32
    %dma_wait3A_2456 = tpu.memref_slice %arg14[%dma_wait3A_2454, %dma_wait3A_2455] : memref<32x128xf32, #tpu.memory_space<vmem>> -> memref<1x16xf32, #tpu.memory_space<vmem>>
    %dma_wait3A_2457 = tpu.memref_squeeze %dma_wait3A_2456 : memref<1x16xf32, #tpu.memory_space<vmem>> -> memref<16xf32, #tpu.memory_space<vmem>>
    %dma_wait3A_2458 = arith.constant 0 : i32
    %dma_wait3A_2459 = tpu.memref_slice %arg3[%dma_wait3A_2453, %dma_wait3A_2458] : memref<1000x16xf32, #tpu.memory_space<hbm>> -> memref<1x16xf32, #tpu.memory_space<hbm>>
    %dma_wait3A_2460 = tpu.memref_squeeze %dma_wait3A_2459 : memref<1x16xf32, #tpu.memory_space<hbm>> -> memref<16xf32, #tpu.memory_space<hbm>>
    %dma_wait3A_2461 = arith.constant 0 : i32
    %dma_wait3A_2462 = tpu.memref_slice %arg14[%dma_wait3A_2454, %dma_wait3A_2461] : memref<32x128xf32, #tpu.memory_space<vmem>> -> memref<1x16xf32, #tpu.memory_space<vmem>>
    %dma_wait3A_2463 = tpu.memref_squeeze %dma_wait3A_2462 : memref<1x16xf32, #tpu.memory_space<vmem>> -> memref<16xf32, #tpu.memory_space<vmem>>
    %dma_wait3A_2464 = arith.constant 0 : i32
    %dma_wait3A_2465 = tpu.memref_slice %arg3[%dma_wait3A_2453, %dma_wait3A_2464] : memref<1000x16xf32, #tpu.memory_space<hbm>> -> memref<1x16xf32, #tpu.memory_space<hbm>>
    %dma_wait3A_2466 = tpu.memref_squeeze %dma_wait3A_2465 : memref<1x16xf32, #tpu.memory_space<hbm>> -> memref<16xf32, #tpu.memory_space<hbm>>
    tpu.wait_dma2 semaphore(%arg23 : memref<!tpu.dma_semaphore, #tpu.memory_space<semaphore_mem>>) src(%dma_wait3A_2466 : memref<16xf32, #tpu.memory_space<hbm>>) dst(%dma_wait3A_2463 : memref<16xf32, #tpu.memory_space<vmem>>)
    %dma_wait3A_2467 = arith.constant 0 : i32
    %dma_wait3A_2468 = arith.constant 29 : i32
    %dma_wait3A_2469 = arith.constant 16 : i32
    %dma_wait3A_2470 = tpu.memref_slice %arg14[%dma_wait3A_2468, %dma_wait3A_2469] : memref<32x128xf32, #tpu.memory_space<vmem>> -> memref<1x64xf32, #tpu.memory_space<vmem>>
    %dma_wait3A_2471 = tpu.memref_squeeze %dma_wait3A_2470 : memref<1x64xf32, #tpu.memory_space<vmem>> -> memref<64xf32, #tpu.memory_space<vmem>>
    %dma_wait3A_2472 = arith.constant 0 : i32
    %dma_wait3A_2473 = tpu.memref_slice %arg4[%dma_wait3A_2467, %dma_wait3A_2472] : memref<100000x64xf32, #tpu.memory_space<hbm>> -> memref<1x64xf32, #tpu.memory_space<hbm>>
    %dma_wait3A_2474 = tpu.memref_squeeze %dma_wait3A_2473 : memref<1x64xf32, #tpu.memory_space<hbm>> -> memref<64xf32, #tpu.memory_space<hbm>>
    %dma_wait3A_2475 = arith.constant 16 : i32
    %dma_wait3A_2476 = tpu.memref_slice %arg14[%dma_wait3A_2468, %dma_wait3A_2475] : memref<32x128xf32, #tpu.memory_space<vmem>> -> memref<1x64xf32, #tpu.memory_space<vmem>>
    %dma_wait3A_2477 = tpu.memref_squeeze %dma_wait3A_2476 : memref<1x64xf32, #tpu.memory_space<vmem>> -> memref<64xf32, #tpu.memory_space<vmem>>
    %dma_wait3A_2478 = arith.constant 0 : i32
    %dma_wait3A_2479 = tpu.memref_slice %arg4[%dma_wait3A_2467, %dma_wait3A_2478] : memref<100000x64xf32, #tpu.memory_space<hbm>> -> memref<1x64xf32, #tpu.memory_space<hbm>>
    %dma_wait3A_2480 = tpu.memref_squeeze %dma_wait3A_2479 : memref<1x64xf32, #tpu.memory_space<hbm>> -> memref<64xf32, #tpu.memory_space<hbm>>
    tpu.wait_dma2 semaphore(%arg23 : memref<!tpu.dma_semaphore, #tpu.memory_space<semaphore_mem>>) src(%dma_wait3A_2480 : memref<64xf32, #tpu.memory_space<hbm>>) dst(%dma_wait3A_2477 : memref<64xf32, #tpu.memory_space<vmem>>)
    %dma_wait3A_2481 = arith.constant 0 : i32
    %dma_wait3A_2482 = arith.constant 30 : i32
    %dma_wait3A_2483 = arith.constant 0 : i32
    %dma_wait3A_2484 = tpu.memref_slice %arg14[%dma_wait3A_2482, %dma_wait3A_2483] : memref<32x128xf32, #tpu.memory_space<vmem>> -> memref<1x16xf32, #tpu.memory_space<vmem>>
    %dma_wait3A_2485 = tpu.memref_squeeze %dma_wait3A_2484 : memref<1x16xf32, #tpu.memory_space<vmem>> -> memref<16xf32, #tpu.memory_space<vmem>>
    %dma_wait3A_2486 = arith.constant 0 : i32
    %dma_wait3A_2487 = tpu.memref_slice %arg3[%dma_wait3A_2481, %dma_wait3A_2486] : memref<1000x16xf32, #tpu.memory_space<hbm>> -> memref<1x16xf32, #tpu.memory_space<hbm>>
    %dma_wait3A_2488 = tpu.memref_squeeze %dma_wait3A_2487 : memref<1x16xf32, #tpu.memory_space<hbm>> -> memref<16xf32, #tpu.memory_space<hbm>>
    %dma_wait3A_2489 = arith.constant 0 : i32
    %dma_wait3A_2490 = tpu.memref_slice %arg14[%dma_wait3A_2482, %dma_wait3A_2489] : memref<32x128xf32, #tpu.memory_space<vmem>> -> memref<1x16xf32, #tpu.memory_space<vmem>>
    %dma_wait3A_2491 = tpu.memref_squeeze %dma_wait3A_2490 : memref<1x16xf32, #tpu.memory_space<vmem>> -> memref<16xf32, #tpu.memory_space<vmem>>
    %dma_wait3A_2492 = arith.constant 0 : i32
    %dma_wait3A_2493 = tpu.memref_slice %arg3[%dma_wait3A_2481, %dma_wait3A_2492] : memref<1000x16xf32, #tpu.memory_space<hbm>> -> memref<1x16xf32, #tpu.memory_space<hbm>>
    %dma_wait3A_2494 = tpu.memref_squeeze %dma_wait3A_2493 : memref<1x16xf32, #tpu.memory_space<hbm>> -> memref<16xf32, #tpu.memory_space<hbm>>
    tpu.wait_dma2 semaphore(%arg23 : memref<!tpu.dma_semaphore, #tpu.memory_space<semaphore_mem>>) src(%dma_wait3A_2494 : memref<16xf32, #tpu.memory_space<hbm>>) dst(%dma_wait3A_2491 : memref<16xf32, #tpu.memory_space<vmem>>)
    %dma_wait3A_2495 = arith.constant 0 : i32
    %dma_wait3A_2496 = arith.constant 30 : i32
    %dma_wait3A_2497 = arith.constant 16 : i32
    %dma_wait3A_2498 = tpu.memref_slice %arg14[%dma_wait3A_2496, %dma_wait3A_2497] : memref<32x128xf32, #tpu.memory_space<vmem>> -> memref<1x64xf32, #tpu.memory_space<vmem>>
    %dma_wait3A_2499 = tpu.memref_squeeze %dma_wait3A_2498 : memref<1x64xf32, #tpu.memory_space<vmem>> -> memref<64xf32, #tpu.memory_space<vmem>>
    %dma_wait3A_2500 = arith.constant 0 : i32
    %dma_wait3A_2501 = tpu.memref_slice %arg4[%dma_wait3A_2495, %dma_wait3A_2500] : memref<100000x64xf32, #tpu.memory_space<hbm>> -> memref<1x64xf32, #tpu.memory_space<hbm>>
    %dma_wait3A_2502 = tpu.memref_squeeze %dma_wait3A_2501 : memref<1x64xf32, #tpu.memory_space<hbm>> -> memref<64xf32, #tpu.memory_space<hbm>>
    %dma_wait3A_2503 = arith.constant 16 : i32
    %dma_wait3A_2504 = tpu.memref_slice %arg14[%dma_wait3A_2496, %dma_wait3A_2503] : memref<32x128xf32, #tpu.memory_space<vmem>> -> memref<1x64xf32, #tpu.memory_space<vmem>>
    %dma_wait3A_2505 = tpu.memref_squeeze %dma_wait3A_2504 : memref<1x64xf32, #tpu.memory_space<vmem>> -> memref<64xf32, #tpu.memory_space<vmem>>
    %dma_wait3A_2506 = arith.constant 0 : i32
    %dma_wait3A_2507 = tpu.memref_slice %arg4[%dma_wait3A_2495, %dma_wait3A_2506] : memref<100000x64xf32, #tpu.memory_space<hbm>> -> memref<1x64xf32, #tpu.memory_space<hbm>>
    %dma_wait3A_2508 = tpu.memref_squeeze %dma_wait3A_2507 : memref<1x64xf32, #tpu.memory_space<hbm>> -> memref<64xf32, #tpu.memory_space<hbm>>
    tpu.wait_dma2 semaphore(%arg23 : memref<!tpu.dma_semaphore, #tpu.memory_space<semaphore_mem>>) src(%dma_wait3A_2508 : memref<64xf32, #tpu.memory_space<hbm>>) dst(%dma_wait3A_2505 : memref<64xf32, #tpu.memory_space<vmem>>)
    %dma_wait3A_2509 = arith.constant 0 : i32
    %dma_wait3A_2510 = arith.constant 31 : i32
    %dma_wait3A_2511 = arith.constant 0 : i32
    %dma_wait3A_2512 = tpu.memref_slice %arg14[%dma_wait3A_2510, %dma_wait3A_2511] : memref<32x128xf32, #tpu.memory_space<vmem>> -> memref<1x16xf32, #tpu.memory_space<vmem>>
    %dma_wait3A_2513 = tpu.memref_squeeze %dma_wait3A_2512 : memref<1x16xf32, #tpu.memory_space<vmem>> -> memref<16xf32, #tpu.memory_space<vmem>>
    %dma_wait3A_2514 = arith.constant 0 : i32
    %dma_wait3A_2515 = tpu.memref_slice %arg3[%dma_wait3A_2509, %dma_wait3A_2514] : memref<1000x16xf32, #tpu.memory_space<hbm>> -> memref<1x16xf32, #tpu.memory_space<hbm>>
    %dma_wait3A_2516 = tpu.memref_squeeze %dma_wait3A_2515 : memref<1x16xf32, #tpu.memory_space<hbm>> -> memref<16xf32, #tpu.memory_space<hbm>>
    %dma_wait3A_2517 = arith.constant 0 : i32
    %dma_wait3A_2518 = tpu.memref_slice %arg14[%dma_wait3A_2510, %dma_wait3A_2517] : memref<32x128xf32, #tpu.memory_space<vmem>> -> memref<1x16xf32, #tpu.memory_space<vmem>>
    %dma_wait3A_2519 = tpu.memref_squeeze %dma_wait3A_2518 : memref<1x16xf32, #tpu.memory_space<vmem>> -> memref<16xf32, #tpu.memory_space<vmem>>
    %dma_wait3A_2520 = arith.constant 0 : i32
    %dma_wait3A_2521 = tpu.memref_slice %arg3[%dma_wait3A_2509, %dma_wait3A_2520] : memref<1000x16xf32, #tpu.memory_space<hbm>> -> memref<1x16xf32, #tpu.memory_space<hbm>>
    %dma_wait3A_2522 = tpu.memref_squeeze %dma_wait3A_2521 : memref<1x16xf32, #tpu.memory_space<hbm>> -> memref<16xf32, #tpu.memory_space<hbm>>
    tpu.wait_dma2 semaphore(%arg23 : memref<!tpu.dma_semaphore, #tpu.memory_space<semaphore_mem>>) src(%dma_wait3A_2522 : memref<16xf32, #tpu.memory_space<hbm>>) dst(%dma_wait3A_2519 : memref<16xf32, #tpu.memory_space<vmem>>)
    %dma_wait3A_2523 = arith.constant 0 : i32
    %dma_wait3A_2524 = arith.constant 31 : i32
    %dma_wait3A_2525 = arith.constant 16 : i32
    %dma_wait3A_2526 = tpu.memref_slice %arg14[%dma_wait3A_2524, %dma_wait3A_2525] : memref<32x128xf32, #tpu.memory_space<vmem>> -> memref<1x64xf32, #tpu.memory_space<vmem>>
    %dma_wait3A_2527 = tpu.memref_squeeze %dma_wait3A_2526 : memref<1x64xf32, #tpu.memory_space<vmem>> -> memref<64xf32, #tpu.memory_space<vmem>>
    %dma_wait3A_2528 = arith.constant 0 : i32
    %dma_wait3A_2529 = tpu.memref_slice %arg4[%dma_wait3A_2523, %dma_wait3A_2528] : memref<100000x64xf32, #tpu.memory_space<hbm>> -> memref<1x64xf32, #tpu.memory_space<hbm>>
    %dma_wait3A_2530 = tpu.memref_squeeze %dma_wait3A_2529 : memref<1x64xf32, #tpu.memory_space<hbm>> -> memref<64xf32, #tpu.memory_space<hbm>>
    %dma_wait3A_2531 = arith.constant 16 : i32
    %dma_wait3A_2532 = tpu.memref_slice %arg14[%dma_wait3A_2524, %dma_wait3A_2531] : memref<32x128xf32, #tpu.memory_space<vmem>> -> memref<1x64xf32, #tpu.memory_space<vmem>>
    %dma_wait3A_2533 = tpu.memref_squeeze %dma_wait3A_2532 : memref<1x64xf32, #tpu.memory_space<vmem>> -> memref<64xf32, #tpu.memory_space<vmem>>
    %dma_wait3A_2534 = arith.constant 0 : i32
    %dma_wait3A_2535 = tpu.memref_slice %arg4[%dma_wait3A_2523, %dma_wait3A_2534] : memref<100000x64xf32, #tpu.memory_space<hbm>> -> memref<1x64xf32, #tpu.memory_space<hbm>>
    %dma_wait3A_2536 = tpu.memref_squeeze %dma_wait3A_2535 : memref<1x64xf32, #tpu.memory_space<hbm>> -> memref<64xf32, #tpu.memory_space<hbm>>
    tpu.wait_dma2 semaphore(%arg23 : memref<!tpu.dma_semaphore, #tpu.memory_space<semaphore_mem>>) src(%dma_wait3A_2536 : memref<64xf32, #tpu.memory_space<hbm>>) dst(%dma_wait3A_2533 : memref<64xf32, #tpu.memory_space<vmem>>)
    %dma_start3A_2537 = arith.constant 0 : i32
    %dma_start3A_2538 = tpu.memref_slice %arg9[%mul3A_2, %dma_start3A_2537] : memref<1024x128xf32, #tpu.memory_space<hbm>> -> memref<32x128xf32, #tpu.memory_space<hbm>>
    %dma_start3A_2539 = arith.constant 0 : i32
    %dma_start3A_2540 = tpu.memref_slice %arg9[%mul3A_2, %dma_start3A_2539] : memref<1024x128xf32, #tpu.memory_space<hbm>> -> memref<32x128xf32, #tpu.memory_space<hbm>>
    tpu.enqueue_dma source(%arg14 : memref<32x128xf32, #tpu.memory_space<vmem>>) target(%dma_start3A_2540 : memref<32x128xf32, #tpu.memory_space<hbm>>) target_semaphore(%arg23 : memref<!tpu.dma_semaphore, #tpu.memory_space<semaphore_mem>>)
    %scan3A = arith.constant 0 : i32
    %scan3A_2541 = arith.constant 16 : i32
    %scan3A_2542 = arith.addi %scan3A, %scan3A_2541 : i32
    %scan3A_2543 = arith.constant 1 : i32
    scf.for %scan3A_2576 = %scan3A to %scan3A_2542 step %scan3A_2543  : i32 {
      %mul3A_2577 = arith.constant 2 : i32
      %mul3A_2578 = arith.muli %scan3A_2576, %mul3A_2577 : i32
      %add3A_2579 = arith.constant 0 : i32
      %add3A_2580 = arith.addi %add3A_2579, %mul3A_2578 : i32
      %add3A_2581 = arith.addi %mul3A_2, %add3A_2580 : i32
      %ge3A = arith.constant 2 : i32
      %ge3A_2582 = arith.cmpi sge, %add3A_2580, %ge3A : i32
      %convert_element_type3A = arith.extui %ge3A_2582 : i1 to i32
      %cond3A = arith.constant 0 : i32
      %cond3A_2583 = arith.cmpi ne, %convert_element_type3A, %cond3A : i32
      scf.if %cond3A_2583 {
        %sub3A_2697 = arith.constant 2 : i32
        %sub3A_2698 = arith.subi %add3A_2581, %sub3A_2697 : i32
        %dma_wait3A_2699 = arith.constant 0 : i32
        %dma_wait3A_2700 = arith.constant 0 : i32
        %dma_wait3A_2701 = tpu.memref_slice %arg8[%sub3A_2698, %dma_wait3A_2699, %dma_wait3A_2700] : memref<1024x200x128xf32, #tpu.memory_space<hbm>> -> memref<1x200x128xf32, #tpu.memory_space<hbm>>
        %dma_wait3A_2702 = tpu.memref_squeeze %dma_wait3A_2701 : memref<1x200x128xf32, #tpu.memory_space<hbm>> -> memref<200x128xf32, #tpu.memory_space<hbm>>
        %dma_wait3A_2703 = arith.constant 0 : i32
        %dma_wait3A_2704 = arith.constant 0 : i32
        %dma_wait3A_2705 = tpu.memref_slice %arg8[%sub3A_2698, %dma_wait3A_2703, %dma_wait3A_2704] : memref<1024x200x128xf32, #tpu.memory_space<hbm>> -> memref<1x200x128xf32, #tpu.memory_space<hbm>>
        %dma_wait3A_2706 = tpu.memref_squeeze %dma_wait3A_2705 : memref<1x200x128xf32, #tpu.memory_space<hbm>> -> memref<200x128xf32, #tpu.memory_space<hbm>>
        tpu.wait_dma2 semaphore(%arg21 : memref<!tpu.dma_semaphore, #tpu.memory_space<semaphore_mem>>) src(%arg12 : memref<200x128xf32, #tpu.memory_space<vmem>>) dst(%dma_wait3A_2706 : memref<200x128xf32, #tpu.memory_space<hbm>>)
      } else {
      }
      %dma_wait3A_2584 = arith.constant 0 : i32
      %dma_wait3A_2585 = tpu.memref_slice %arg5[%add3A_2581, %dma_wait3A_2584] : memref<1024x200xi32, #tpu.memory_space<hbm>> -> memref<1x200xi32, #tpu.memory_space<hbm>>
      %dma_wait3A_2586 = tpu.memref_squeeze %dma_wait3A_2585 : memref<1x200xi32, #tpu.memory_space<hbm>> -> memref<200xi32, #tpu.memory_space<hbm>>
      %dma_wait3A_2587 = arith.constant 0 : i32
      %dma_wait3A_2588 = tpu.memref_slice %arg5[%add3A_2581, %dma_wait3A_2587] : memref<1024x200xi32, #tpu.memory_space<hbm>> -> memref<1x200xi32, #tpu.memory_space<hbm>>
      %dma_wait3A_2589 = tpu.memref_squeeze %dma_wait3A_2588 : memref<1x200xi32, #tpu.memory_space<hbm>> -> memref<200xi32, #tpu.memory_space<hbm>>
      tpu.wait_dma2 semaphore(%arg17 : memref<!tpu.dma_semaphore, #tpu.memory_space<semaphore_mem>>) src(%dma_wait3A_2589 : memref<200xi32, #tpu.memory_space<hbm>>) dst(%arg10 : memref<200xi32, #tpu.memory_space<vmem>>)
      %dma_start3A_2590 = arith.constant 0 : i32
      %dma_start3A_2591 = arith.constant 0 : i32
      %dma_start3A_2592 = tpu.memref_slice %arg12[%dma_start3A_2590, %dma_start3A_2591] : memref<200x128xf32, #tpu.memory_space<vmem>> -> memref<128x128xf32, #tpu.memory_space<vmem>>
      %dma_start3A_2593 = arith.constant 0 : i32
      %dma_start3A_2594 = tpu.memref_slice %arg10[%dma_start3A_2593] : memref<200xi32, #tpu.memory_space<vmem>> -> memref<128xi32, #tpu.memory_space<vmem>>
      %dma_start3A_2595 = arith.constant 0 : i32
      %dma_start3A_2596 = arith.constant 0 : i32
      %dma_start3A_2597 = tpu.memref_slice %arg2[%dma_start3A_2595, %dma_start3A_2596] : memref<1000x128xf32, #tpu.memory_space<hbm>> -> memref<1000x128xf32, #tpu.memory_space<hbm>>
      tpu.enqueue_indirect_dma source(%dma_start3A_2597 : memref<1000x128xf32, #tpu.memory_space<hbm>>) target(%dma_start3A_2592 : memref<128x128xf32, #tpu.memory_space<vmem>>) offsets(%dma_start3A_2594 : memref<128xi32, #tpu.memory_space<vmem>>) semaphore(%arg19 : memref<!tpu.dma_semaphore, #tpu.memory_space<semaphore_mem>>)
      %dma_start3A_2598 = arith.constant 128 : i32
      %dma_start3A_2599 = arith.constant 0 : i32
      %dma_start3A_2600 = tpu.memref_slice %arg12[%dma_start3A_2598, %dma_start3A_2599] : memref<200x128xf32, #tpu.memory_space<vmem>> -> memref<72x128xf32, #tpu.memory_space<vmem>>
      %dma_start3A_2601 = arith.constant 128 : i32
      %dma_start3A_2602 = tpu.memref_slice %arg10[%dma_start3A_2601] : memref<200xi32, #tpu.memory_space<vmem>> -> memref<72xi32, #tpu.memory_space<vmem>>
      %dma_start3A_2603 = arith.constant 0 : i32
      %dma_start3A_2604 = arith.constant 0 : i32
      %dma_start3A_2605 = tpu.memref_slice %arg2[%dma_start3A_2603, %dma_start3A_2604] : memref<1000x128xf32, #tpu.memory_space<hbm>> -> memref<1000x128xf32, #tpu.memory_space<hbm>>
      tpu.enqueue_indirect_dma source(%dma_start3A_2605 : memref<1000x128xf32, #tpu.memory_space<hbm>>) target(%dma_start3A_2600 : memref<72x128xf32, #tpu.memory_space<vmem>>) offsets(%dma_start3A_2602 : memref<72xi32, #tpu.memory_space<vmem>>) semaphore(%arg19 : memref<!tpu.dma_semaphore, #tpu.memory_space<semaphore_mem>>)
      %add3A_2606 = arith.constant 1 : i32
      %add3A_2607 = arith.addi %add3A_2580, %add3A_2606 : i32
      %lt3A = arith.constant 32 : i32
      %lt3A_2608 = arith.cmpi slt, %add3A_2607, %lt3A : i32
      %convert_element_type3A_2609 = arith.extui %lt3A_2608 : i1 to i32
      %cond3A_2610 = arith.constant 0 : i32
      %cond3A_2611 = arith.cmpi ne, %convert_element_type3A_2609, %cond3A_2610 : i32
      scf.if %cond3A_2611 {
        %add3A_2697 = arith.constant 1 : i32
        %add3A_2698 = arith.addi %add3A_2581, %add3A_2697 : i32
        %dma_start3A_2699 = arith.constant 0 : i32
        %dma_start3A_2700 = tpu.memref_slice %arg5[%add3A_2698, %dma_start3A_2699] : memref<1024x200xi32, #tpu.memory_space<hbm>> -> memref<1x200xi32, #tpu.memory_space<hbm>>
        %dma_start3A_2701 = tpu.memref_squeeze %dma_start3A_2700 : memref<1x200xi32, #tpu.memory_space<hbm>> -> memref<200xi32, #tpu.memory_space<hbm>>
        %dma_start3A_2702 = arith.constant 0 : i32
        %dma_start3A_2703 = tpu.memref_slice %arg5[%add3A_2698, %dma_start3A_2702] : memref<1024x200xi32, #tpu.memory_space<hbm>> -> memref<1x200xi32, #tpu.memory_space<hbm>>
        %dma_start3A_2704 = tpu.memref_squeeze %dma_start3A_2703 : memref<1x200xi32, #tpu.memory_space<hbm>> -> memref<200xi32, #tpu.memory_space<hbm>>
        tpu.enqueue_dma source(%dma_start3A_2704 : memref<200xi32, #tpu.memory_space<hbm>>) target(%arg11 : memref<200xi32, #tpu.memory_space<vmem>>) target_semaphore(%arg18 : memref<!tpu.dma_semaphore, #tpu.memory_space<semaphore_mem>>)
      } else {
      }
      %dma_wait3A_2612 = arith.constant 0 : i32
      %dma_wait3A_2613 = arith.constant 0 : i32
      %dma_wait3A_2614 = tpu.memref_slice %arg12[%dma_wait3A_2612, %dma_wait3A_2613] : memref<200x128xf32, #tpu.memory_space<vmem>> -> memref<128x128xf32, #tpu.memory_space<vmem>>
      %dma_wait3A_2615 = arith.constant 0 : i32
      %dma_wait3A_2616 = tpu.memref_slice %arg10[%dma_wait3A_2615] : memref<200xi32, #tpu.memory_space<vmem>> -> memref<128xi32, #tpu.memory_space<vmem>>
      %dma_wait3A_2617 = arith.constant 0 : i32
      %dma_wait3A_2618 = arith.constant 0 : i32
      %dma_wait3A_2619 = tpu.memref_slice %arg2[%dma_wait3A_2617, %dma_wait3A_2618] : memref<1000x128xf32, #tpu.memory_space<hbm>> -> memref<1000x128xf32, #tpu.memory_space<hbm>>
      tpu.wait_indirect_dma semaphore(%arg19 : memref<!tpu.dma_semaphore, #tpu.memory_space<semaphore_mem>>) src(%dma_wait3A_2619 : memref<1000x128xf32, #tpu.memory_space<hbm>>) dst(%dma_wait3A_2614 : memref<128x128xf32, #tpu.memory_space<vmem>>)
      %dma_wait3A_2620 = arith.constant 128 : i32
      %dma_wait3A_2621 = arith.constant 0 : i32
      %dma_wait3A_2622 = tpu.memref_slice %arg12[%dma_wait3A_2620, %dma_wait3A_2621] : memref<200x128xf32, #tpu.memory_space<vmem>> -> memref<72x128xf32, #tpu.memory_space<vmem>>
      %dma_wait3A_2623 = arith.constant 128 : i32
      %dma_wait3A_2624 = tpu.memref_slice %arg10[%dma_wait3A_2623] : memref<200xi32, #tpu.memory_space<vmem>> -> memref<72xi32, #tpu.memory_space<vmem>>
      %dma_wait3A_2625 = arith.constant 0 : i32
      %dma_wait3A_2626 = arith.constant 0 : i32
      %dma_wait3A_2627 = tpu.memref_slice %arg2[%dma_wait3A_2625, %dma_wait3A_2626] : memref<1000x128xf32, #tpu.memory_space<hbm>> -> memref<1000x128xf32, #tpu.memory_space<hbm>>
      tpu.wait_indirect_dma semaphore(%arg19 : memref<!tpu.dma_semaphore, #tpu.memory_space<semaphore_mem>>) src(%dma_wait3A_2627 : memref<1000x128xf32, #tpu.memory_space<hbm>>) dst(%dma_wait3A_2622 : memref<72x128xf32, #tpu.memory_space<vmem>>)
      %dma_start3A_2628 = arith.constant 0 : i32
      %dma_start3A_2629 = arith.constant 0 : i32
      %dma_start3A_2630 = tpu.memref_slice %arg8[%add3A_2581, %dma_start3A_2628, %dma_start3A_2629] : memref<1024x200x128xf32, #tpu.memory_space<hbm>> -> memref<1x200x128xf32, #tpu.memory_space<hbm>>
      %dma_start3A_2631 = tpu.memref_squeeze %dma_start3A_2630 : memref<1x200x128xf32, #tpu.memory_space<hbm>> -> memref<200x128xf32, #tpu.memory_space<hbm>>
      %dma_start3A_2632 = arith.constant 0 : i32
      %dma_start3A_2633 = arith.constant 0 : i32
      %dma_start3A_2634 = tpu.memref_slice %arg8[%add3A_2581, %dma_start3A_2632, %dma_start3A_2633] : memref<1024x200x128xf32, #tpu.memory_space<hbm>> -> memref<1x200x128xf32, #tpu.memory_space<hbm>>
      %dma_start3A_2635 = tpu.memref_squeeze %dma_start3A_2634 : memref<1x200x128xf32, #tpu.memory_space<hbm>> -> memref<200x128xf32, #tpu.memory_space<hbm>>
      tpu.enqueue_dma source(%arg12 : memref<200x128xf32, #tpu.memory_space<vmem>>) target(%dma_start3A_2635 : memref<200x128xf32, #tpu.memory_space<hbm>>) target_semaphore(%arg21 : memref<!tpu.dma_semaphore, #tpu.memory_space<semaphore_mem>>)
      %add3A_2636 = arith.constant 1 : i32
      %add3A_2637 = arith.addi %add3A_2580, %add3A_2636 : i32
      %add3A_2638 = arith.addi %mul3A_2, %add3A_2637 : i32
      %ge3A_2639 = arith.constant 2 : i32
      %ge3A_2640 = arith.cmpi sge, %add3A_2637, %ge3A_2639 : i32
      %convert_element_type3A_2641 = arith.extui %ge3A_2640 : i1 to i32
      %cond3A_2642 = arith.constant 0 : i32
      %cond3A_2643 = arith.cmpi ne, %convert_element_type3A_2641, %cond3A_2642 : i32
      scf.if %cond3A_2643 {
        %sub3A_2697 = arith.constant 2 : i32
        %sub3A_2698 = arith.subi %add3A_2638, %sub3A_2697 : i32
        %dma_wait3A_2699 = arith.constant 0 : i32
        %dma_wait3A_2700 = arith.constant 0 : i32
        %dma_wait3A_2701 = tpu.memref_slice %arg8[%sub3A_2698, %dma_wait3A_2699, %dma_wait3A_2700] : memref<1024x200x128xf32, #tpu.memory_space<hbm>> -> memref<1x200x128xf32, #tpu.memory_space<hbm>>
        %dma_wait3A_2702 = tpu.memref_squeeze %dma_wait3A_2701 : memref<1x200x128xf32, #tpu.memory_space<hbm>> -> memref<200x128xf32, #tpu.memory_space<hbm>>
        %dma_wait3A_2703 = arith.constant 0 : i32
        %dma_wait3A_2704 = arith.constant 0 : i32
        %dma_wait3A_2705 = tpu.memref_slice %arg8[%sub3A_2698, %dma_wait3A_2703, %dma_wait3A_2704] : memref<1024x200x128xf32, #tpu.memory_space<hbm>> -> memref<1x200x128xf32, #tpu.memory_space<hbm>>
        %dma_wait3A_2706 = tpu.memref_squeeze %dma_wait3A_2705 : memref<1x200x128xf32, #tpu.memory_space<hbm>> -> memref<200x128xf32, #tpu.memory_space<hbm>>
        tpu.wait_dma2 semaphore(%arg22 : memref<!tpu.dma_semaphore, #tpu.memory_space<semaphore_mem>>) src(%arg13 : memref<200x128xf32, #tpu.memory_space<vmem>>) dst(%dma_wait3A_2706 : memref<200x128xf32, #tpu.memory_space<hbm>>)
      } else {
      }
      %dma_wait3A_2644 = arith.constant 0 : i32
      %dma_wait3A_2645 = tpu.memref_slice %arg5[%add3A_2638, %dma_wait3A_2644] : memref<1024x200xi32, #tpu.memory_space<hbm>> -> memref<1x200xi32, #tpu.memory_space<hbm>>
      %dma_wait3A_2646 = tpu.memref_squeeze %dma_wait3A_2645 : memref<1x200xi32, #tpu.memory_space<hbm>> -> memref<200xi32, #tpu.memory_space<hbm>>
      %dma_wait3A_2647 = arith.constant 0 : i32
      %dma_wait3A_2648 = tpu.memref_slice %arg5[%add3A_2638, %dma_wait3A_2647] : memref<1024x200xi32, #tpu.memory_space<hbm>> -> memref<1x200xi32, #tpu.memory_space<hbm>>
      %dma_wait3A_2649 = tpu.memref_squeeze %dma_wait3A_2648 : memref<1x200xi32, #tpu.memory_space<hbm>> -> memref<200xi32, #tpu.memory_space<hbm>>
      tpu.wait_dma2 semaphore(%arg18 : memref<!tpu.dma_semaphore, #tpu.memory_space<semaphore_mem>>) src(%dma_wait3A_2649 : memref<200xi32, #tpu.memory_space<hbm>>) dst(%arg11 : memref<200xi32, #tpu.memory_space<vmem>>)
      %dma_start3A_2650 = arith.constant 0 : i32
      %dma_start3A_2651 = arith.constant 0 : i32
      %dma_start3A_2652 = tpu.memref_slice %arg13[%dma_start3A_2650, %dma_start3A_2651] : memref<200x128xf32, #tpu.memory_space<vmem>> -> memref<128x128xf32, #tpu.memory_space<vmem>>
      %dma_start3A_2653 = arith.constant 0 : i32
      %dma_start3A_2654 = tpu.memref_slice %arg11[%dma_start3A_2653] : memref<200xi32, #tpu.memory_space<vmem>> -> memref<128xi32, #tpu.memory_space<vmem>>
      %dma_start3A_2655 = arith.constant 0 : i32
      %dma_start3A_2656 = arith.constant 0 : i32
      %dma_start3A_2657 = tpu.memref_slice %arg2[%dma_start3A_2655, %dma_start3A_2656] : memref<1000x128xf32, #tpu.memory_space<hbm>> -> memref<1000x128xf32, #tpu.memory_space<hbm>>
      tpu.enqueue_indirect_dma source(%dma_start3A_2657 : memref<1000x128xf32, #tpu.memory_space<hbm>>) target(%dma_start3A_2652 : memref<128x128xf32, #tpu.memory_space<vmem>>) offsets(%dma_start3A_2654 : memref<128xi32, #tpu.memory_space<vmem>>) semaphore(%arg20 : memref<!tpu.dma_semaphore, #tpu.memory_space<semaphore_mem>>)
      %dma_start3A_2658 = arith.constant 128 : i32
      %dma_start3A_2659 = arith.constant 0 : i32
      %dma_start3A_2660 = tpu.memref_slice %arg13[%dma_start3A_2658, %dma_start3A_2659] : memref<200x128xf32, #tpu.memory_space<vmem>> -> memref<72x128xf32, #tpu.memory_space<vmem>>
      %dma_start3A_2661 = arith.constant 128 : i32
      %dma_start3A_2662 = tpu.memref_slice %arg11[%dma_start3A_2661] : memref<200xi32, #tpu.memory_space<vmem>> -> memref<72xi32, #tpu.memory_space<vmem>>
      %dma_start3A_2663 = arith.constant 0 : i32
      %dma_start3A_2664 = arith.constant 0 : i32
      %dma_start3A_2665 = tpu.memref_slice %arg2[%dma_start3A_2663, %dma_start3A_2664] : memref<1000x128xf32, #tpu.memory_space<hbm>> -> memref<1000x128xf32, #tpu.memory_space<hbm>>
      tpu.enqueue_indirect_dma source(%dma_start3A_2665 : memref<1000x128xf32, #tpu.memory_space<hbm>>) target(%dma_start3A_2660 : memref<72x128xf32, #tpu.memory_space<vmem>>) offsets(%dma_start3A_2662 : memref<72xi32, #tpu.memory_space<vmem>>) semaphore(%arg20 : memref<!tpu.dma_semaphore, #tpu.memory_space<semaphore_mem>>)
      %add3A_2666 = arith.constant 1 : i32
      %add3A_2667 = arith.addi %add3A_2637, %add3A_2666 : i32
      %lt3A_2668 = arith.constant 32 : i32
      %lt3A_2669 = arith.cmpi slt, %add3A_2667, %lt3A_2668 : i32
      %convert_element_type3A_2670 = arith.extui %lt3A_2669 : i1 to i32
      %cond3A_2671 = arith.constant 0 : i32
      %cond3A_2672 = arith.cmpi ne, %convert_element_type3A_2670, %cond3A_2671 : i32
      scf.if %cond3A_2672 {
        %add3A_2697 = arith.constant 1 : i32
        %add3A_2698 = arith.addi %add3A_2638, %add3A_2697 : i32
        %dma_start3A_2699 = arith.constant 0 : i32
        %dma_start3A_2700 = tpu.memref_slice %arg5[%add3A_2698, %dma_start3A_2699] : memref<1024x200xi32, #tpu.memory_space<hbm>> -> memref<1x200xi32, #tpu.memory_space<hbm>>
        %dma_start3A_2701 = tpu.memref_squeeze %dma_start3A_2700 : memref<1x200xi32, #tpu.memory_space<hbm>> -> memref<200xi32, #tpu.memory_space<hbm>>
        %dma_start3A_2702 = arith.constant 0 : i32
        %dma_start3A_2703 = tpu.memref_slice %arg5[%add3A_2698, %dma_start3A_2702] : memref<1024x200xi32, #tpu.memory_space<hbm>> -> memref<1x200xi32, #tpu.memory_space<hbm>>
        %dma_start3A_2704 = tpu.memref_squeeze %dma_start3A_2703 : memref<1x200xi32, #tpu.memory_space<hbm>> -> memref<200xi32, #tpu.memory_space<hbm>>
        tpu.enqueue_dma source(%dma_start3A_2704 : memref<200xi32, #tpu.memory_space<hbm>>) target(%arg10 : memref<200xi32, #tpu.memory_space<vmem>>) target_semaphore(%arg17 : memref<!tpu.dma_semaphore, #tpu.memory_space<semaphore_mem>>)
      } else {
      }
      %dma_wait3A_2673 = arith.constant 0 : i32
      %dma_wait3A_2674 = arith.constant 0 : i32
      %dma_wait3A_2675 = tpu.memref_slice %arg13[%dma_wait3A_2673, %dma_wait3A_2674] : memref<200x128xf32, #tpu.memory_space<vmem>> -> memref<128x128xf32, #tpu.memory_space<vmem>>
      %dma_wait3A_2676 = arith.constant 0 : i32
      %dma_wait3A_2677 = tpu.memref_slice %arg11[%dma_wait3A_2676] : memref<200xi32, #tpu.memory_space<vmem>> -> memref<128xi32, #tpu.memory_space<vmem>>
      %dma_wait3A_2678 = arith.constant 0 : i32
      %dma_wait3A_2679 = arith.constant 0 : i32
      %dma_wait3A_2680 = tpu.memref_slice %arg2[%dma_wait3A_2678, %dma_wait3A_2679] : memref<1000x128xf32, #tpu.memory_space<hbm>> -> memref<1000x128xf32, #tpu.memory_space<hbm>>
      tpu.wait_indirect_dma semaphore(%arg20 : memref<!tpu.dma_semaphore, #tpu.memory_space<semaphore_mem>>) src(%dma_wait3A_2680 : memref<1000x128xf32, #tpu.memory_space<hbm>>) dst(%dma_wait3A_2675 : memref<128x128xf32, #tpu.memory_space<vmem>>)
      %dma_wait3A_2681 = arith.constant 128 : i32
      %dma_wait3A_2682 = arith.constant 0 : i32
      %dma_wait3A_2683 = tpu.memref_slice %arg13[%dma_wait3A_2681, %dma_wait3A_2682] : memref<200x128xf32, #tpu.memory_space<vmem>> -> memref<72x128xf32, #tpu.memory_space<vmem>>
      %dma_wait3A_2684 = arith.constant 128 : i32
      %dma_wait3A_2685 = tpu.memref_slice %arg11[%dma_wait3A_2684] : memref<200xi32, #tpu.memory_space<vmem>> -> memref<72xi32, #tpu.memory_space<vmem>>
      %dma_wait3A_2686 = arith.constant 0 : i32
      %dma_wait3A_2687 = arith.constant 0 : i32
      %dma_wait3A_2688 = tpu.memref_slice %arg2[%dma_wait3A_2686, %dma_wait3A_2687] : memref<1000x128xf32, #tpu.memory_space<hbm>> -> memref<1000x128xf32, #tpu.memory_space<hbm>>
      tpu.wait_indirect_dma semaphore(%arg20 : memref<!tpu.dma_semaphore, #tpu.memory_space<semaphore_mem>>) src(%dma_wait3A_2688 : memref<1000x128xf32, #tpu.memory_space<hbm>>) dst(%dma_wait3A_2683 : memref<72x128xf32, #tpu.memory_space<vmem>>)
      %dma_start3A_2689 = arith.constant 0 : i32
      %dma_start3A_2690 = arith.constant 0 : i32
      %dma_start3A_2691 = tpu.memref_slice %arg8[%add3A_2638, %dma_start3A_2689, %dma_start3A_2690] : memref<1024x200x128xf32, #tpu.memory_space<hbm>> -> memref<1x200x128xf32, #tpu.memory_space<hbm>>
      %dma_start3A_2692 = tpu.memref_squeeze %dma_start3A_2691 : memref<1x200x128xf32, #tpu.memory_space<hbm>> -> memref<200x128xf32, #tpu.memory_space<hbm>>
      %dma_start3A_2693 = arith.constant 0 : i32
      %dma_start3A_2694 = arith.constant 0 : i32
      %dma_start3A_2695 = tpu.memref_slice %arg8[%add3A_2638, %dma_start3A_2693, %dma_start3A_2694] : memref<1024x200x128xf32, #tpu.memory_space<hbm>> -> memref<1x200x128xf32, #tpu.memory_space<hbm>>
      %dma_start3A_2696 = tpu.memref_squeeze %dma_start3A_2695 : memref<1x200x128xf32, #tpu.memory_space<hbm>> -> memref<200x128xf32, #tpu.memory_space<hbm>>
      tpu.enqueue_dma source(%arg13 : memref<200x128xf32, #tpu.memory_space<vmem>>) target(%dma_start3A_2696 : memref<200x128xf32, #tpu.memory_space<hbm>>) target_semaphore(%arg22 : memref<!tpu.dma_semaphore, #tpu.memory_space<semaphore_mem>>)
    }
    %scan3A_2544 = arith.constant 16 : i32
    %add3A_2545 = arith.constant 32 : i32
    %add3A_2546 = arith.addi %mul3A_2, %add3A_2545 : i32
    %sub3A = arith.constant 2 : i32
    %sub3A_2547 = arith.subi %add3A_2546, %sub3A : i32
    %add3A_2548 = arith.constant 0 : i32
    %add3A_2549 = arith.addi %sub3A_2547, %add3A_2548 : i32
    %dma_wait3A_2550 = arith.constant 0 : i32
    %dma_wait3A_2551 = arith.constant 0 : i32
    %dma_wait3A_2552 = tpu.memref_slice %arg8[%add3A_2549, %dma_wait3A_2550, %dma_wait3A_2551] : memref<1024x200x128xf32, #tpu.memory_space<hbm>> -> memref<1x200x128xf32, #tpu.memory_space<hbm>>
    %dma_wait3A_2553 = tpu.memref_squeeze %dma_wait3A_2552 : memref<1x200x128xf32, #tpu.memory_space<hbm>> -> memref<200x128xf32, #tpu.memory_space<hbm>>
    %dma_wait3A_2554 = arith.constant 0 : i32
    %dma_wait3A_2555 = arith.constant 0 : i32
    %dma_wait3A_2556 = tpu.memref_slice %arg8[%add3A_2549, %dma_wait3A_2554, %dma_wait3A_2555] : memref<1024x200x128xf32, #tpu.memory_space<hbm>> -> memref<1x200x128xf32, #tpu.memory_space<hbm>>
    %dma_wait3A_2557 = tpu.memref_squeeze %dma_wait3A_2556 : memref<1x200x128xf32, #tpu.memory_space<hbm>> -> memref<200x128xf32, #tpu.memory_space<hbm>>
    tpu.wait_dma2 semaphore(%arg21 : memref<!tpu.dma_semaphore, #tpu.memory_space<semaphore_mem>>) src(%arg12 : memref<200x128xf32, #tpu.memory_space<vmem>>) dst(%dma_wait3A_2557 : memref<200x128xf32, #tpu.memory_space<hbm>>)
    %add3A_2558 = arith.constant 32 : i32
    %add3A_2559 = arith.addi %mul3A_2, %add3A_2558 : i32
    %sub3A_2560 = arith.constant 2 : i32
    %sub3A_2561 = arith.subi %add3A_2559, %sub3A_2560 : i32
    %add3A_2562 = arith.constant 1 : i32
    %add3A_2563 = arith.addi %sub3A_2561, %add3A_2562 : i32
    %dma_wait3A_2564 = arith.constant 0 : i32
    %dma_wait3A_2565 = arith.constant 0 : i32
    %dma_wait3A_2566 = tpu.memref_slice %arg8[%add3A_2563, %dma_wait3A_2564, %dma_wait3A_2565] : memref<1024x200x128xf32, #tpu.memory_space<hbm>> -> memref<1x200x128xf32, #tpu.memory_space<hbm>>
    %dma_wait3A_2567 = tpu.memref_squeeze %dma_wait3A_2566 : memref<1x200x128xf32, #tpu.memory_space<hbm>> -> memref<200x128xf32, #tpu.memory_space<hbm>>
    %dma_wait3A_2568 = arith.constant 0 : i32
    %dma_wait3A_2569 = arith.constant 0 : i32
    %dma_wait3A_2570 = tpu.memref_slice %arg8[%add3A_2563, %dma_wait3A_2568, %dma_wait3A_2569] : memref<1024x200x128xf32, #tpu.memory_space<hbm>> -> memref<1x200x128xf32, #tpu.memory_space<hbm>>
    %dma_wait3A_2571 = tpu.memref_squeeze %dma_wait3A_2570 : memref<1x200x128xf32, #tpu.memory_space<hbm>> -> memref<200x128xf32, #tpu.memory_space<hbm>>
    tpu.wait_dma2 semaphore(%arg22 : memref<!tpu.dma_semaphore, #tpu.memory_space<semaphore_mem>>) src(%arg13 : memref<200x128xf32, #tpu.memory_space<vmem>>) dst(%dma_wait3A_2571 : memref<200x128xf32, #tpu.memory_space<hbm>>)
    %dma_wait3A_2572 = arith.constant 0 : i32
    %dma_wait3A_2573 = tpu.memref_slice %arg9[%mul3A_2, %dma_wait3A_2572] : memref<1024x128xf32, #tpu.memory_space<hbm>> -> memref<32x128xf32, #tpu.memory_space<hbm>>
    %dma_wait3A_2574 = arith.constant 0 : i32
    %dma_wait3A_2575 = tpu.memref_slice %arg9[%mul3A_2, %dma_wait3A_2574] : memref<1024x128xf32, #tpu.memory_space<hbm>> -> memref<32x128xf32, #tpu.memory_space<hbm>>
    tpu.wait_dma2 semaphore(%arg23 : memref<!tpu.dma_semaphore, #tpu.memory_space<semaphore_mem>>) src(%arg14 : memref<32x128xf32, #tpu.memory_space<vmem>>) dst(%dma_wait3A_2575 : memref<32x128xf32, #tpu.memory_space<hbm>>)
    return
  }
}

module attributes {stable_mosaic.version = 14 : i64} {
  func.func @_tc_body(%arg0: i32, %arg1: i32, %arg2: memref<512x8x128xf32, #tpu.memory_space<vmem>>, %arg3: memref<512x128xf32, #tpu.memory_space<vmem>>, %arg4: memref<8x208x512xf32, #tpu.memory_space<vmem>>) attributes {dimension_semantics = [#tpu.dimension_semantics<arbitrary>, #tpu.dimension_semantics<arbitrary>], iteration_bounds = array<i64: 25, 2>, scalar_prefetch = 0 : i64, scratch_operands = 0 : i64, tpu.core_type = #tpu.core_type<tc>, window_params = [{transform_indices = @transform_0, window_bounds = array<i64: 512, 8, 128>}, {transform_indices = @transform_1, window_bounds = array<i64: 512, 128>}, {transform_indices = @transform_2, window_bounds = array<i64: 8, 208, 512>}]} {
    %get3A = arith.constant 0 : index
    %get3A_0 = arith.constant 0 : index
    %get3A_1 = vector.load %arg3[%get3A, %get3A_0] : memref<512x128xf32, #tpu.memory_space<vmem>>, vector<512x128xf32>
    %transpose3A = tpu.transpose %get3A_1, [1, 0] : vector<512x128xf32> -> vector<128x512xf32>
    %get3A_2 = arith.constant 0 : index
    %get3A_3 = arith.constant 0 : index
    %get3A_4 = arith.constant 0 : index
    %get3A_5 = vector.load %arg2[%get3A_2, %get3A_3, %get3A_4] : memref<512x8x128xf32, #tpu.memory_space<vmem>>, vector<512x1x128xf32>
    %get3A_6 = vector.shape_cast %get3A_5 : vector<512x1x128xf32> to vector<512x128xf32>
    %transpose3A_7 = tpu.transpose %get3A_6, [1, 0] : vector<512x128xf32> -> vector<128x512xf32>
    %swap3A = arith.constant 0 : index
    %swap3A_8 = arith.constant 0 : index
    %swap3A_9 = arith.constant 0 : index
    %swap3A_10 = vector.load %arg4[%swap3A, %swap3A_8, %swap3A_9] : memref<8x208x512xf32, #tpu.memory_space<vmem>>, vector<1x128x512xf32>
    %swap3A_11 = vector.shape_cast %swap3A_10 : vector<1x128x512xf32> to vector<128x512xf32>
    %swap3A_12 = vector.shape_cast %transpose3A_7 : vector<128x512xf32> to vector<1x128x512xf32>
    tpu.vector_store %arg4[%swap3A, %swap3A_8, %swap3A_9], %swap3A_12 {strides = array<i32>} : memref<8x208x512xf32, #tpu.memory_space<vmem>>, vector<1x128x512xf32>,
    %slice3A = vector.extract_strided_slice %transpose3A {offsets = [0, 0], sizes = [80, 512], strides = [1, 1]} : vector<128x512xf32> to vector<80x512xf32>
    %swap3A_13 = arith.constant 0 : index
    %swap3A_14 = arith.constant 128 : index
    %swap3A_15 = arith.constant 0 : index
    %swap3A_16 = vector.load %arg4[%swap3A_13, %swap3A_14, %swap3A_15] : memref<8x208x512xf32, #tpu.memory_space<vmem>>, vector<1x80x512xf32>
    %swap3A_17 = vector.shape_cast %swap3A_16 : vector<1x80x512xf32> to vector<80x512xf32>
    %swap3A_18 = vector.shape_cast %slice3A : vector<80x512xf32> to vector<1x80x512xf32>
    tpu.vector_store %arg4[%swap3A_13, %swap3A_14, %swap3A_15], %swap3A_18 {strides = array<i32>} : memref<8x208x512xf32, #tpu.memory_space<vmem>>, vector<1x80x512xf32>,
    %get3A_19 = arith.constant 0 : index
    %get3A_20 = arith.constant 1 : index
    %get3A_21 = arith.constant 0 : index
    %get3A_22 = vector.load %arg2[%get3A_19, %get3A_20, %get3A_21] : memref<512x8x128xf32, #tpu.memory_space<vmem>>, vector<512x1x128xf32>
    %get3A_23 = vector.shape_cast %get3A_22 : vector<512x1x128xf32> to vector<512x128xf32>
    %transpose3A_24 = tpu.transpose %get3A_23, [1, 0] : vector<512x128xf32> -> vector<128x512xf32>
    %swap3A_25 = arith.constant 1 : index
    %swap3A_26 = arith.constant 0 : index
    %swap3A_27 = arith.constant 0 : index
    %swap3A_28 = vector.load %arg4[%swap3A_25, %swap3A_26, %swap3A_27] : memref<8x208x512xf32, #tpu.memory_space<vmem>>, vector<1x128x512xf32>
    %swap3A_29 = vector.shape_cast %swap3A_28 : vector<1x128x512xf32> to vector<128x512xf32>
    %swap3A_30 = vector.shape_cast %transpose3A_24 : vector<128x512xf32> to vector<1x128x512xf32>
    tpu.vector_store %arg4[%swap3A_25, %swap3A_26, %swap3A_27], %swap3A_30 {strides = array<i32>} : memref<8x208x512xf32, #tpu.memory_space<vmem>>, vector<1x128x512xf32>,
    %slice3A_31 = vector.extract_strided_slice %transpose3A {offsets = [0, 0], sizes = [80, 512], strides = [1, 1]} : vector<128x512xf32> to vector<80x512xf32>
    %swap3A_32 = arith.constant 1 : index
    %swap3A_33 = arith.constant 128 : index
    %swap3A_34 = arith.constant 0 : index
    %swap3A_35 = vector.load %arg4[%swap3A_32, %swap3A_33, %swap3A_34] : memref<8x208x512xf32, #tpu.memory_space<vmem>>, vector<1x80x512xf32>
    %swap3A_36 = vector.shape_cast %swap3A_35 : vector<1x80x512xf32> to vector<80x512xf32>
    %swap3A_37 = vector.shape_cast %slice3A_31 : vector<80x512xf32> to vector<1x80x512xf32>
    tpu.vector_store %arg4[%swap3A_32, %swap3A_33, %swap3A_34], %swap3A_37 {strides = array<i32>} : memref<8x208x512xf32, #tpu.memory_space<vmem>>, vector<1x80x512xf32>,
    %get3A_38 = arith.constant 0 : index
    %get3A_39 = arith.constant 2 : index
    %get3A_40 = arith.constant 0 : index
    %get3A_41 = vector.load %arg2[%get3A_38, %get3A_39, %get3A_40] : memref<512x8x128xf32, #tpu.memory_space<vmem>>, vector<512x1x128xf32>
    %get3A_42 = vector.shape_cast %get3A_41 : vector<512x1x128xf32> to vector<512x128xf32>
    %transpose3A_43 = tpu.transpose %get3A_42, [1, 0] : vector<512x128xf32> -> vector<128x512xf32>
    %swap3A_44 = arith.constant 2 : index
    %swap3A_45 = arith.constant 0 : index
    %swap3A_46 = arith.constant 0 : index
    %swap3A_47 = vector.load %arg4[%swap3A_44, %swap3A_45, %swap3A_46] : memref<8x208x512xf32, #tpu.memory_space<vmem>>, vector<1x128x512xf32>
    %swap3A_48 = vector.shape_cast %swap3A_47 : vector<1x128x512xf32> to vector<128x512xf32>
    %swap3A_49 = vector.shape_cast %transpose3A_43 : vector<128x512xf32> to vector<1x128x512xf32>
    tpu.vector_store %arg4[%swap3A_44, %swap3A_45, %swap3A_46], %swap3A_49 {strides = array<i32>} : memref<8x208x512xf32, #tpu.memory_space<vmem>>, vector<1x128x512xf32>,
    %slice3A_50 = vector.extract_strided_slice %transpose3A {offsets = [0, 0], sizes = [80, 512], strides = [1, 1]} : vector<128x512xf32> to vector<80x512xf32>
    %swap3A_51 = arith.constant 2 : index
    %swap3A_52 = arith.constant 128 : index
    %swap3A_53 = arith.constant 0 : index
    %swap3A_54 = vector.load %arg4[%swap3A_51, %swap3A_52, %swap3A_53] : memref<8x208x512xf32, #tpu.memory_space<vmem>>, vector<1x80x512xf32>
    %swap3A_55 = vector.shape_cast %swap3A_54 : vector<1x80x512xf32> to vector<80x512xf32>
    %swap3A_56 = vector.shape_cast %slice3A_50 : vector<80x512xf32> to vector<1x80x512xf32>
    tpu.vector_store %arg4[%swap3A_51, %swap3A_52, %swap3A_53], %swap3A_56 {strides = array<i32>} : memref<8x208x512xf32, #tpu.memory_space<vmem>>, vector<1x80x512xf32>,
    %get3A_57 = arith.constant 0 : index
    %get3A_58 = arith.constant 3 : index
    %get3A_59 = arith.constant 0 : index
    %get3A_60 = vector.load %arg2[%get3A_57, %get3A_58, %get3A_59] : memref<512x8x128xf32, #tpu.memory_space<vmem>>, vector<512x1x128xf32>
    %get3A_61 = vector.shape_cast %get3A_60 : vector<512x1x128xf32> to vector<512x128xf32>
    %transpose3A_62 = tpu.transpose %get3A_61, [1, 0] : vector<512x128xf32> -> vector<128x512xf32>
    %swap3A_63 = arith.constant 3 : index
    %swap3A_64 = arith.constant 0 : index
    %swap3A_65 = arith.constant 0 : index
    %swap3A_66 = vector.load %arg4[%swap3A_63, %swap3A_64, %swap3A_65] : memref<8x208x512xf32, #tpu.memory_space<vmem>>, vector<1x128x512xf32>
    %swap3A_67 = vector.shape_cast %swap3A_66 : vector<1x128x512xf32> to vector<128x512xf32>
    %swap3A_68 = vector.shape_cast %transpose3A_62 : vector<128x512xf32> to vector<1x128x512xf32>
    tpu.vector_store %arg4[%swap3A_63, %swap3A_64, %swap3A_65], %swap3A_68 {strides = array<i32>} : memref<8x208x512xf32, #tpu.memory_space<vmem>>, vector<1x128x512xf32>,
    %slice3A_69 = vector.extract_strided_slice %transpose3A {offsets = [0, 0], sizes = [80, 512], strides = [1, 1]} : vector<128x512xf32> to vector<80x512xf32>
    %swap3A_70 = arith.constant 3 : index
    %swap3A_71 = arith.constant 128 : index
    %swap3A_72 = arith.constant 0 : index
    %swap3A_73 = vector.load %arg4[%swap3A_70, %swap3A_71, %swap3A_72] : memref<8x208x512xf32, #tpu.memory_space<vmem>>, vector<1x80x512xf32>
    %swap3A_74 = vector.shape_cast %swap3A_73 : vector<1x80x512xf32> to vector<80x512xf32>
    %swap3A_75 = vector.shape_cast %slice3A_69 : vector<80x512xf32> to vector<1x80x512xf32>
    tpu.vector_store %arg4[%swap3A_70, %swap3A_71, %swap3A_72], %swap3A_75 {strides = array<i32>} : memref<8x208x512xf32, #tpu.memory_space<vmem>>, vector<1x80x512xf32>,
    %get3A_76 = arith.constant 0 : index
    %get3A_77 = arith.constant 4 : index
    %get3A_78 = arith.constant 0 : index
    %get3A_79 = vector.load %arg2[%get3A_76, %get3A_77, %get3A_78] : memref<512x8x128xf32, #tpu.memory_space<vmem>>, vector<512x1x128xf32>
    %get3A_80 = vector.shape_cast %get3A_79 : vector<512x1x128xf32> to vector<512x128xf32>
    %transpose3A_81 = tpu.transpose %get3A_80, [1, 0] : vector<512x128xf32> -> vector<128x512xf32>
    %swap3A_82 = arith.constant 4 : index
    %swap3A_83 = arith.constant 0 : index
    %swap3A_84 = arith.constant 0 : index
    %swap3A_85 = vector.load %arg4[%swap3A_82, %swap3A_83, %swap3A_84] : memref<8x208x512xf32, #tpu.memory_space<vmem>>, vector<1x128x512xf32>
    %swap3A_86 = vector.shape_cast %swap3A_85 : vector<1x128x512xf32> to vector<128x512xf32>
    %swap3A_87 = vector.shape_cast %transpose3A_81 : vector<128x512xf32> to vector<1x128x512xf32>
    tpu.vector_store %arg4[%swap3A_82, %swap3A_83, %swap3A_84], %swap3A_87 {strides = array<i32>} : memref<8x208x512xf32, #tpu.memory_space<vmem>>, vector<1x128x512xf32>,
    %slice3A_88 = vector.extract_strided_slice %transpose3A {offsets = [0, 0], sizes = [80, 512], strides = [1, 1]} : vector<128x512xf32> to vector<80x512xf32>
    %swap3A_89 = arith.constant 4 : index
    %swap3A_90 = arith.constant 128 : index
    %swap3A_91 = arith.constant 0 : index
    %swap3A_92 = vector.load %arg4[%swap3A_89, %swap3A_90, %swap3A_91] : memref<8x208x512xf32, #tpu.memory_space<vmem>>, vector<1x80x512xf32>
    %swap3A_93 = vector.shape_cast %swap3A_92 : vector<1x80x512xf32> to vector<80x512xf32>
    %swap3A_94 = vector.shape_cast %slice3A_88 : vector<80x512xf32> to vector<1x80x512xf32>
    tpu.vector_store %arg4[%swap3A_89, %swap3A_90, %swap3A_91], %swap3A_94 {strides = array<i32>} : memref<8x208x512xf32, #tpu.memory_space<vmem>>, vector<1x80x512xf32>,
    %get3A_95 = arith.constant 0 : index
    %get3A_96 = arith.constant 5 : index
    %get3A_97 = arith.constant 0 : index
    %get3A_98 = vector.load %arg2[%get3A_95, %get3A_96, %get3A_97] : memref<512x8x128xf32, #tpu.memory_space<vmem>>, vector<512x1x128xf32>
    %get3A_99 = vector.shape_cast %get3A_98 : vector<512x1x128xf32> to vector<512x128xf32>
    %transpose3A_100 = tpu.transpose %get3A_99, [1, 0] : vector<512x128xf32> -> vector<128x512xf32>
    %swap3A_101 = arith.constant 5 : index
    %swap3A_102 = arith.constant 0 : index
    %swap3A_103 = arith.constant 0 : index
    %swap3A_104 = vector.load %arg4[%swap3A_101, %swap3A_102, %swap3A_103] : memref<8x208x512xf32, #tpu.memory_space<vmem>>, vector<1x128x512xf32>
    %swap3A_105 = vector.shape_cast %swap3A_104 : vector<1x128x512xf32> to vector<128x512xf32>
    %swap3A_106 = vector.shape_cast %transpose3A_100 : vector<128x512xf32> to vector<1x128x512xf32>
    tpu.vector_store %arg4[%swap3A_101, %swap3A_102, %swap3A_103], %swap3A_106 {strides = array<i32>} : memref<8x208x512xf32, #tpu.memory_space<vmem>>, vector<1x128x512xf32>,
    %slice3A_107 = vector.extract_strided_slice %transpose3A {offsets = [0, 0], sizes = [80, 512], strides = [1, 1]} : vector<128x512xf32> to vector<80x512xf32>
    %swap3A_108 = arith.constant 5 : index
    %swap3A_109 = arith.constant 128 : index
    %swap3A_110 = arith.constant 0 : index
    %swap3A_111 = vector.load %arg4[%swap3A_108, %swap3A_109, %swap3A_110] : memref<8x208x512xf32, #tpu.memory_space<vmem>>, vector<1x80x512xf32>
    %swap3A_112 = vector.shape_cast %swap3A_111 : vector<1x80x512xf32> to vector<80x512xf32>
    %swap3A_113 = vector.shape_cast %slice3A_107 : vector<80x512xf32> to vector<1x80x512xf32>
    tpu.vector_store %arg4[%swap3A_108, %swap3A_109, %swap3A_110], %swap3A_113 {strides = array<i32>} : memref<8x208x512xf32, #tpu.memory_space<vmem>>, vector<1x80x512xf32>,
    %get3A_114 = arith.constant 0 : index
    %get3A_115 = arith.constant 6 : index
    %get3A_116 = arith.constant 0 : index
    %get3A_117 = vector.load %arg2[%get3A_114, %get3A_115, %get3A_116] : memref<512x8x128xf32, #tpu.memory_space<vmem>>, vector<512x1x128xf32>
    %get3A_118 = vector.shape_cast %get3A_117 : vector<512x1x128xf32> to vector<512x128xf32>
    %transpose3A_119 = tpu.transpose %get3A_118, [1, 0] : vector<512x128xf32> -> vector<128x512xf32>
    %swap3A_120 = arith.constant 6 : index
    %swap3A_121 = arith.constant 0 : index
    %swap3A_122 = arith.constant 0 : index
    %swap3A_123 = vector.load %arg4[%swap3A_120, %swap3A_121, %swap3A_122] : memref<8x208x512xf32, #tpu.memory_space<vmem>>, vector<1x128x512xf32>
    %swap3A_124 = vector.shape_cast %swap3A_123 : vector<1x128x512xf32> to vector<128x512xf32>
    %swap3A_125 = vector.shape_cast %transpose3A_119 : vector<128x512xf32> to vector<1x128x512xf32>
    tpu.vector_store %arg4[%swap3A_120, %swap3A_121, %swap3A_122], %swap3A_125 {strides = array<i32>} : memref<8x208x512xf32, #tpu.memory_space<vmem>>, vector<1x128x512xf32>,
    %slice3A_126 = vector.extract_strided_slice %transpose3A {offsets = [0, 0], sizes = [80, 512], strides = [1, 1]} : vector<128x512xf32> to vector<80x512xf32>
    %swap3A_127 = arith.constant 6 : index
    %swap3A_128 = arith.constant 128 : index
    %swap3A_129 = arith.constant 0 : index
    %swap3A_130 = vector.load %arg4[%swap3A_127, %swap3A_128, %swap3A_129] : memref<8x208x512xf32, #tpu.memory_space<vmem>>, vector<1x80x512xf32>
    %swap3A_131 = vector.shape_cast %swap3A_130 : vector<1x80x512xf32> to vector<80x512xf32>
    %swap3A_132 = vector.shape_cast %slice3A_126 : vector<80x512xf32> to vector<1x80x512xf32>
    tpu.vector_store %arg4[%swap3A_127, %swap3A_128, %swap3A_129], %swap3A_132 {strides = array<i32>} : memref<8x208x512xf32, #tpu.memory_space<vmem>>, vector<1x80x512xf32>,
    %get3A_133 = arith.constant 0 : index
    %get3A_134 = arith.constant 7 : index
    %get3A_135 = arith.constant 0 : index
    %get3A_136 = vector.load %arg2[%get3A_133, %get3A_134, %get3A_135] : memref<512x8x128xf32, #tpu.memory_space<vmem>>, vector<512x1x128xf32>
    %get3A_137 = vector.shape_cast %get3A_136 : vector<512x1x128xf32> to vector<512x128xf32>
    %transpose3A_138 = tpu.transpose %get3A_137, [1, 0] : vector<512x128xf32> -> vector<128x512xf32>
    %swap3A_139 = arith.constant 7 : index
    %swap3A_140 = arith.constant 0 : index
    %swap3A_141 = arith.constant 0 : index
    %swap3A_142 = vector.load %arg4[%swap3A_139, %swap3A_140, %swap3A_141] : memref<8x208x512xf32, #tpu.memory_space<vmem>>, vector<1x128x512xf32>
    %swap3A_143 = vector.shape_cast %swap3A_142 : vector<1x128x512xf32> to vector<128x512xf32>
    %swap3A_144 = vector.shape_cast %transpose3A_138 : vector<128x512xf32> to vector<1x128x512xf32>
    tpu.vector_store %arg4[%swap3A_139, %swap3A_140, %swap3A_141], %swap3A_144 {strides = array<i32>} : memref<8x208x512xf32, #tpu.memory_space<vmem>>, vector<1x128x512xf32>,
    %slice3A_145 = vector.extract_strided_slice %transpose3A {offsets = [0, 0], sizes = [80, 512], strides = [1, 1]} : vector<128x512xf32> to vector<80x512xf32>
    %swap3A_146 = arith.constant 7 : index
    %swap3A_147 = arith.constant 128 : index
    %swap3A_148 = arith.constant 0 : index
    %swap3A_149 = vector.load %arg4[%swap3A_146, %swap3A_147, %swap3A_148] : memref<8x208x512xf32, #tpu.memory_space<vmem>>, vector<1x80x512xf32>
    %swap3A_150 = vector.shape_cast %swap3A_149 : vector<1x80x512xf32> to vector<80x512xf32>
    %swap3A_151 = vector.shape_cast %slice3A_145 : vector<80x512xf32> to vector<1x80x512xf32>
    tpu.vector_store %arg4[%swap3A_146, %swap3A_147, %swap3A_148], %swap3A_151 {strides = array<i32>} : memref<8x208x512xf32, #tpu.memory_space<vmem>>, vector<1x80x512xf32>,
    return
  }
  func.func @transform_0(%arg0: i32, %arg1: i32) -> (i32, i32, i32) {
    %c0_i32 = arith.constant 0 : i32
    %c0_i32_0 = arith.constant 0 : i32
    return %arg1, %arg0, %c0_i32 : i32, i32, i32
  }
  func.func @transform_1(%arg0: i32, %arg1: i32) -> (i32, i32) {
    %c0_i32 = arith.constant 0 : i32
    %c0_i32_0 = arith.constant 0 : i32
    return %arg1, %c0_i32 : i32, i32
  }
  func.func @transform_2(%arg0: i32, %arg1: i32) -> (i32, i32, i32) {
    %c0_i32 = arith.constant 0 : i32
    %c0_i32_0 = arith.constant 0 : i32
    return %arg0, %c0_i32, %arg1 : i32, i32, i32
  }
}

</mosaic_0001>

<sc_bundles>
// kernel: kernel.4.cloned.1.call-start
scs
__scs_entry_jumppad:
0x0: {  	(pc) =	sbr.rel $0x88, $3  }
0x1: {  	(tag) =	ssettag $0x0;
	lr =	simm.s32 $0x1  }
0x2: {  	[smem:$0x3F9B] =	sst lr;
	_ =	strace $0xD0000000  }
0x3: {  	_ = 	snop  }
0x4: {  	_ = 	snop  }
0x5: {  	_ = 	snop  }
0x6: {  	_ = 	snop  }
0x7: {  	_ = 	snop  }
__scs_overlays_trampoline_lowered:
0x8: {  	[smem:$0x3FAA] =	sst s0  }
0x9: {  	[smem:$0x3FAB] =	sst s1  }
0xa: {  	[smem:$0x3FAC] =	sst s2  }
0xb: {  	[smem:$0x3FAD] =	sst s3  }
0xc: {  	[smem:$0x3FAE] =	sst s4  }
0xd: {  	[smem:$0x3FAF] =	sst s5  }
0xe: {  	[smem:$0x3FB0] =	sst s6  }
0xf: {  	[smem:$0x3FB1] =	sst s7  }
0x10: {  	[smem:$0x3FB2] =	sst s8  }
0x11: {  	[smem:$0x3FB3] =	sst s9;
	s0 =	simm.s32 @!p0 $0x0  }
0x12: {  	s1 =	sld [smem:$0x3F99];
	s0 =	simm.s32 @p0 $0x1  }
0x13: {  	[smem:$0x3FB4] =	sst s0;
	s0 =	simm.s32 @!p1 $0x0  }
0x14: {  	s2 =	sld [smem:$0x3F98];
	s0 =	simm.s32 @p1 $0x1  }
0x15: {  	[smem:$0x3FB5] =	sst s0;
	s0 =	simm.s32 @!p2 $0x0  }
0x16: {  	s3 =	sld [smem:$0x3FDB];
	s0 =	simm.s32 @p2 $0x1  }
0x17: {  	s4 =	simm.s32 $0x1BF5;
	[smem:$0x3FB7] =	sst s0  }
0x18: {  	s0 =	sld [smem:$0x3F9A];
	_ =	swait.ge [sflag:s4], $0x0  }
0x19: {  	s7 =	sld [smem:$0x3F9B]  }
0x1a: {  	s8 =	sadd.s32 $0xFFFFE003, lr  }
0x1b: {  	s9 =	sadd.s32 $0xFFFFFEF7, lr;
	s5 =	simm.s32 $0xFFFFFFFF;
	p2 =	slt.u32 s8, $0xFFFFF086  }
0x1c: {  	p1 =	slt.u32 s9, $0xF7A;
	s5 =	simm.s32 @!p2 $0x0  }
0x1d: {  	s5 =	simm.s32 @p1 $0x1;
	p0 =	seq.s32 s7, s2  }
0x1e: {  	s7 =	smul.u32 @!p0 $0xF7A, s2;
	p2 =	seq.s32 @!p0 s5, $0x0  }
0x1f: {  	s9 =	smul.u32 $0xF7A, s1;
	s8 =	simm.s32 @!p0 $0x1BF5;
	p2 =	por !p2, p0  }
0x20: {  	[sflag:s8] =	ssyncset.s32 @!p0 $0xFFFFF086;
	s6 =	sadd.s32 @!p0 s3, s7;
	s7 =	simm.s32 @!p0 $0x108  }
0x21: {  	s3 =	sadd.s32 s3, s9;
	s6 =	sadd.s32 @!p0 $0x88, s6;
	s7 =	simm.s32 @p2 $0x1082  }
0x22: {  	[simem:s7], [sflag:s8] =	dma.local @!p0 [hbm:s6], $0xF7A  }
0x23: {  	s9 =	sor.u32 $0xD0000000, s2;
	s6 =	simm.s32 $0x108;
	_ =	swait.ge @!p0 [sflag:s8], $0x0  }
0x24: {  	s3 =	sadd.s32 $0x88, s3;
	s6 =	simm.s32 @!p1 $0x1082;
	[sflag:s4] =	ssyncset.s32 $0xFFFFF086  }
0x25: {  	[simem:s6], [sflag:s4] =	dma.local [hbm:s3], $0xF7A  }
0x26: {  	[smem:$0x3F9B] =	sst s1;
	(tag) =	ssettag s2;
	_ =	strace s9  }
0x27: {  	s1 =	sld [smem:$0x3FAB]  }
0x28: {  	s2 =	sld [smem:$0x3FAC]  }
0x29: {  	s4 =	sld [smem:$0x3FAE]  }
0x2a: {  	p0 =	seq.s32 s5, $0x0;
	s5 =	sld [smem:$0x3FAF]  }
0x2b: {  	s6 =	sld [smem:$0x3FB0]  }
0x2c: {  	s7 =	sld [smem:$0x3FB1]  }
0x2d: {  	s3 =	simm.s32 $0x108;
	s8 =	sld [smem:$0x3FB2]  }
0x2e: {  	s3 =	simm.s32 @!p0 $0x1082;
	s9 =	sld [smem:$0x3FB3]  }
0x2f: {  	lr =	sadd.s32 s0, s3;
	s0 =	sld [smem:$0x3FAA]  }
0x30: {  	s3 =	sld [smem:$0x3FAD]  }
0x31: {  	[smem:$0x3FB6] =	sst s10  }
0x32: {  	s10 =	sld [smem:$0x3FB4];
	_ =	sdelay $0x3  }
0x33: {  	p0 =	seq.s32 s10, $0x1;
	s10 =	sld [smem:$0x3FB6];
	_ =	sdelay $0x3  }
0x34: {  	[smem:$0x3FB6] =	sst s10  }
0x35: {  	s10 =	sld [smem:$0x3FB5];
	_ =	sdelay $0x3  }
0x36: {  	p1 =	seq.s32 s10, $0x1;
	s10 =	sld [smem:$0x3FB6];
	_ =	sdelay $0x3  }
0x37: {  	[smem:$0x3FB6] =	sst s10  }
0x38: {  	s10 =	sld [smem:$0x3FB7]  }
0x39: {  	_ = 	snop;
	(pc) =	sbr.ind lr, $3  }
0x3a: {  	_ = 	snop  }
0x3b: {  	_ = 	snop  }
0x3c: {  	p2 =	seq.s32 s10, $0x1;
	s10 =	sld [smem:$0x3FB6]  }
0x3d: {  	_ =	shalt  }
0x3e: {  	_ =	shalt  }
0x3f: {  	_ =	shalt  }
0x40: {  	_ =	shalt  }
0x41: {  	_ =	shalt  }
0x42: {  	_ =	shalt  }
0x43: {  	_ =	shalt  }
0x44: {  	_ =	shalt  }
0x45: {  	_ =	shalt  }
0x46: {  	_ =	shalt  }
0x47: {  	_ =	shalt  }
0x48: {  	_ =	shalt  }
0x49: {  	_ =	shalt  }
0x4a: {  	_ =	shalt  }
0x4b: {  	_ =	shalt  }
0x4c: {  	_ =	shalt  }
0x4d: {  	_ =	shalt  }
0x4e: {  	_ =	shalt  }
0x4f: {  	_ =	shalt  }
0x50: {  	_ =	shalt  }
0x51: {  	_ =	shalt  }
0x52: {  	_ =	shalt  }
0x53: {  	_ =	shalt  }
0x54: {  	_ =	shalt  }
0x55: {  	_ =	shalt  }
0x56: {  	_ =	shalt  }
0x57: {  	_ =	shalt  }
0x58: {  	_ =	shalt  }
0x59: {  	_ =	shalt  }
0x5a: {  	_ =	shalt  }
0x5b: {  	_ =	shalt  }
0x5c: {  	_ =	shalt  }
0x5d: {  	_ =	shalt  }
0x5e: {  	_ =	shalt  }
0x5f: {  	_ =	shalt  }
0x60: {  	_ =	shalt  }
0x61: {  	_ =	shalt  }
0x62: {  	_ =	shalt  }
0x63: {  	_ =	shalt  }
0x64: {  	_ =	shalt  }
0x65: {  	_ =	shalt  }
0x66: {  	_ =	shalt  }
0x67: {  	_ =	shalt  }
0x68: {  	_ =	shalt  }
0x69: {  	_ =	shalt  }
0x6a: {  	_ =	shalt  }
0x6b: {  	_ =	shalt  }
0x6c: {  	_ =	shalt  }
0x6d: {  	_ =	shalt  }
0x6e: {  	_ =	shalt  }
0x6f: {  	_ =	shalt  }
0x70: {  	_ =	shalt  }
0x71: {  	_ =	shalt  }
0x72: {  	_ =	shalt  }
0x73: {  	_ =	shalt  }
0x74: {  	_ =	shalt  }
0x75: {  	_ =	shalt  }
0x76: {  	_ =	shalt  }
0x77: {  	_ =	shalt  }
0x78: {  	_ =	shalt  }
0x79: {  	_ =	shalt  }
0x7a: {  	_ =	shalt  }
0x7b: {  	_ =	shalt  }
0x7c: {  	_ =	shalt  }
0x7d: {  	_ =	shalt  }
0x7e: {  	_ =	shalt  }
0x7f: {  	_ =	shalt  }
0x80: {  	_ =	shalt  }
0x81: {  	_ =	shalt  }
0x82: {  	_ =	shalt  }
0x83: {  	_ =	shalt  }
0x84: {  	_ =	shalt  }
0x85: {  	_ =	shalt  }
0x86: {  	_ =	shalt  }
0x87: {  	_ =	shalt  }
.Lfunc_end0:
.L_simem_size_0:
called_computation_lowered:
.L_overlay_start_0:
0x88: {  	s2 =	sld [smem:$0x3FD9]  }
0x89: {  	s3 =	sld [smem:$0x3FFE];
	_ =	sdelay $0x1  }
0x8a: {  	s1 =	srdreg.scid  }
0x8b: {  	s0 =	sand.u32 $0x1, s1  }
0x8c: {  	s17 =	sshll.u32 s0, $0xA;
	s2 =	sadd.s32 s3, s2  }
0x8d: {  	s2 =	sadd.s32 s2, s17  }
0x8e: {  	[smem:$0x3FC2] =	sst s2  }
0x8f: {  	_ = 	snop  }
0x90: {  	s2 =	sld [smem:$0x3FC9]  }
0x91: {  	s18 =	sld [smem:$0x3FC5]  }
0x92: {  	s4 =	sld [smem:$0x3FC4]  }
0x93: {  	s5 =	sld [smem:$0x3FD0];
	(tm) =	ssettm $0x1  }
0x94: {  	s6 =	sld [smem:$0x3FFB];
	_ =	sdelay $0x3  }
0x95: {  	_ =	strace s6  }
0x96: {  	s6 =	sld [smem:$0x3FFC];
	_ =	sdelay $0x3  }
0x97: {  	_ =	strace s6  }
0x98: {  	s6 =	sld [smem:$0x3FFD];
	_ =	sdelay $0x3  }
0x99: {  	_ =	strace s6  }
0x9a: {  	_ =	strace $0x8FFFFFFF  }
0x9b: {  	s19 =	sld [smem:$0x3FDB];
	_ =	sdelay $0x1  }
0x9c: {  	s7 =	simm.s32 $_scs_section_size  }
0x9d: {  	s8 =	simm.s32 $_size__tile_overlayer_lowered;
	s9 =	simm.s32 $_tile_overlayer_lowered  }
0x9e: {  	s22 =	simm.s32 $0x1BFF;
	s21 =	sshll.u32 s9, $0x1;
	s6 =	sadd.s32 s7, s19  }
0x9f: {  	s10 =	simm.s32 $0x0;
	s20 =	sshll.u32 s8, $0x1;
	s8 =	sadd.s32 s21, s6  }
0xa0: {  	[timem:s10], [sflag:s22] =	dma.local [hbm:s8], s20  }
0xa1: {  	_ =	swait.ge [sflag:s22], s20  }
0xa2: {  	s7 =	ssub.s32 $0x0, s20;
	[sflag:s22] =	ssyncset.done $0x0  }
0xa3: {  	[sflag:s22] =	ssyncadd.s32 s7;
	_ =	sdelay $0x1  }
0xa4: {  	s23 =	simm.s32 $0x1B8B  }
0xa5: {  	_ =	swait.ge [sflag:s23], $0x1  }
0xa6: {  	[sflag:s23] =	ssyncset.done $0x0  }
0xa7: {  	s25 =	simm.s32 $0x1B8E;
	s24 =	sld [smem:$0x3FFE];
	[sflag:s23] =	ssyncadd.s32 $0xFFFFFFFF  }
0xa8: {  	s26 =	simm.s32 $execute0_lowered;
	[smem:$0x3FD2] =	sst s25  }
0xa9: {  	s8 =	sshll.u32 s26, $0x1;
	_ =	strace $0x80000046;
	[dreg:$0x1] =	wrdreg $0xFFFFFFFF  }
0xaa: {  	s28 =	simm.s32 $_size_execute0_lowered;
	s6 =	sadd.s32 s6, s8;
	[dreg:$0x0] =	wrdreg $0x0  }
0xab: {  	s8 =	sshll.u32 s28, $0x1;
	[dreg:$0x2] =	wrdreg s6  }
0xac: {  	[dreg:$0x3] =	wrdreg s8  }
0xad: {  	[dreg:$0x4] =	wrdreg $0xC0  }
0xae: {  	_ =	task [dreg:s10], $0x5FFFF  }
0xaf: {  	[dreg:$0x1] =	wrdreg $0xFFFFFFFF  }
0xb0: {  	[dreg:$0x0] =	wrdreg $0x60  }
0xb1: {  	[dreg:$0x2] =	wrdreg s2  }
0xb2: {  	[dreg:$0x3] =	wrdreg s24  }
0xb3: {  	[dreg:$0x4] =	wrdreg s5  }
0xb4: {  	[dreg:$0x5] =	wrdreg s18  }
0xb5: {  	[dreg:$0x6] =	wrdreg s4  }
0xb6: {  	[dreg:$0x7] =	wrdreg $0x9  }
0xb7: {  	_ =	task.clear_ibuf [dreg:s10], $0x8FFFF;
	_ =	strace $0x90000046  }
0xb8: {  	s29 =	simm.s32 $0x9;
	_ =	strace $0x80000048  }
0xb9: {  	_ =	swait.ge [sflag:s29], $0x1  }
0xba: {  	[sflag:s29] =	ssyncadd.s32 $0xFFFFFFFF  }
0xbb: {  	_ =	strace $0x90000048  }
0xbc: {  	_ =	sfence  }
0xbd: {  	s30 =	sld [smem:$0x0];
	_ =	sdelay $0x2  }
0xbe: {  	s31 =	sshll.u32 s1, $0xD;
	s1 =	sshrl.u32 s1, $0x2  }
0xbf: {  	s3 =	sand.u32 $0x4000, s31;
	s1 =	sadd.s32 s1, s30  }
0xc0: {  	s0 =	sor.u32 s3, s0;
	s1 =	sshll.u32 s1, $0x11  }
0xc1: {  	s0 =	sor.u32 s1, s0  }
0xc2: {  	s0 =	sadd.s32 $0x8F2B, s0  }
0xc3: {  	[sflag:s0] =	ssyncadd.remote.s32 $0x1  }
0xc4: {  	_ =	sfence.sel $0xFFFF  }
0xc5: {  	[dreg:$0x0] =	wrdreg $0xFFFFFFFF;
	(pc) =	sbr.abs _section_cstart, $3  }
0xc6: {  	[dreg:$0x1] =	wrdreg $0xFFFFFFFF  }
0xc7: {  	_ =	task.clear_ibuf [dreg:s10], $0x2FFFF;
	_ =	strace $0x9FFFFFFF  }
0xc8: {  	(tm) =	ssettm $0x7FFFFFFF  }
0xc9: {  	_ =	shalt  }
tec
execute0_lowered:
.L_overlay_start_1:
0x0: {  	(tag) =	ssettag $0x1  }
0x1: {  	s1 =	rddreg [dreg:$0x0]  }
0x2: {  	s0 =	rddreg [dreg:$0x1]  }
0x3: {  	s2 =	rddreg [dreg:$0x2]  }
0x4: {  	s3 =	rddreg [dreg:$0x3]  }
0x5: {  	s7 =	rddreg [dreg:$0x4]  }
0x6: {  	s4 =	simm.s32 $0x0;
	s5 =	srdreg.scid;
	s14 =	stileid.u32  }
0x7: {  	s28 =	simm.s32 $0x0;
	[smem:$0x7FF] =	sst s4;
	s8 =	sand.u32 $0x1, s5  }
0x8: {  	s5 =	sadd.s32 $0xA00, s0;
	s9 =	sshll.u32 s14, $0x6;
	s6 =	sadd.s32 $0x4A00, s0  }
0x9: {  	s11 =	sadd.s32 $0x10A00, s0;
	s23 =	smul.u32 $0x32000, s14;
	s24 =	sshll.u32 s14, $0xA  }
0xa: {  	s29 =	sshll.u32 s14, $0xB;
	s14 =	simm.s32 $0x180;
	_ =	strace $0x80000047  }
0xb: {  	s10 =	sshll.u32 s8, $0x5;
	s30 =	ssub.s32 $0x2, s8;
	s25 =	sshll.u32 s8, $0x9  }
0xc: {  	s26 =	smul.u32 $0x19000, s8;
	s9 =	sor.u32 s10, s9;
	s13 =	sshrl.u32 s30, $0x1  }
0xd: {  	s12 =	sshll.u32 s9, $0x4;
	s10 =	ssub.s32 s30, s13;
	s15 =	sshll.u32 s9, $0x5  }
0xe: {  	s17 =	sshrl.u32 s9, $0x3;
	s9 =	smul.u32 $0xC80, s9;
	s30 =	sshll.u32 s8, $0xA  }
0xf: {  	s8 =	simm.s32 $0x48;
	s13 =	simm.s32 $0x2;
	s3 =	sadd.s32 s3, s17  }
0x10: {  	s0 =	sadd.s32 s12, s0;
	s18 =	sadd.s32 s7, s17;
	[dreg:$0x8] =	wrdreg s3  }
0x11: {  	s16 =	sadd.s32 s6, s15;
	s19 =	smax.u32 s10, $0x1;
	[dreg:$0x9] =	wrdreg s18  }
0x12: {  	s7 =	sor.u32 s30, s29;
	s10 =	simm.s32 $0x100;
	[dreg:$0xb] =	wrdreg s19  }
0x13: {  	s12 =	simm.s32 $0x6600;
	s15 =	simm.s32 $0xA600;
	[dreg:$0x7] =	wrdreg s16  }
0x14: {  	s0 =	sadd.s32 $0xCA00, s0;
	s20 =	sadd.s32 $0x10, s16;
	[dreg:$0x10] =	wrdreg s7  }
0x15: {  	s21 =	sadd.s32 s11, s9;
	s22 =	sadd.s32 $0x20, s16;
	[dreg:$0xa] =	wrdreg s0  }
0x16: {  	s3 =	sor.u32 s25, s24;
	s18 =	simm.s32 $0x80;
	[dreg:$0xc] =	wrdreg s20  }
0x17: {  	vm0 =	vmmov $0x1;
	s19 =	simm.s32 $0x400;
	s9 =	simm.s32 $0x4200;
	[dreg:$0xe] =	wrdreg s22  }
0x18: {  	vm1 =	vcmask $0x308;
	vm2 =	vcmask $0x70C;
	vm3 =	vcmask $0xB10;
	s24 =	simm.s32 $0x4;
	s25 =	simm.s32 $0x5;
	[dreg:$0xd] =	wrdreg s21  }
0x19: {  	vm4 =	vcmask $0xF14;
	vm5 =	vcmask $0x1318;
	vm6 =	vcmask $0x171C;
	s0 =	sadd.s32 $0xC80, s21;
	s3 =	sor.u32 $0x40, s3;
	s20 =	simm.s32 $0x1  }
0x1a: {  	vm7 =	vcmask $0x1B20;
	vm8 =	vcmask $0x1F24;
	vm9 =	vcmask $0x2328;
	s22 =	simm.s32 $0x200;
	[dreg:$0xf] =	wrdreg s0;
	s0 =	sadd.s32 s23, s11  }
0x1b: {  	vm10 =	vcmask $0x272C;
	vm11 =	vcmask $0x2B30;
	vm12 =	vcmask $0x2F34;
	[dreg:$0x6] =	wrdreg s3;
	s3 =	simm.s32 $0x7;
	s0 =	sadd.s32 s26, s0  }
0x1c: {  	vm13 =	vcmask $0x3338;
	vm14 =	vcmask $0x373C;
	vm15 =	vmmov $0x7fff;
	s11 =	simm.s32 $0x3;
	s26 =	simm.s32 $0x6;
	s31 =	sadd.s32 $0x2580, s0  }
.LBB2_1:
0x1d: {  	s0 =	rddreg [dreg:$0x7]  }
0x1e: {  	[tilespmem:s4], [sflag:$0x1] =	stream.strided.gather [hbm4b:s0+s18], $0x100, s19, s18, $0x38;
	[tilespmem:$0xDB00] =	vst v63  }
0x1f: {  	s16 =	rddreg [dreg:$0x8];
	s7 =	simm.s32 $0xDA00;
	s17 =	simm.s32 $0x8  }
0x20: {  	[tilespmem:s7], [sflag:$0x8] =	stream.linear.gather [hbm4b:s16+s4], $0x20, $0x38;
	[tilespmem:$0xDB00] =	vst v63  }
0x21: {  	_ =	swait.ge [sflag:s17], $0x20  }
0x22: {  	[sflag:s17] =	ssyncset.done $0x0  }
0x23: {  	s16 =	simm.s32 $0xDA80;
	s21 =	rddreg [dreg:$0x9];
	[sflag:s17] =	ssyncadd.s32 $0xFFFFFFE0  }
0x24: {  	[tilespmem:s16], [sflag:$0x8] =	stream.linear.gather [hbm4b:s21+s4], $0x20, $0x38;
	[tilespmem:$0xDB00] =	vst v63  }
0x25: {  	_ =	swait.ge [sflag:s17], $0x20  }
0x26: {  	[sflag:s17] =	ssyncset.done $0x0  }
0x27: {  	[sflag:s17] =	ssyncadd.s32 $0xFFFFFFE0  }
0x28: {  	v1 =	vld [tilespmem:$0xDA00];
	_ =	sdelay $0x4  }
0x29: {  	v62 =	vld [tilespmem:$0xDA80];
	v0 =	vnsel vm0, $0x80000000, v1  }
0x2a: {  	v2 =	vxor.u32 $0x80000000, v0  }
0x2b: {  	(xrf0) =	vmax.scan.msk.u32 $0xffff, v2;
	_ =	sdelay $0x2  }
0x2c: {  	v63 =	vnsel vm0, $0x80000000, v62  }
0x2d: {  	v2 =	vxor.u32 $0x80000000, v63  }
0x2e: {  	(xrf0) =	vmax.scan.msk.u32 $0xffff, v2  }
0x2f: {  	v3, _, _ =	vpop (xrf0)  }
0x30: {  	(v2sf) =	vpush v3, $0xF;
	_ =	sdelay $0x3  }
0x31: {  	v2, _, _ =	vpop (xrf0)  }
0x32: {  	v6 =	vsel vm1, $0x80000000, v1;
	(v2sf) =	vpush v2, $0xF  }
0x33: {  	v7 =	vxor.u32 $0x80000000, v6  }
0x34: {  	(xrf0) =	vmax.scan.msk.u32 $0xffff, v7;
	_ =	sdelay $0x3  }
0x35: {  	v8 =	vsel vm1, $0x80000000, v62  }
0x36: {  	v2 =	vxor.u32 $0x80000000, v8  }
0x37: {  	v9, _, _ =	vpop (xrf0);
	(xrf0) =	vmax.scan.msk.u32 $0xffff, v2;
	_ =	sdelay $0x1  }
0x38: {  	s23 =	spop (v2sf);
	(v2sf) =	vpush v9, $0xF;
	_ =	sdelay $0x1  }
0x39: {  	v10 =	vsel vm2, $0x80000000, v1  }
0x3a: {  	v2 =	vxor.u32 $0x80000000, v10;
	s0 =	sshll.u32 s23, $0x4  }
0x3b: {  	v11, _, _ =	vpop (xrf0);
	(xrf0) =	vmax.scan.msk.u32 $0xffff, v2;
	s0 =	sand.u32 $0x1FFFFFF0, s0  }
0x3c: {  	s16 =	simm.s32 $0xCA00;
	s7 =	spop (v2sf);
	(v2sf) =	vpush v11, $0xF;
	s0 =	sadd.s32 s5, s0  }
0x3d: {  	[tilespmem:s16], [sflag:$0x7] =	stream.strided.gather [hbm4b:s0+s18], $0x0, s19, s18, $0x38;
	[tilespmem:$0xDB00] =	vst v63  }
0x3e: {  	_ = 	snop  }
0x3f: {  	v12 =	vsel vm2, $0x80000000, v62;
	[tilespmem:s16], [sflag:$0x7] =	stream.linear.gather [hbm4b:s0+s4], $0x10, $0x38;
	[tilespmem:$0xDB00] =	vst v63  }
0x40: {  	v2 =	vxor.u32 $0x80000000, v12;
	s0 =	sshll.u32 s7, $0x4  }
0x41: {  	v13, _, _ =	vpop (xrf0);
	(xrf0) =	vmax.scan.msk.u32 $0xffff, v2;
	s0 =	sand.u32 $0x1FFFFFF0, s0  }
0x42: {  	s17 =	simm.s32 $0xCA10;
	(v2sf) =	vpush v13, $0xF;
	s0 =	sadd.s32 s2, s0  }
0x43: {  	[tilespmem:s17], [sflag:$0x7] =	stream.strided.gather [hbm4b:s0+s18], $0x0, s19, s18, $0x38;
	[tilespmem:$0xDB00] =	vst v63  }
0x44: {  	_ = 	snop  }
0x45: {  	[tilespmem:s17], [sflag:$0x7] =	stream.linear.gather [hbm4b:s0+s4], $0x40, $0x38;
	[tilespmem:$0xDB00] =	vst v63  }
0x46: {  	v14 =	vsel vm3, $0x80000000, v1;
	s21 =	spop (v2sf)  }
0x47: {  	v15 =	vxor.u32 $0x80000000, v14;
	v2, _, _ =	vpop (xrf0);
	s0 =	sshll.u32 s21, $0x4  }
0x48: {  	(xrf0) =	vmax.scan.msk.u32 $0xffff, v15;
	(v2sf) =	vpush v2, $0xF;
	s0 =	sand.u32 $0x1FFFFFF0, s0  }
0x49: {  	s23 =	simm.s32 $0xCA80;
	s0 =	sadd.s32 s5, s0  }
0x4a: {  	[tilespmem:s23], [sflag:$0x7] =	stream.strided.gather [hbm4b:s0+s18], $0x0, s19, s18, $0x38;
	[tilespmem:$0xDB00] =	vst v63  }
0x4b: {  	s7 =	spop (v2sf)  }
0x4c: {  	[tilespmem:s23], [sflag:$0x7] =	stream.linear.gather [hbm4b:s0+s4], $0x10, $0x38;
	[tilespmem:$0xDB00] =	vst v63  }
0x4d: {  	v16 =	vsel vm3, $0x80000000, v62;
	s0 =	sshll.u32 s7, $0x4  }
0x4e: {  	v17, _, _ =	vpop (xrf0);
	v2 =	vxor.u32 $0x80000000, v16;
	s0 =	sand.u32 $0x1FFFFFF0, s0  }
0x4f: {  	s17 =	simm.s32 $0xCA90;
	(v2sf) =	vpush v17, $0xF;
	(xrf0) =	vmax.scan.msk.u32 $0xffff, v2;
	s0 =	sadd.s32 s2, s0  }
0x50: {  	[tilespmem:s17], [sflag:$0x7] =	stream.strided.gather [hbm4b:s0+s18], $0x0, s19, s18, $0x38;
	[tilespmem:$0xDB00] =	vst v63  }
0x51: {  	s21 =	spop (v2sf)  }
0x52: {  	[tilespmem:s17], [sflag:$0x7] =	stream.linear.gather [hbm4b:s0+s4], $0x40, $0x38;
	[tilespmem:$0xDB00] =	vst v63  }
0x53: {  	v18 =	vsel vm4, $0x80000000, v1;
	s0 =	sshll.u32 s21, $0x4  }
0x54: {  	v2 =	vxor.u32 $0x80000000, v18;
	s0 =	sand.u32 $0x1FFFFFF0, s0  }
0x55: {  	s23 =	simm.s32 $0xCB00;
	v19, _, _ =	vpop (xrf0);
	(xrf0) =	vmax.scan.msk.u32 $0xffff, v2;
	s0 =	sadd.s32 s5, s0  }
0x56: {  	[tilespmem:s23], [sflag:$0x7] =	stream.strided.gather [hbm4b:s0+s18], $0x0, s19, s18, $0x38;
	[tilespmem:$0xDB00] =	vst v63  }
0x57: {  	s7 =	spop (v2sf);
	(v2sf) =	vpush v19, $0xF;
	_ =	sdelay $0x1  }
0x58: {  	v20 =	vsel vm4, $0x80000000, v62;
	[tilespmem:s23], [sflag:$0x7] =	stream.linear.gather [hbm4b:s0+s4], $0x10, $0x38;
	[tilespmem:$0xDB00] =	vst v63  }
0x59: {  	v2 =	vxor.u32 $0x80000000, v20;
	s0 =	sshll.u32 s7, $0x4  }
0x5a: {  	v21, _, _ =	vpop (xrf0);
	(xrf0) =	vmax.scan.msk.u32 $0xffff, v2;
	s0 =	sand.u32 $0x1FFFFFF0, s0  }
0x5b: {  	s17 =	simm.s32 $0xCB10;
	(v2sf) =	vpush v21, $0xF;
	s0 =	sadd.s32 s2, s0  }
0x5c: {  	[tilespmem:s17], [sflag:$0x7] =	stream.strided.gather [hbm4b:s0+s18], $0x0, s19, s18, $0x38;
	[tilespmem:$0xDB00] =	vst v63  }
0x5d: {  	s21 =	spop (v2sf)  }
0x5e: {  	[tilespmem:s17], [sflag:$0x7] =	stream.linear.gather [hbm4b:s0+s4], $0x40, $0x38;
	[tilespmem:$0xDB00] =	vst v63  }
0x5f: {  	s0 =	sshll.u32 s21, $0x4  }
0x60: {  	v2, _, _ =	vpop (xrf0);
	s0 =	sand.u32 $0x1FFFFFF0, s0  }
0x61: {  	v22 =	vsel vm5, $0x80000000, v1;
	s23 =	simm.s32 $0xCB80;
	(v2sf) =	vpush v2, $0xF;
	s0 =	sadd.s32 s5, s0  }
0x62: {  	v2 =	vxor.u32 $0x80000000, v22;
	[tilespmem:s23], [sflag:$0x7] =	stream.strided.gather [hbm4b:s0+s18], $0x0, s19, s18, $0x38;
	[tilespmem:$0xDB00] =	vst v63  }
0x63: {  	(xrf0) =	vmax.scan.msk.u32 $0xffff, v2  }
0x64: {  	[tilespmem:s23], [sflag:$0x7] =	stream.linear.gather [hbm4b:s0+s4], $0x10, $0x38;
	[tilespmem:$0xDB00] =	vst v63  }
0x65: {  	s7 =	spop (v2sf)  }
0x66: {  	s0 =	sshll.u32 s7, $0x4  }
0x67: {  	s0 =	sand.u32 $0x1FFFFFF0, s0  }
0x68: {  	v23 =	vsel vm5, $0x80000000, v62;
	s17 =	simm.s32 $0xCB90;
	s0 =	sadd.s32 s2, s0  }
0x69: {  	v2 =	vxor.u32 $0x80000000, v23;
	[tilespmem:s17], [sflag:$0x7] =	stream.strided.gather [hbm4b:s0+s18], $0x0, s19, s18, $0x38;
	[tilespmem:$0xDB00] =	vst v63  }
0x6a: {  	v24, _, _ =	vpop (xrf0);
	(xrf0) =	vmax.scan.msk.u32 $0xffff, v2;
	s21 =	spop (v2sf)  }
0x6b: {  	[tilespmem:s17], [sflag:$0x7] =	stream.linear.gather [hbm4b:s0+s4], $0x40, $0x38;
	[tilespmem:$0xDB00] =	vst v63  }
0x6c: {  	s0 =	sshll.u32 s21, $0x4  }
0x6d: {  	(v2sf) =	vpush v24, $0xF;
	s0 =	sand.u32 $0x1FFFFFF0, s0  }
0x6e: {  	s23 =	simm.s32 $0xCC00;
	s0 =	sadd.s32 s5, s0  }
0x6f: {  	[tilespmem:s23], [sflag:$0x7] =	stream.strided.gather [hbm4b:s0+s18], $0x0, s19, s18, $0x38;
	[tilespmem:$0xDB00] =	vst v63  }
0x70: {  	s7 =	spop (v2sf)  }
0x71: {  	v25 =	vsel vm6, $0x80000000, v1;
	v2, _, _ =	vpop (xrf0);
	[tilespmem:s23], [sflag:$0x7] =	stream.linear.gather [hbm4b:s0+s4], $0x10, $0x38;
	[tilespmem:$0xDB00] =	vst v63  }
0x72: {  	v26 =	vxor.u32 $0x80000000, v25;
	(v2sf) =	vpush v2, $0xF  }
0x73: {  	(xrf0) =	vmax.scan.msk.u32 $0xffff, v26;
	_ =	sdelay $0x1  }
0x74: {  	s0 =	sshll.u32 s7, $0x4  }
0x75: {  	s0 =	sand.u32 $0x1FFFFFF0, s0  }
0x76: {  	v27 =	vsel vm6, $0x80000000, v62;
	s17 =	simm.s32 $0xCC10;
	s0 =	sadd.s32 s2, s0  }
0x77: {  	v2 =	vxor.u32 $0x80000000, v27;
	[tilespmem:s17], [sflag:$0x7] =	stream.strided.gather [hbm4b:s0+s18], $0x0, s19, s18, $0x38;
	[tilespmem:$0xDB00] =	vst v63  }
0x78: {  	v28, _, _ =	vpop (xrf0);
	(xrf0) =	vmax.scan.msk.u32 $0xffff, v2  }
0x79: {  	(v2sf) =	vpush v28, $0xF  }
0x7a: {  	[tilespmem:s17], [sflag:$0x7] =	stream.linear.gather [hbm4b:s0+s4], $0x40, $0x38;
	[tilespmem:$0xDB00] =	vst v63  }
0x7b: {  	s21 =	spop (v2sf)  }
0x7c: {  	v29 =	vsel vm7, $0x80000000, v1;
	s0 =	sshll.u32 s21, $0x4  }
0x7d: {  	s0 =	sand.u32 $0x1FFFFFF0, s0;
	v2 =	vxor.u32 $0x80000000, v29  }
0x7e: {  	s23 =	simm.s32 $0xCC80;
	s0 =	sadd.s32 s5, s0;
	v30, _, _ =	vpop (xrf0);
	(xrf0) =	vmax.scan.msk.u32 $0xffff, v2  }
0x7f: {  	[tilespmem:s23], [sflag:$0x7] =	stream.strided.gather [hbm4b:s0+s18], $0x0, s19, s18, $0x38;
	[tilespmem:$0xDB00] =	vst v63  }
0x80: {  	s7 =	spop (v2sf);
	(v2sf) =	vpush v30, $0xF  }
0x81: {  	[tilespmem:s23], [sflag:$0x7] =	stream.linear.gather [hbm4b:s0+s4], $0x10, $0x38;
	[tilespmem:$0xDB00] =	vst v63  }
0x82: {  	v31 =	vsel vm7, $0x80000000, v62;
	s0 =	sshll.u32 s7, $0x4  }
0x83: {  	v2 =	vxor.u32 $0x80000000, v31;
	s0 =	sand.u32 $0x1FFFFFF0, s0  }
0x84: {  	s17 =	simm.s32 $0xCC90;
	s0 =	sadd.s32 s2, s0;
	v32, _, _ =	vpop (xrf0);
	(xrf0) =	vmax.scan.msk.u32 $0xffff, v2  }
0x85: {  	[tilespmem:s17], [sflag:$0x7] =	stream.strided.gather [hbm4b:s0+s18], $0x0, s19, s18, $0x38;
	(v2sf) =	vpush v32, $0xF;
	[tilespmem:$0xDB00] =	vst v63  }
0x86: {  	_ = 	snop  }
0x87: {  	[tilespmem:s17], [sflag:$0x7] =	stream.linear.gather [hbm4b:s0+s4], $0x40, $0x38;
	[tilespmem:$0xDB00] =	vst v63  }
0x88: {  	s21 =	spop (v2sf)  }
0x89: {  	v33 =	vsel vm8, $0x80000000, v1;
	s0 =	sshll.u32 s21, $0x4  }
0x8a: {  	v34 =	vxor.u32 $0x80000000, v33;
	s0 =	sand.u32 $0x1FFFFFF0, s0;
	v2, _, _ =	vpop (xrf0)  }
0x8b: {  	s23 =	simm.s32 $0xCD00;
	(xrf0) =	vmax.scan.msk.u32 $0xffff, v34;
	s0 =	sadd.s32 s5, s0;
	(v2sf) =	vpush v2, $0xF  }
0x8c: {  	[tilespmem:s23], [sflag:$0x7] =	stream.strided.gather [hbm4b:s0+s18], $0x0, s19, s18, $0x38;
	[tilespmem:$0xDB00] =	vst v63  }
0x8d: {  	_ = 	snop  }
0x8e: {  	[tilespmem:s23], [sflag:$0x7] =	stream.linear.gather [hbm4b:s0+s4], $0x10, $0x38;
	[tilespmem:$0xDB00] =	vst v63  }
0x8f: {  	s7 =	spop (v2sf)  }
0x90: {  	v35 =	vsel vm8, $0x80000000, v62;
	s0 =	sshll.u32 s7, $0x4  }
0x91: {  	v2 =	vxor.u32 $0x80000000, v35;
	s0 =	sand.u32 $0x1FFFFFF0, s0  }
0x92: {  	s17 =	simm.s32 $0xCD10;
	v36, _, _ =	vpop (xrf0);
	(xrf0) =	vmax.scan.msk.u32 $0xffff, v2;
	s0 =	sadd.s32 s2, s0  }
0x93: {  	(v2sf) =	vpush v36, $0xF;
	[tilespmem:s17], [sflag:$0x7] =	stream.strided.gather [hbm4b:s0+s18], $0x0, s19, s18, $0x38;
	[tilespmem:$0xDB00] =	vst v63  }
0x94: {  	s21 =	spop (v2sf)  }
0x95: {  	[tilespmem:s17], [sflag:$0x7] =	stream.linear.gather [hbm4b:s0+s4], $0x40, $0x38;
	[tilespmem:$0xDB00] =	vst v63  }
0x96: {  	v37 =	vsel vm9, $0x80000000, v1;
	s0 =	sshll.u32 s21, $0x4  }
0x97: {  	v2 =	vxor.u32 $0x80000000, v37;
	s0 =	sand.u32 $0x1FFFFFF0, s0  }
0x98: {  	s23 =	simm.s32 $0xCD80;
	v38, _, _ =	vpop (xrf0);
	(xrf0) =	vmax.scan.msk.u32 $0xffff, v2;
	s0 =	sadd.s32 s5, s0  }
0x99: {  	[tilespmem:s23], [sflag:$0x7] =	stream.strided.gather [hbm4b:s0+s18], $0x0, s19, s18, $0x38;
	[tilespmem:$0xDB00] =	vst v63  }
0x9a: {  	s7 =	spop (v2sf);
	(v2sf) =	vpush v38, $0xF  }
0x9b: {  	[tilespmem:s23], [sflag:$0x7] =	stream.linear.gather [hbm4b:s0+s4], $0x10, $0x38;
	[tilespmem:$0xDB00] =	vst v63  }
0x9c: {  	v39 =	vsel vm9, $0x80000000, v62;
	s0 =	sshll.u32 s7, $0x4  }
0x9d: {  	v2 =	vxor.u32 $0x80000000, v39;
	s0 =	sand.u32 $0x1FFFFFF0, s0  }
0x9e: {  	s17 =	simm.s32 $0xCD90;
	v40, _, _ =	vpop (xrf0);
	(xrf0) =	vmax.scan.msk.u32 $0xffff, v2;
	s0 =	sadd.s32 s2, s0  }
0x9f: {  	(v2sf) =	vpush v40, $0xF;
	[tilespmem:s17], [sflag:$0x7] =	stream.strided.gather [hbm4b:s0+s18], $0x0, s19, s18, $0x38;
	[tilespmem:$0xDB00] =	vst v63  }
0xa0: {  	_ = 	snop  }
0xa1: {  	[tilespmem:s17], [sflag:$0x7] =	stream.linear.gather [hbm4b:s0+s4], $0x40, $0x38;
	[tilespmem:$0xDB00] =	vst v63  }
0xa2: {  	s21 =	spop (v2sf)  }
0xa3: {  	v41 =	vsel vm10, $0x80000000, v1;
	s0 =	sshll.u32 s21, $0x4  }
0xa4: {  	v42 =	vxor.u32 $0x80000000, v41;
	s0 =	sand.u32 $0x1FFFFFF0, s0;
	v2, _, _ =	vpop (xrf0)  }
0xa5: {  	s23 =	simm.s32 $0xCE00;
	(xrf0) =	vmax.scan.msk.u32 $0xffff, v42;
	s0 =	sadd.s32 s5, s0;
	(v2sf) =	vpush v2, $0xF  }
0xa6: {  	[tilespmem:s23], [sflag:$0x7] =	stream.strided.gather [hbm4b:s0+s18], $0x0, s19, s18, $0x38;
	[tilespmem:$0xDB00] =	vst v63  }
0xa7: {  	_ = 	snop  }
0xa8: {  	[tilespmem:s23], [sflag:$0x7] =	stream.linear.gather [hbm4b:s0+s4], $0x10, $0x38;
	[tilespmem:$0xDB00] =	vst v63  }
0xa9: {  	s7 =	spop (v2sf)  }
0xaa: {  	v43 =	vsel vm10, $0x80000000, v62;
	s0 =	sshll.u32 s7, $0x4  }
0xab: {  	v2 =	vxor.u32 $0x80000000, v43;
	v44, _, _ =	vpop (xrf0);
	s0 =	sand.u32 $0x1FFFFFF0, s0  }
0xac: {  	s17 =	simm.s32 $0xCE10;
	(xrf0) =	vmax.scan.msk.u32 $0xffff, v2;
	(v2sf) =	vpush v44, $0xF;
	s0 =	sadd.s32 s2, s0  }
0xad: {  	[tilespmem:s17], [sflag:$0x7] =	stream.strided.gather [hbm4b:s0+s18], $0x0, s19, s18, $0x38;
	[tilespmem:$0xDB00] =	vst v63  }
0xae: {  	s21 =	spop (v2sf)  }
0xaf: {  	[tilespmem:s17], [sflag:$0x7] =	stream.linear.gather [hbm4b:s0+s4], $0x40, $0x38;
	[tilespmem:$0xDB00] =	vst v63  }
0xb0: {  	v45 =	vsel vm11, $0x80000000, v1;
	s0 =	sshll.u32 s21, $0x4  }
0xb1: {  	v2 =	vxor.u32 $0x80000000, v45;
	s0 =	sand.u32 $0x1FFFFFF0, s0  }
0xb2: {  	s23 =	simm.s32 $0xCE80;
	v46, _, _ =	vpop (xrf0);
	(xrf0) =	vmax.scan.msk.u32 $0xffff, v2;
	s0 =	sadd.s32 s5, s0  }
0xb3: {  	[tilespmem:s23], [sflag:$0x7] =	stream.strided.gather [hbm4b:s0+s18], $0x0, s19, s18, $0x38;
	[tilespmem:$0xDB00] =	vst v63  }
0xb4: {  	s7 =	spop (v2sf);
	(v2sf) =	vpush v46, $0xF;
	_ =	sdelay $0x1  }
0xb5: {  	v47 =	vsel vm11, $0x80000000, v62;
	[tilespmem:s23], [sflag:$0x7] =	stream.linear.gather [hbm4b:s0+s4], $0x10, $0x38;
	[tilespmem:$0xDB00] =	vst v63  }
0xb6: {  	v2 =	vxor.u32 $0x80000000, v47;
	s0 =	sshll.u32 s7, $0x4  }
0xb7: {  	v48, _, _ =	vpop (xrf0);
	(xrf0) =	vmax.scan.msk.u32 $0xffff, v2;
	s0 =	sand.u32 $0x1FFFFFF0, s0  }
0xb8: {  	s17 =	simm.s32 $0xCE90;
	(v2sf) =	vpush v48, $0xF;
	s0 =	sadd.s32 s2, s0  }
0xb9: {  	[tilespmem:s17], [sflag:$0x7] =	stream.strided.gather [hbm4b:s0+s18], $0x0, s19, s18, $0x38;
	[tilespmem:$0xDB00] =	vst v63  }
0xba: {  	s21 =	spop (v2sf)  }
0xbb: {  	[tilespmem:s17], [sflag:$0x7] =	stream.linear.gather [hbm4b:s0+s4], $0x40, $0x38;
	[tilespmem:$0xDB00] =	vst v63  }
0xbc: {  	v49 =	vsel vm12, $0x80000000, v1;
	s0 =	sshll.u32 s21, $0x4  }
0xbd: {  	v50 =	vxor.u32 $0x80000000, v49;
	s0 =	sand.u32 $0x1FFFFFF0, s0;
	v2, _, _ =	vpop (xrf0)  }
0xbe: {  	s23 =	simm.s32 $0xCF00;
	(xrf0) =	vmax.scan.msk.u32 $0xffff, v50;
	s0 =	sadd.s32 s5, s0;
	(v2sf) =	vpush v2, $0xF  }
0xbf: {  	[tilespmem:s23], [sflag:$0x7] =	stream.strided.gather [hbm4b:s0+s18], $0x0, s19, s18, $0x38;
	[tilespmem:$0xDB00] =	vst v63  }
0xc0: {  	_ = 	snop  }
0xc1: {  	[tilespmem:s23], [sflag:$0x7] =	stream.linear.gather [hbm4b:s0+s4], $0x10, $0x38;
	[tilespmem:$0xDB00] =	vst v63  }
0xc2: {  	s7 =	spop (v2sf)  }
0xc3: {  	v51 =	vsel vm12, $0x80000000, v62;
	s0 =	sshll.u32 s7, $0x4  }
0xc4: {  	v2 =	vxor.u32 $0x80000000, v51;
	v52, _, _ =	vpop (xrf0);
	s0 =	sand.u32 $0x1FFFFFF0, s0  }
0xc5: {  	s17 =	simm.s32 $0xCF10;
	(xrf0) =	vmax.scan.msk.u32 $0xffff, v2;
	(v2sf) =	vpush v52, $0xF;
	s0 =	sadd.s32 s2, s0  }
0xc6: {  	[tilespmem:s17], [sflag:$0x7] =	stream.strided.gather [hbm4b:s0+s18], $0x0, s19, s18, $0x38;
	[tilespmem:$0xDB00] =	vst v63  }
0xc7: {  	s21 =	spop (v2sf)  }
0xc8: {  	[tilespmem:s17], [sflag:$0x7] =	stream.linear.gather [hbm4b:s0+s4], $0x40, $0x38;
	[tilespmem:$0xDB00] =	vst v63  }
0xc9: {  	v53 =	vsel vm13, $0x80000000, v1;
	s0 =	sshll.u32 s21, $0x4  }
0xca: {  	v2 =	vxor.u32 $0x80000000, v53;
	s0 =	sand.u32 $0x1FFFFFF0, s0  }
0xcb: {  	s23 =	simm.s32 $0xCF80;
	v54, _, _ =	vpop (xrf0);
	(xrf0) =	vmax.scan.msk.u32 $0xffff, v2;
	s0 =	sadd.s32 s5, s0  }
0xcc: {  	[tilespmem:s23], [sflag:$0x7] =	stream.strided.gather [hbm4b:s0+s18], $0x0, s19, s18, $0x38;
	[tilespmem:$0xDB00] =	vst v63  }
0xcd: {  	s7 =	spop (v2sf);
	(v2sf) =	vpush v54, $0xF;
	_ =	sdelay $0x1  }
0xce: {  	v55 =	vsel vm13, $0x80000000, v62;
	[tilespmem:s23], [sflag:$0x7] =	stream.linear.gather [hbm4b:s0+s4], $0x10, $0x38;
	[tilespmem:$0xDB00] =	vst v63  }
0xcf: {  	v2 =	vxor.u32 $0x80000000, v55;
	s0 =	sshll.u32 s7, $0x4  }
0xd0: {  	v56, _, _ =	vpop (xrf0);
	(xrf0) =	vmax.scan.msk.u32 $0xffff, v2;
	s0 =	sand.u32 $0x1FFFFFF0, s0  }
0xd1: {  	s17 =	simm.s32 $0xCF90;
	(v2sf) =	vpush v56, $0xF;
	s0 =	sadd.s32 s2, s0  }
0xd2: {  	[tilespmem:s17], [sflag:$0x7] =	stream.strided.gather [hbm4b:s0+s18], $0x0, s19, s18, $0x38;
	[tilespmem:$0xDB00] =	vst v63  }
0xd3: {  	s21 =	spop (v2sf)  }
0xd4: {  	[tilespmem:s17], [sflag:$0x7] =	stream.linear.gather [hbm4b:s0+s4], $0x40, $0x38;
	[tilespmem:$0xDB00] =	vst v63  }
0xd5: {  	v57 =	vsel vm14, $0x80000000, v1;
	s0 =	sshll.u32 s21, $0x4  }
0xd6: {  	v58 =	vxor.u32 $0x80000000, v57;
	s0 =	sand.u32 $0x1FFFFFF0, s0;
	v2, _, _ =	vpop (xrf0)  }
0xd7: {  	s23 =	simm.s32 $0xD000;
	(xrf0) =	vmax.scan.msk.u32 $0xffff, v58;
	s0 =	sadd.s32 s5, s0;
	(v2sf) =	vpush v2, $0xF  }
0xd8: {  	[tilespmem:s23], [sflag:$0x7] =	stream.strided.gather [hbm4b:s0+s18], $0x0, s19, s18, $0x38;
	[tilespmem:$0xDB00] =	vst v63  }
0xd9: {  	_ = 	snop  }
0xda: {  	[tilespmem:s23], [sflag:$0x7] =	stream.linear.gather [hbm4b:s0+s4], $0x10, $0x38;
	[tilespmem:$0xDB00] =	vst v63  }
0xdb: {  	s7 =	spop (v2sf)  }
0xdc: {  	v59 =	vsel vm14, $0x80000000, v62;
	s0 =	sshll.u32 s7, $0x4  }
0xdd: {  	v2 =	vxor.u32 $0x80000000, v59;
	v60, _, _ =	vpop (xrf0);
	s0 =	sand.u32 $0x1FFFFFF0, s0  }
0xde: {  	s17 =	simm.s32 $0xD010;
	(xrf0) =	vmax.scan.msk.u32 $0xffff, v2;
	(v2sf) =	vpush v60, $0xF;
	s0 =	sadd.s32 s2, s0  }
0xdf: {  	[tilespmem:s17], [sflag:$0x7] =	stream.strided.gather [hbm4b:s0+s18], $0x0, s19, s18, $0x38;
	[tilespmem:$0xDB00] =	vst v63  }
0xe0: {  	s21 =	spop (v2sf)  }
0xe1: {  	[tilespmem:s17], [sflag:$0x7] =	stream.linear.gather [hbm4b:s0+s4], $0x40, $0x38;
	[tilespmem:$0xDB00] =	vst v63  }
0xe2: {  	v1 =	vsel vm15, $0x80000000, v1;
	s0 =	sshll.u32 s21, $0x4  }
0xe3: {  	v1 =	vxor.u32 $0x80000000, v1;
	s0 =	sand.u32 $0x1FFFFFF0, s0  }
0xe4: {  	s23 =	simm.s32 $0xD080;
	v2, _, _ =	vpop (xrf0);
	(xrf0) =	vmax.scan.msk.u32 $0xffff, v1;
	s0 =	sadd.s32 s5, s0  }
0xe5: {  	[tilespmem:s23], [sflag:$0x7] =	stream.strided.gather [hbm4b:s0+s18], $0x0, s19, s18, $0x38;
	[tilespmem:$0xDB00] =	vst v63  }
0xe6: {  	s7 =	spop (v2sf);
	(v2sf) =	vpush v2, $0xF;
	_ =	sdelay $0x1  }
0xe7: {  	v0 =	vsel vm15, $0x80000000, v62;
	[tilespmem:s23], [sflag:$0x7] =	stream.linear.gather [hbm4b:s0+s4], $0x10, $0x38;
	[tilespmem:$0xDB00] =	vst v63  }
0xe8: {  	v0 =	vxor.u32 $0x80000000, v0;
	s0 =	sshll.u32 s7, $0x4  }
0xe9: {  	v1, _, _ =	vpop (xrf0);
	(xrf0) =	vmax.scan.msk.u32 $0xffff, v0;
	s0 =	sand.u32 $0x1FFFFFF0, s0  }
0xea: {  	s17 =	simm.s32 $0xD090;
	(v2sf) =	vpush v1, $0xF;
	s0 =	sadd.s32 s2, s0  }
0xeb: {  	[tilespmem:s17], [sflag:$0x7] =	stream.strided.gather [hbm4b:s0+s18], $0x0, s19, s18, $0x38;
	[tilespmem:$0xDB00] =	vst v63  }
0xec: {  	s21 =	spop (v2sf)  }
0xed: {  	[tilespmem:s17], [sflag:$0x7] =	stream.linear.gather [hbm4b:s0+s4], $0x40, $0x38;
	[tilespmem:$0xDB00] =	vst v63  }
0xee: {  	s0 =	sshll.u32 s21, $0x4  }
0xef: {  	s0 =	sand.u32 $0x1FFFFFF0, s0;
	v0, _, _ =	vpop (xrf0)  }
0xf0: {  	s23 =	simm.s32 $0xD100;
	s0 =	sadd.s32 s5, s0;
	(v2sf) =	vpush v0, $0xF  }
0xf1: {  	[tilespmem:s23], [sflag:$0x7] =	stream.strided.gather [hbm4b:s0+s18], $0x0, s19, s18, $0x38;
	[tilespmem:$0xDB00] =	vst v63  }
0xf2: {  	_ = 	snop  }
0xf3: {  	[tilespmem:s23], [sflag:$0x7] =	stream.linear.gather [hbm4b:s0+s4], $0x10, $0x38;
	[tilespmem:$0xDB00] =	vst v63  }
0xf4: {  	s7 =	spop (v2sf)  }
0xf5: {  	s0 =	sshll.u32 s7, $0x4  }
0xf6: {  	s0 =	sand.u32 $0x1FFFFFF0, s0  }
0xf7: {  	s17 =	simm.s32 $0xD110;
	s0 =	sadd.s32 s2, s0  }
0xf8: {  	[tilespmem:s17], [sflag:$0x7] =	stream.strided.gather [hbm4b:s0+s18], $0x0, s19, s18, $0x38;
	[tilespmem:$0xDB00] =	vst v63  }
0xf9: {  	s21 =	spop (v2sf)  }
0xfa: {  	[tilespmem:s17], [sflag:$0x7] =	stream.linear.gather [hbm4b:s0+s4], $0x40, $0x38;
	[tilespmem:$0xDB00] =	vst v63  }
0xfb: {  	s0 =	sshll.u32 s21, $0x4  }
0xfc: {  	s0 =	sand.u32 $0x1FFFFFF0, s0  }
0xfd: {  	s23 =	simm.s32 $0xD180;
	s0 =	sadd.s32 s5, s0  }
0xfe: {  	[tilespmem:s23], [sflag:$0x7] =	stream.strided.gather [hbm4b:s0+s18], $0x0, s19, s18, $0x38;
	[tilespmem:$0xDB00] =	vst v63  }
0xff: {  	s7 =	spop (v2sf)  }
0x100: {  	[tilespmem:s23], [sflag:$0x7] =	stream.linear.gather [hbm4b:s0+s4], $0x10, $0x38;
	[tilespmem:$0xDB00] =	vst v63  }
0x101: {  	s0 =	sshll.u32 s7, $0x4  }
0x102: {  	s0 =	sand.u32 $0x1FFFFFF0, s0  }
0x103: {  	s17 =	simm.s32 $0xD190;
	s0 =	sadd.s32 s2, s0  }
0x104: {  	[tilespmem:s17], [sflag:$0x7] =	stream.strided.gather [hbm4b:s0+s18], $0x0, s19, s18, $0x38;
	[tilespmem:$0xDB00] =	vst v63  }
0x105: {  	_ = 	snop  }
0x106: {  	[tilespmem:s17], [sflag:$0x7] =	stream.linear.gather [hbm4b:s0+s4], $0x40, $0x38;
	[tilespmem:$0xDB00] =	vst v63  }
0x107: {  	v1 =	vld [tilespmem:$0xDA10];
	_ =	sdelay $0x4  }
0x108: {  	v61 =	vnsel vm0, $0x80000000, v1  }
0x109: {  	v62 =	vxor.u32 $0x80000000, v61  }
0x10a: {  	v0 =	vld [tilespmem:$0xDA90];
	(xrf0) =	vmax.scan.msk.u32 $0xffff, v62;
	_ =	sdelay $0x4  }
0x10b: {  	v63 =	vnsel vm0, $0x80000000, v0  }
0x10c: {  	v2 =	vxor.u32 $0x80000000, v63;
	v6, _, _ =	vpop (xrf0)  }
0x10d: {  	(xrf0) =	vmax.scan.msk.u32 $0xffff, v2;
	(v2sf) =	vpush v6, $0xF;
	_ =	sdelay $0x3  }
0x10e: {  	v7 =	vsel vm1, $0x80000000, v1  }
0x10f: {  	v8 =	vxor.u32 $0x80000000, v7  }
0x110: {  	v2, _, _ =	vpop (xrf0);
	(xrf0) =	vmax.scan.msk.u32 $0xffff, v8  }
0x111: {  	(v2sf) =	vpush v2, $0xF;
	_ =	sdelay $0x2  }
0x112: {  	v9 =	vsel vm1, $0x80000000, v0  }
0x113: {  	v2 =	vxor.u32 $0x80000000, v9  }
0x114: {  	v10, _, _ =	vpop (xrf0);
	(xrf0) =	vmax.scan.msk.u32 $0xffff, v2;
	_ =	sdelay $0x1  }
0x115: {  	(v2sf) =	vpush v10, $0xF  }
0x116: {  	s21 =	spop (v2sf)  }
0x117: {  	v11 =	vsel vm2, $0x80000000, v1;
	s0 =	sshll.u32 s21, $0x4  }
0x118: {  	v2 =	vxor.u32 $0x80000000, v11;
	s0 =	sand.u32 $0x1FFFFFF0, s0  }
0x119: {  	s23 =	simm.s32 $0xD200;
	v12, _, _ =	vpop (xrf0);
	(xrf0) =	vmax.scan.msk.u32 $0xffff, v2;
	s0 =	sadd.s32 s5, s0  }
0x11a: {  	[tilespmem:s23], [sflag:$0x7] =	stream.strided.gather [hbm4b:s0+s18], $0x0, s19, s18, $0x38;
	[tilespmem:$0xDB00] =	vst v63  }
0x11b: {  	_ = 	snop  }
0x11c: {  	(v2sf) =	vpush v12, $0xF;
	[tilespmem:s23], [sflag:$0x7] =	stream.linear.gather [hbm4b:s0+s4], $0x10, $0x38;
	[tilespmem:$0xDB00] =	vst v63  }
0x11d: {  	s7 =	spop (v2sf)  }
0x11e: {  	v13 =	vsel vm2, $0x80000000, v0;
	s0 =	sshll.u32 s7, $0x4  }
0x11f: {  	v2 =	vxor.u32 $0x80000000, v13;
	s0 =	sand.u32 $0x1FFFFFF0, s0  }
0x120: {  	s17 =	simm.s32 $0xD210;
	v14, _, _ =	vpop (xrf0);
	(xrf0) =	vmax.scan.msk.u32 $0xffff, v2;
	s0 =	sadd.s32 s2, s0  }
0x121: {  	[tilespmem:s17], [sflag:$0x7] =	stream.strided.gather [hbm4b:s0+s18], $0x0, s19, s18, $0x38;
	[tilespmem:$0xDB00] =	vst v63  }
0x122: {  	_ = 	snop  }
0x123: {  	(v2sf) =	vpush v14, $0xF;
	[tilespmem:s17], [sflag:$0x7] =	stream.linear.gather [hbm4b:s0+s4], $0x40, $0x38;
	[tilespmem:$0xDB00] =	vst v63  }
0x124: {  	s21 =	spop (v2sf)  }
0x125: {  	v15 =	vsel vm3, $0x80000000, v1;
	s0 =	sshll.u32 s21, $0x4  }
0x126: {  	v16 =	vxor.u32 $0x80000000, v15;
	s0 =	sand.u32 $0x1FFFFFF0, s0  }
0x127: {  	s23 =	simm.s32 $0xD280;
	v2, _, _ =	vpop (xrf0);
	(xrf0) =	vmax.scan.msk.u32 $0xffff, v16;
	s0 =	sadd.s32 s5, s0  }
0x128: {  	(v2sf) =	vpush v2, $0xF;
	[tilespmem:s23], [sflag:$0x7] =	stream.strided.gather [hbm4b:s0+s18], $0x0, s19, s18, $0x38;
	[tilespmem:$0xDB00] =	vst v63  }
0x129: {  	_ = 	snop  }
0x12a: {  	[tilespmem:s23], [sflag:$0x7] =	stream.linear.gather [hbm4b:s0+s4], $0x10, $0x38;
	[tilespmem:$0xDB00] =	vst v63  }
0x12b: {  	s7 =	spop (v2sf)  }
0x12c: {  	v17 =	vsel vm3, $0x80000000, v0;
	s0 =	sshll.u32 s7, $0x4  }
0x12d: {  	v2 =	vxor.u32 $0x80000000, v17;
	s0 =	sand.u32 $0x1FFFFFF0, s0  }
0x12e: {  	s17 =	simm.s32 $0xD290;
	v18, _, _ =	vpop (xrf0);
	(xrf0) =	vmax.scan.msk.u32 $0xffff, v2;
	s0 =	sadd.s32 s2, s0  }
0x12f: {  	[tilespmem:s17], [sflag:$0x7] =	stream.strided.gather [hbm4b:s0+s18], $0x0, s19, s18, $0x38;
	[tilespmem:$0xDB00] =	vst v63  }
0x130: {  	(v2sf) =	vpush v18, $0xF  }
0x131: {  	[tilespmem:s17], [sflag:$0x7] =	stream.linear.gather [hbm4b:s0+s4], $0x40, $0x38;
	[tilespmem:$0xDB00] =	vst v63  }
0x132: {  	s21 =	spop (v2sf)  }
0x133: {  	v19 =	vsel vm4, $0x80000000, v1;
	s0 =	sshll.u32 s21, $0x4  }
0x134: {  	v2 =	vxor.u32 $0x80000000, v19;
	s0 =	sand.u32 $0x1FFFFFF0, s0  }
0x135: {  	s23 =	simm.s32 $0xD300;
	v20, _, _ =	vpop (xrf0);
	(xrf0) =	vmax.scan.msk.u32 $0xffff, v2;
	s0 =	sadd.s32 s5, s0  }
0x136: {  	[tilespmem:s23], [sflag:$0x7] =	stream.strided.gather [hbm4b:s0+s18], $0x0, s19, s18, $0x38;
	[tilespmem:$0xDB00] =	vst v63  }
0x137: {  	s7 =	spop (v2sf);
	(v2sf) =	vpush v20, $0xF  }
0x138: {  	[tilespmem:s23], [sflag:$0x7] =	stream.linear.gather [hbm4b:s0+s4], $0x10, $0x38;
	[tilespmem:$0xDB00] =	vst v63  }
0x139: {  	v21 =	vsel vm4, $0x80000000, v0;
	s0 =	sshll.u32 s7, $0x4  }
0x13a: {  	v2 =	vxor.u32 $0x80000000, v21;
	s0 =	sand.u32 $0x1FFFFFF0, s0  }
0x13b: {  	s17 =	simm.s32 $0xD310;
	v22, _, _ =	vpop (xrf0);
	(xrf0) =	vmax.scan.msk.u32 $0xffff, v2;
	s0 =	sadd.s32 s2, s0  }
0x13c: {  	(v2sf) =	vpush v22, $0xF;
	[tilespmem:s17], [sflag:$0x7] =	stream.strided.gather [hbm4b:s0+s18], $0x0, s19, s18, $0x38;
	[tilespmem:$0xDB00] =	vst v63  }
0x13d: {  	_ = 	snop  }
0x13e: {  	[tilespmem:s17], [sflag:$0x7] =	stream.linear.gather [hbm4b:s0+s4], $0x40, $0x38;
	[tilespmem:$0xDB00] =	vst v63  }
0x13f: {  	s21 =	spop (v2sf)  }
0x140: {  	v23 =	vsel vm5, $0x80000000, v1;
	s0 =	sshll.u32 s21, $0x4  }
0x141: {  	v24 =	vxor.u32 $0x80000000, v23;
	s0 =	sand.u32 $0x1FFFFFF0, s0;
	v2, _, _ =	vpop (xrf0)  }
0x142: {  	s23 =	simm.s32 $0xD380;
	(xrf0) =	vmax.scan.msk.u32 $0xffff, v24;
	s0 =	sadd.s32 s5, s0;
	(v2sf) =	vpush v2, $0xF  }
0x143: {  	[tilespmem:s23], [sflag:$0x7] =	stream.strided.gather [hbm4b:s0+s18], $0x0, s19, s18, $0x38;
	[tilespmem:$0xDB00] =	vst v63  }
0x144: {  	_ = 	snop  }
0x145: {  	[tilespmem:s23], [sflag:$0x7] =	stream.linear.gather [hbm4b:s0+s4], $0x10, $0x38;
	[tilespmem:$0xDB00] =	vst v63  }
0x146: {  	s7 =	spop (v2sf)  }
0x147: {  	v25 =	vsel vm5, $0x80000000, v0;
	s0 =	sshll.u32 s7, $0x4  }
0x148: {  	v2 =	vxor.u32 $0x80000000, v25;
	v26, _, _ =	vpop (xrf0);
	s0 =	sand.u32 $0x1FFFFFF0, s0  }
0x149: {  	s17 =	simm.s32 $0xD390;
	(xrf0) =	vmax.scan.msk.u32 $0xffff, v2;
	(v2sf) =	vpush v26, $0xF;
	s0 =	sadd.s32 s2, s0  }
0x14a: {  	[tilespmem:s17], [sflag:$0x7] =	stream.strided.gather [hbm4b:s0+s18], $0x0, s19, s18, $0x38;
	[tilespmem:$0xDB00] =	vst v63  }
0x14b: {  	s21 =	spop (v2sf)  }
0x14c: {  	[tilespmem:s17], [sflag:$0x7] =	stream.linear.gather [hbm4b:s0+s4], $0x40, $0x38;
	[tilespmem:$0xDB00] =	vst v63  }
0x14d: {  	v27 =	vsel vm6, $0x80000000, v1;
	s0 =	sshll.u32 s21, $0x4  }
0x14e: {  	v2 =	vxor.u32 $0x80000000, v27;
	s0 =	sand.u32 $0x1FFFFFF0, s0  }
0x14f: {  	s23 =	simm.s32 $0xD400;
	v28, _, _ =	vpop (xrf0);
	(xrf0) =	vmax.scan.msk.u32 $0xffff, v2;
	s0 =	sadd.s32 s5, s0  }
0x150: {  	[tilespmem:s23], [sflag:$0x7] =	stream.strided.gather [hbm4b:s0+s18], $0x0, s19, s18, $0x38;
	[tilespmem:$0xDB00] =	vst v63  }
0x151: {  	s7 =	spop (v2sf);
	(v2sf) =	vpush v28, $0xF;
	_ =	sdelay $0x1  }
0x152: {  	v29 =	vsel vm6, $0x80000000, v0;
	[tilespmem:s23], [sflag:$0x7] =	stream.linear.gather [hbm4b:s0+s4], $0x10, $0x38;
	[tilespmem:$0xDB00] =	vst v63  }
0x153: {  	v2 =	vxor.u32 $0x80000000, v29;
	s0 =	sshll.u32 s7, $0x4  }
0x154: {  	v30, _, _ =	vpop (xrf0);
	(xrf0) =	vmax.scan.msk.u32 $0xffff, v2;
	s0 =	sand.u32 $0x1FFFFFF0, s0  }
0x155: {  	s17 =	simm.s32 $0xD410;
	(v2sf) =	vpush v30, $0xF;
	s0 =	sadd.s32 s2, s0  }
0x156: {  	[tilespmem:s17], [sflag:$0x7] =	stream.strided.gather [hbm4b:s0+s18], $0x0, s19, s18, $0x38;
	[tilespmem:$0xDB00] =	vst v63  }
0x157: {  	s21 =	spop (v2sf)  }
0x158: {  	[tilespmem:s17], [sflag:$0x7] =	stream.linear.gather [hbm4b:s0+s4], $0x40, $0x38;
	[tilespmem:$0xDB00] =	vst v63  }
0x159: {  	v31 =	vsel vm7, $0x80000000, v1;
	s0 =	sshll.u32 s21, $0x4  }
0x15a: {  	v32 =	vxor.u32 $0x80000000, v31;
	s0 =	sand.u32 $0x1FFFFFF0, s0;
	v2, _, _ =	vpop (xrf0)  }
0x15b: {  	s23 =	simm.s32 $0xD480;
	(xrf0) =	vmax.scan.msk.u32 $0xffff, v32;
	s0 =	sadd.s32 s5, s0;
	(v2sf) =	vpush v2, $0xF  }
0x15c: {  	[tilespmem:s23], [sflag:$0x7] =	stream.strided.gather [hbm4b:s0+s18], $0x0, s19, s18, $0x38;
	[tilespmem:$0xDB00] =	vst v63  }
0x15d: {  	_ = 	snop  }
0x15e: {  	[tilespmem:s23], [sflag:$0x7] =	stream.linear.gather [hbm4b:s0+s4], $0x10, $0x38;
	[tilespmem:$0xDB00] =	vst v63  }
0x15f: {  	s7 =	spop (v2sf)  }
0x160: {  	v33 =	vsel vm7, $0x80000000, v0;
	s0 =	sshll.u32 s7, $0x4  }
0x161: {  	v2 =	vxor.u32 $0x80000000, v33;
	v34, _, _ =	vpop (xrf0);
	s0 =	sand.u32 $0x1FFFFFF0, s0  }
0x162: {  	s17 =	simm.s32 $0xD490;
	(xrf0) =	vmax.scan.msk.u32 $0xffff, v2;
	(v2sf) =	vpush v34, $0xF;
	s0 =	sadd.s32 s2, s0  }
0x163: {  	[tilespmem:s17], [sflag:$0x7] =	stream.strided.gather [hbm4b:s0+s18], $0x0, s19, s18, $0x38;
	[tilespmem:$0xDB00] =	vst v63  }
0x164: {  	s21 =	spop (v2sf)  }
0x165: {  	[tilespmem:s17], [sflag:$0x7] =	stream.linear.gather [hbm4b:s0+s4], $0x40, $0x38;
	[tilespmem:$0xDB00] =	vst v63  }
0x166: {  	v35 =	vsel vm8, $0x80000000, v1;
	s0 =	sshll.u32 s21, $0x4  }
0x167: {  	v2 =	vxor.u32 $0x80000000, v35;
	s0 =	sand.u32 $0x1FFFFFF0, s0  }
0x168: {  	s23 =	simm.s32 $0xD500;
	v36, _, _ =	vpop (xrf0);
	(xrf0) =	vmax.scan.msk.u32 $0xffff, v2;
	s0 =	sadd.s32 s5, s0  }
0x169: {  	[tilespmem:s23], [sflag:$0x7] =	stream.strided.gather [hbm4b:s0+s18], $0x0, s19, s18, $0x38;
	[tilespmem:$0xDB00] =	vst v63  }
0x16a: {  	s7 =	spop (v2sf);
	(v2sf) =	vpush v36, $0xF;
	_ =	sdelay $0x1  }
0x16b: {  	v37 =	vsel vm8, $0x80000000, v0;
	[tilespmem:s23], [sflag:$0x7] =	stream.linear.gather [hbm4b:s0+s4], $0x10, $0x38;
	[tilespmem:$0xDB00] =	vst v63  }
0x16c: {  	v2 =	vxor.u32 $0x80000000, v37;
	s0 =	sshll.u32 s7, $0x4  }
0x16d: {  	v38, _, _ =	vpop (xrf0);
	(xrf0) =	vmax.scan.msk.u32 $0xffff, v2;
	s0 =	sand.u32 $0x1FFFFFF0, s0  }
0x16e: {  	s17 =	simm.s32 $0xD510;
	(v2sf) =	vpush v38, $0xF;
	s0 =	sadd.s32 s2, s0  }
0x16f: {  	[tilespmem:s17], [sflag:$0x7] =	stream.strided.gather [hbm4b:s0+s18], $0x0, s19, s18, $0x38;
	[tilespmem:$0xDB00] =	vst v63  }
0x170: {  	s21 =	spop (v2sf)  }
0x171: {  	[tilespmem:s17], [sflag:$0x7] =	stream.linear.gather [hbm4b:s0+s4], $0x40, $0x38;
	[tilespmem:$0xDB00] =	vst v63  }
0x172: {  	v39 =	vsel vm9, $0x80000000, v1;
	s0 =	sshll.u32 s21, $0x4  }
0x173: {  	v40 =	vxor.u32 $0x80000000, v39;
	s0 =	sand.u32 $0x1FFFFFF0, s0;
	v2, _, _ =	vpop (xrf0)  }
0x174: {  	s23 =	simm.s32 $0xD580;
	(xrf0) =	vmax.scan.msk.u32 $0xffff, v40;
	s0 =	sadd.s32 s5, s0;
	(v2sf) =	vpush v2, $0xF  }
0x175: {  	[tilespmem:s23], [sflag:$0x7] =	stream.strided.gather [hbm4b:s0+s18], $0x0, s19, s18, $0x38;
	[tilespmem:$0xDB00] =	vst v63  }
0x176: {  	_ = 	snop  }
0x177: {  	[tilespmem:s23], [sflag:$0x7] =	stream.linear.gather [hbm4b:s0+s4], $0x10, $0x38;
	[tilespmem:$0xDB00] =	vst v63  }
0x178: {  	s7 =	spop (v2sf)  }
0x179: {  	v41 =	vsel vm9, $0x80000000, v0;
	s0 =	sshll.u32 s7, $0x4  }
0x17a: {  	v2 =	vxor.u32 $0x80000000, v41;
	v42, _, _ =	vpop (xrf0);
	s0 =	sand.u32 $0x1FFFFFF0, s0  }
0x17b: {  	s17 =	simm.s32 $0xD590;
	(xrf0) =	vmax.scan.msk.u32 $0xffff, v2;
	(v2sf) =	vpush v42, $0xF;
	s0 =	sadd.s32 s2, s0  }
0x17c: {  	[tilespmem:s17], [sflag:$0x7] =	stream.strided.gather [hbm4b:s0+s18], $0x0, s19, s18, $0x38;
	[tilespmem:$0xDB00] =	vst v63  }
0x17d: {  	s21 =	spop (v2sf)  }
0x17e: {  	[tilespmem:s17], [sflag:$0x7] =	stream.linear.gather [hbm4b:s0+s4], $0x40, $0x38;
	[tilespmem:$0xDB00] =	vst v63  }
0x17f: {  	v43 =	vsel vm10, $0x80000000, v1;
	s0 =	sshll.u32 s21, $0x4  }
0x180: {  	v2 =	vxor.u32 $0x80000000, v43;
	s0 =	sand.u32 $0x1FFFFFF0, s0  }
0x181: {  	s23 =	simm.s32 $0xD600;
	v44, _, _ =	vpop (xrf0);
	(xrf0) =	vmax.scan.msk.u32 $0xffff, v2;
	s0 =	sadd.s32 s5, s0  }
0x182: {  	[tilespmem:s23], [sflag:$0x7] =	stream.strided.gather [hbm4b:s0+s18], $0x0, s19, s18, $0x38;
	[tilespmem:$0xDB00] =	vst v63  }
0x183: {  	s7 =	spop (v2sf);
	(v2sf) =	vpush v44, $0xF;
	_ =	sdelay $0x1  }
0x184: {  	v45 =	vsel vm10, $0x80000000, v0;
	[tilespmem:s23], [sflag:$0x7] =	stream.linear.gather [hbm4b:s0+s4], $0x10, $0x38;
	[tilespmem:$0xDB00] =	vst v63  }
0x185: {  	v2 =	vxor.u32 $0x80000000, v45;
	s0 =	sshll.u32 s7, $0x4  }
0x186: {  	v46, _, _ =	vpop (xrf0);
	(xrf0) =	vmax.scan.msk.u32 $0xffff, v2;
	s0 =	sand.u32 $0x1FFFFFF0, s0  }
0x187: {  	s17 =	simm.s32 $0xD610;
	(v2sf) =	vpush v46, $0xF;
	s0 =	sadd.s32 s2, s0  }
0x188: {  	[tilespmem:s17], [sflag:$0x7] =	stream.strided.gather [hbm4b:s0+s18], $0x0, s19, s18, $0x38;
	[tilespmem:$0xDB00] =	vst v63  }
0x189: {  	s21 =	spop (v2sf)  }
0x18a: {  	v47 =	vsel vm11, $0x80000000, v1;
	[tilespmem:s17], [sflag:$0x7] =	stream.linear.gather [hbm4b:s0+s4], $0x40, $0x38;
	[tilespmem:$0xDB00] =	vst v63  }
0x18b: {  	v48 =	vxor.u32 $0x80000000, v47;
	s0 =	sshll.u32 s21, $0x4  }
0x18c: {  	s0 =	sand.u32 $0x1FFFFFF0, s0;
	v2, _, _ =	vpop (xrf0);
	(xrf0) =	vmax.scan.msk.u32 $0xffff, v48  }
0x18d: {  	s23 =	simm.s32 $0xD680;
	s0 =	sadd.s32 s5, s0;
	(v2sf) =	vpush v2, $0xF  }
0x18e: {  	[tilespmem:s23], [sflag:$0x7] =	stream.strided.gather [hbm4b:s0+s18], $0x0, s19, s18, $0x38;
	[tilespmem:$0xDB00] =	vst v63  }
0x18f: {  	_ = 	snop  }
0x190: {  	v49 =	vsel vm11, $0x80000000, v0;
	[tilespmem:s23], [sflag:$0x7] =	stream.linear.gather [hbm4b:s0+s4], $0x10, $0x38;
	[tilespmem:$0xDB00] =	vst v63  }
0x191: {  	v2 =	vxor.u32 $0x80000000, v49;
	s7 =	spop (v2sf)  }
0x192: {  	v50, _, _ =	vpop (xrf0);
	(xrf0) =	vmax.scan.msk.u32 $0xffff, v2;
	s0 =	sshll.u32 s7, $0x4  }
0x193: {  	s0 =	sand.u32 $0x1FFFFFF0, s0  }
0x194: {  	s17 =	simm.s32 $0xD690;
	(v2sf) =	vpush v50, $0xF;
	s0 =	sadd.s32 s2, s0  }
0x195: {  	[tilespmem:s17], [sflag:$0x7] =	stream.strided.gather [hbm4b:s0+s18], $0x0, s19, s18, $0x38;
	[tilespmem:$0xDB00] =	vst v63  }
0x196: {  	v51 =	vsel vm12, $0x80000000, v1;
	s21 =	spop (v2sf)  }
0x197: {  	v2 =	vxor.u32 $0x80000000, v51;
	[tilespmem:s17], [sflag:$0x7] =	stream.linear.gather [hbm4b:s0+s4], $0x40, $0x38;
	[tilespmem:$0xDB00] =	vst v63  }
0x198: {  	v52, _, _ =	vpop (xrf0);
	(xrf0) =	vmax.scan.msk.u32 $0xffff, v2;
	s0 =	sshll.u32 s21, $0x4  }
0x199: {  	s0 =	sand.u32 $0x1FFFFFF0, s0  }
0x19a: {  	s23 =	simm.s32 $0xD700;
	s0 =	sadd.s32 s5, s0  }
0x19b: {  	[tilespmem:s23], [sflag:$0x7] =	stream.strided.gather [hbm4b:s0+s18], $0x0, s19, s18, $0x38;
	[tilespmem:$0xDB00] =	vst v63  }
0x19c: {  	s7 =	spop (v2sf);
	(v2sf) =	vpush v52, $0xF;
	_ =	sdelay $0x1  }
0x19d: {  	v53 =	vsel vm12, $0x80000000, v0;
	[tilespmem:s23], [sflag:$0x7] =	stream.linear.gather [hbm4b:s0+s4], $0x10, $0x38;
	v54, _, _ =	vpop (xrf0);
	[tilespmem:$0xDB00] =	vst v63  }
0x19e: {  	v2 =	vxor.u32 $0x80000000, v53;
	s0 =	sshll.u32 s7, $0x4;
	(v2sf) =	vpush v54, $0xF  }
0x19f: {  	(xrf0) =	vmax.scan.msk.u32 $0xffff, v2;
	s0 =	sand.u32 $0x1FFFFFF0, s0  }
0x1a0: {  	s17 =	simm.s32 $0xD710;
	s0 =	sadd.s32 s2, s0  }
0x1a1: {  	[tilespmem:s17], [sflag:$0x7] =	stream.strided.gather [hbm4b:s0+s18], $0x0, s19, s18, $0x38;
	[tilespmem:$0xDB00] =	vst v63  }
0x1a2: {  	s21 =	spop (v2sf)  }
0x1a3: {  	[tilespmem:s17], [sflag:$0x7] =	stream.linear.gather [hbm4b:s0+s4], $0x40, $0x38;
	[tilespmem:$0xDB00] =	vst v63  }
0x1a4: {  	v55 =	vsel vm13, $0x80000000, v1;
	s0 =	sshll.u32 s21, $0x4  }
0x1a5: {  	v56 =	vxor.u32 $0x80000000, v55;
	s0 =	sand.u32 $0x1FFFFFF0, s0;
	v2, _, _ =	vpop (xrf0)  }
0x1a6: {  	s23 =	simm.s32 $0xD780;
	(xrf0) =	vmax.scan.msk.u32 $0xffff, v56;
	s0 =	sadd.s32 s5, s0;
	(v2sf) =	vpush v2, $0xF  }
0x1a7: {  	[tilespmem:s23], [sflag:$0x7] =	stream.strided.gather [hbm4b:s0+s18], $0x0, s19, s18, $0x38;
	[tilespmem:$0xDB00] =	vst v63  }
0x1a8: {  	_ = 	snop  }
0x1a9: {  	[tilespmem:s23], [sflag:$0x7] =	stream.linear.gather [hbm4b:s0+s4], $0x10, $0x38;
	[tilespmem:$0xDB00] =	vst v63  }
0x1aa: {  	s7 =	spop (v2sf)  }
0x1ab: {  	v57 =	vsel vm13, $0x80000000, v0;
	s0 =	sshll.u32 s7, $0x4  }
0x1ac: {  	v58 =	vxor.u32 $0x80000000, v57;
	s0 =	sand.u32 $0x1FFFFFF0, s0  }
0x1ad: {  	s17 =	simm.s32 $0xD790;
	v2, _, _ =	vpop (xrf0);
	(xrf0) =	vmax.scan.msk.u32 $0xffff, v58;
	s0 =	sadd.s32 s2, s0;
	s21 =	spop (v2sf)  }
0x1ae: {  	(v2sf) =	vpush v2, $0xF;
	[tilespmem:s17], [sflag:$0x7] =	stream.strided.gather [hbm4b:s0+s18], $0x0, s19, s18, $0x38;
	[tilespmem:$0xDB00] =	vst v63  }
0x1af: {  	_ = 	snop  }
0x1b0: {  	[tilespmem:s17], [sflag:$0x7] =	stream.linear.gather [hbm4b:s0+s4], $0x40, $0x38;
	[tilespmem:$0xDB00] =	vst v63  }
0x1b1: {  	v59 =	vsel vm14, $0x80000000, v1;
	s0 =	sshll.u32 s21, $0x4  }
0x1b2: {  	v60 =	vxor.u32 $0x80000000, v59;
	s0 =	sand.u32 $0x1FFFFFF0, s0  }
0x1b3: {  	s23 =	simm.s32 $0xD800;
	(xrf0) =	vmax.scan.msk.u32 $0xffff, v60;
	s0 =	sadd.s32 s5, s0  }
0x1b4: {  	v2, _, _ =	vpop (xrf0);
	[tilespmem:s23], [sflag:$0x7] =	stream.strided.gather [hbm4b:s0+s18], $0x0, s19, s18, $0x38;
	[tilespmem:$0xDB00] =	vst v63  }
0x1b5: {  	s7 =	spop (v2sf);
	(v2sf) =	vpush v2, $0xF  }
0x1b6: {  	[tilespmem:s23], [sflag:$0x7] =	stream.linear.gather [hbm4b:s0+s4], $0x10, $0x38;
	[tilespmem:$0xDB00] =	vst v63  }
0x1b7: {  	v61 =	vsel vm14, $0x80000000, v0;
	s0 =	sshll.u32 s7, $0x4  }
0x1b8: {  	v2 =	vxor.u32 $0x80000000, v61;
	s0 =	sand.u32 $0x1FFFFFF0, s0  }
0x1b9: {  	s17 =	simm.s32 $0xD810;
	v62, _, _ =	vpop (xrf0);
	(xrf0) =	vmax.scan.msk.u32 $0xffff, v2;
	s0 =	sadd.s32 s2, s0  }
0x1ba: {  	(v2sf) =	vpush v62, $0xF;
	[tilespmem:s17], [sflag:$0x7] =	stream.strided.gather [hbm4b:s0+s18], $0x0, s19, s18, $0x38;
	[tilespmem:$0xDB00] =	vst v63  }
0x1bb: {  	_ = 	snop  }
0x1bc: {  	[tilespmem:s17], [sflag:$0x7] =	stream.linear.gather [hbm4b:s0+s4], $0x40, $0x38;
	[tilespmem:$0xDB00] =	vst v63  }
0x1bd: {  	v1 =	vsel vm15, $0x80000000, v1;
	s21 =	spop (v2sf)  }
0x1be: {  	v1 =	vxor.u32 $0x80000000, v1;
	s0 =	sshll.u32 s21, $0x4  }
0x1bf: {  	(xrf0) =	vmax.scan.msk.u32 $0xffff, v1;
	v63, _, _ =	vpop (xrf0);
	s0 =	sand.u32 $0x1FFFFFF0, s0  }
0x1c0: {  	s23 =	simm.s32 $0xD880;
	(v2sf) =	vpush v63, $0xF;
	s0 =	sadd.s32 s5, s0  }
0x1c1: {  	[tilespmem:s23], [sflag:$0x7] =	stream.strided.gather [hbm4b:s0+s18], $0x0, s19, s18, $0x38;
	[tilespmem:$0xDB00] =	vst v63  }
0x1c2: {  	_ = 	snop  }
0x1c3: {  	v0 =	vsel vm15, $0x80000000, v0;
	[tilespmem:s23], [sflag:$0x7] =	stream.linear.gather [hbm4b:s0+s4], $0x10, $0x38;
	[tilespmem:$0xDB00] =	vst v63  }
0x1c4: {  	v0 =	vxor.u32 $0x80000000, v0;
	s7 =	spop (v2sf)  }
0x1c5: {  	v1, _, _ =	vpop (xrf0);
	(xrf0) =	vmax.scan.msk.u32 $0xffff, v0;
	s0 =	sshll.u32 s7, $0x4  }
0x1c6: {  	(v2sf) =	vpush v1, $0xF;
	s0 =	sand.u32 $0x1FFFFFF0, s0  }
0x1c7: {  	s17 =	simm.s32 $0xD890;
	s0 =	sadd.s32 s2, s0  }
0x1c8: {  	[tilespmem:s17], [sflag:$0x7] =	stream.strided.gather [hbm4b:s0+s18], $0x0, s19, s18, $0x38;
	[tilespmem:$0xDB00] =	vst v63  }
0x1c9: {  	s21 =	spop (v2sf)  }
0x1ca: {  	[tilespmem:s17], [sflag:$0x7] =	stream.linear.gather [hbm4b:s0+s4], $0x40, $0x38;
	[tilespmem:$0xDB00] =	vst v63  }
0x1cb: {  	v0, _, _ =	vpop (xrf0);
	s0 =	sshll.u32 s21, $0x4  }
0x1cc: {  	(v2sf) =	vpush v0, $0xF;
	s0 =	sand.u32 $0x1FFFFFF0, s0  }
0x1cd: {  	s17 =	simm.s32 $0xD900;
	s0 =	sadd.s32 s5, s0  }
0x1ce: {  	[tilespmem:s17], [sflag:$0x7] =	stream.strided.gather [hbm4b:s0+s18], $0x0, s19, s18, $0x38;
	[tilespmem:$0xDB00] =	vst v63  }
0x1cf: {  	s23 =	spop (v2sf)  }
0x1d0: {  	[tilespmem:s17], [sflag:$0x7] =	stream.linear.gather [hbm4b:s0+s4], $0x10, $0x38;
	[tilespmem:$0xDB00] =	vst v63  }
0x1d1: {  	s17 =	sshll.u32 s23, $0x4  }
0x1d2: {  	s0 =	sand.u32 $0x1FFFFFF0, s17  }
0x1d3: {  	s21 =	simm.s32 $0xD910;
	s0 =	sadd.s32 s2, s0  }
0x1d4: {  	[tilespmem:s21], [sflag:$0x7] =	stream.strided.gather [hbm4b:s0+s18], $0x0, s19, s18, $0x38;
	[tilespmem:$0xDB00] =	vst v63  }
0x1d5: {  	s23 =	spop (v2sf)  }
0x1d6: {  	[tilespmem:s21], [sflag:$0x7] =	stream.linear.gather [hbm4b:s0+s4], $0x40, $0x38;
	[tilespmem:$0xDB00] =	vst v63  }
0x1d7: {  	s7 =	sshll.u32 s23, $0x4  }
0x1d8: {  	s0 =	sand.u32 $0x1FFFFFF0, s7  }
0x1d9: {  	s17 =	simm.s32 $0xD980;
	s0 =	sadd.s32 s5, s0  }
0x1da: {  	[tilespmem:s17], [sflag:$0x7] =	stream.strided.gather [hbm4b:s0+s18], $0x0, s19, s18, $0x38;
	[tilespmem:$0xDB00] =	vst v63  }
0x1db: {  	s21 =	spop (v2sf)  }
0x1dc: {  	[tilespmem:s17], [sflag:$0x7] =	stream.linear.gather [hbm4b:s0+s4], $0x10, $0x38;
	[tilespmem:$0xDB00] =	vst v63  }
0x1dd: {  	s0 =	sshll.u32 s21, $0x4  }
0x1de: {  	s0 =	sand.u32 $0x1FFFFFF0, s0  }
0x1df: {  	s23 =	simm.s32 $0xD990;
	s0 =	sadd.s32 s2, s0  }
0x1e0: {  	[tilespmem:s23], [sflag:$0x7] =	stream.strided.gather [hbm4b:s0+s18], $0x0, s19, s18, $0x38;
	[tilespmem:$0xDB00] =	vst v63  }
0x1e1: {  	_ = 	snop  }
0x1e2: {  	[tilespmem:s23], [sflag:$0x7] =	stream.linear.gather [hbm4b:s0+s4], $0x40, $0x38;
	[tilespmem:$0xDB00] =	vst v63  }
0x1e3: {  	_ =	swait.ge [sflag:s3], $0x10  }
0x1e4: {  	[sflag:s3] =	ssyncset.done $0x0  }
0x1e5: {  	[sflag:s3] =	ssyncadd.s32 $0xFFFFFFF0  }
0x1e6: {  	_ =	swait.ge [sflag:s3], $0x40  }
0x1e7: {  	[sflag:s3] =	ssyncset.done $0x0  }
0x1e8: {  	[sflag:s3] =	ssyncadd.s32 $0xFFFFFFC0  }
0x1e9: {  	_ =	swait.ge [sflag:s3], $0x10  }
0x1ea: {  	[sflag:s3] =	ssyncset.done $0x0  }
0x1eb: {  	[sflag:s3] =	ssyncadd.s32 $0xFFFFFFF0  }
0x1ec: {  	_ =	swait.ge [sflag:s3], $0x40  }
0x1ed: {  	[sflag:s3] =	ssyncset.done $0x0  }
0x1ee: {  	[sflag:s3] =	ssyncadd.s32 $0xFFFFFFC0  }
0x1ef: {  	_ =	swait.ge [sflag:s3], $0x10  }
0x1f0: {  	[sflag:s3] =	ssyncset.done $0x0  }
0x1f1: {  	[sflag:s3] =	ssyncadd.s32 $0xFFFFFFF0  }
0x1f2: {  	_ =	swait.ge [sflag:s3], $0x40  }
0x1f3: {  	[sflag:s3] =	ssyncset.done $0x0  }
0x1f4: {  	[sflag:s3] =	ssyncadd.s32 $0xFFFFFFC0  }
0x1f5: {  	_ =	swait.ge [sflag:s3], $0x10  }
0x1f6: {  	[sflag:s3] =	ssyncset.done $0x0  }
0x1f7: {  	[sflag:s3] =	ssyncadd.s32 $0xFFFFFFF0  }
0x1f8: {  	_ =	swait.ge [sflag:s3], $0x40  }
0x1f9: {  	[sflag:s3] =	ssyncset.done $0x0  }
0x1fa: {  	[sflag:s3] =	ssyncadd.s32 $0xFFFFFFC0  }
0x1fb: {  	_ =	swait.ge [sflag:s3], $0x10  }
0x1fc: {  	[sflag:s3] =	ssyncset.done $0x0  }
0x1fd: {  	[sflag:s3] =	ssyncadd.s32 $0xFFFFFFF0  }
0x1fe: {  	_ =	swait.ge [sflag:s3], $0x40  }
0x1ff: {  	[sflag:s3] =	ssyncset.done $0x0  }
0x200: {  	[sflag:s3] =	ssyncadd.s32 $0xFFFFFFC0  }
0x201: {  	_ =	swait.ge [sflag:s3], $0x10  }
0x202: {  	[sflag:s3] =	ssyncset.done $0x0  }
0x203: {  	[sflag:s3] =	ssyncadd.s32 $0xFFFFFFF0  }
0x204: {  	_ =	swait.ge [sflag:s3], $0x40  }
0x205: {  	[sflag:s3] =	ssyncset.done $0x0  }
0x206: {  	[sflag:s3] =	ssyncadd.s32 $0xFFFFFFC0  }
0x207: {  	_ =	swait.ge [sflag:s3], $0x10  }
0x208: {  	[sflag:s3] =	ssyncset.done $0x0  }
0x209: {  	[sflag:s3] =	ssyncadd.s32 $0xFFFFFFF0  }
0x20a: {  	_ =	swait.ge [sflag:s3], $0x40  }
0x20b: {  	[sflag:s3] =	ssyncset.done $0x0  }
0x20c: {  	[sflag:s3] =	ssyncadd.s32 $0xFFFFFFC0  }
0x20d: {  	_ =	swait.ge [sflag:s3], $0x10  }
0x20e: {  	[sflag:s3] =	ssyncset.done $0x0  }
0x20f: {  	[sflag:s3] =	ssyncadd.s32 $0xFFFFFFF0  }
0x210: {  	_ =	swait.ge [sflag:s3], $0x40  }
0x211: {  	[sflag:s3] =	ssyncset.done $0x0  }
0x212: {  	[sflag:s3] =	ssyncadd.s32 $0xFFFFFFC0  }
0x213: {  	_ =	swait.ge [sflag:s3], $0x10  }
0x214: {  	[sflag:s3] =	ssyncset.done $0x0  }
0x215: {  	[sflag:s3] =	ssyncadd.s32 $0xFFFFFFF0  }
0x216: {  	_ =	swait.ge [sflag:s3], $0x40  }
0x217: {  	[sflag:s3] =	ssyncset.done $0x0  }
0x218: {  	[sflag:s3] =	ssyncadd.s32 $0xFFFFFFC0  }
0x219: {  	_ =	swait.ge [sflag:s3], $0x10  }
0x21a: {  	[sflag:s3] =	ssyncset.done $0x0  }
0x21b: {  	[sflag:s3] =	ssyncadd.s32 $0xFFFFFFF0  }
0x21c: {  	_ =	swait.ge [sflag:s3], $0x40  }
0x21d: {  	[sflag:s3] =	ssyncset.done $0x0  }
0x21e: {  	[sflag:s3] =	ssyncadd.s32 $0xFFFFFFC0  }
0x21f: {  	_ =	swait.ge [sflag:s3], $0x10  }
0x220: {  	[sflag:s3] =	ssyncset.done $0x0  }
0x221: {  	[sflag:s3] =	ssyncadd.s32 $0xFFFFFFF0  }
0x222: {  	_ =	swait.ge [sflag:s3], $0x40  }
0x223: {  	[sflag:s3] =	ssyncset.done $0x0  }
0x224: {  	[sflag:s3] =	ssyncadd.s32 $0xFFFFFFC0  }
0x225: {  	_ =	swait.ge [sflag:s3], $0x10  }
0x226: {  	[sflag:s3] =	ssyncset.done $0x0  }
0x227: {  	[sflag:s3] =	ssyncadd.s32 $0xFFFFFFF0  }
0x228: {  	_ =	swait.ge [sflag:s3], $0x40  }
0x229: {  	[sflag:s3] =	ssyncset.done $0x0  }
0x22a: {  	[sflag:s3] =	ssyncadd.s32 $0xFFFFFFC0  }
0x22b: {  	_ =	swait.ge [sflag:s3], $0x10  }
0x22c: {  	[sflag:s3] =	ssyncset.done $0x0  }
0x22d: {  	[sflag:s3] =	ssyncadd.s32 $0xFFFFFFF0  }
0x22e: {  	_ =	swait.ge [sflag:s3], $0x40  }
0x22f: {  	[sflag:s3] =	ssyncset.done $0x0  }
0x230: {  	[sflag:s3] =	ssyncadd.s32 $0xFFFFFFC0  }
0x231: {  	_ =	swait.ge [sflag:s3], $0x10  }
0x232: {  	[sflag:s3] =	ssyncset.done $0x0  }
0x233: {  	[sflag:s3] =	ssyncadd.s32 $0xFFFFFFF0  }
0x234: {  	_ =	swait.ge [sflag:s3], $0x40  }
0x235: {  	[sflag:s3] =	ssyncset.done $0x0  }
0x236: {  	[sflag:s3] =	ssyncadd.s32 $0xFFFFFFC0  }
0x237: {  	_ =	swait.ge [sflag:s3], $0x10  }
0x238: {  	[sflag:s3] =	ssyncset.done $0x0  }
0x239: {  	[sflag:s3] =	ssyncadd.s32 $0xFFFFFFF0  }
0x23a: {  	_ =	swait.ge [sflag:s3], $0x40  }
0x23b: {  	[sflag:s3] =	ssyncset.done $0x0  }
0x23c: {  	[sflag:s3] =	ssyncadd.s32 $0xFFFFFFC0  }
0x23d: {  	_ =	swait.ge [sflag:s3], $0x10  }
0x23e: {  	[sflag:s3] =	ssyncset.done $0x0  }
0x23f: {  	[sflag:s3] =	ssyncadd.s32 $0xFFFFFFF0  }
0x240: {  	_ =	swait.ge [sflag:s3], $0x40  }
0x241: {  	[sflag:s3] =	ssyncset.done $0x0  }
0x242: {  	[sflag:s3] =	ssyncadd.s32 $0xFFFFFFC0  }
0x243: {  	_ =	swait.ge [sflag:s3], $0x10  }
0x244: {  	[sflag:s3] =	ssyncset.done $0x0  }
0x245: {  	[sflag:s3] =	ssyncadd.s32 $0xFFFFFFF0  }
0x246: {  	_ =	swait.ge [sflag:s3], $0x40  }
0x247: {  	[sflag:s3] =	ssyncset.done $0x0  }
0x248: {  	[sflag:s3] =	ssyncadd.s32 $0xFFFFFFC0  }
0x249: {  	_ =	swait.ge [sflag:s3], $0x10  }
0x24a: {  	[sflag:s3] =	ssyncset.done $0x0  }
0x24b: {  	[sflag:s3] =	ssyncadd.s32 $0xFFFFFFF0  }
0x24c: {  	_ =	swait.ge [sflag:s3], $0x40  }
0x24d: {  	[sflag:s3] =	ssyncset.done $0x0  }
0x24e: {  	[sflag:s3] =	ssyncadd.s32 $0xFFFFFFC0  }
0x24f: {  	_ =	swait.ge [sflag:s3], $0x10  }
0x250: {  	[sflag:s3] =	ssyncset.done $0x0  }
0x251: {  	[sflag:s3] =	ssyncadd.s32 $0xFFFFFFF0  }
0x252: {  	_ =	swait.ge [sflag:s3], $0x40  }
0x253: {  	[sflag:s3] =	ssyncset.done $0x0  }
0x254: {  	[sflag:s3] =	ssyncadd.s32 $0xFFFFFFC0  }
0x255: {  	_ =	swait.ge [sflag:s3], $0x10  }
0x256: {  	[sflag:s3] =	ssyncset.done $0x0  }
0x257: {  	[sflag:s3] =	ssyncadd.s32 $0xFFFFFFF0  }
0x258: {  	_ =	swait.ge [sflag:s3], $0x40  }
0x259: {  	[sflag:s3] =	ssyncset.done $0x0  }
0x25a: {  	[sflag:s3] =	ssyncadd.s32 $0xFFFFFFC0  }
0x25b: {  	_ =	swait.ge [sflag:s3], $0x10  }
0x25c: {  	[sflag:s3] =	ssyncset.done $0x0  }
0x25d: {  	[sflag:s3] =	ssyncadd.s32 $0xFFFFFFF0  }
0x25e: {  	_ =	swait.ge [sflag:s3], $0x40  }
0x25f: {  	[sflag:s3] =	ssyncset.done $0x0  }
0x260: {  	[sflag:s3] =	ssyncadd.s32 $0xFFFFFFC0  }
0x261: {  	_ =	swait.ge [sflag:s3], $0x10  }
0x262: {  	[sflag:s3] =	ssyncset.done $0x0  }
0x263: {  	[sflag:s3] =	ssyncadd.s32 $0xFFFFFFF0  }
0x264: {  	_ =	swait.ge [sflag:s3], $0x40  }
0x265: {  	[sflag:s3] =	ssyncset.done $0x0  }
0x266: {  	[sflag:s3] =	ssyncadd.s32 $0xFFFFFFC0  }
0x267: {  	_ =	swait.ge [sflag:s3], $0x10  }
0x268: {  	[sflag:s3] =	ssyncset.done $0x0  }
0x269: {  	[sflag:s3] =	ssyncadd.s32 $0xFFFFFFF0  }
0x26a: {  	_ =	swait.ge [sflag:s3], $0x40  }
0x26b: {  	[sflag:s3] =	ssyncset.done $0x0  }
0x26c: {  	[sflag:s3] =	ssyncadd.s32 $0xFFFFFFC0  }
0x26d: {  	_ =	swait.ge [sflag:s3], $0x10  }
0x26e: {  	[sflag:s3] =	ssyncset.done $0x0  }
0x26f: {  	[sflag:s3] =	ssyncadd.s32 $0xFFFFFFF0  }
0x270: {  	_ =	swait.ge [sflag:s3], $0x40  }
0x271: {  	[sflag:s3] =	ssyncset.done $0x0  }
0x272: {  	[sflag:s3] =	ssyncadd.s32 $0xFFFFFFC0  }
0x273: {  	_ =	swait.ge [sflag:s3], $0x10  }
0x274: {  	[sflag:s3] =	ssyncset.done $0x0  }
0x275: {  	[sflag:s3] =	ssyncadd.s32 $0xFFFFFFF0  }
0x276: {  	_ =	swait.ge [sflag:s3], $0x40  }
0x277: {  	[sflag:s3] =	ssyncset.done $0x0  }
0x278: {  	[sflag:s3] =	ssyncadd.s32 $0xFFFFFFC0  }
0x279: {  	_ =	swait.ge [sflag:s3], $0x10  }
0x27a: {  	[sflag:s3] =	ssyncset.done $0x0  }
0x27b: {  	[sflag:s3] =	ssyncadd.s32 $0xFFFFFFF0  }
0x27c: {  	_ =	swait.ge [sflag:s3], $0x40  }
0x27d: {  	[sflag:s3] =	ssyncset.done $0x0  }
0x27e: {  	[sflag:s3] =	ssyncadd.s32 $0xFFFFFFC0  }
0x27f: {  	_ =	swait.ge [sflag:s3], $0x10  }
0x280: {  	[sflag:s3] =	ssyncset.done $0x0  }
0x281: {  	[sflag:s3] =	ssyncadd.s32 $0xFFFFFFF0  }
0x282: {  	_ =	swait.ge [sflag:s3], $0x40  }
0x283: {  	[sflag:s3] =	ssyncset.done $0x0  }
0x284: {  	[sflag:s3] =	ssyncadd.s32 $0xFFFFFFC0  }
0x285: {  	_ =	swait.ge [sflag:s3], $0x10  }
0x286: {  	[sflag:s3] =	ssyncset.done $0x0  }
0x287: {  	[sflag:s3] =	ssyncadd.s32 $0xFFFFFFF0  }
0x288: {  	_ =	swait.ge [sflag:s3], $0x40  }
0x289: {  	[sflag:s3] =	ssyncset.done $0x0  }
0x28a: {  	[sflag:s3] =	ssyncadd.s32 $0xFFFFFFC0  }
0x28b: {  	_ =	swait.ge [sflag:s3], $0x10  }
0x28c: {  	[sflag:s3] =	ssyncset.done $0x0  }
0x28d: {  	[sflag:s3] =	ssyncadd.s32 $0xFFFFFFF0  }
0x28e: {  	_ =	swait.ge [sflag:s3], $0x40  }
0x28f: {  	[sflag:s3] =	ssyncset.done $0x0  }
0x290: {  	[sflag:s3] =	ssyncadd.s32 $0xFFFFFFC0  }
0x291: {  	_ =	swait.ge [sflag:s3], $0x10  }
0x292: {  	[sflag:s3] =	ssyncset.done $0x0  }
0x293: {  	[sflag:s3] =	ssyncadd.s32 $0xFFFFFFF0  }
0x294: {  	_ =	swait.ge [sflag:s3], $0x40  }
0x295: {  	[sflag:s3] =	ssyncset.done $0x0  }
0x296: {  	[sflag:s3] =	ssyncadd.s32 $0xFFFFFFC0  }
0x297: {  	_ =	swait.ge [sflag:s3], $0x10  }
0x298: {  	[sflag:s3] =	ssyncset.done $0x0  }
0x299: {  	[sflag:s3] =	ssyncadd.s32 $0xFFFFFFF0  }
0x29a: {  	_ =	swait.ge [sflag:s3], $0x40  }
0x29b: {  	[sflag:s3] =	ssyncset.done $0x0  }
0x29c: {  	[sflag:s3] =	ssyncadd.s32 $0xFFFFFFC0  }
0x29d: {  	_ =	swait.ge [sflag:s3], $0x10  }
0x29e: {  	[sflag:s3] =	ssyncset.done $0x0  }
0x29f: {  	[sflag:s3] =	ssyncadd.s32 $0xFFFFFFF0  }
0x2a0: {  	_ =	swait.ge [sflag:s3], $0x40  }
0x2a1: {  	[sflag:s3] =	ssyncset.done $0x0  }
0x2a2: {  	s17 =	rddreg [dreg:$0xa];
	[sflag:s3] =	ssyncadd.s32 $0xFFFFFFC0  }
0x2a3: {  	[hbm4b:s17+s4] =	stream.linear.scatter [tilespmem:s16], [sflag:$0x7], $0x1000, $0x38;
	[tilespmem:$0xDB00] =	vst v63  }
0x2a4: {  	_ =	swait.ge [sflag:s20], $0x100  }
0x2a5: {  	[sflag:s20] =	ssyncset.done $0x0  }
0x2a6: {  	[sflag:s20] =	ssyncadd.s32 $0xFFFFFF00  }
0x2a7: {  	[tilespmem:s22], [sflag:$0x3] =	stream.indirect.gather [hbm4b:s1+s18], $0x80, s4, s18, $0xb8;
	[tilespmem:$0xDB00] =	vst v63  }
0x2a8: {  	_ = 	snop  }
0x2a9: {  	[tilespmem:s9], [sflag:$0x3] =	stream.indirect.gather [hbm4b:s1+s8], $0x80, s18, s8, $0xb8;
	[tilespmem:$0xDB00] =	vst v63  }
0x2aa: {  	s21 =	rddreg [dreg:$0xc]  }
0x2ab: {  	[tilespmem:s10], [sflag:$0x2] =	stream.strided.gather [hbm4b:s21+s18], $0x100, s19, s18, $0x38;
	[tilespmem:$0xDB00] =	vst v63  }
0x2ac: {  	_ =	swait.ge [sflag:s11], $0x4000  }
0x2ad: {  	[sflag:s11] =	ssyncset.done $0x0  }
0x2ae: {  	[sflag:s11] =	ssyncadd.s32 $0xFFFFC000  }
0x2af: {  	_ =	swait.ge [sflag:s11], $0x2400  }
0x2b0: {  	[sflag:s11] =	ssyncset.done $0x0  }
0x2b1: {  	s23 =	rddreg [dreg:$0xd];
	[sflag:s11] =	ssyncadd.s32 $0xFFFFDC00  }
0x2b2: {  	[hbm4b:s23+s4] =	stream.linear.scatter [tilespmem:s22], [sflag:$0x5], $0x6400, $0x38;
	[tilespmem:$0xDB00] =	vst v63  }
0x2b3: {  	_ =	swait.ge [sflag:s13], $0x100  }
0x2b4: {  	[sflag:s13] =	ssyncset.done $0x0  }
0x2b5: {  	[sflag:s13] =	ssyncadd.s32 $0xFFFFFF00  }
0x2b6: {  	[tilespmem:s12], [sflag:$0x4] =	stream.indirect.gather [hbm4b:s1+s18], $0x80, s10, s18, $0xb8;
	[tilespmem:$0xDB00] =	vst v63  }
0x2b7: {  	_ = 	snop  }
0x2b8: {  	[tilespmem:s15], [sflag:$0x4] =	stream.indirect.gather [hbm4b:s1+s8], $0x80, s14, s8, $0xb8;
	[tilespmem:$0xDB00] =	vst v63  }
0x2b9: {  	s7 =	rddreg [dreg:$0xe]  }
0x2ba: {  	[tilespmem:s4], [sflag:$0x1] =	stream.strided.gather [hbm4b:s7+s18], $0x100, s19, s18, $0x38;
	[tilespmem:$0xDB00] =	vst v63  }
0x2bb: {  	_ =	swait.ge [sflag:s24], $0x4000  }
0x2bc: {  	[sflag:s24] =	ssyncset.done $0x0  }
0x2bd: {  	[sflag:s24] =	ssyncadd.s32 $0xFFFFC000  }
0x2be: {  	_ =	swait.ge [sflag:s24], $0x2400  }
0x2bf: {  	[sflag:s24] =	ssyncset.done $0x0  }
0x2c0: {  	s16 =	rddreg [dreg:$0xf];
	[sflag:s24] =	ssyncadd.s32 $0xFFFFDC00  }
0x2c1: {  	[hbm4b:s16+s4] =	stream.linear.scatter [tilespmem:s12], [sflag:$0x6], $0x6400, $0x38;
	[tilespmem:$0xDB00] =	vst v63  }
0x2c2: {  	_ =	swait.ge [sflag:s25], $0x6400  }
0x2c3: {  	[sflag:s25] =	ssyncset.done $0x0  }
0x2c4: {  	[sflag:s25] =	ssyncadd.s32 $0xFFFF9C00  }
0x2c5: {  	_ =	swait.ge [sflag:s20], $0x100  }
0x2c6: {  	s29 =	simm.s32 $0x20;
	s16 =	rddreg [dreg:$0x10]  }
0x2c7: {  	s17 =	sand.u32 $0x60, s29;
	[sflag:s20] =	ssyncset.done $0x0;
	s7 =	sadd.s32 $0x40, s16  }
0x2c8: {  	s0 =	sadd.s32 s17, s6;
	[sflag:s20] =	ssyncadd.s32 $0xFFFFFF00;
	s21 =	sand.u32 $0x7F00, s7  }
0x2c9: {  	[tilespmem:s22], [sflag:$0x3] =	stream.indirect.gather [hbm4b:s1+s18], $0x80, s4, s18, $0xb8;
	[tilespmem:$0xDB00] =	vst v63  }
0x2ca: {  	s0 =	sadd.s32 s21, s0  }
0x2cb: {  	[tilespmem:s9], [sflag:$0x3] =	stream.indirect.gather [hbm4b:s1+s8], $0x80, s18, s8, $0xb8;
	[tilespmem:$0xDB00] =	vst v63  }
0x2cc: {  	s0 =	sadd.s32 $0x10, s0  }
0x2cd: {  	[tilespmem:s10], [sflag:$0x2] =	stream.strided.gather [hbm4b:s0+s18], $0x100, s19, s18, $0x38;
	[tilespmem:$0xDB00] =	vst v63  }
0x2ce: {  	_ =	swait.ge [sflag:s11], $0x4000  }
0x2cf: {  	[sflag:s11] =	ssyncset.done $0x0  }
0x2d0: {  	[sflag:s11] =	ssyncadd.s32 $0xFFFFC000  }
0x2d1: {  	_ =	swait.ge [sflag:s11], $0x2400  }
0x2d2: {  	[sflag:s11] =	ssyncset.done $0x0  }
0x2d3: {  	s23 =	sadd.s32 $0xFFFFF380, s31;
	[sflag:s11] =	ssyncadd.s32 $0xFFFFDC00  }
0x2d4: {  	[hbm4b:s23+s4] =	stream.linear.scatter [tilespmem:s22], [sflag:$0x5], $0x6400, $0x38;
	[tilespmem:$0xDB00] =	vst v63  }
0x2d5: {  	_ =	swait.ge [sflag:s26], $0x6400  }
0x2d6: {  	[sflag:s26] =	ssyncset.done $0x0  }
0x2d7: {  	[sflag:s26] =	ssyncadd.s32 $0xFFFF9C00  }
0x2d8: {  	_ =	swait.ge [sflag:s13], $0x100  }
0x2d9: {  	p0 =	por $0x0, $0x0;
	[sflag:s13] =	ssyncset.done $0x0;
	s0 =	rddreg [dreg:$0x6]  }
0x2da: {  	[sflag:s13] =	ssyncadd.s32 $0xFFFFFF00;
	s0 =	sadd.s32 @!p0 $0x0, s0  }
0x2db: {  	[tilespmem:s12], [sflag:$0x4] =	stream.indirect.gather [hbm4b:s1+s18], $0x80, s10, s18, $0xb8;
	[tilespmem:$0xDB00] =	vst v63  }
0x2dc: {  	s17 =	sadd.s32 @!p0 $0x80, s16;
	s0 =	sand.u32 @!p0 $0x60, s0  }
0x2dd: {  	s30 =	simm.s32 @!p0 $0x400;
	s17 =	sand.u32 @!p0 $0xFFFFF00, s17;
	s0 =	sadd.s32 @!p0 s6, s0  }
0x2de: {  	[tilespmem:s15], [sflag:$0x4] =	stream.indirect.gather [hbm4b:s1+s8], $0x80, s14, s8, $0xb8;
	[tilespmem:$0xDB00] =	vst v63  }
0x2df: {  	s23 =	simm.s32 @!p0 $0x0;
	s0 =	sadd.s32 @!p0 s17, s0;
	s17 =	simm.s32 @!p0 $0x80  }
0x2e0: {  	[tilespmem:s23], [sflag:$0x1] =	stream.strided.gather @!p0 [hbm4b:s0+s17], $0x100, s30, s17, $0x38;
	[tilespmem:$0xDB00] =	vst v63  }
0x2e1: {  	_ =	swait.ge [sflag:s24], $0x4000  }
0x2e2: {  	[sflag:s24] =	ssyncset.done $0x0  }
0x2e3: {  	[sflag:s24] =	ssyncadd.s32 $0xFFFFC000  }
0x2e4: {  	s17 =	smov.u32 s31;
	s30 =	smov.u32 s31;
	_ =	swait.ge [sflag:s24], $0x2400  }
.LBB2_2:
0x2e5: {  	[sflag:s24] =	ssyncset.done $0x0  }
0x2e6: {  	[sflag:s24] =	ssyncadd.s32 $0xFFFFDC00  }
0x2e7: {  	[hbm4b:s30+s4] =	stream.linear.scatter [tilespmem:s12], [sflag:$0x6], $0x6400, $0x38;
	[tilespmem:$0xDB00] =	vst v63  }
0x2e8: {  	_ =	swait.ge [sflag:s25], $0x6400  }
0x2e9: {  	[sflag:s25] =	ssyncset.done $0x0  }
0x2ea: {  	s0 =	smov.u32 s29;
	[sflag:s25] =	ssyncadd.s32 $0xFFFF9C00  }
0x2eb: {  	s29 =	sadd.s32 $0x20, s29;
	s23 =	smov.u32 s7;
	_ =	swait.ge [sflag:s20], $0x100  }
0x2ec: {  	s7 =	sadd.s32 $0x40, s7;
	s16 =	sand.u32 $0x60, s29;
	[sflag:s20] =	ssyncset.done $0x0  }
0x2ed: {  	s30 =	sand.u32 $0x7F00, s7;
	s16 =	sadd.s32 s16, s6;
	[sflag:s20] =	ssyncadd.s32 $0xFFFFFF00  }
0x2ee: {  	[tilespmem:s22], [sflag:$0x3] =	stream.indirect.gather [hbm4b:s1+s18], $0x80, s4, s18, $0xb8;
	[tilespmem:$0xDB00] =	vst v63  }
0x2ef: {  	s16 =	sadd.s32 s30, s16  }
0x2f0: {  	[tilespmem:s9], [sflag:$0x3] =	stream.indirect.gather [hbm4b:s1+s8], $0x80, s18, s8, $0xb8;
	[tilespmem:$0xDB00] =	vst v63  }
0x2f1: {  	s16 =	sadd.s32 $0x10, s16  }
0x2f2: {  	[tilespmem:s10], [sflag:$0x2] =	stream.strided.gather [hbm4b:s16+s18], $0x100, s19, s18, $0x38;
	[tilespmem:$0xDB00] =	vst v63  }
0x2f3: {  	_ =	swait.ge [sflag:s11], $0x4000  }
0x2f4: {  	[sflag:s11] =	ssyncset.done $0x0  }
0x2f5: {  	[sflag:s11] =	ssyncadd.s32 $0xFFFFC000  }
0x2f6: {  	_ =	swait.ge [sflag:s11], $0x2400  }
0x2f7: {  	s17 =	sadd.s32 $0x1900, s17;
	[sflag:s11] =	ssyncset.done $0x0  }
0x2f8: {  	s21 =	sadd.s32 $0xFFFFF380, s17;
	[sflag:s11] =	ssyncadd.s32 $0xFFFFDC00  }
0x2f9: {  	[hbm4b:s21+s4] =	stream.linear.scatter [tilespmem:s22], [sflag:$0x5], $0x6400, $0x38;
	[tilespmem:$0xDB00] =	vst v63  }
0x2fa: {  	_ =	swait.ge [sflag:s26], $0x6400  }
0x2fb: {  	[sflag:s26] =	ssyncset.done $0x0  }
0x2fc: {  	[sflag:s26] =	ssyncadd.s32 $0xFFFF9C00  }
0x2fd: {  	_ =	swait.ge [sflag:s13], $0x100  }
0x2fe: {  	p1 =	seq.s32 s0, $0x1C0;
	[sflag:s13] =	ssyncset.done $0x0;
	s16 =	rddreg [dreg:$0x6]  }
0x2ff: {  	[sflag:s13] =	ssyncadd.s32 $0xFFFFFF00;
	s0 =	sadd.s32 @!p1 s0, s16  }
0x300: {  	[tilespmem:s12], [sflag:$0x4] =	stream.indirect.gather [hbm4b:s1+s18], $0x80, s10, s18, $0xb8;
	[tilespmem:$0xDB00] =	vst v63  }
0x301: {  	p0 =	sne.s32 s29, $0x1E0;
	s23 =	sadd.s32 @!p1 $0x80, s23;
	s0 =	sand.u32 @!p1 $0x60, s0  }
0x302: {  	s21 =	simm.s32 @!p1 $0x400;
	s16 =	sand.u32 @!p1 $0xFFFFF00, s23;
	s0 =	sadd.s32 @!p1 s6, s0  }
0x303: {  	[tilespmem:s15], [sflag:$0x4] =	stream.indirect.gather [hbm4b:s1+s8], $0x80, s14, s8, $0xb8;
	[tilespmem:$0xDB00] =	vst v63  }
0x304: {  	s23 =	simm.s32 @!p1 $0x0;
	s0 =	sadd.s32 @!p1 s16, s0;
	s16 =	simm.s32 @!p1 $0x80  }
0x305: {  	[tilespmem:s23], [sflag:$0x1] =	stream.strided.gather @!p1 [hbm4b:s0+s16], $0x100, s21, s16, $0x38;
	[tilespmem:$0xDB00] =	vst v63  }
.Ltmp0:
0x306: {  	_ = 	snop;
	(pc) =	sbr.rel @p0 .LBB2_2-.Ltmp0, $4  }
0x307: {  	_ =	swait.ge [sflag:s24], $0x4000  }
0x308: {  	[sflag:s24] =	ssyncset.done $0x0  }
0x309: {  	[sflag:s24] =	ssyncadd.s32 $0xFFFFC000  }
0x30a: {  	s30 =	smov.u32 s17;
	_ =	swait.ge [sflag:s24], $0x2400  }
0x30b: {  	[sflag:s24] =	ssyncset.done $0x0  }
0x30c: {  	[sflag:s24] =	ssyncadd.s32 $0xFFFFDC00  }
0x30d: {  	[hbm4b:s30+s4] =	stream.linear.scatter [tilespmem:s12], [sflag:$0x6], $0x6400, $0x38;
	[tilespmem:$0xDB00] =	vst v63  }
0x30e: {  	_ =	swait.ge [sflag:s25], $0x6400  }
0x30f: {  	[sflag:s25] =	ssyncset.done $0x0  }
0x310: {  	[sflag:s25] =	ssyncadd.s32 $0xFFFF9C00  }
0x311: {  	_ =	swait.ge [sflag:s26], $0x6400  }
0x312: {  	[sflag:s26] =	ssyncset.done $0x0  }
0x313: {  	[sflag:s26] =	ssyncadd.s32 $0xFFFF9C00  }
0x314: {  	_ =	swait.ge [sflag:s3], $0x1000  }
0x315: {  	s28 =	sadd.s32 $0x1, s28;
	s0 =	rddreg [dreg:$0xb]  }
0x316: {  	p0 =	sne.s32 s28, s0  }
.Ltmp1:
0x317: {  	_ = 	snop;
	(pc) =	sbr.rel @p0 .LBB2_1-.Ltmp1, $3  }
0x318: {  	_ =	sdelay $0x1  }
0x319: {  	[sflag:s3] =	ssyncset.done $0x0  }
0x31a: {  	[sflag:s3] =	ssyncadd.s32 $0xFFFFF000  }
0x31b: {  	_ =	sfence.sel $0x180000  }
0x31c: {  	[bflag:$0x0] =	sbarrier.arrive $0xFFFF  }
0x31d: {  	_ =	strace $0x90000047  }
0x31e: {  	s0 =	stileid.u32;
	[bflag:$0x2] =	sbarrier.arrive $0xFFFF  }
0x31f: {  	p0 =	sne.s32 s0, $0x0;
	s0 =	rddreg [dreg:$0x5]  }
0x320: {  	s0 =	sadd.s32 @!p0 $0x100000, s0  }
0x321: {  	[sflag:s0] =	ssyncadd.tile.s32 @!p0 $0x1;
	_ =	shalt  }
.Lfunc_end2:
_tile_overlayer_lowered:
.L_overlay_start_2:
0x322: {  	(tag) =	ssettag $0x2  }
0x323: {  	s0 =	rddreg [dreg:$0x0];
	s2 =	stileid.u32  }
0x324: {  	s1 =	rddreg [dreg:$0x1];
	p0 =	sne.s32 s2, $0x0  }
0x325: {  	s3 =	rddreg [dreg:$0x2];
	[bflag:$0x3] =	sbarrier.arrive $0xFFFF;
	s2 =	simm.s32 @!p0 $0x1C08  }
0x326: {  	[timem:s3], [sflag:s2] =	dma.local @!p0 [hbm:s0], s1  }
0x327: {  	s0 =	simm.s32 @!p0 $0x8  }
0x328: {  	_ =	swait.ge @!p0 [sflag:s0], s1  }
0x329: {  	s1 =	ssub.s32 @!p0 $0x0, s1;
	[sflag:s0] =	ssyncset.done @!p0 $0x0  }
0x32a: {  	[sflag:s0] =	ssyncadd.s32 @!p0 s1  }
0x32b: {  	[bflag:$0x3] =	sbarrier.arrive $0xFFFF  }
0x32c: {  	_ =	shalt  }

</sc_bundles>
